<compile_context>
chip_gen: v7x
topology: tpu7x:2x2x1
jax: 0.10.2.dev20260603
libtpu: 0.0.44.dev20260713+nightly
codegen_flags: <defaults>
</compile_context>

<pallas_src>
import functools

import jax
import jax.numpy as jnp
from jax import lax
from jax.experimental import pallas as pl
from jax.experimental.pallas import tpu as pltpu
from jax.experimental.pallas import tpu_sc as plsc

D = 128
B = 16384
NE = 100000
NC = 2
NS = 16
NW = NC * NS
BPW = B // NW
CHUNK = 128
NCHUNK = BPW // CHUNK
LAMBDA_R = 0.05
LAMBDA_E = 0.01
SGNBIT = -2147483648


def _perm(x, idx):
    return jnp.take_along_axis(x, idx, axis=0)


def _rsqrt_nr(x):
    i = plsc.bitcast(x, jnp.int32)
    y = plsc.bitcast(jnp.int32(0x5F3759DF) - (i >> 1), jnp.float32)
    hx = 0.5 * x
    for _ in range(2):
        y = y * (1.5 - hx * y * y)
    return y


_sc_mesh = plsc.VectorSubcoreMesh(core_axis_name="c", subcore_axis_name="s")


@functools.partial(
    pl.kernel,
    mesh=_sc_mesh,
    compiler_params=pltpu.CompilerParams(needs_layout_passes=False),
    out_type=jax.ShapeDtypeStruct((B,), jnp.float32),
    scratch_types=[
        pltpu.VMEM((CHUNK,), jnp.int32),
        pltpu.VMEM((CHUNK,), jnp.int32),
        pltpu.VMEM((CHUNK,), jnp.int32),
        pltpu.VMEM((CHUNK, D), jnp.float32),
        pltpu.VMEM((CHUNK, D), jnp.float32),
        pltpu.VMEM((CHUNK, D), jnp.float32),
        pltpu.VMEM((CHUNK + 16,), jnp.float32),
        pltpu.SemaphoreType.DMA,
    ],
)
def _phi_sc(ent, rel, hidx, ridx, tidx, phi_out, hI, rI, tI, Hv, Rv, Tv,
            phiv, sem):
    wid = lax.axis_index("s") * NC + lax.axis_index("c")
    base = wid * BPW
    lanes = lax.iota(jnp.int32, 16)
    comp = lanes & 3
    px1 = lanes ^ 1
    px2 = lanes ^ 2
    px3 = lanes ^ 3
    px4 = lanes ^ 4
    px8 = lanes ^ 8
    grp = lanes & (-4)
    pb0 = grp
    pb1 = grp | 1
    pb2 = grp | 2
    pb3 = grp | 3
    zero = jnp.zeros((16,), jnp.int32)
    s0 = jnp.where(comp != 0, SGNBIT, zero)
    s1 = jnp.where(comp == 3, SGNBIT, zero)
    s2 = jnp.where(comp == 1, SGNBIT, zero)
    s3 = jnp.where(comp == 2, SGNBIT, zero)
    lane0 = lanes == 0

    def row_phi(row):
        acc = jnp.zeros((16,), jnp.float32)
        for v in range(D // 16):
            h = Hv[row, pl.ds(v * 16, 16)]
            r = Rv[row, pl.ds(v * 16, 16)]
            t = Tv[row, pl.ds(v * 16, 16)]
            r2 = r * r
            na = r2 + _perm(r2, px1)
            n = na + _perm(na, px2)
            rinv = _rsqrt_nr(n)
            hh = h * rinv
            ti = plsc.bitcast(t, jnp.int32)
            t0 = plsc.bitcast(_perm(ti, pb0) ^ s0, jnp.float32)
            t1 = plsc.bitcast(_perm(ti, pb1) ^ s1, jnp.float32)
            t2 = plsc.bitcast(_perm(ti, pb2) ^ s2, jnp.float32)
            t3 = plsc.bitcast(_perm(ti, pb3) ^ s3, jnp.float32)
            g = (r * t0 + _perm(r, px1) * t1
                 + _perm(r, px2) * t2 + _perm(r, px3) * t3)
            acc = acc + hh * g
        acc = acc + _perm(acc, px1)
        acc = acc + _perm(acc, px2)
        acc = acc + _perm(acc, px4)
        acc = acc + _perm(acc, px8)
        return acc

    def chunk_body(ci, _):
        off = base + ci * CHUNK
        iH = pltpu.async_copy(hidx.at[pl.ds(off, CHUNK)], hI, sem)
        iR = pltpu.async_copy(ridx.at[pl.ds(off, CHUNK)], rI, sem)
        iT = pltpu.async_copy(tidx.at[pl.ds(off, CHUNK)], tI, sem)
        iH.wait()
        iR.wait()
        iT.wait()
        cH = pltpu.async_copy(ent.at[hI], Hv, sem)
        cR = pltpu.async_copy(rel.at[rI], Rv, sem)
        cT = pltpu.async_copy(ent.at[tI], Tv, sem)
        cH.wait()
        cR.wait()
        cT.wait()

        def row_body(i, _):
            row = i * 4
            ps = [row_phi(row + j) for j in range(4)]
            for j in range(4):
                plsc.store_compressed(phiv.at[pl.ds(row + j, 16)], ps[j],
                                      mask=lane0)
            return _

        lax.fori_loop(0, CHUNK // 4, row_body, 0)
        pltpu.sync_copy(phiv.at[pl.ds(0, CHUNK)],
                        phi_out.at[pl.ds(off, CHUNK)])
        return _

    lax.fori_loop(0, NCHUNK, chunk_body, 0)


RB = 10000
NBLK = NE // RB


def _ssq_body(e_ref, r_ref, o_ref, acc):
    i = pl.program_id(0)

    @pl.when(i == 0)
    def _():
        acc[0] = 0.0
        acc[1] = 0.0

    e = e_ref[...]
    r = r_ref[...]
    acc[0] += jnp.sum(e * e)
    acc[1] += jnp.sum(r * r)

    @pl.when(i == NBLK - 1)
    def _():
        o_ref[0] = LAMBDA_E * jnp.sqrt(acc[0]) + LAMBDA_R * jnp.sqrt(acc[1])


_norm_call = pl.pallas_call(
    _ssq_body,
    grid=(NBLK,),
    in_specs=[
        pl.BlockSpec((RB, D), lambda i: (i, 0)),
        pl.BlockSpec((RB, D), lambda i: (i, 0)),
    ],
    out_specs=pl.BlockSpec(memory_space=pltpu.SMEM),
    out_shape=jax.ShapeDtypeStruct((1,), jnp.float32),
    scratch_shapes=[pltpu.SMEM((2,), jnp.float32)],
)


def _loss_body(phi_ref, y_ref, nt_ref, o_ref):
    z = -y_ref[...] * phi_ref[...]
    o_ref[0] = jnp.sum(jnp.log(1.0 + jnp.exp(z))) + nt_ref[0]


_loss_call = pl.pallas_call(
    _loss_body,
    in_specs=[
        pl.BlockSpec(memory_space=pltpu.VMEM),
        pl.BlockSpec(memory_space=pltpu.VMEM),
        pl.BlockSpec(memory_space=pltpu.SMEM),
    ],
    out_specs=pl.BlockSpec(memory_space=pltpu.SMEM),
    out_shape=jax.ShapeDtypeStruct((1,), jnp.float32),
)


def kernel(sample, Y, entity_embedding, relation_embedding):
    s32 = sample.astype(jnp.int32)
    hidx = s32[:, 0]
    ridx = s32[:, 1]
    tidx = s32[:, 2]
    phi = _phi_sc(entity_embedding, relation_embedding, hidx, ridx, tidx)
    nt = _norm_call(entity_embedding, relation_embedding)
    loss = _loss_call(phi.reshape(128, 128), Y.reshape(128, 128), nt)
    return loss[0]

# --- scband reference (transcript-rebuilt; emitter-appended) ---
"""Pipeline reference for scband-kgemodel-72421738545560 (READ-ONLY COPY).

The authoritative reference and input builder live on the scoring server;
editing this copy changes nothing except your own understanding.
"""

import jax, jax.numpy as jnp
import numpy as np

NENTITY = 100000
NRELATION = 100000
HIDDEN_DIM = 32
BATCH = 16384
LAMBDA_R = 0.05
LAMBDA_E = 0.01


def hamilton_product(A, B):
    # A, B: (n, k, 4) quaternion arrays
    p = jnp.sum(A * B * jnp.array([1.0, -1.0, -1.0, -1.0]), axis=2)
    q = jnp.sum(A * B[:, :, jnp.array([1, 0, 3, 2])] * jnp.array([1.0, 1.0, 1.0, -1.0]), axis=2)
    u = jnp.sum(A * B[:, :, jnp.array([2, 3, 0, 1])] * jnp.array([1.0, -1.0, 1.0, 1.0]), axis=2)
    v = jnp.sum(A * B[:, :, jnp.array([3, 2, 1, 0])] * jnp.array([1.0, 1.0, -1.0, 1.0]), axis=2)
    return jnp.stack([p, q, u, v], axis=2)


def setup_inputs(seed: int = 0) -> dict:
    key = jax.random.key(seed)
    k1, k2, k3 = jax.random.split(key, 3)
    rng = 1.0 / HIDDEN_DIM
    sample = jax.random.randint(k1, (BATCH, 3), 0, NENTITY)
    Y = jnp.ones((BATCH,), dtype=jnp.float32)
    entity_embedding = jax.random.uniform(k2, (NENTITY, HIDDEN_DIM * 4), minval=-rng, maxval=rng, dtype=jnp.float32)
    relation_embedding = jax.random.uniform(k3, (NRELATION, HIDDEN_DIM * 4), minval=-rng, maxval=rng, dtype=jnp.float32)
    return {"sample": sample, "Y": Y, "entity_embedding": entity_embedding, "relation_embedding": relation_embedding}


def reference(sample, Y, entity_embedding, relation_embedding):
    B = sample.shape[0]
    head = jnp.take(entity_embedding, sample[:, 0], axis=0)
    relation = jnp.take(relation_embedding, sample[:, 1], axis=0)
    tail = jnp.take(entity_embedding, sample[:, 2], axis=0)
    head = head.reshape(B, HIDDEN_DIM, 4)
    tail = tail.reshape(B, HIDDEN_DIM, 4)
    relation = relation.reshape(B, HIDDEN_DIM, 4)
    normalized_relation = relation / jnp.linalg.norm(relation, axis=2, keepdims=True)
    headp = hamilton_product(head, normalized_relation)
    phi = jnp.sum(headp * tail, axis=(2, 1))
    loss = jnp.sum(jnp.log(1.0 + jnp.exp(-Y * phi)))
    loss = loss + LAMBDA_E * jnp.linalg.norm(entity_embedding) + LAMBDA_R * jnp.linalg.norm(relation_embedding)
    return loss

if __name__ == "__main__":
    import jax
    _d = setup_inputs()
    print(jax.jit(kernel)(*tuple(_d.values())))

</pallas_src>

<mosaic_0001>
#map = affine_map<(d0, d1) -> (0, 0)>
#map1 = affine_map<(d0, d1) -> (0)>
module attributes {stable_mosaic.version = 14 : i64} {
  func.func @_phi_sc(%arg0: i32, %arg1: i32, %arg2: memref<100000x128xf32, #tpu.memory_space<hbm>>, %arg3: memref<100000x128xf32, #tpu.memory_space<hbm>>, %arg4: memref<16384xi32, #tpu.memory_space<hbm>>, %arg5: memref<16384xi32, #tpu.memory_space<hbm>>, %arg6: memref<16384xi32, #tpu.memory_space<hbm>>, %arg7: memref<16384xf32, #tpu.memory_space<hbm>>, %arg8: memref<128xi32, #tpu.memory_space<vmem>>, %arg9: memref<128xi32, #tpu.memory_space<vmem>>, %arg10: memref<128xi32, #tpu.memory_space<vmem>>, %arg11: memref<128x128xf32, #tpu.memory_space<vmem>>, %arg12: memref<128x128xf32, #tpu.memory_space<vmem>>, %arg13: memref<128x128xf32, #tpu.memory_space<vmem>>, %arg14: memref<144xf32, #tpu.memory_space<vmem>>, %arg15: memref<!tpu.dma_semaphore, #tpu.memory_space<semaphore_mem>>) attributes {dimension_semantics = [#tpu.dimension_semantics<core_parallel>, #tpu.dimension_semantics<subcore_parallel>], iteration_bounds = array<i64: 2, 16>, scalar_prefetch = 0 : i64, scratch_operands = 8 : i64, tpu.core_type = #tpu.core_type<sc_vector_subcore>, window_params = [{transform_indices = #map}, {transform_indices = #map}, {transform_indices = #map1}, {transform_indices = #map1}, {transform_indices = #map1}, {transform_indices = #map1}]} {
    %mul3A = arith.constant 2 : i32
    %mul3A_0 = arith.muli %arg1, %mul3A : i32
    %add3A = arith.addi %mul3A_0, %arg0 : i32
    %mul3A_1 = arith.constant 512 : i32
    %mul3A_2 = arith.muli %add3A, %mul3A_1 : i32
    %iota3A = tpu.iota {dimensions = array<i32: 0>} : vector<16xi32>
    %and3A = arith.constant 3 : i32
    %and3A_3 = vector.broadcast %and3A : i32 to vector<16xi32>
    %and3A_4 = arith.andi %iota3A, %and3A_3 : vector<16xi32>
    %xor3A = arith.constant 1 : i32
    %xor3A_5 = vector.broadcast %xor3A : i32 to vector<16xi32>
    %xor3A_6 = arith.xori %iota3A, %xor3A_5 : vector<16xi32>
    %xor3A_7 = arith.constant 2 : i32
    %xor3A_8 = vector.broadcast %xor3A_7 : i32 to vector<16xi32>
    %xor3A_9 = arith.xori %iota3A, %xor3A_8 : vector<16xi32>
    %xor3A_10 = arith.constant 3 : i32
    %xor3A_11 = vector.broadcast %xor3A_10 : i32 to vector<16xi32>
    %xor3A_12 = arith.xori %iota3A, %xor3A_11 : vector<16xi32>
    %xor3A_13 = arith.constant 4 : i32
    %xor3A_14 = vector.broadcast %xor3A_13 : i32 to vector<16xi32>
    %xor3A_15 = arith.xori %iota3A, %xor3A_14 : vector<16xi32>
    %xor3A_16 = arith.constant 8 : i32
    %xor3A_17 = vector.broadcast %xor3A_16 : i32 to vector<16xi32>
    %xor3A_18 = arith.xori %iota3A, %xor3A_17 : vector<16xi32>
    %and3A_19 = arith.constant -4 : i32
    %and3A_20 = vector.broadcast %and3A_19 : i32 to vector<16xi32>
    %and3A_21 = arith.andi %iota3A, %and3A_20 : vector<16xi32>
    %or3A = arith.constant 1 : i32
    %or3A_22 = vector.broadcast %or3A : i32 to vector<16xi32>
    %or3A_23 = arith.ori %and3A_21, %or3A_22 : vector<16xi32>
    %or3A_24 = arith.constant 2 : i32
    %or3A_25 = vector.broadcast %or3A_24 : i32 to vector<16xi32>
    %or3A_26 = arith.ori %and3A_21, %or3A_25 : vector<16xi32>
    %or3A_27 = arith.constant 3 : i32
    %or3A_28 = vector.broadcast %or3A_27 : i32 to vector<16xi32>
    %or3A_29 = arith.ori %and3A_21, %or3A_28 : vector<16xi32>
    %broadcast_in_dim3A = arith.constant 0 : i32
    %broadcast_in_dim3A_30 = vector.broadcast %broadcast_in_dim3A : i32 to vector<16xi32>
    %ne3A = arith.constant 0 : i32
    %ne3A_31 = vector.broadcast %ne3A : i32 to vector<16xi32>
    %ne3A_32 = arith.cmpi ne, %and3A_4, %ne3A_31 : vector<16xi32>
    %jit3A = arith.constant -2147483648 : i32
    %broadcast_in_dim3A_33 = vector.broadcast %jit3A : i32 to vector<16xi32>
    %select_n3A = arith.select %ne3A_32, %broadcast_in_dim3A_33, %broadcast_in_dim3A_30 : vector<16xi1>, vector<16xi32>
    %eq3A = arith.constant 3 : i32
    %eq3A_34 = vector.broadcast %eq3A : i32 to vector<16xi32>
    %eq3A_35 = arith.cmpi eq, %and3A_4, %eq3A_34 : vector<16xi32>
    %jit3A_36 = arith.constant -2147483648 : i32
    %broadcast_in_dim3A_37 = vector.broadcast %jit3A_36 : i32 to vector<16xi32>
    %select_n3A_38 = arith.select %eq3A_35, %broadcast_in_dim3A_37, %broadcast_in_dim3A_30 : vector<16xi1>, vector<16xi32>
    %eq3A_39 = arith.constant 1 : i32
    %eq3A_40 = vector.broadcast %eq3A_39 : i32 to vector<16xi32>
    %eq3A_41 = arith.cmpi eq, %and3A_4, %eq3A_40 : vector<16xi32>
    %jit3A_42 = arith.constant -2147483648 : i32
    %broadcast_in_dim3A_43 = vector.broadcast %jit3A_42 : i32 to vector<16xi32>
    %select_n3A_44 = arith.select %eq3A_41, %broadcast_in_dim3A_43, %broadcast_in_dim3A_30 : vector<16xi1>, vector<16xi32>
    %eq3A_45 = arith.constant 2 : i32
    %eq3A_46 = vector.broadcast %eq3A_45 : i32 to vector<16xi32>
    %eq3A_47 = arith.cmpi eq, %and3A_4, %eq3A_46 : vector<16xi32>
    %jit3A_48 = arith.constant -2147483648 : i32
    %broadcast_in_dim3A_49 = vector.broadcast %jit3A_48 : i32 to vector<16xi32>
    %select_n3A_50 = arith.select %eq3A_47, %broadcast_in_dim3A_49, %broadcast_in_dim3A_30 : vector<16xi1>, vector<16xi32>
    %eq3A_51 = arith.constant 0 : i32
    %eq3A_52 = vector.broadcast %eq3A_51 : i32 to vector<16xi32>
    %eq3A_53 = arith.cmpi eq, %iota3A, %eq3A_52 : vector<16xi32>
    %scan3A = arith.constant 0 : i32
    %scan3A_54 = arith.constant 0 : i32
    %scan3A_55 = arith.constant 4 : i32
    %scan3A_56 = arith.addi %scan3A_54, %scan3A_55 : i32
    %scan3A_57 = arith.constant 1 : i32
    scf.for %scan3A_59 = %scan3A_54 to %scan3A_56 step %scan3A_57  : i32 {
      %mul3A_60 = arith.constant 128 : i32
      %mul3A_61 = arith.muli %scan3A_59, %mul3A_60 : i32
      %add3A_62 = arith.addi %mul3A_2, %mul3A_61 : i32
      %dma_start3A = tpu.memref_slice %arg4[%add3A_62] : memref<16384xi32, #tpu.memory_space<hbm>> -> memref<128xi32, #tpu.memory_space<hbm>>
      %dma_start3A_63 = tpu.memref_slice %arg4[%add3A_62] : memref<16384xi32, #tpu.memory_space<hbm>> -> memref<128xi32, #tpu.memory_space<hbm>>
      tpu.enqueue_dma source(%dma_start3A_63 : memref<128xi32, #tpu.memory_space<hbm>>) target(%arg8 : memref<128xi32, #tpu.memory_space<vmem>>) target_semaphore(%arg15 : memref<!tpu.dma_semaphore, #tpu.memory_space<semaphore_mem>>)
      %dma_start3A_64 = tpu.memref_slice %arg5[%add3A_62] : memref<16384xi32, #tpu.memory_space<hbm>> -> memref<128xi32, #tpu.memory_space<hbm>>
      %dma_start3A_65 = tpu.memref_slice %arg5[%add3A_62] : memref<16384xi32, #tpu.memory_space<hbm>> -> memref<128xi32, #tpu.memory_space<hbm>>
      tpu.enqueue_dma source(%dma_start3A_65 : memref<128xi32, #tpu.memory_space<hbm>>) target(%arg9 : memref<128xi32, #tpu.memory_space<vmem>>) target_semaphore(%arg15 : memref<!tpu.dma_semaphore, #tpu.memory_space<semaphore_mem>>)
      %dma_start3A_66 = tpu.memref_slice %arg6[%add3A_62] : memref<16384xi32, #tpu.memory_space<hbm>> -> memref<128xi32, #tpu.memory_space<hbm>>
      %dma_start3A_67 = tpu.memref_slice %arg6[%add3A_62] : memref<16384xi32, #tpu.memory_space<hbm>> -> memref<128xi32, #tpu.memory_space<hbm>>
      tpu.enqueue_dma source(%dma_start3A_67 : memref<128xi32, #tpu.memory_space<hbm>>) target(%arg10 : memref<128xi32, #tpu.memory_space<vmem>>) target_semaphore(%arg15 : memref<!tpu.dma_semaphore, #tpu.memory_space<semaphore_mem>>)
      %dma_wait3A = tpu.memref_slice %arg4[%add3A_62] : memref<16384xi32, #tpu.memory_space<hbm>> -> memref<128xi32, #tpu.memory_space<hbm>>
      %dma_wait3A_68 = tpu.memref_slice %arg4[%add3A_62] : memref<16384xi32, #tpu.memory_space<hbm>> -> memref<128xi32, #tpu.memory_space<hbm>>
      tpu.wait_dma2 semaphore(%arg15 : memref<!tpu.dma_semaphore, #tpu.memory_space<semaphore_mem>>) src(%dma_wait3A_68 : memref<128xi32, #tpu.memory_space<hbm>>) dst(%arg8 : memref<128xi32, #tpu.memory_space<vmem>>)
      %dma_wait3A_69 = tpu.memref_slice %arg5[%add3A_62] : memref<16384xi32, #tpu.memory_space<hbm>> -> memref<128xi32, #tpu.memory_space<hbm>>
      %dma_wait3A_70 = tpu.memref_slice %arg5[%add3A_62] : memref<16384xi32, #tpu.memory_space<hbm>> -> memref<128xi32, #tpu.memory_space<hbm>>
      tpu.wait_dma2 semaphore(%arg15 : memref<!tpu.dma_semaphore, #tpu.memory_space<semaphore_mem>>) src(%dma_wait3A_70 : memref<128xi32, #tpu.memory_space<hbm>>) dst(%arg9 : memref<128xi32, #tpu.memory_space<vmem>>)
      %dma_wait3A_71 = tpu.memref_slice %arg6[%add3A_62] : memref<16384xi32, #tpu.memory_space<hbm>> -> memref<128xi32, #tpu.memory_space<hbm>>
      %dma_wait3A_72 = tpu.memref_slice %arg6[%add3A_62] : memref<16384xi32, #tpu.memory_space<hbm>> -> memref<128xi32, #tpu.memory_space<hbm>>
      tpu.wait_dma2 semaphore(%arg15 : memref<!tpu.dma_semaphore, #tpu.memory_space<semaphore_mem>>) src(%dma_wait3A_72 : memref<128xi32, #tpu.memory_space<hbm>>) dst(%arg10 : memref<128xi32, #tpu.memory_space<vmem>>)
      %dma_start3A_73 = arith.constant 0 : i32
      %dma_start3A_74 = arith.constant 0 : i32
      %dma_start3A_75 = tpu.memref_slice %arg2[%dma_start3A_73, %dma_start3A_74] : memref<100000x128xf32, #tpu.memory_space<hbm>> -> memref<100000x128xf32, #tpu.memory_space<hbm>>
      tpu.enqueue_indirect_dma source(%dma_start3A_75 : memref<100000x128xf32, #tpu.memory_space<hbm>>) target(%arg11 : memref<128x128xf32, #tpu.memory_space<vmem>>) offsets(%arg8 : memref<128xi32, #tpu.memory_space<vmem>>) semaphore(%arg15 : memref<!tpu.dma_semaphore, #tpu.memory_space<semaphore_mem>>)
      %dma_start3A_76 = arith.constant 0 : i32
      %dma_start3A_77 = arith.constant 0 : i32
      %dma_start3A_78 = tpu.memref_slice %arg3[%dma_start3A_76, %dma_start3A_77] : memref<100000x128xf32, #tpu.memory_space<hbm>> -> memref<100000x128xf32, #tpu.memory_space<hbm>>
      tpu.enqueue_indirect_dma source(%dma_start3A_78 : memref<100000x128xf32, #tpu.memory_space<hbm>>) target(%arg12 : memref<128x128xf32, #tpu.memory_space<vmem>>) offsets(%arg9 : memref<128xi32, #tpu.memory_space<vmem>>) semaphore(%arg15 : memref<!tpu.dma_semaphore, #tpu.memory_space<semaphore_mem>>)
      %dma_start3A_79 = arith.constant 0 : i32
      %dma_start3A_80 = arith.constant 0 : i32
      %dma_start3A_81 = tpu.memref_slice %arg2[%dma_start3A_79, %dma_start3A_80] : memref<100000x128xf32, #tpu.memory_space<hbm>> -> memref<100000x128xf32, #tpu.memory_space<hbm>>
      tpu.enqueue_indirect_dma source(%dma_start3A_81 : memref<100000x128xf32, #tpu.memory_space<hbm>>) target(%arg13 : memref<128x128xf32, #tpu.memory_space<vmem>>) offsets(%arg10 : memref<128xi32, #tpu.memory_space<vmem>>) semaphore(%arg15 : memref<!tpu.dma_semaphore, #tpu.memory_space<semaphore_mem>>)
      %dma_wait3A_82 = arith.constant 0 : i32
      %dma_wait3A_83 = arith.constant 0 : i32
      %dma_wait3A_84 = tpu.memref_slice %arg2[%dma_wait3A_82, %dma_wait3A_83] : memref<100000x128xf32, #tpu.memory_space<hbm>> -> memref<100000x128xf32, #tpu.memory_space<hbm>>
      tpu.wait_indirect_dma semaphore(%arg15 : memref<!tpu.dma_semaphore, #tpu.memory_space<semaphore_mem>>) src(%dma_wait3A_84 : memref<100000x128xf32, #tpu.memory_space<hbm>>) dst(%arg11 : memref<128x128xf32, #tpu.memory_space<vmem>>)
      %dma_wait3A_85 = arith.constant 0 : i32
      %dma_wait3A_86 = arith.constant 0 : i32
      %dma_wait3A_87 = tpu.memref_slice %arg3[%dma_wait3A_85, %dma_wait3A_86] : memref<100000x128xf32, #tpu.memory_space<hbm>> -> memref<100000x128xf32, #tpu.memory_space<hbm>>
      tpu.wait_indirect_dma semaphore(%arg15 : memref<!tpu.dma_semaphore, #tpu.memory_space<semaphore_mem>>) src(%dma_wait3A_87 : memref<100000x128xf32, #tpu.memory_space<hbm>>) dst(%arg12 : memref<128x128xf32, #tpu.memory_space<vmem>>)
      %dma_wait3A_88 = arith.constant 0 : i32
      %dma_wait3A_89 = arith.constant 0 : i32
      %dma_wait3A_90 = tpu.memref_slice %arg2[%dma_wait3A_88, %dma_wait3A_89] : memref<100000x128xf32, #tpu.memory_space<hbm>> -> memref<100000x128xf32, #tpu.memory_space<hbm>>
      tpu.wait_indirect_dma semaphore(%arg15 : memref<!tpu.dma_semaphore, #tpu.memory_space<semaphore_mem>>) src(%dma_wait3A_90 : memref<100000x128xf32, #tpu.memory_space<hbm>>) dst(%arg13 : memref<128x128xf32, #tpu.memory_space<vmem>>)
      %scan3A_91 = arith.constant 0 : i32
      %scan3A_92 = arith.constant 0 : i32
      %scan3A_93 = arith.constant 32 : i32
      %scan3A_94 = arith.addi %scan3A_92, %scan3A_93 : i32
      %scan3A_95 = arith.constant 1 : i32
      scf.for %scan3A_97 = %scan3A_92 to %scan3A_94 step %scan3A_95  : i32 {
        %mul3A_98 = arith.constant 4 : i32
        %mul3A_99 = arith.muli %scan3A_97, %mul3A_98 : i32
        %add3A_100 = arith.constant 0 : i32
        %add3A_101 = arith.addi %mul3A_99, %add3A_100 : i32
        %broadcast_in_dim3A_102 = arith.constant 0.000000e+00 : f32
        %broadcast_in_dim3A_103 = vector.broadcast %broadcast_in_dim3A_102 : f32 to vector<16xf32>
        %get3A = arith.index_cast %add3A_101 : i32 to index
        %get3A_104 = arith.constant 0 : index
        %get3A_105 = tpu.vector_load %arg11[%get3A, %get3A_104] {strides = array<i32>} : memref<128x128xf32, #tpu.memory_space<vmem>>, vector<16xf32>,
        %get3A_106 = arith.index_cast %add3A_101 : i32 to index
        %get3A_107 = arith.constant 0 : index
        %get3A_108 = tpu.vector_load %arg12[%get3A_106, %get3A_107] {strides = array<i32>} : memref<128x128xf32, #tpu.memory_space<vmem>>, vector<16xf32>,
        %get3A_109 = arith.index_cast %add3A_101 : i32 to index
        %get3A_110 = arith.constant 0 : index
        %get3A_111 = tpu.vector_load %arg13[%get3A_109, %get3A_110] {strides = array<i32>} : memref<128x128xf32, #tpu.memory_space<vmem>>, vector<16xf32>,
        %mul3A_112 = arith.mulf %get3A_108, %get3A_108 : vector<16xf32>
        %lt3A = arith.constant 0 : i32
        %lt3A_113 = vector.broadcast %lt3A : i32 to vector<16xi32>
        %lt3A_114 = arith.cmpi slt, %xor3A_6, %lt3A_113 : vector<16xi32>
        %add3A_115 = arith.constant 16 : i32
        %add3A_116 = vector.broadcast %add3A_115 : i32 to vector<16xi32>
        %add3A_117 = arith.addi %xor3A_6, %add3A_116 : vector<16xi32>
        %select_n3A_118 = arith.select %lt3A_114, %add3A_117, %xor3A_6 : vector<16xi1>, vector<16xi32>
        %reshape3A = vector.shape_cast %select_n3A_118 : vector<16xi32> to vector<16x1xi32>
        %gather3A = vector.shape_cast %reshape3A : vector<16x1xi32> to vector<16xi32>
        %gather3A_119 = tpu.dynamic_gather %mul3A_112[%gather3A] in [0] : vector<16xf32>, vector<16xi32> -> vector<16xf32>
        %add3A_120 = arith.addf %mul3A_112, %gather3A_119 : vector<16xf32>
        %lt3A_121 = arith.constant 0 : i32
        %lt3A_122 = vector.broadcast %lt3A_121 : i32 to vector<16xi32>
        %lt3A_123 = arith.cmpi slt, %xor3A_9, %lt3A_122 : vector<16xi32>
        %add3A_124 = arith.constant 16 : i32
        %add3A_125 = vector.broadcast %add3A_124 : i32 to vector<16xi32>
        %add3A_126 = arith.addi %xor3A_9, %add3A_125 : vector<16xi32>
        %select_n3A_127 = arith.select %lt3A_123, %add3A_126, %xor3A_9 : vector<16xi1>, vector<16xi32>
        %reshape3A_128 = vector.shape_cast %select_n3A_127 : vector<16xi32> to vector<16x1xi32>
        %gather3A_129 = vector.shape_cast %reshape3A_128 : vector<16x1xi32> to vector<16xi32>
        %gather3A_130 = tpu.dynamic_gather %add3A_120[%gather3A_129] in [0] : vector<16xf32>, vector<16xi32> -> vector<16xf32>
        %add3A_131 = arith.addf %add3A_120, %gather3A_130 : vector<16xf32>
        %bitcast3A = vector.bitcast %add3A_131 : vector<16xf32> to vector<16xi32>
        %shift_right_arithmetic3A = arith.constant 1 : i32
        %shift_right_arithmetic3A_132 = vector.broadcast %shift_right_arithmetic3A : i32 to vector<16xi32>
        %shift_right_arithmetic3A_133 = arith.shrsi %bitcast3A, %shift_right_arithmetic3A_132 : vector<16xi32>
        %sub3A = arith.constant 1597463007 : i32
        %sub3A_134 = vector.broadcast %sub3A : i32 to vector<16xi32>
        %sub3A_135 = arith.subi %sub3A_134, %shift_right_arithmetic3A_133 : vector<16xi32>
        %bitcast3A_136 = vector.bitcast %sub3A_135 : vector<16xi32> to vector<16xf32>
        %mul3A_137 = arith.constant 5.000000e-01 : f32
        %mul3A_138 = vector.broadcast %mul3A_137 : f32 to vector<16xf32>
        %mul3A_139 = arith.mulf %mul3A_138, %add3A_131 : vector<16xf32>
        %mul3A_140 = arith.mulf %mul3A_139, %bitcast3A_136 : vector<16xf32>
        %mul3A_141 = arith.mulf %mul3A_140, %bitcast3A_136 : vector<16xf32>
        %sub3A_142 = arith.constant 1.500000e+00 : f32
        %sub3A_143 = vector.broadcast %sub3A_142 : f32 to vector<16xf32>
        %sub3A_144 = arith.subf %sub3A_143, %mul3A_141 : vector<16xf32>
        %mul3A_145 = arith.mulf %bitcast3A_136, %sub3A_144 : vector<16xf32>
        %mul3A_146 = arith.mulf %mul3A_139, %mul3A_145 : vector<16xf32>
        %mul3A_147 = arith.mulf %mul3A_146, %mul3A_145 : vector<16xf32>
        %sub3A_148 = arith.constant 1.500000e+00 : f32
        %sub3A_149 = vector.broadcast %sub3A_148 : f32 to vector<16xf32>
        %sub3A_150 = arith.subf %sub3A_149, %mul3A_147 : vector<16xf32>
        %mul3A_151 = arith.mulf %mul3A_145, %sub3A_150 : vector<16xf32>
        %mul3A_152 = arith.mulf %get3A_105, %mul3A_151 : vector<16xf32>
        %bitcast3A_153 = vector.bitcast %get3A_111 : vector<16xf32> to vector<16xi32>
        %lt3A_154 = arith.constant 0 : i32
        %lt3A_155 = vector.broadcast %lt3A_154 : i32 to vector<16xi32>
        %lt3A_156 = arith.cmpi slt, %and3A_21, %lt3A_155 : vector<16xi32>
        %add3A_157 = arith.constant 16 : i32
        %add3A_158 = vector.broadcast %add3A_157 : i32 to vector<16xi32>
        %add3A_159 = arith.addi %and3A_21, %add3A_158 : vector<16xi32>
        %select_n3A_160 = arith.select %lt3A_156, %add3A_159, %and3A_21 : vector<16xi1>, vector<16xi32>
        %reshape3A_161 = vector.shape_cast %select_n3A_160 : vector<16xi32> to vector<16x1xi32>
        %gather3A_162 = vector.shape_cast %reshape3A_161 : vector<16x1xi32> to vector<16xi32>
        %gather3A_163 = tpu.dynamic_gather %bitcast3A_153[%gather3A_162] in [0] : vector<16xi32>, vector<16xi32> -> vector<16xi32>
        %xor3A_164 = arith.xori %gather3A_163, %select_n3A : vector<16xi32>
        %bitcast3A_165 = vector.bitcast %xor3A_164 : vector<16xi32> to vector<16xf32>
        %lt3A_166 = arith.constant 0 : i32
        %lt3A_167 = vector.broadcast %lt3A_166 : i32 to vector<16xi32>
        %lt3A_168 = arith.cmpi slt, %or3A_23, %lt3A_167 : vector<16xi32>
        %add3A_169 = arith.constant 16 : i32
        %add3A_170 = vector.broadcast %add3A_169 : i32 to vector<16xi32>
        %add3A_171 = arith.addi %or3A_23, %add3A_170 : vector<16xi32>
        %select_n3A_172 = arith.select %lt3A_168, %add3A_171, %or3A_23 : vector<16xi1>, vector<16xi32>
        %reshape3A_173 = vector.shape_cast %select_n3A_172 : vector<16xi32> to vector<16x1xi32>
        %gather3A_174 = vector.shape_cast %reshape3A_173 : vector<16x1xi32> to vector<16xi32>
        %gather3A_175 = tpu.dynamic_gather %bitcast3A_153[%gather3A_174] in [0] : vector<16xi32>, vector<16xi32> -> vector<16xi32>
        %xor3A_176 = arith.xori %gather3A_175, %select_n3A_38 : vector<16xi32>
        %bitcast3A_177 = vector.bitcast %xor3A_176 : vector<16xi32> to vector<16xf32>
        %lt3A_178 = arith.constant 0 : i32
        %lt3A_179 = vector.broadcast %lt3A_178 : i32 to vector<16xi32>
        %lt3A_180 = arith.cmpi slt, %or3A_26, %lt3A_179 : vector<16xi32>
        %add3A_181 = arith.constant 16 : i32
        %add3A_182 = vector.broadcast %add3A_181 : i32 to vector<16xi32>
        %add3A_183 = arith.addi %or3A_26, %add3A_182 : vector<16xi32>
        %select_n3A_184 = arith.select %lt3A_180, %add3A_183, %or3A_26 : vector<16xi1>, vector<16xi32>
        %reshape3A_185 = vector.shape_cast %select_n3A_184 : vector<16xi32> to vector<16x1xi32>
        %gather3A_186 = vector.shape_cast %reshape3A_185 : vector<16x1xi32> to vector<16xi32>
        %gather3A_187 = tpu.dynamic_gather %bitcast3A_153[%gather3A_186] in [0] : vector<16xi32>, vector<16xi32> -> vector<16xi32>
        %xor3A_188 = arith.xori %gather3A_187, %select_n3A_44 : vector<16xi32>
        %bitcast3A_189 = vector.bitcast %xor3A_188 : vector<16xi32> to vector<16xf32>
        %lt3A_190 = arith.constant 0 : i32
        %lt3A_191 = vector.broadcast %lt3A_190 : i32 to vector<16xi32>
        %lt3A_192 = arith.cmpi slt, %or3A_29, %lt3A_191 : vector<16xi32>
        %add3A_193 = arith.constant 16 : i32
        %add3A_194 = vector.broadcast %add3A_193 : i32 to vector<16xi32>
        %add3A_195 = arith.addi %or3A_29, %add3A_194 : vector<16xi32>
        %select_n3A_196 = arith.select %lt3A_192, %add3A_195, %or3A_29 : vector<16xi1>, vector<16xi32>
        %reshape3A_197 = vector.shape_cast %select_n3A_196 : vector<16xi32> to vector<16x1xi32>
        %gather3A_198 = vector.shape_cast %reshape3A_197 : vector<16x1xi32> to vector<16xi32>
        %gather3A_199 = tpu.dynamic_gather %bitcast3A_153[%gather3A_198] in [0] : vector<16xi32>, vector<16xi32> -> vector<16xi32>
        %xor3A_200 = arith.xori %gather3A_199, %select_n3A_50 : vector<16xi32>
        %bitcast3A_201 = vector.bitcast %xor3A_200 : vector<16xi32> to vector<16xf32>
        %mul3A_202 = arith.mulf %get3A_108, %bitcast3A_165 : vector<16xf32>
        %lt3A_203 = arith.constant 0 : i32
        %lt3A_204 = vector.broadcast %lt3A_203 : i32 to vector<16xi32>
        %lt3A_205 = arith.cmpi slt, %xor3A_6, %lt3A_204 : vector<16xi32>
        %add3A_206 = arith.constant 16 : i32
        %add3A_207 = vector.broadcast %add3A_206 : i32 to vector<16xi32>
        %add3A_208 = arith.addi %xor3A_6, %add3A_207 : vector<16xi32>
        %select_n3A_209 = arith.select %lt3A_205, %add3A_208, %xor3A_6 : vector<16xi1>, vector<16xi32>
        %reshape3A_210 = vector.shape_cast %select_n3A_209 : vector<16xi32> to vector<16x1xi32>
        %gather3A_211 = vector.shape_cast %reshape3A_210 : vector<16x1xi32> to vector<16xi32>
        %gather3A_212 = tpu.dynamic_gather %get3A_108[%gather3A_211] in [0] : vector<16xf32>, vector<16xi32> -> vector<16xf32>
        %mul3A_213 = arith.mulf %gather3A_212, %bitcast3A_177 : vector<16xf32>
        %add3A_214 = arith.addf %mul3A_202, %mul3A_213 : vector<16xf32>
        %lt3A_215 = arith.constant 0 : i32
        %lt3A_216 = vector.broadcast %lt3A_215 : i32 to vector<16xi32>
        %lt3A_217 = arith.cmpi slt, %xor3A_9, %lt3A_216 : vector<16xi32>
        %add3A_218 = arith.constant 16 : i32
        %add3A_219 = vector.broadcast %add3A_218 : i32 to vector<16xi32>
        %add3A_220 = arith.addi %xor3A_9, %add3A_219 : vector<16xi32>
        %select_n3A_221 = arith.select %lt3A_217, %add3A_220, %xor3A_9 : vector<16xi1>, vector<16xi32>
        %reshape3A_222 = vector.shape_cast %select_n3A_221 : vector<16xi32> to vector<16x1xi32>
        %gather3A_223 = vector.shape_cast %reshape3A_222 : vector<16x1xi32> to vector<16xi32>
        %gather3A_224 = tpu.dynamic_gather %get3A_108[%gather3A_223] in [0] : vector<16xf32>, vector<16xi32> -> vector<16xf32>
        %mul3A_225 = arith.mulf %gather3A_224, %bitcast3A_189 : vector<16xf32>
        %add3A_226 = arith.addf %add3A_214, %mul3A_225 : vector<16xf32>
        %lt3A_227 = arith.constant 0 : i32
        %lt3A_228 = vector.broadcast %lt3A_227 : i32 to vector<16xi32>
        %lt3A_229 = arith.cmpi slt, %xor3A_12, %lt3A_228 : vector<16xi32>
        %add3A_230 = arith.constant 16 : i32
        %add3A_231 = vector.broadcast %add3A_230 : i32 to vector<16xi32>
        %add3A_232 = arith.addi %xor3A_12, %add3A_231 : vector<16xi32>
        %select_n3A_233 = arith.select %lt3A_229, %add3A_232, %xor3A_12 : vector<16xi1>, vector<16xi32>
        %reshape3A_234 = vector.shape_cast %select_n3A_233 : vector<16xi32> to vector<16x1xi32>
        %gather3A_235 = vector.shape_cast %reshape3A_234 : vector<16x1xi32> to vector<16xi32>
        %gather3A_236 = tpu.dynamic_gather %get3A_108[%gather3A_235] in [0] : vector<16xf32>, vector<16xi32> -> vector<16xf32>
        %mul3A_237 = arith.mulf %gather3A_236, %bitcast3A_201 : vector<16xf32>
        %add3A_238 = arith.addf %add3A_226, %mul3A_237 : vector<16xf32>
        %mul3A_239 = arith.mulf %mul3A_152, %add3A_238 : vector<16xf32>
        %add3A_240 = arith.addf %broadcast_in_dim3A_103, %mul3A_239 : vector<16xf32>
        %get3A_241 = arith.index_cast %add3A_101 : i32 to index
        %get3A_242 = arith.constant 16 : index
        %get3A_243 = tpu.vector_load %arg11[%get3A_241, %get3A_242] {strides = array<i32>} : memref<128x128xf32, #tpu.memory_space<vmem>>, vector<16xf32>,
        %get3A_244 = arith.index_cast %add3A_101 : i32 to index
        %get3A_245 = arith.constant 16 : index
        %get3A_246 = tpu.vector_load %arg12[%get3A_244, %get3A_245] {strides = array<i32>} : memref<128x128xf32, #tpu.memory_space<vmem>>, vector<16xf32>,
        %get3A_247 = arith.index_cast %add3A_101 : i32 to index
        %get3A_248 = arith.constant 16 : index
        %get3A_249 = tpu.vector_load %arg13[%get3A_247, %get3A_248] {strides = array<i32>} : memref<128x128xf32, #tpu.memory_space<vmem>>, vector<16xf32>,
        %mul3A_250 = arith.mulf %get3A_246, %get3A_246 : vector<16xf32>
        %lt3A_251 = arith.constant 0 : i32
        %lt3A_252 = vector.broadcast %lt3A_251 : i32 to vector<16xi32>
        %lt3A_253 = arith.cmpi slt, %xor3A_6, %lt3A_252 : vector<16xi32>
        %add3A_254 = arith.constant 16 : i32
        %add3A_255 = vector.broadcast %add3A_254 : i32 to vector<16xi32>
        %add3A_256 = arith.addi %xor3A_6, %add3A_255 : vector<16xi32>
        %select_n3A_257 = arith.select %lt3A_253, %add3A_256, %xor3A_6 : vector<16xi1>, vector<16xi32>
        %reshape3A_258 = vector.shape_cast %select_n3A_257 : vector<16xi32> to vector<16x1xi32>
        %gather3A_259 = vector.shape_cast %reshape3A_258 : vector<16x1xi32> to vector<16xi32>
        %gather3A_260 = tpu.dynamic_gather %mul3A_250[%gather3A_259] in [0] : vector<16xf32>, vector<16xi32> -> vector<16xf32>
        %add3A_261 = arith.addf %mul3A_250, %gather3A_260 : vector<16xf32>
        %lt3A_262 = arith.constant 0 : i32
        %lt3A_263 = vector.broadcast %lt3A_262 : i32 to vector<16xi32>
        %lt3A_264 = arith.cmpi slt, %xor3A_9, %lt3A_263 : vector<16xi32>
        %add3A_265 = arith.constant 16 : i32
        %add3A_266 = vector.broadcast %add3A_265 : i32 to vector<16xi32>
        %add3A_267 = arith.addi %xor3A_9, %add3A_266 : vector<16xi32>
        %select_n3A_268 = arith.select %lt3A_264, %add3A_267, %xor3A_9 : vector<16xi1>, vector<16xi32>
        %reshape3A_269 = vector.shape_cast %select_n3A_268 : vector<16xi32> to vector<16x1xi32>
        %gather3A_270 = vector.shape_cast %reshape3A_269 : vector<16x1xi32> to vector<16xi32>
        %gather3A_271 = tpu.dynamic_gather %add3A_261[%gather3A_270] in [0] : vector<16xf32>, vector<16xi32> -> vector<16xf32>
        %add3A_272 = arith.addf %add3A_261, %gather3A_271 : vector<16xf32>
        %bitcast3A_273 = vector.bitcast %add3A_272 : vector<16xf32> to vector<16xi32>
        %shift_right_arithmetic3A_274 = arith.constant 1 : i32
        %shift_right_arithmetic3A_275 = vector.broadcast %shift_right_arithmetic3A_274 : i32 to vector<16xi32>
        %shift_right_arithmetic3A_276 = arith.shrsi %bitcast3A_273, %shift_right_arithmetic3A_275 : vector<16xi32>
        %sub3A_277 = arith.constant 1597463007 : i32
        %sub3A_278 = vector.broadcast %sub3A_277 : i32 to vector<16xi32>
        %sub3A_279 = arith.subi %sub3A_278, %shift_right_arithmetic3A_276 : vector<16xi32>
        %bitcast3A_280 = vector.bitcast %sub3A_279 : vector<16xi32> to vector<16xf32>
        %mul3A_281 = arith.constant 5.000000e-01 : f32
        %mul3A_282 = vector.broadcast %mul3A_281 : f32 to vector<16xf32>
        %mul3A_283 = arith.mulf %mul3A_282, %add3A_272 : vector<16xf32>
        %mul3A_284 = arith.mulf %mul3A_283, %bitcast3A_280 : vector<16xf32>
        %mul3A_285 = arith.mulf %mul3A_284, %bitcast3A_280 : vector<16xf32>
        %sub3A_286 = arith.constant 1.500000e+00 : f32
        %sub3A_287 = vector.broadcast %sub3A_286 : f32 to vector<16xf32>
        %sub3A_288 = arith.subf %sub3A_287, %mul3A_285 : vector<16xf32>
        %mul3A_289 = arith.mulf %bitcast3A_280, %sub3A_288 : vector<16xf32>
        %mul3A_290 = arith.mulf %mul3A_283, %mul3A_289 : vector<16xf32>
        %mul3A_291 = arith.mulf %mul3A_290, %mul3A_289 : vector<16xf32>
        %sub3A_292 = arith.constant 1.500000e+00 : f32
        %sub3A_293 = vector.broadcast %sub3A_292 : f32 to vector<16xf32>
        %sub3A_294 = arith.subf %sub3A_293, %mul3A_291 : vector<16xf32>
        %mul3A_295 = arith.mulf %mul3A_289, %sub3A_294 : vector<16xf32>
        %mul3A_296 = arith.mulf %get3A_243, %mul3A_295 : vector<16xf32>
        %bitcast3A_297 = vector.bitcast %get3A_249 : vector<16xf32> to vector<16xi32>
        %lt3A_298 = arith.constant 0 : i32
        %lt3A_299 = vector.broadcast %lt3A_298 : i32 to vector<16xi32>
        %lt3A_300 = arith.cmpi slt, %and3A_21, %lt3A_299 : vector<16xi32>
        %add3A_301 = arith.constant 16 : i32
        %add3A_302 = vector.broadcast %add3A_301 : i32 to vector<16xi32>
        %add3A_303 = arith.addi %and3A_21, %add3A_302 : vector<16xi32>
        %select_n3A_304 = arith.select %lt3A_300, %add3A_303, %and3A_21 : vector<16xi1>, vector<16xi32>
        %reshape3A_305 = vector.shape_cast %select_n3A_304 : vector<16xi32> to vector<16x1xi32>
        %gather3A_306 = vector.shape_cast %reshape3A_305 : vector<16x1xi32> to vector<16xi32>
        %gather3A_307 = tpu.dynamic_gather %bitcast3A_297[%gather3A_306] in [0] : vector<16xi32>, vector<16xi32> -> vector<16xi32>
        %xor3A_308 = arith.xori %gather3A_307, %select_n3A : vector<16xi32>
        %bitcast3A_309 = vector.bitcast %xor3A_308 : vector<16xi32> to vector<16xf32>
        %lt3A_310 = arith.constant 0 : i32
        %lt3A_311 = vector.broadcast %lt3A_310 : i32 to vector<16xi32>
        %lt3A_312 = arith.cmpi slt, %or3A_23, %lt3A_311 : vector<16xi32>
        %add3A_313 = arith.constant 16 : i32
        %add3A_314 = vector.broadcast %add3A_313 : i32 to vector<16xi32>
        %add3A_315 = arith.addi %or3A_23, %add3A_314 : vector<16xi32>
        %select_n3A_316 = arith.select %lt3A_312, %add3A_315, %or3A_23 : vector<16xi1>, vector<16xi32>
        %reshape3A_317 = vector.shape_cast %select_n3A_316 : vector<16xi32> to vector<16x1xi32>
        %gather3A_318 = vector.shape_cast %reshape3A_317 : vector<16x1xi32> to vector<16xi32>
        %gather3A_319 = tpu.dynamic_gather %bitcast3A_297[%gather3A_318] in [0] : vector<16xi32>, vector<16xi32> -> vector<16xi32>
        %xor3A_320 = arith.xori %gather3A_319, %select_n3A_38 : vector<16xi32>
        %bitcast3A_321 = vector.bitcast %xor3A_320 : vector<16xi32> to vector<16xf32>
        %lt3A_322 = arith.constant 0 : i32
        %lt3A_323 = vector.broadcast %lt3A_322 : i32 to vector<16xi32>
        %lt3A_324 = arith.cmpi slt, %or3A_26, %lt3A_323 : vector<16xi32>
        %add3A_325 = arith.constant 16 : i32
        %add3A_326 = vector.broadcast %add3A_325 : i32 to vector<16xi32>
        %add3A_327 = arith.addi %or3A_26, %add3A_326 : vector<16xi32>
        %select_n3A_328 = arith.select %lt3A_324, %add3A_327, %or3A_26 : vector<16xi1>, vector<16xi32>
        %reshape3A_329 = vector.shape_cast %select_n3A_328 : vector<16xi32> to vector<16x1xi32>
        %gather3A_330 = vector.shape_cast %reshape3A_329 : vector<16x1xi32> to vector<16xi32>
        %gather3A_331 = tpu.dynamic_gather %bitcast3A_297[%gather3A_330] in [0] : vector<16xi32>, vector<16xi32> -> vector<16xi32>
        %xor3A_332 = arith.xori %gather3A_331, %select_n3A_44 : vector<16xi32>
        %bitcast3A_333 = vector.bitcast %xor3A_332 : vector<16xi32> to vector<16xf32>
        %lt3A_334 = arith.constant 0 : i32
        %lt3A_335 = vector.broadcast %lt3A_334 : i32 to vector<16xi32>
        %lt3A_336 = arith.cmpi slt, %or3A_29, %lt3A_335 : vector<16xi32>
        %add3A_337 = arith.constant 16 : i32
        %add3A_338 = vector.broadcast %add3A_337 : i32 to vector<16xi32>
        %add3A_339 = arith.addi %or3A_29, %add3A_338 : vector<16xi32>
        %select_n3A_340 = arith.select %lt3A_336, %add3A_339, %or3A_29 : vector<16xi1>, vector<16xi32>
        %reshape3A_341 = vector.shape_cast %select_n3A_340 : vector<16xi32> to vector<16x1xi32>
        %gather3A_342 = vector.shape_cast %reshape3A_341 : vector<16x1xi32> to vector<16xi32>
        %gather3A_343 = tpu.dynamic_gather %bitcast3A_297[%gather3A_342] in [0] : vector<16xi32>, vector<16xi32> -> vector<16xi32>
        %xor3A_344 = arith.xori %gather3A_343, %select_n3A_50 : vector<16xi32>
        %bitcast3A_345 = vector.bitcast %xor3A_344 : vector<16xi32> to vector<16xf32>
        %mul3A_346 = arith.mulf %get3A_246, %bitcast3A_309 : vector<16xf32>
        %lt3A_347 = arith.constant 0 : i32
        %lt3A_348 = vector.broadcast %lt3A_347 : i32 to vector<16xi32>
        %lt3A_349 = arith.cmpi slt, %xor3A_6, %lt3A_348 : vector<16xi32>
        %add3A_350 = arith.constant 16 : i32
        %add3A_351 = vector.broadcast %add3A_350 : i32 to vector<16xi32>
        %add3A_352 = arith.addi %xor3A_6, %add3A_351 : vector<16xi32>
        %select_n3A_353 = arith.select %lt3A_349, %add3A_352, %xor3A_6 : vector<16xi1>, vector<16xi32>
        %reshape3A_354 = vector.shape_cast %select_n3A_353 : vector<16xi32> to vector<16x1xi32>
        %gather3A_355 = vector.shape_cast %reshape3A_354 : vector<16x1xi32> to vector<16xi32>
        %gather3A_356 = tpu.dynamic_gather %get3A_246[%gather3A_355] in [0] : vector<16xf32>, vector<16xi32> -> vector<16xf32>
        %mul3A_357 = arith.mulf %gather3A_356, %bitcast3A_321 : vector<16xf32>
        %add3A_358 = arith.addf %mul3A_346, %mul3A_357 : vector<16xf32>
        %lt3A_359 = arith.constant 0 : i32
        %lt3A_360 = vector.broadcast %lt3A_359 : i32 to vector<16xi32>
        %lt3A_361 = arith.cmpi slt, %xor3A_9, %lt3A_360 : vector<16xi32>
        %add3A_362 = arith.constant 16 : i32
        %add3A_363 = vector.broadcast %add3A_362 : i32 to vector<16xi32>
        %add3A_364 = arith.addi %xor3A_9, %add3A_363 : vector<16xi32>
        %select_n3A_365 = arith.select %lt3A_361, %add3A_364, %xor3A_9 : vector<16xi1>, vector<16xi32>
        %reshape3A_366 = vector.shape_cast %select_n3A_365 : vector<16xi32> to vector<16x1xi32>
        %gather3A_367 = vector.shape_cast %reshape3A_366 : vector<16x1xi32> to vector<16xi32>
        %gather3A_368 = tpu.dynamic_gather %get3A_246[%gather3A_367] in [0] : vector<16xf32>, vector<16xi32> -> vector<16xf32>
        %mul3A_369 = arith.mulf %gather3A_368, %bitcast3A_333 : vector<16xf32>
        %add3A_370 = arith.addf %add3A_358, %mul3A_369 : vector<16xf32>
        %lt3A_371 = arith.constant 0 : i32
        %lt3A_372 = vector.broadcast %lt3A_371 : i32 to vector<16xi32>
        %lt3A_373 = arith.cmpi slt, %xor3A_12, %lt3A_372 : vector<16xi32>
        %add3A_374 = arith.constant 16 : i32
        %add3A_375 = vector.broadcast %add3A_374 : i32 to vector<16xi32>
        %add3A_376 = arith.addi %xor3A_12, %add3A_375 : vector<16xi32>
        %select_n3A_377 = arith.select %lt3A_373, %add3A_376, %xor3A_12 : vector<16xi1>, vector<16xi32>
        %reshape3A_378 = vector.shape_cast %select_n3A_377 : vector<16xi32> to vector<16x1xi32>
        %gather3A_379 = vector.shape_cast %reshape3A_378 : vector<16x1xi32> to vector<16xi32>
        %gather3A_380 = tpu.dynamic_gather %get3A_246[%gather3A_379] in [0] : vector<16xf32>, vector<16xi32> -> vector<16xf32>
        %mul3A_381 = arith.mulf %gather3A_380, %bitcast3A_345 : vector<16xf32>
        %add3A_382 = arith.addf %add3A_370, %mul3A_381 : vector<16xf32>
        %mul3A_383 = arith.mulf %mul3A_296, %add3A_382 : vector<16xf32>
        %add3A_384 = arith.addf %add3A_240, %mul3A_383 : vector<16xf32>
        %get3A_385 = arith.index_cast %add3A_101 : i32 to index
        %get3A_386 = arith.constant 32 : index
        %get3A_387 = tpu.vector_load %arg11[%get3A_385, %get3A_386] {strides = array<i32>} : memref<128x128xf32, #tpu.memory_space<vmem>>, vector<16xf32>,
        %get3A_388 = arith.index_cast %add3A_101 : i32 to index
        %get3A_389 = arith.constant 32 : index
        %get3A_390 = tpu.vector_load %arg12[%get3A_388, %get3A_389] {strides = array<i32>} : memref<128x128xf32, #tpu.memory_space<vmem>>, vector<16xf32>,
        %get3A_391 = arith.index_cast %add3A_101 : i32 to index
        %get3A_392 = arith.constant 32 : index
        %get3A_393 = tpu.vector_load %arg13[%get3A_391, %get3A_392] {strides = array<i32>} : memref<128x128xf32, #tpu.memory_space<vmem>>, vector<16xf32>,
        %mul3A_394 = arith.mulf %get3A_390, %get3A_390 : vector<16xf32>
        %lt3A_395 = arith.constant 0 : i32
        %lt3A_396 = vector.broadcast %lt3A_395 : i32 to vector<16xi32>
        %lt3A_397 = arith.cmpi slt, %xor3A_6, %lt3A_396 : vector<16xi32>
        %add3A_398 = arith.constant 16 : i32
        %add3A_399 = vector.broadcast %add3A_398 : i32 to vector<16xi32>
        %add3A_400 = arith.addi %xor3A_6, %add3A_399 : vector<16xi32>
        %select_n3A_401 = arith.select %lt3A_397, %add3A_400, %xor3A_6 : vector<16xi1>, vector<16xi32>
        %reshape3A_402 = vector.shape_cast %select_n3A_401 : vector<16xi32> to vector<16x1xi32>
        %gather3A_403 = vector.shape_cast %reshape3A_402 : vector<16x1xi32> to vector<16xi32>
        %gather3A_404 = tpu.dynamic_gather %mul3A_394[%gather3A_403] in [0] : vector<16xf32>, vector<16xi32> -> vector<16xf32>
        %add3A_405 = arith.addf %mul3A_394, %gather3A_404 : vector<16xf32>
        %lt3A_406 = arith.constant 0 : i32
        %lt3A_407 = vector.broadcast %lt3A_406 : i32 to vector<16xi32>
        %lt3A_408 = arith.cmpi slt, %xor3A_9, %lt3A_407 : vector<16xi32>
        %add3A_409 = arith.constant 16 : i32
        %add3A_410 = vector.broadcast %add3A_409 : i32 to vector<16xi32>
        %add3A_411 = arith.addi %xor3A_9, %add3A_410 : vector<16xi32>
        %select_n3A_412 = arith.select %lt3A_408, %add3A_411, %xor3A_9 : vector<16xi1>, vector<16xi32>
        %reshape3A_413 = vector.shape_cast %select_n3A_412 : vector<16xi32> to vector<16x1xi32>
        %gather3A_414 = vector.shape_cast %reshape3A_413 : vector<16x1xi32> to vector<16xi32>
        %gather3A_415 = tpu.dynamic_gather %add3A_405[%gather3A_414] in [0] : vector<16xf32>, vector<16xi32> -> vector<16xf32>
        %add3A_416 = arith.addf %add3A_405, %gather3A_415 : vector<16xf32>
        %bitcast3A_417 = vector.bitcast %add3A_416 : vector<16xf32> to vector<16xi32>
        %shift_right_arithmetic3A_418 = arith.constant 1 : i32
        %shift_right_arithmetic3A_419 = vector.broadcast %shift_right_arithmetic3A_418 : i32 to vector<16xi32>
        %shift_right_arithmetic3A_420 = arith.shrsi %bitcast3A_417, %shift_right_arithmetic3A_419 : vector<16xi32>
        %sub3A_421 = arith.constant 1597463007 : i32
        %sub3A_422 = vector.broadcast %sub3A_421 : i32 to vector<16xi32>
        %sub3A_423 = arith.subi %sub3A_422, %shift_right_arithmetic3A_420 : vector<16xi32>
        %bitcast3A_424 = vector.bitcast %sub3A_423 : vector<16xi32> to vector<16xf32>
        %mul3A_425 = arith.constant 5.000000e-01 : f32
        %mul3A_426 = vector.broadcast %mul3A_425 : f32 to vector<16xf32>
        %mul3A_427 = arith.mulf %mul3A_426, %add3A_416 : vector<16xf32>
        %mul3A_428 = arith.mulf %mul3A_427, %bitcast3A_424 : vector<16xf32>
        %mul3A_429 = arith.mulf %mul3A_428, %bitcast3A_424 : vector<16xf32>
        %sub3A_430 = arith.constant 1.500000e+00 : f32
        %sub3A_431 = vector.broadcast %sub3A_430 : f32 to vector<16xf32>
        %sub3A_432 = arith.subf %sub3A_431, %mul3A_429 : vector<16xf32>
        %mul3A_433 = arith.mulf %bitcast3A_424, %sub3A_432 : vector<16xf32>
        %mul3A_434 = arith.mulf %mul3A_427, %mul3A_433 : vector<16xf32>
        %mul3A_435 = arith.mulf %mul3A_434, %mul3A_433 : vector<16xf32>
        %sub3A_436 = arith.constant 1.500000e+00 : f32
        %sub3A_437 = vector.broadcast %sub3A_436 : f32 to vector<16xf32>
        %sub3A_438 = arith.subf %sub3A_437, %mul3A_435 : vector<16xf32>
        %mul3A_439 = arith.mulf %mul3A_433, %sub3A_438 : vector<16xf32>
        %mul3A_440 = arith.mulf %get3A_387, %mul3A_439 : vector<16xf32>
        %bitcast3A_441 = vector.bitcast %get3A_393 : vector<16xf32> to vector<16xi32>
        %lt3A_442 = arith.constant 0 : i32
        %lt3A_443 = vector.broadcast %lt3A_442 : i32 to vector<16xi32>
        %lt3A_444 = arith.cmpi slt, %and3A_21, %lt3A_443 : vector<16xi32>
        %add3A_445 = arith.constant 16 : i32
        %add3A_446 = vector.broadcast %add3A_445 : i32 to vector<16xi32>
        %add3A_447 = arith.addi %and3A_21, %add3A_446 : vector<16xi32>
        %select_n3A_448 = arith.select %lt3A_444, %add3A_447, %and3A_21 : vector<16xi1>, vector<16xi32>
        %reshape3A_449 = vector.shape_cast %select_n3A_448 : vector<16xi32> to vector<16x1xi32>
        %gather3A_450 = vector.shape_cast %reshape3A_449 : vector<16x1xi32> to vector<16xi32>
        %gather3A_451 = tpu.dynamic_gather %bitcast3A_441[%gather3A_450] in [0] : vector<16xi32>, vector<16xi32> -> vector<16xi32>
        %xor3A_452 = arith.xori %gather3A_451, %select_n3A : vector<16xi32>
        %bitcast3A_453 = vector.bitcast %xor3A_452 : vector<16xi32> to vector<16xf32>
        %lt3A_454 = arith.constant 0 : i32
        %lt3A_455 = vector.broadcast %lt3A_454 : i32 to vector<16xi32>
        %lt3A_456 = arith.cmpi slt, %or3A_23, %lt3A_455 : vector<16xi32>
        %add3A_457 = arith.constant 16 : i32
        %add3A_458 = vector.broadcast %add3A_457 : i32 to vector<16xi32>
        %add3A_459 = arith.addi %or3A_23, %add3A_458 : vector<16xi32>
        %select_n3A_460 = arith.select %lt3A_456, %add3A_459, %or3A_23 : vector<16xi1>, vector<16xi32>
        %reshape3A_461 = vector.shape_cast %select_n3A_460 : vector<16xi32> to vector<16x1xi32>
        %gather3A_462 = vector.shape_cast %reshape3A_461 : vector<16x1xi32> to vector<16xi32>
        %gather3A_463 = tpu.dynamic_gather %bitcast3A_441[%gather3A_462] in [0] : vector<16xi32>, vector<16xi32> -> vector<16xi32>
        %xor3A_464 = arith.xori %gather3A_463, %select_n3A_38 : vector<16xi32>
        %bitcast3A_465 = vector.bitcast %xor3A_464 : vector<16xi32> to vector<16xf32>
        %lt3A_466 = arith.constant 0 : i32
        %lt3A_467 = vector.broadcast %lt3A_466 : i32 to vector<16xi32>
        %lt3A_468 = arith.cmpi slt, %or3A_26, %lt3A_467 : vector<16xi32>
        %add3A_469 = arith.constant 16 : i32
        %add3A_470 = vector.broadcast %add3A_469 : i32 to vector<16xi32>
        %add3A_471 = arith.addi %or3A_26, %add3A_470 : vector<16xi32>
        %select_n3A_472 = arith.select %lt3A_468, %add3A_471, %or3A_26 : vector<16xi1>, vector<16xi32>
        %reshape3A_473 = vector.shape_cast %select_n3A_472 : vector<16xi32> to vector<16x1xi32>
        %gather3A_474 = vector.shape_cast %reshape3A_473 : vector<16x1xi32> to vector<16xi32>
        %gather3A_475 = tpu.dynamic_gather %bitcast3A_441[%gather3A_474] in [0] : vector<16xi32>, vector<16xi32> -> vector<16xi32>
        %xor3A_476 = arith.xori %gather3A_475, %select_n3A_44 : vector<16xi32>
        %bitcast3A_477 = vector.bitcast %xor3A_476 : vector<16xi32> to vector<16xf32>
        %lt3A_478 = arith.constant 0 : i32
        %lt3A_479 = vector.broadcast %lt3A_478 : i32 to vector<16xi32>
        %lt3A_480 = arith.cmpi slt, %or3A_29, %lt3A_479 : vector<16xi32>
        %add3A_481 = arith.constant 16 : i32
        %add3A_482 = vector.broadcast %add3A_481 : i32 to vector<16xi32>
        %add3A_483 = arith.addi %or3A_29, %add3A_482 : vector<16xi32>
        %select_n3A_484 = arith.select %lt3A_480, %add3A_483, %or3A_29 : vector<16xi1>, vector<16xi32>
        %reshape3A_485 = vector.shape_cast %select_n3A_484 : vector<16xi32> to vector<16x1xi32>
        %gather3A_486 = vector.shape_cast %reshape3A_485 : vector<16x1xi32> to vector<16xi32>
        %gather3A_487 = tpu.dynamic_gather %bitcast3A_441[%gather3A_486] in [0] : vector<16xi32>, vector<16xi32> -> vector<16xi32>
        %xor3A_488 = arith.xori %gather3A_487, %select_n3A_50 : vector<16xi32>
        %bitcast3A_489 = vector.bitcast %xor3A_488 : vector<16xi32> to vector<16xf32>
        %mul3A_490 = arith.mulf %get3A_390, %bitcast3A_453 : vector<16xf32>
        %lt3A_491 = arith.constant 0 : i32
        %lt3A_492 = vector.broadcast %lt3A_491 : i32 to vector<16xi32>
        %lt3A_493 = arith.cmpi slt, %xor3A_6, %lt3A_492 : vector<16xi32>
        %add3A_494 = arith.constant 16 : i32
        %add3A_495 = vector.broadcast %add3A_494 : i32 to vector<16xi32>
        %add3A_496 = arith.addi %xor3A_6, %add3A_495 : vector<16xi32>
        %select_n3A_497 = arith.select %lt3A_493, %add3A_496, %xor3A_6 : vector<16xi1>, vector<16xi32>
        %reshape3A_498 = vector.shape_cast %select_n3A_497 : vector<16xi32> to vector<16x1xi32>
        %gather3A_499 = vector.shape_cast %reshape3A_498 : vector<16x1xi32> to vector<16xi32>
        %gather3A_500 = tpu.dynamic_gather %get3A_390[%gather3A_499] in [0] : vector<16xf32>, vector<16xi32> -> vector<16xf32>
        %mul3A_501 = arith.mulf %gather3A_500, %bitcast3A_465 : vector<16xf32>
        %add3A_502 = arith.addf %mul3A_490, %mul3A_501 : vector<16xf32>
        %lt3A_503 = arith.constant 0 : i32
        %lt3A_504 = vector.broadcast %lt3A_503 : i32 to vector<16xi32>
        %lt3A_505 = arith.cmpi slt, %xor3A_9, %lt3A_504 : vector<16xi32>
        %add3A_506 = arith.constant 16 : i32
        %add3A_507 = vector.broadcast %add3A_506 : i32 to vector<16xi32>
        %add3A_508 = arith.addi %xor3A_9, %add3A_507 : vector<16xi32>
        %select_n3A_509 = arith.select %lt3A_505, %add3A_508, %xor3A_9 : vector<16xi1>, vector<16xi32>
        %reshape3A_510 = vector.shape_cast %select_n3A_509 : vector<16xi32> to vector<16x1xi32>
        %gather3A_511 = vector.shape_cast %reshape3A_510 : vector<16x1xi32> to vector<16xi32>
        %gather3A_512 = tpu.dynamic_gather %get3A_390[%gather3A_511] in [0] : vector<16xf32>, vector<16xi32> -> vector<16xf32>
        %mul3A_513 = arith.mulf %gather3A_512, %bitcast3A_477 : vector<16xf32>
        %add3A_514 = arith.addf %add3A_502, %mul3A_513 : vector<16xf32>
        %lt3A_515 = arith.constant 0 : i32
        %lt3A_516 = vector.broadcast %lt3A_515 : i32 to vector<16xi32>
        %lt3A_517 = arith.cmpi slt, %xor3A_12, %lt3A_516 : vector<16xi32>
        %add3A_518 = arith.constant 16 : i32
        %add3A_519 = vector.broadcast %add3A_518 : i32 to vector<16xi32>
        %add3A_520 = arith.addi %xor3A_12, %add3A_519 : vector<16xi32>
        %select_n3A_521 = arith.select %lt3A_517, %add3A_520, %xor3A_12 : vector<16xi1>, vector<16xi32>
        %reshape3A_522 = vector.shape_cast %select_n3A_521 : vector<16xi32> to vector<16x1xi32>
        %gather3A_523 = vector.shape_cast %reshape3A_522 : vector<16x1xi32> to vector<16xi32>
        %gather3A_524 = tpu.dynamic_gather %get3A_390[%gather3A_523] in [0] : vector<16xf32>, vector<16xi32> -> vector<16xf32>
        %mul3A_525 = arith.mulf %gather3A_524, %bitcast3A_489 : vector<16xf32>
        %add3A_526 = arith.addf %add3A_514, %mul3A_525 : vector<16xf32>
        %mul3A_527 = arith.mulf %mul3A_440, %add3A_526 : vector<16xf32>
        %add3A_528 = arith.addf %add3A_384, %mul3A_527 : vector<16xf32>
        %get3A_529 = arith.index_cast %add3A_101 : i32 to index
        %get3A_530 = arith.constant 48 : index
        %get3A_531 = tpu.vector_load %arg11[%get3A_529, %get3A_530] {strides = array<i32>} : memref<128x128xf32, #tpu.memory_space<vmem>>, vector<16xf32>,
        %get3A_532 = arith.index_cast %add3A_101 : i32 to index
        %get3A_533 = arith.constant 48 : index
        %get3A_534 = tpu.vector_load %arg12[%get3A_532, %get3A_533] {strides = array<i32>} : memref<128x128xf32, #tpu.memory_space<vmem>>, vector<16xf32>,
        %get3A_535 = arith.index_cast %add3A_101 : i32 to index
        %get3A_536 = arith.constant 48 : index
        %get3A_537 = tpu.vector_load %arg13[%get3A_535, %get3A_536] {strides = array<i32>} : memref<128x128xf32, #tpu.memory_space<vmem>>, vector<16xf32>,
        %mul3A_538 = arith.mulf %get3A_534, %get3A_534 : vector<16xf32>
        %lt3A_539 = arith.constant 0 : i32
        %lt3A_540 = vector.broadcast %lt3A_539 : i32 to vector<16xi32>
        %lt3A_541 = arith.cmpi slt, %xor3A_6, %lt3A_540 : vector<16xi32>
        %add3A_542 = arith.constant 16 : i32
        %add3A_543 = vector.broadcast %add3A_542 : i32 to vector<16xi32>
        %add3A_544 = arith.addi %xor3A_6, %add3A_543 : vector<16xi32>
        %select_n3A_545 = arith.select %lt3A_541, %add3A_544, %xor3A_6 : vector<16xi1>, vector<16xi32>
        %reshape3A_546 = vector.shape_cast %select_n3A_545 : vector<16xi32> to vector<16x1xi32>
        %gather3A_547 = vector.shape_cast %reshape3A_546 : vector<16x1xi32> to vector<16xi32>
        %gather3A_548 = tpu.dynamic_gather %mul3A_538[%gather3A_547] in [0] : vector<16xf32>, vector<16xi32> -> vector<16xf32>
        %add3A_549 = arith.addf %mul3A_538, %gather3A_548 : vector<16xf32>
        %lt3A_550 = arith.constant 0 : i32
        %lt3A_551 = vector.broadcast %lt3A_550 : i32 to vector<16xi32>
        %lt3A_552 = arith.cmpi slt, %xor3A_9, %lt3A_551 : vector<16xi32>
        %add3A_553 = arith.constant 16 : i32
        %add3A_554 = vector.broadcast %add3A_553 : i32 to vector<16xi32>
        %add3A_555 = arith.addi %xor3A_9, %add3A_554 : vector<16xi32>
        %select_n3A_556 = arith.select %lt3A_552, %add3A_555, %xor3A_9 : vector<16xi1>, vector<16xi32>
        %reshape3A_557 = vector.shape_cast %select_n3A_556 : vector<16xi32> to vector<16x1xi32>
        %gather3A_558 = vector.shape_cast %reshape3A_557 : vector<16x1xi32> to vector<16xi32>
        %gather3A_559 = tpu.dynamic_gather %add3A_549[%gather3A_558] in [0] : vector<16xf32>, vector<16xi32> -> vector<16xf32>
        %add3A_560 = arith.addf %add3A_549, %gather3A_559 : vector<16xf32>
        %bitcast3A_561 = vector.bitcast %add3A_560 : vector<16xf32> to vector<16xi32>
        %shift_right_arithmetic3A_562 = arith.constant 1 : i32
        %shift_right_arithmetic3A_563 = vector.broadcast %shift_right_arithmetic3A_562 : i32 to vector<16xi32>
        %shift_right_arithmetic3A_564 = arith.shrsi %bitcast3A_561, %shift_right_arithmetic3A_563 : vector<16xi32>
        %sub3A_565 = arith.constant 1597463007 : i32
        %sub3A_566 = vector.broadcast %sub3A_565 : i32 to vector<16xi32>
        %sub3A_567 = arith.subi %sub3A_566, %shift_right_arithmetic3A_564 : vector<16xi32>
        %bitcast3A_568 = vector.bitcast %sub3A_567 : vector<16xi32> to vector<16xf32>
        %mul3A_569 = arith.constant 5.000000e-01 : f32
        %mul3A_570 = vector.broadcast %mul3A_569 : f32 to vector<16xf32>
        %mul3A_571 = arith.mulf %mul3A_570, %add3A_560 : vector<16xf32>
        %mul3A_572 = arith.mulf %mul3A_571, %bitcast3A_568 : vector<16xf32>
        %mul3A_573 = arith.mulf %mul3A_572, %bitcast3A_568 : vector<16xf32>
        %sub3A_574 = arith.constant 1.500000e+00 : f32
        %sub3A_575 = vector.broadcast %sub3A_574 : f32 to vector<16xf32>
        %sub3A_576 = arith.subf %sub3A_575, %mul3A_573 : vector<16xf32>
        %mul3A_577 = arith.mulf %bitcast3A_568, %sub3A_576 : vector<16xf32>
        %mul3A_578 = arith.mulf %mul3A_571, %mul3A_577 : vector<16xf32>
        %mul3A_579 = arith.mulf %mul3A_578, %mul3A_577 : vector<16xf32>
        %sub3A_580 = arith.constant 1.500000e+00 : f32
        %sub3A_581 = vector.broadcast %sub3A_580 : f32 to vector<16xf32>
        %sub3A_582 = arith.subf %sub3A_581, %mul3A_579 : vector<16xf32>
        %mul3A_583 = arith.mulf %mul3A_577, %sub3A_582 : vector<16xf32>
        %mul3A_584 = arith.mulf %get3A_531, %mul3A_583 : vector<16xf32>
        %bitcast3A_585 = vector.bitcast %get3A_537 : vector<16xf32> to vector<16xi32>
        %lt3A_586 = arith.constant 0 : i32
        %lt3A_587 = vector.broadcast %lt3A_586 : i32 to vector<16xi32>
        %lt3A_588 = arith.cmpi slt, %and3A_21, %lt3A_587 : vector<16xi32>
        %add3A_589 = arith.constant 16 : i32
        %add3A_590 = vector.broadcast %add3A_589 : i32 to vector<16xi32>
        %add3A_591 = arith.addi %and3A_21, %add3A_590 : vector<16xi32>
        %select_n3A_592 = arith.select %lt3A_588, %add3A_591, %and3A_21 : vector<16xi1>, vector<16xi32>
        %reshape3A_593 = vector.shape_cast %select_n3A_592 : vector<16xi32> to vector<16x1xi32>
        %gather3A_594 = vector.shape_cast %reshape3A_593 : vector<16x1xi32> to vector<16xi32>
        %gather3A_595 = tpu.dynamic_gather %bitcast3A_585[%gather3A_594] in [0] : vector<16xi32>, vector<16xi32> -> vector<16xi32>
        %xor3A_596 = arith.xori %gather3A_595, %select_n3A : vector<16xi32>
        %bitcast3A_597 = vector.bitcast %xor3A_596 : vector<16xi32> to vector<16xf32>
        %lt3A_598 = arith.constant 0 : i32
        %lt3A_599 = vector.broadcast %lt3A_598 : i32 to vector<16xi32>
        %lt3A_600 = arith.cmpi slt, %or3A_23, %lt3A_599 : vector<16xi32>
        %add3A_601 = arith.constant 16 : i32
        %add3A_602 = vector.broadcast %add3A_601 : i32 to vector<16xi32>
        %add3A_603 = arith.addi %or3A_23, %add3A_602 : vector<16xi32>
        %select_n3A_604 = arith.select %lt3A_600, %add3A_603, %or3A_23 : vector<16xi1>, vector<16xi32>
        %reshape3A_605 = vector.shape_cast %select_n3A_604 : vector<16xi32> to vector<16x1xi32>
        %gather3A_606 = vector.shape_cast %reshape3A_605 : vector<16x1xi32> to vector<16xi32>
        %gather3A_607 = tpu.dynamic_gather %bitcast3A_585[%gather3A_606] in [0] : vector<16xi32>, vector<16xi32> -> vector<16xi32>
        %xor3A_608 = arith.xori %gather3A_607, %select_n3A_38 : vector<16xi32>
        %bitcast3A_609 = vector.bitcast %xor3A_608 : vector<16xi32> to vector<16xf32>
        %lt3A_610 = arith.constant 0 : i32
        %lt3A_611 = vector.broadcast %lt3A_610 : i32 to vector<16xi32>
        %lt3A_612 = arith.cmpi slt, %or3A_26, %lt3A_611 : vector<16xi32>
        %add3A_613 = arith.constant 16 : i32
        %add3A_614 = vector.broadcast %add3A_613 : i32 to vector<16xi32>
        %add3A_615 = arith.addi %or3A_26, %add3A_614 : vector<16xi32>
        %select_n3A_616 = arith.select %lt3A_612, %add3A_615, %or3A_26 : vector<16xi1>, vector<16xi32>
        %reshape3A_617 = vector.shape_cast %select_n3A_616 : vector<16xi32> to vector<16x1xi32>
        %gather3A_618 = vector.shape_cast %reshape3A_617 : vector<16x1xi32> to vector<16xi32>
        %gather3A_619 = tpu.dynamic_gather %bitcast3A_585[%gather3A_618] in [0] : vector<16xi32>, vector<16xi32> -> vector<16xi32>
        %xor3A_620 = arith.xori %gather3A_619, %select_n3A_44 : vector<16xi32>
        %bitcast3A_621 = vector.bitcast %xor3A_620 : vector<16xi32> to vector<16xf32>
        %lt3A_622 = arith.constant 0 : i32
        %lt3A_623 = vector.broadcast %lt3A_622 : i32 to vector<16xi32>
        %lt3A_624 = arith.cmpi slt, %or3A_29, %lt3A_623 : vector<16xi32>
        %add3A_625 = arith.constant 16 : i32
        %add3A_626 = vector.broadcast %add3A_625 : i32 to vector<16xi32>
        %add3A_627 = arith.addi %or3A_29, %add3A_626 : vector<16xi32>
        %select_n3A_628 = arith.select %lt3A_624, %add3A_627, %or3A_29 : vector<16xi1>, vector<16xi32>
        %reshape3A_629 = vector.shape_cast %select_n3A_628 : vector<16xi32> to vector<16x1xi32>
        %gather3A_630 = vector.shape_cast %reshape3A_629 : vector<16x1xi32> to vector<16xi32>
        %gather3A_631 = tpu.dynamic_gather %bitcast3A_585[%gather3A_630] in [0] : vector<16xi32>, vector<16xi32> -> vector<16xi32>
        %xor3A_632 = arith.xori %gather3A_631, %select_n3A_50 : vector<16xi32>
        %bitcast3A_633 = vector.bitcast %xor3A_632 : vector<16xi32> to vector<16xf32>
        %mul3A_634 = arith.mulf %get3A_534, %bitcast3A_597 : vector<16xf32>
        %lt3A_635 = arith.constant 0 : i32
        %lt3A_636 = vector.broadcast %lt3A_635 : i32 to vector<16xi32>
        %lt3A_637 = arith.cmpi slt, %xor3A_6, %lt3A_636 : vector<16xi32>
        %add3A_638 = arith.constant 16 : i32
        %add3A_639 = vector.broadcast %add3A_638 : i32 to vector<16xi32>
        %add3A_640 = arith.addi %xor3A_6, %add3A_639 : vector<16xi32>
        %select_n3A_641 = arith.select %lt3A_637, %add3A_640, %xor3A_6 : vector<16xi1>, vector<16xi32>
        %reshape3A_642 = vector.shape_cast %select_n3A_641 : vector<16xi32> to vector<16x1xi32>
        %gather3A_643 = vector.shape_cast %reshape3A_642 : vector<16x1xi32> to vector<16xi32>
        %gather3A_644 = tpu.dynamic_gather %get3A_534[%gather3A_643] in [0] : vector<16xf32>, vector<16xi32> -> vector<16xf32>
        %mul3A_645 = arith.mulf %gather3A_644, %bitcast3A_609 : vector<16xf32>
        %add3A_646 = arith.addf %mul3A_634, %mul3A_645 : vector<16xf32>
        %lt3A_647 = arith.constant 0 : i32
        %lt3A_648 = vector.broadcast %lt3A_647 : i32 to vector<16xi32>
        %lt3A_649 = arith.cmpi slt, %xor3A_9, %lt3A_648 : vector<16xi32>
        %add3A_650 = arith.constant 16 : i32
        %add3A_651 = vector.broadcast %add3A_650 : i32 to vector<16xi32>
        %add3A_652 = arith.addi %xor3A_9, %add3A_651 : vector<16xi32>
        %select_n3A_653 = arith.select %lt3A_649, %add3A_652, %xor3A_9 : vector<16xi1>, vector<16xi32>
        %reshape3A_654 = vector.shape_cast %select_n3A_653 : vector<16xi32> to vector<16x1xi32>
        %gather3A_655 = vector.shape_cast %reshape3A_654 : vector<16x1xi32> to vector<16xi32>
        %gather3A_656 = tpu.dynamic_gather %get3A_534[%gather3A_655] in [0] : vector<16xf32>, vector<16xi32> -> vector<16xf32>
        %mul3A_657 = arith.mulf %gather3A_656, %bitcast3A_621 : vector<16xf32>
        %add3A_658 = arith.addf %add3A_646, %mul3A_657 : vector<16xf32>
        %lt3A_659 = arith.constant 0 : i32
        %lt3A_660 = vector.broadcast %lt3A_659 : i32 to vector<16xi32>
        %lt3A_661 = arith.cmpi slt, %xor3A_12, %lt3A_660 : vector<16xi32>
        %add3A_662 = arith.constant 16 : i32
        %add3A_663 = vector.broadcast %add3A_662 : i32 to vector<16xi32>
        %add3A_664 = arith.addi %xor3A_12, %add3A_663 : vector<16xi32>
        %select_n3A_665 = arith.select %lt3A_661, %add3A_664, %xor3A_12 : vector<16xi1>, vector<16xi32>
        %reshape3A_666 = vector.shape_cast %select_n3A_665 : vector<16xi32> to vector<16x1xi32>
        %gather3A_667 = vector.shape_cast %reshape3A_666 : vector<16x1xi32> to vector<16xi32>
        %gather3A_668 = tpu.dynamic_gather %get3A_534[%gather3A_667] in [0] : vector<16xf32>, vector<16xi32> -> vector<16xf32>
        %mul3A_669 = arith.mulf %gather3A_668, %bitcast3A_633 : vector<16xf32>
        %add3A_670 = arith.addf %add3A_658, %mul3A_669 : vector<16xf32>
        %mul3A_671 = arith.mulf %mul3A_584, %add3A_670 : vector<16xf32>
        %add3A_672 = arith.addf %add3A_528, %mul3A_671 : vector<16xf32>
        %get3A_673 = arith.index_cast %add3A_101 : i32 to index
        %get3A_674 = arith.constant 64 : index
        %get3A_675 = tpu.vector_load %arg11[%get3A_673, %get3A_674] {strides = array<i32>} : memref<128x128xf32, #tpu.memory_space<vmem>>, vector<16xf32>,
        %get3A_676 = arith.index_cast %add3A_101 : i32 to index
        %get3A_677 = arith.constant 64 : index
        %get3A_678 = tpu.vector_load %arg12[%get3A_676, %get3A_677] {strides = array<i32>} : memref<128x128xf32, #tpu.memory_space<vmem>>, vector<16xf32>,
        %get3A_679 = arith.index_cast %add3A_101 : i32 to index
        %get3A_680 = arith.constant 64 : index
        %get3A_681 = tpu.vector_load %arg13[%get3A_679, %get3A_680] {strides = array<i32>} : memref<128x128xf32, #tpu.memory_space<vmem>>, vector<16xf32>,
        %mul3A_682 = arith.mulf %get3A_678, %get3A_678 : vector<16xf32>
        %lt3A_683 = arith.constant 0 : i32
        %lt3A_684 = vector.broadcast %lt3A_683 : i32 to vector<16xi32>
        %lt3A_685 = arith.cmpi slt, %xor3A_6, %lt3A_684 : vector<16xi32>
        %add3A_686 = arith.constant 16 : i32
        %add3A_687 = vector.broadcast %add3A_686 : i32 to vector<16xi32>
        %add3A_688 = arith.addi %xor3A_6, %add3A_687 : vector<16xi32>
        %select_n3A_689 = arith.select %lt3A_685, %add3A_688, %xor3A_6 : vector<16xi1>, vector<16xi32>
        %reshape3A_690 = vector.shape_cast %select_n3A_689 : vector<16xi32> to vector<16x1xi32>
        %gather3A_691 = vector.shape_cast %reshape3A_690 : vector<16x1xi32> to vector<16xi32>
        %gather3A_692 = tpu.dynamic_gather %mul3A_682[%gather3A_691] in [0] : vector<16xf32>, vector<16xi32> -> vector<16xf32>
        %add3A_693 = arith.addf %mul3A_682, %gather3A_692 : vector<16xf32>
        %lt3A_694 = arith.constant 0 : i32
        %lt3A_695 = vector.broadcast %lt3A_694 : i32 to vector<16xi32>
        %lt3A_696 = arith.cmpi slt, %xor3A_9, %lt3A_695 : vector<16xi32>
        %add3A_697 = arith.constant 16 : i32
        %add3A_698 = vector.broadcast %add3A_697 : i32 to vector<16xi32>
        %add3A_699 = arith.addi %xor3A_9, %add3A_698 : vector<16xi32>
        %select_n3A_700 = arith.select %lt3A_696, %add3A_699, %xor3A_9 : vector<16xi1>, vector<16xi32>
        %reshape3A_701 = vector.shape_cast %select_n3A_700 : vector<16xi32> to vector<16x1xi32>
        %gather3A_702 = vector.shape_cast %reshape3A_701 : vector<16x1xi32> to vector<16xi32>
        %gather3A_703 = tpu.dynamic_gather %add3A_693[%gather3A_702] in [0] : vector<16xf32>, vector<16xi32> -> vector<16xf32>
        %add3A_704 = arith.addf %add3A_693, %gather3A_703 : vector<16xf32>
        %bitcast3A_705 = vector.bitcast %add3A_704 : vector<16xf32> to vector<16xi32>
        %shift_right_arithmetic3A_706 = arith.constant 1 : i32
        %shift_right_arithmetic3A_707 = vector.broadcast %shift_right_arithmetic3A_706 : i32 to vector<16xi32>
        %shift_right_arithmetic3A_708 = arith.shrsi %bitcast3A_705, %shift_right_arithmetic3A_707 : vector<16xi32>
        %sub3A_709 = arith.constant 1597463007 : i32
        %sub3A_710 = vector.broadcast %sub3A_709 : i32 to vector<16xi32>
        %sub3A_711 = arith.subi %sub3A_710, %shift_right_arithmetic3A_708 : vector<16xi32>
        %bitcast3A_712 = vector.bitcast %sub3A_711 : vector<16xi32> to vector<16xf32>
        %mul3A_713 = arith.constant 5.000000e-01 : f32
        %mul3A_714 = vector.broadcast %mul3A_713 : f32 to vector<16xf32>
        %mul3A_715 = arith.mulf %mul3A_714, %add3A_704 : vector<16xf32>
        %mul3A_716 = arith.mulf %mul3A_715, %bitcast3A_712 : vector<16xf32>
        %mul3A_717 = arith.mulf %mul3A_716, %bitcast3A_712 : vector<16xf32>
        %sub3A_718 = arith.constant 1.500000e+00 : f32
        %sub3A_719 = vector.broadcast %sub3A_718 : f32 to vector<16xf32>
        %sub3A_720 = arith.subf %sub3A_719, %mul3A_717 : vector<16xf32>
        %mul3A_721 = arith.mulf %bitcast3A_712, %sub3A_720 : vector<16xf32>
        %mul3A_722 = arith.mulf %mul3A_715, %mul3A_721 : vector<16xf32>
        %mul3A_723 = arith.mulf %mul3A_722, %mul3A_721 : vector<16xf32>
        %sub3A_724 = arith.constant 1.500000e+00 : f32
        %sub3A_725 = vector.broadcast %sub3A_724 : f32 to vector<16xf32>
        %sub3A_726 = arith.subf %sub3A_725, %mul3A_723 : vector<16xf32>
        %mul3A_727 = arith.mulf %mul3A_721, %sub3A_726 : vector<16xf32>
        %mul3A_728 = arith.mulf %get3A_675, %mul3A_727 : vector<16xf32>
        %bitcast3A_729 = vector.bitcast %get3A_681 : vector<16xf32> to vector<16xi32>
        %lt3A_730 = arith.constant 0 : i32
        %lt3A_731 = vector.broadcast %lt3A_730 : i32 to vector<16xi32>
        %lt3A_732 = arith.cmpi slt, %and3A_21, %lt3A_731 : vector<16xi32>
        %add3A_733 = arith.constant 16 : i32
        %add3A_734 = vector.broadcast %add3A_733 : i32 to vector<16xi32>
        %add3A_735 = arith.addi %and3A_21, %add3A_734 : vector<16xi32>
        %select_n3A_736 = arith.select %lt3A_732, %add3A_735, %and3A_21 : vector<16xi1>, vector<16xi32>
        %reshape3A_737 = vector.shape_cast %select_n3A_736 : vector<16xi32> to vector<16x1xi32>
        %gather3A_738 = vector.shape_cast %reshape3A_737 : vector<16x1xi32> to vector<16xi32>
        %gather3A_739 = tpu.dynamic_gather %bitcast3A_729[%gather3A_738] in [0] : vector<16xi32>, vector<16xi32> -> vector<16xi32>
        %xor3A_740 = arith.xori %gather3A_739, %select_n3A : vector<16xi32>
        %bitcast3A_741 = vector.bitcast %xor3A_740 : vector<16xi32> to vector<16xf32>
        %lt3A_742 = arith.constant 0 : i32
        %lt3A_743 = vector.broadcast %lt3A_742 : i32 to vector<16xi32>
        %lt3A_744 = arith.cmpi slt, %or3A_23, %lt3A_743 : vector<16xi32>
        %add3A_745 = arith.constant 16 : i32
        %add3A_746 = vector.broadcast %add3A_745 : i32 to vector<16xi32>
        %add3A_747 = arith.addi %or3A_23, %add3A_746 : vector<16xi32>
        %select_n3A_748 = arith.select %lt3A_744, %add3A_747, %or3A_23 : vector<16xi1>, vector<16xi32>
        %reshape3A_749 = vector.shape_cast %select_n3A_748 : vector<16xi32> to vector<16x1xi32>
        %gather3A_750 = vector.shape_cast %reshape3A_749 : vector<16x1xi32> to vector<16xi32>
        %gather3A_751 = tpu.dynamic_gather %bitcast3A_729[%gather3A_750] in [0] : vector<16xi32>, vector<16xi32> -> vector<16xi32>
        %xor3A_752 = arith.xori %gather3A_751, %select_n3A_38 : vector<16xi32>
        %bitcast3A_753 = vector.bitcast %xor3A_752 : vector<16xi32> to vector<16xf32>
        %lt3A_754 = arith.constant 0 : i32
        %lt3A_755 = vector.broadcast %lt3A_754 : i32 to vector<16xi32>
        %lt3A_756 = arith.cmpi slt, %or3A_26, %lt3A_755 : vector<16xi32>
        %add3A_757 = arith.constant 16 : i32
        %add3A_758 = vector.broadcast %add3A_757 : i32 to vector<16xi32>
        %add3A_759 = arith.addi %or3A_26, %add3A_758 : vector<16xi32>
        %select_n3A_760 = arith.select %lt3A_756, %add3A_759, %or3A_26 : vector<16xi1>, vector<16xi32>
        %reshape3A_761 = vector.shape_cast %select_n3A_760 : vector<16xi32> to vector<16x1xi32>
        %gather3A_762 = vector.shape_cast %reshape3A_761 : vector<16x1xi32> to vector<16xi32>
        %gather3A_763 = tpu.dynamic_gather %bitcast3A_729[%gather3A_762] in [0] : vector<16xi32>, vector<16xi32> -> vector<16xi32>
        %xor3A_764 = arith.xori %gather3A_763, %select_n3A_44 : vector<16xi32>
        %bitcast3A_765 = vector.bitcast %xor3A_764 : vector<16xi32> to vector<16xf32>
        %lt3A_766 = arith.constant 0 : i32
        %lt3A_767 = vector.broadcast %lt3A_766 : i32 to vector<16xi32>
        %lt3A_768 = arith.cmpi slt, %or3A_29, %lt3A_767 : vector<16xi32>
        %add3A_769 = arith.constant 16 : i32
        %add3A_770 = vector.broadcast %add3A_769 : i32 to vector<16xi32>
        %add3A_771 = arith.addi %or3A_29, %add3A_770 : vector<16xi32>
        %select_n3A_772 = arith.select %lt3A_768, %add3A_771, %or3A_29 : vector<16xi1>, vector<16xi32>
        %reshape3A_773 = vector.shape_cast %select_n3A_772 : vector<16xi32> to vector<16x1xi32>
        %gather3A_774 = vector.shape_cast %reshape3A_773 : vector<16x1xi32> to vector<16xi32>
        %gather3A_775 = tpu.dynamic_gather %bitcast3A_729[%gather3A_774] in [0] : vector<16xi32>, vector<16xi32> -> vector<16xi32>
        %xor3A_776 = arith.xori %gather3A_775, %select_n3A_50 : vector<16xi32>
        %bitcast3A_777 = vector.bitcast %xor3A_776 : vector<16xi32> to vector<16xf32>
        %mul3A_778 = arith.mulf %get3A_678, %bitcast3A_741 : vector<16xf32>
        %lt3A_779 = arith.constant 0 : i32
        %lt3A_780 = vector.broadcast %lt3A_779 : i32 to vector<16xi32>
        %lt3A_781 = arith.cmpi slt, %xor3A_6, %lt3A_780 : vector<16xi32>
        %add3A_782 = arith.constant 16 : i32
        %add3A_783 = vector.broadcast %add3A_782 : i32 to vector<16xi32>
        %add3A_784 = arith.addi %xor3A_6, %add3A_783 : vector<16xi32>
        %select_n3A_785 = arith.select %lt3A_781, %add3A_784, %xor3A_6 : vector<16xi1>, vector<16xi32>
        %reshape3A_786 = vector.shape_cast %select_n3A_785 : vector<16xi32> to vector<16x1xi32>
        %gather3A_787 = vector.shape_cast %reshape3A_786 : vector<16x1xi32> to vector<16xi32>
        %gather3A_788 = tpu.dynamic_gather %get3A_678[%gather3A_787] in [0] : vector<16xf32>, vector<16xi32> -> vector<16xf32>
        %mul3A_789 = arith.mulf %gather3A_788, %bitcast3A_753 : vector<16xf32>
        %add3A_790 = arith.addf %mul3A_778, %mul3A_789 : vector<16xf32>
        %lt3A_791 = arith.constant 0 : i32
        %lt3A_792 = vector.broadcast %lt3A_791 : i32 to vector<16xi32>
        %lt3A_793 = arith.cmpi slt, %xor3A_9, %lt3A_792 : vector<16xi32>
        %add3A_794 = arith.constant 16 : i32
        %add3A_795 = vector.broadcast %add3A_794 : i32 to vector<16xi32>
        %add3A_796 = arith.addi %xor3A_9, %add3A_795 : vector<16xi32>
        %select_n3A_797 = arith.select %lt3A_793, %add3A_796, %xor3A_9 : vector<16xi1>, vector<16xi32>
        %reshape3A_798 = vector.shape_cast %select_n3A_797 : vector<16xi32> to vector<16x1xi32>
        %gather3A_799 = vector.shape_cast %reshape3A_798 : vector<16x1xi32> to vector<16xi32>
        %gather3A_800 = tpu.dynamic_gather %get3A_678[%gather3A_799] in [0] : vector<16xf32>, vector<16xi32> -> vector<16xf32>
        %mul3A_801 = arith.mulf %gather3A_800, %bitcast3A_765 : vector<16xf32>
        %add3A_802 = arith.addf %add3A_790, %mul3A_801 : vector<16xf32>
        %lt3A_803 = arith.constant 0 : i32
        %lt3A_804 = vector.broadcast %lt3A_803 : i32 to vector<16xi32>
        %lt3A_805 = arith.cmpi slt, %xor3A_12, %lt3A_804 : vector<16xi32>
        %add3A_806 = arith.constant 16 : i32
        %add3A_807 = vector.broadcast %add3A_806 : i32 to vector<16xi32>
        %add3A_808 = arith.addi %xor3A_12, %add3A_807 : vector<16xi32>
        %select_n3A_809 = arith.select %lt3A_805, %add3A_808, %xor3A_12 : vector<16xi1>, vector<16xi32>
        %reshape3A_810 = vector.shape_cast %select_n3A_809 : vector<16xi32> to vector<16x1xi32>
        %gather3A_811 = vector.shape_cast %reshape3A_810 : vector<16x1xi32> to vector<16xi32>
        %gather3A_812 = tpu.dynamic_gather %get3A_678[%gather3A_811] in [0] : vector<16xf32>, vector<16xi32> -> vector<16xf32>
        %mul3A_813 = arith.mulf %gather3A_812, %bitcast3A_777 : vector<16xf32>
        %add3A_814 = arith.addf %add3A_802, %mul3A_813 : vector<16xf32>
        %mul3A_815 = arith.mulf %mul3A_728, %add3A_814 : vector<16xf32>
        %add3A_816 = arith.addf %add3A_672, %mul3A_815 : vector<16xf32>
        %get3A_817 = arith.index_cast %add3A_101 : i32 to index
        %get3A_818 = arith.constant 80 : index
        %get3A_819 = tpu.vector_load %arg11[%get3A_817, %get3A_818] {strides = array<i32>} : memref<128x128xf32, #tpu.memory_space<vmem>>, vector<16xf32>,
        %get3A_820 = arith.index_cast %add3A_101 : i32 to index
        %get3A_821 = arith.constant 80 : index
        %get3A_822 = tpu.vector_load %arg12[%get3A_820, %get3A_821] {strides = array<i32>} : memref<128x128xf32, #tpu.memory_space<vmem>>, vector<16xf32>,
        %get3A_823 = arith.index_cast %add3A_101 : i32 to index
        %get3A_824 = arith.constant 80 : index
        %get3A_825 = tpu.vector_load %arg13[%get3A_823, %get3A_824] {strides = array<i32>} : memref<128x128xf32, #tpu.memory_space<vmem>>, vector<16xf32>,
        %mul3A_826 = arith.mulf %get3A_822, %get3A_822 : vector<16xf32>
        %lt3A_827 = arith.constant 0 : i32
        %lt3A_828 = vector.broadcast %lt3A_827 : i32 to vector<16xi32>
        %lt3A_829 = arith.cmpi slt, %xor3A_6, %lt3A_828 : vector<16xi32>
        %add3A_830 = arith.constant 16 : i32
        %add3A_831 = vector.broadcast %add3A_830 : i32 to vector<16xi32>
        %add3A_832 = arith.addi %xor3A_6, %add3A_831 : vector<16xi32>
        %select_n3A_833 = arith.select %lt3A_829, %add3A_832, %xor3A_6 : vector<16xi1>, vector<16xi32>
        %reshape3A_834 = vector.shape_cast %select_n3A_833 : vector<16xi32> to vector<16x1xi32>
        %gather3A_835 = vector.shape_cast %reshape3A_834 : vector<16x1xi32> to vector<16xi32>
        %gather3A_836 = tpu.dynamic_gather %mul3A_826[%gather3A_835] in [0] : vector<16xf32>, vector<16xi32> -> vector<16xf32>
        %add3A_837 = arith.addf %mul3A_826, %gather3A_836 : vector<16xf32>
        %lt3A_838 = arith.constant 0 : i32
        %lt3A_839 = vector.broadcast %lt3A_838 : i32 to vector<16xi32>
        %lt3A_840 = arith.cmpi slt, %xor3A_9, %lt3A_839 : vector<16xi32>
        %add3A_841 = arith.constant 16 : i32
        %add3A_842 = vector.broadcast %add3A_841 : i32 to vector<16xi32>
        %add3A_843 = arith.addi %xor3A_9, %add3A_842 : vector<16xi32>
        %select_n3A_844 = arith.select %lt3A_840, %add3A_843, %xor3A_9 : vector<16xi1>, vector<16xi32>
        %reshape3A_845 = vector.shape_cast %select_n3A_844 : vector<16xi32> to vector<16x1xi32>
        %gather3A_846 = vector.shape_cast %reshape3A_845 : vector<16x1xi32> to vector<16xi32>
        %gather3A_847 = tpu.dynamic_gather %add3A_837[%gather3A_846] in [0] : vector<16xf32>, vector<16xi32> -> vector<16xf32>
        %add3A_848 = arith.addf %add3A_837, %gather3A_847 : vector<16xf32>
        %bitcast3A_849 = vector.bitcast %add3A_848 : vector<16xf32> to vector<16xi32>
        %shift_right_arithmetic3A_850 = arith.constant 1 : i32
        %shift_right_arithmetic3A_851 = vector.broadcast %shift_right_arithmetic3A_850 : i32 to vector<16xi32>
        %shift_right_arithmetic3A_852 = arith.shrsi %bitcast3A_849, %shift_right_arithmetic3A_851 : vector<16xi32>
        %sub3A_853 = arith.constant 1597463007 : i32
        %sub3A_854 = vector.broadcast %sub3A_853 : i32 to vector<16xi32>
        %sub3A_855 = arith.subi %sub3A_854, %shift_right_arithmetic3A_852 : vector<16xi32>
        %bitcast3A_856 = vector.bitcast %sub3A_855 : vector<16xi32> to vector<16xf32>
        %mul3A_857 = arith.constant 5.000000e-01 : f32
        %mul3A_858 = vector.broadcast %mul3A_857 : f32 to vector<16xf32>
        %mul3A_859 = arith.mulf %mul3A_858, %add3A_848 : vector<16xf32>
        %mul3A_860 = arith.mulf %mul3A_859, %bitcast3A_856 : vector<16xf32>
        %mul3A_861 = arith.mulf %mul3A_860, %bitcast3A_856 : vector<16xf32>
        %sub3A_862 = arith.constant 1.500000e+00 : f32
        %sub3A_863 = vector.broadcast %sub3A_862 : f32 to vector<16xf32>
        %sub3A_864 = arith.subf %sub3A_863, %mul3A_861 : vector<16xf32>
        %mul3A_865 = arith.mulf %bitcast3A_856, %sub3A_864 : vector<16xf32>
        %mul3A_866 = arith.mulf %mul3A_859, %mul3A_865 : vector<16xf32>
        %mul3A_867 = arith.mulf %mul3A_866, %mul3A_865 : vector<16xf32>
        %sub3A_868 = arith.constant 1.500000e+00 : f32
        %sub3A_869 = vector.broadcast %sub3A_868 : f32 to vector<16xf32>
        %sub3A_870 = arith.subf %sub3A_869, %mul3A_867 : vector<16xf32>
        %mul3A_871 = arith.mulf %mul3A_865, %sub3A_870 : vector<16xf32>
        %mul3A_872 = arith.mulf %get3A_819, %mul3A_871 : vector<16xf32>
        %bitcast3A_873 = vector.bitcast %get3A_825 : vector<16xf32> to vector<16xi32>
        %lt3A_874 = arith.constant 0 : i32
        %lt3A_875 = vector.broadcast %lt3A_874 : i32 to vector<16xi32>
        %lt3A_876 = arith.cmpi slt, %and3A_21, %lt3A_875 : vector<16xi32>
        %add3A_877 = arith.constant 16 : i32
        %add3A_878 = vector.broadcast %add3A_877 : i32 to vector<16xi32>
        %add3A_879 = arith.addi %and3A_21, %add3A_878 : vector<16xi32>
        %select_n3A_880 = arith.select %lt3A_876, %add3A_879, %and3A_21 : vector<16xi1>, vector<16xi32>
        %reshape3A_881 = vector.shape_cast %select_n3A_880 : vector<16xi32> to vector<16x1xi32>
        %gather3A_882 = vector.shape_cast %reshape3A_881 : vector<16x1xi32> to vector<16xi32>
        %gather3A_883 = tpu.dynamic_gather %bitcast3A_873[%gather3A_882] in [0] : vector<16xi32>, vector<16xi32> -> vector<16xi32>
        %xor3A_884 = arith.xori %gather3A_883, %select_n3A : vector<16xi32>
        %bitcast3A_885 = vector.bitcast %xor3A_884 : vector<16xi32> to vector<16xf32>
        %lt3A_886 = arith.constant 0 : i32
        %lt3A_887 = vector.broadcast %lt3A_886 : i32 to vector<16xi32>
        %lt3A_888 = arith.cmpi slt, %or3A_23, %lt3A_887 : vector<16xi32>
        %add3A_889 = arith.constant 16 : i32
        %add3A_890 = vector.broadcast %add3A_889 : i32 to vector<16xi32>
        %add3A_891 = arith.addi %or3A_23, %add3A_890 : vector<16xi32>
        %select_n3A_892 = arith.select %lt3A_888, %add3A_891, %or3A_23 : vector<16xi1>, vector<16xi32>
        %reshape3A_893 = vector.shape_cast %select_n3A_892 : vector<16xi32> to vector<16x1xi32>
        %gather3A_894 = vector.shape_cast %reshape3A_893 : vector<16x1xi32> to vector<16xi32>
        %gather3A_895 = tpu.dynamic_gather %bitcast3A_873[%gather3A_894] in [0] : vector<16xi32>, vector<16xi32> -> vector<16xi32>
        %xor3A_896 = arith.xori %gather3A_895, %select_n3A_38 : vector<16xi32>
        %bitcast3A_897 = vector.bitcast %xor3A_896 : vector<16xi32> to vector<16xf32>
        %lt3A_898 = arith.constant 0 : i32
        %lt3A_899 = vector.broadcast %lt3A_898 : i32 to vector<16xi32>
        %lt3A_900 = arith.cmpi slt, %or3A_26, %lt3A_899 : vector<16xi32>
        %add3A_901 = arith.constant 16 : i32
        %add3A_902 = vector.broadcast %add3A_901 : i32 to vector<16xi32>
        %add3A_903 = arith.addi %or3A_26, %add3A_902 : vector<16xi32>
        %select_n3A_904 = arith.select %lt3A_900, %add3A_903, %or3A_26 : vector<16xi1>, vector<16xi32>
        %reshape3A_905 = vector.shape_cast %select_n3A_904 : vector<16xi32> to vector<16x1xi32>
        %gather3A_906 = vector.shape_cast %reshape3A_905 : vector<16x1xi32> to vector<16xi32>
        %gather3A_907 = tpu.dynamic_gather %bitcast3A_873[%gather3A_906] in [0] : vector<16xi32>, vector<16xi32> -> vector<16xi32>
        %xor3A_908 = arith.xori %gather3A_907, %select_n3A_44 : vector<16xi32>
        %bitcast3A_909 = vector.bitcast %xor3A_908 : vector<16xi32> to vector<16xf32>
        %lt3A_910 = arith.constant 0 : i32
        %lt3A_911 = vector.broadcast %lt3A_910 : i32 to vector<16xi32>
        %lt3A_912 = arith.cmpi slt, %or3A_29, %lt3A_911 : vector<16xi32>
        %add3A_913 = arith.constant 16 : i32
        %add3A_914 = vector.broadcast %add3A_913 : i32 to vector<16xi32>
        %add3A_915 = arith.addi %or3A_29, %add3A_914 : vector<16xi32>
        %select_n3A_916 = arith.select %lt3A_912, %add3A_915, %or3A_29 : vector<16xi1>, vector<16xi32>
        %reshape3A_917 = vector.shape_cast %select_n3A_916 : vector<16xi32> to vector<16x1xi32>
        %gather3A_918 = vector.shape_cast %reshape3A_917 : vector<16x1xi32> to vector<16xi32>
        %gather3A_919 = tpu.dynamic_gather %bitcast3A_873[%gather3A_918] in [0] : vector<16xi32>, vector<16xi32> -> vector<16xi32>
        %xor3A_920 = arith.xori %gather3A_919, %select_n3A_50 : vector<16xi32>
        %bitcast3A_921 = vector.bitcast %xor3A_920 : vector<16xi32> to vector<16xf32>
        %mul3A_922 = arith.mulf %get3A_822, %bitcast3A_885 : vector<16xf32>
        %lt3A_923 = arith.constant 0 : i32
        %lt3A_924 = vector.broadcast %lt3A_923 : i32 to vector<16xi32>
        %lt3A_925 = arith.cmpi slt, %xor3A_6, %lt3A_924 : vector<16xi32>
        %add3A_926 = arith.constant 16 : i32
        %add3A_927 = vector.broadcast %add3A_926 : i32 to vector<16xi32>
        %add3A_928 = arith.addi %xor3A_6, %add3A_927 : vector<16xi32>
        %select_n3A_929 = arith.select %lt3A_925, %add3A_928, %xor3A_6 : vector<16xi1>, vector<16xi32>
        %reshape3A_930 = vector.shape_cast %select_n3A_929 : vector<16xi32> to vector<16x1xi32>
        %gather3A_931 = vector.shape_cast %reshape3A_930 : vector<16x1xi32> to vector<16xi32>
        %gather3A_932 = tpu.dynamic_gather %get3A_822[%gather3A_931] in [0] : vector<16xf32>, vector<16xi32> -> vector<16xf32>
        %mul3A_933 = arith.mulf %gather3A_932, %bitcast3A_897 : vector<16xf32>
        %add3A_934 = arith.addf %mul3A_922, %mul3A_933 : vector<16xf32>
        %lt3A_935 = arith.constant 0 : i32
        %lt3A_936 = vector.broadcast %lt3A_935 : i32 to vector<16xi32>
        %lt3A_937 = arith.cmpi slt, %xor3A_9, %lt3A_936 : vector<16xi32>
        %add3A_938 = arith.constant 16 : i32
        %add3A_939 = vector.broadcast %add3A_938 : i32 to vector<16xi32>
        %add3A_940 = arith.addi %xor3A_9, %add3A_939 : vector<16xi32>
        %select_n3A_941 = arith.select %lt3A_937, %add3A_940, %xor3A_9 : vector<16xi1>, vector<16xi32>
        %reshape3A_942 = vector.shape_cast %select_n3A_941 : vector<16xi32> to vector<16x1xi32>
        %gather3A_943 = vector.shape_cast %reshape3A_942 : vector<16x1xi32> to vector<16xi32>
        %gather3A_944 = tpu.dynamic_gather %get3A_822[%gather3A_943] in [0] : vector<16xf32>, vector<16xi32> -> vector<16xf32>
        %mul3A_945 = arith.mulf %gather3A_944, %bitcast3A_909 : vector<16xf32>
        %add3A_946 = arith.addf %add3A_934, %mul3A_945 : vector<16xf32>
        %lt3A_947 = arith.constant 0 : i32
        %lt3A_948 = vector.broadcast %lt3A_947 : i32 to vector<16xi32>
        %lt3A_949 = arith.cmpi slt, %xor3A_12, %lt3A_948 : vector<16xi32>
        %add3A_950 = arith.constant 16 : i32
        %add3A_951 = vector.broadcast %add3A_950 : i32 to vector<16xi32>
        %add3A_952 = arith.addi %xor3A_12, %add3A_951 : vector<16xi32>
        %select_n3A_953 = arith.select %lt3A_949, %add3A_952, %xor3A_12 : vector<16xi1>, vector<16xi32>
        %reshape3A_954 = vector.shape_cast %select_n3A_953 : vector<16xi32> to vector<16x1xi32>
        %gather3A_955 = vector.shape_cast %reshape3A_954 : vector<16x1xi32> to vector<16xi32>
        %gather3A_956 = tpu.dynamic_gather %get3A_822[%gather3A_955] in [0] : vector<16xf32>, vector<16xi32> -> vector<16xf32>
        %mul3A_957 = arith.mulf %gather3A_956, %bitcast3A_921 : vector<16xf32>
        %add3A_958 = arith.addf %add3A_946, %mul3A_957 : vector<16xf32>
        %mul3A_959 = arith.mulf %mul3A_872, %add3A_958 : vector<16xf32>
        %add3A_960 = arith.addf %add3A_816, %mul3A_959 : vector<16xf32>
        %get3A_961 = arith.index_cast %add3A_101 : i32 to index
        %get3A_962 = arith.constant 96 : index
        %get3A_963 = tpu.vector_load %arg11[%get3A_961, %get3A_962] {strides = array<i32>} : memref<128x128xf32, #tpu.memory_space<vmem>>, vector<16xf32>,
        %get3A_964 = arith.index_cast %add3A_101 : i32 to index
        %get3A_965 = arith.constant 96 : index
        %get3A_966 = tpu.vector_load %arg12[%get3A_964, %get3A_965] {strides = array<i32>} : memref<128x128xf32, #tpu.memory_space<vmem>>, vector<16xf32>,
        %get3A_967 = arith.index_cast %add3A_101 : i32 to index
        %get3A_968 = arith.constant 96 : index
        %get3A_969 = tpu.vector_load %arg13[%get3A_967, %get3A_968] {strides = array<i32>} : memref<128x128xf32, #tpu.memory_space<vmem>>, vector<16xf32>,
        %mul3A_970 = arith.mulf %get3A_966, %get3A_966 : vector<16xf32>
        %lt3A_971 = arith.constant 0 : i32
        %lt3A_972 = vector.broadcast %lt3A_971 : i32 to vector<16xi32>
        %lt3A_973 = arith.cmpi slt, %xor3A_6, %lt3A_972 : vector<16xi32>
        %add3A_974 = arith.constant 16 : i32
        %add3A_975 = vector.broadcast %add3A_974 : i32 to vector<16xi32>
        %add3A_976 = arith.addi %xor3A_6, %add3A_975 : vector<16xi32>
        %select_n3A_977 = arith.select %lt3A_973, %add3A_976, %xor3A_6 : vector<16xi1>, vector<16xi32>
        %reshape3A_978 = vector.shape_cast %select_n3A_977 : vector<16xi32> to vector<16x1xi32>
        %gather3A_979 = vector.shape_cast %reshape3A_978 : vector<16x1xi32> to vector<16xi32>
        %gather3A_980 = tpu.dynamic_gather %mul3A_970[%gather3A_979] in [0] : vector<16xf32>, vector<16xi32> -> vector<16xf32>
        %add3A_981 = arith.addf %mul3A_970, %gather3A_980 : vector<16xf32>
        %lt3A_982 = arith.constant 0 : i32
        %lt3A_983 = vector.broadcast %lt3A_982 : i32 to vector<16xi32>
        %lt3A_984 = arith.cmpi slt, %xor3A_9, %lt3A_983 : vector<16xi32>
        %add3A_985 = arith.constant 16 : i32
        %add3A_986 = vector.broadcast %add3A_985 : i32 to vector<16xi32>
        %add3A_987 = arith.addi %xor3A_9, %add3A_986 : vector<16xi32>
        %select_n3A_988 = arith.select %lt3A_984, %add3A_987, %xor3A_9 : vector<16xi1>, vector<16xi32>
        %reshape3A_989 = vector.shape_cast %select_n3A_988 : vector<16xi32> to vector<16x1xi32>
        %gather3A_990 = vector.shape_cast %reshape3A_989 : vector<16x1xi32> to vector<16xi32>
        %gather3A_991 = tpu.dynamic_gather %add3A_981[%gather3A_990] in [0] : vector<16xf32>, vector<16xi32> -> vector<16xf32>
        %add3A_992 = arith.addf %add3A_981, %gather3A_991 : vector<16xf32>
        %bitcast3A_993 = vector.bitcast %add3A_992 : vector<16xf32> to vector<16xi32>
        %shift_right_arithmetic3A_994 = arith.constant 1 : i32
        %shift_right_arithmetic3A_995 = vector.broadcast %shift_right_arithmetic3A_994 : i32 to vector<16xi32>
        %shift_right_arithmetic3A_996 = arith.shrsi %bitcast3A_993, %shift_right_arithmetic3A_995 : vector<16xi32>
        %sub3A_997 = arith.constant 1597463007 : i32
        %sub3A_998 = vector.broadcast %sub3A_997 : i32 to vector<16xi32>
        %sub3A_999 = arith.subi %sub3A_998, %shift_right_arithmetic3A_996 : vector<16xi32>
        %bitcast3A_1000 = vector.bitcast %sub3A_999 : vector<16xi32> to vector<16xf32>
        %mul3A_1001 = arith.constant 5.000000e-01 : f32
        %mul3A_1002 = vector.broadcast %mul3A_1001 : f32 to vector<16xf32>
        %mul3A_1003 = arith.mulf %mul3A_1002, %add3A_992 : vector<16xf32>
        %mul3A_1004 = arith.mulf %mul3A_1003, %bitcast3A_1000 : vector<16xf32>
        %mul3A_1005 = arith.mulf %mul3A_1004, %bitcast3A_1000 : vector<16xf32>
        %sub3A_1006 = arith.constant 1.500000e+00 : f32
        %sub3A_1007 = vector.broadcast %sub3A_1006 : f32 to vector<16xf32>
        %sub3A_1008 = arith.subf %sub3A_1007, %mul3A_1005 : vector<16xf32>
        %mul3A_1009 = arith.mulf %bitcast3A_1000, %sub3A_1008 : vector<16xf32>
        %mul3A_1010 = arith.mulf %mul3A_1003, %mul3A_1009 : vector<16xf32>
        %mul3A_1011 = arith.mulf %mul3A_1010, %mul3A_1009 : vector<16xf32>
        %sub3A_1012 = arith.constant 1.500000e+00 : f32
        %sub3A_1013 = vector.broadcast %sub3A_1012 : f32 to vector<16xf32>
        %sub3A_1014 = arith.subf %sub3A_1013, %mul3A_1011 : vector<16xf32>
        %mul3A_1015 = arith.mulf %mul3A_1009, %sub3A_1014 : vector<16xf32>
        %mul3A_1016 = arith.mulf %get3A_963, %mul3A_1015 : vector<16xf32>
        %bitcast3A_1017 = vector.bitcast %get3A_969 : vector<16xf32> to vector<16xi32>
        %lt3A_1018 = arith.constant 0 : i32
        %lt3A_1019 = vector.broadcast %lt3A_1018 : i32 to vector<16xi32>
        %lt3A_1020 = arith.cmpi slt, %and3A_21, %lt3A_1019 : vector<16xi32>
        %add3A_1021 = arith.constant 16 : i32
        %add3A_1022 = vector.broadcast %add3A_1021 : i32 to vector<16xi32>
        %add3A_1023 = arith.addi %and3A_21, %add3A_1022 : vector<16xi32>
        %select_n3A_1024 = arith.select %lt3A_1020, %add3A_1023, %and3A_21 : vector<16xi1>, vector<16xi32>
        %reshape3A_1025 = vector.shape_cast %select_n3A_1024 : vector<16xi32> to vector<16x1xi32>
        %gather3A_1026 = vector.shape_cast %reshape3A_1025 : vector<16x1xi32> to vector<16xi32>
        %gather3A_1027 = tpu.dynamic_gather %bitcast3A_1017[%gather3A_1026] in [0] : vector<16xi32>, vector<16xi32> -> vector<16xi32>
        %xor3A_1028 = arith.xori %gather3A_1027, %select_n3A : vector<16xi32>
        %bitcast3A_1029 = vector.bitcast %xor3A_1028 : vector<16xi32> to vector<16xf32>
        %lt3A_1030 = arith.constant 0 : i32
        %lt3A_1031 = vector.broadcast %lt3A_1030 : i32 to vector<16xi32>
        %lt3A_1032 = arith.cmpi slt, %or3A_23, %lt3A_1031 : vector<16xi32>
        %add3A_1033 = arith.constant 16 : i32
        %add3A_1034 = vector.broadcast %add3A_1033 : i32 to vector<16xi32>
        %add3A_1035 = arith.addi %or3A_23, %add3A_1034 : vector<16xi32>
        %select_n3A_1036 = arith.select %lt3A_1032, %add3A_1035, %or3A_23 : vector<16xi1>, vector<16xi32>
        %reshape3A_1037 = vector.shape_cast %select_n3A_1036 : vector<16xi32> to vector<16x1xi32>
        %gather3A_1038 = vector.shape_cast %reshape3A_1037 : vector<16x1xi32> to vector<16xi32>
        %gather3A_1039 = tpu.dynamic_gather %bitcast3A_1017[%gather3A_1038] in [0] : vector<16xi32>, vector<16xi32> -> vector<16xi32>
        %xor3A_1040 = arith.xori %gather3A_1039, %select_n3A_38 : vector<16xi32>
        %bitcast3A_1041 = vector.bitcast %xor3A_1040 : vector<16xi32> to vector<16xf32>
        %lt3A_1042 = arith.constant 0 : i32
        %lt3A_1043 = vector.broadcast %lt3A_1042 : i32 to vector<16xi32>
        %lt3A_1044 = arith.cmpi slt, %or3A_26, %lt3A_1043 : vector<16xi32>
        %add3A_1045 = arith.constant 16 : i32
        %add3A_1046 = vector.broadcast %add3A_1045 : i32 to vector<16xi32>
        %add3A_1047 = arith.addi %or3A_26, %add3A_1046 : vector<16xi32>
        %select_n3A_1048 = arith.select %lt3A_1044, %add3A_1047, %or3A_26 : vector<16xi1>, vector<16xi32>
        %reshape3A_1049 = vector.shape_cast %select_n3A_1048 : vector<16xi32> to vector<16x1xi32>
        %gather3A_1050 = vector.shape_cast %reshape3A_1049 : vector<16x1xi32> to vector<16xi32>
        %gather3A_1051 = tpu.dynamic_gather %bitcast3A_1017[%gather3A_1050] in [0] : vector<16xi32>, vector<16xi32> -> vector<16xi32>
        %xor3A_1052 = arith.xori %gather3A_1051, %select_n3A_44 : vector<16xi32>
        %bitcast3A_1053 = vector.bitcast %xor3A_1052 : vector<16xi32> to vector<16xf32>
        %lt3A_1054 = arith.constant 0 : i32
        %lt3A_1055 = vector.broadcast %lt3A_1054 : i32 to vector<16xi32>
        %lt3A_1056 = arith.cmpi slt, %or3A_29, %lt3A_1055 : vector<16xi32>
        %add3A_1057 = arith.constant 16 : i32
        %add3A_1058 = vector.broadcast %add3A_1057 : i32 to vector<16xi32>
        %add3A_1059 = arith.addi %or3A_29, %add3A_1058 : vector<16xi32>
        %select_n3A_1060 = arith.select %lt3A_1056, %add3A_1059, %or3A_29 : vector<16xi1>, vector<16xi32>
        %reshape3A_1061 = vector.shape_cast %select_n3A_1060 : vector<16xi32> to vector<16x1xi32>
        %gather3A_1062 = vector.shape_cast %reshape3A_1061 : vector<16x1xi32> to vector<16xi32>
        %gather3A_1063 = tpu.dynamic_gather %bitcast3A_1017[%gather3A_1062] in [0] : vector<16xi32>, vector<16xi32> -> vector<16xi32>
        %xor3A_1064 = arith.xori %gather3A_1063, %select_n3A_50 : vector<16xi32>
        %bitcast3A_1065 = vector.bitcast %xor3A_1064 : vector<16xi32> to vector<16xf32>
        %mul3A_1066 = arith.mulf %get3A_966, %bitcast3A_1029 : vector<16xf32>
        %lt3A_1067 = arith.constant 0 : i32
        %lt3A_1068 = vector.broadcast %lt3A_1067 : i32 to vector<16xi32>
        %lt3A_1069 = arith.cmpi slt, %xor3A_6, %lt3A_1068 : vector<16xi32>
        %add3A_1070 = arith.constant 16 : i32
        %add3A_1071 = vector.broadcast %add3A_1070 : i32 to vector<16xi32>
        %add3A_1072 = arith.addi %xor3A_6, %add3A_1071 : vector<16xi32>
        %select_n3A_1073 = arith.select %lt3A_1069, %add3A_1072, %xor3A_6 : vector<16xi1>, vector<16xi32>
        %reshape3A_1074 = vector.shape_cast %select_n3A_1073 : vector<16xi32> to vector<16x1xi32>
        %gather3A_1075 = vector.shape_cast %reshape3A_1074 : vector<16x1xi32> to vector<16xi32>
        %gather3A_1076 = tpu.dynamic_gather %get3A_966[%gather3A_1075] in [0] : vector<16xf32>, vector<16xi32> -> vector<16xf32>
        %mul3A_1077 = arith.mulf %gather3A_1076, %bitcast3A_1041 : vector<16xf32>
        %add3A_1078 = arith.addf %mul3A_1066, %mul3A_1077 : vector<16xf32>
        %lt3A_1079 = arith.constant 0 : i32
        %lt3A_1080 = vector.broadcast %lt3A_1079 : i32 to vector<16xi32>
        %lt3A_1081 = arith.cmpi slt, %xor3A_9, %lt3A_1080 : vector<16xi32>
        %add3A_1082 = arith.constant 16 : i32
        %add3A_1083 = vector.broadcast %add3A_1082 : i32 to vector<16xi32>
        %add3A_1084 = arith.addi %xor3A_9, %add3A_1083 : vector<16xi32>
        %select_n3A_1085 = arith.select %lt3A_1081, %add3A_1084, %xor3A_9 : vector<16xi1>, vector<16xi32>
        %reshape3A_1086 = vector.shape_cast %select_n3A_1085 : vector<16xi32> to vector<16x1xi32>
        %gather3A_1087 = vector.shape_cast %reshape3A_1086 : vector<16x1xi32> to vector<16xi32>
        %gather3A_1088 = tpu.dynamic_gather %get3A_966[%gather3A_1087] in [0] : vector<16xf32>, vector<16xi32> -> vector<16xf32>
        %mul3A_1089 = arith.mulf %gather3A_1088, %bitcast3A_1053 : vector<16xf32>
        %add3A_1090 = arith.addf %add3A_1078, %mul3A_1089 : vector<16xf32>
        %lt3A_1091 = arith.constant 0 : i32
        %lt3A_1092 = vector.broadcast %lt3A_1091 : i32 to vector<16xi32>
        %lt3A_1093 = arith.cmpi slt, %xor3A_12, %lt3A_1092 : vector<16xi32>
        %add3A_1094 = arith.constant 16 : i32
        %add3A_1095 = vector.broadcast %add3A_1094 : i32 to vector<16xi32>
        %add3A_1096 = arith.addi %xor3A_12, %add3A_1095 : vector<16xi32>
        %select_n3A_1097 = arith.select %lt3A_1093, %add3A_1096, %xor3A_12 : vector<16xi1>, vector<16xi32>
        %reshape3A_1098 = vector.shape_cast %select_n3A_1097 : vector<16xi32> to vector<16x1xi32>
        %gather3A_1099 = vector.shape_cast %reshape3A_1098 : vector<16x1xi32> to vector<16xi32>
        %gather3A_1100 = tpu.dynamic_gather %get3A_966[%gather3A_1099] in [0] : vector<16xf32>, vector<16xi32> -> vector<16xf32>
        %mul3A_1101 = arith.mulf %gather3A_1100, %bitcast3A_1065 : vector<16xf32>
        %add3A_1102 = arith.addf %add3A_1090, %mul3A_1101 : vector<16xf32>
        %mul3A_1103 = arith.mulf %mul3A_1016, %add3A_1102 : vector<16xf32>
        %add3A_1104 = arith.addf %add3A_960, %mul3A_1103 : vector<16xf32>
        %get3A_1105 = arith.index_cast %add3A_101 : i32 to index
        %get3A_1106 = arith.constant 112 : index
        %get3A_1107 = tpu.vector_load %arg11[%get3A_1105, %get3A_1106] {strides = array<i32>} : memref<128x128xf32, #tpu.memory_space<vmem>>, vector<16xf32>,
        %get3A_1108 = arith.index_cast %add3A_101 : i32 to index
        %get3A_1109 = arith.constant 112 : index
        %get3A_1110 = tpu.vector_load %arg12[%get3A_1108, %get3A_1109] {strides = array<i32>} : memref<128x128xf32, #tpu.memory_space<vmem>>, vector<16xf32>,
        %get3A_1111 = arith.index_cast %add3A_101 : i32 to index
        %get3A_1112 = arith.constant 112 : index
        %get3A_1113 = tpu.vector_load %arg13[%get3A_1111, %get3A_1112] {strides = array<i32>} : memref<128x128xf32, #tpu.memory_space<vmem>>, vector<16xf32>,
        %mul3A_1114 = arith.mulf %get3A_1110, %get3A_1110 : vector<16xf32>
        %lt3A_1115 = arith.constant 0 : i32
        %lt3A_1116 = vector.broadcast %lt3A_1115 : i32 to vector<16xi32>
        %lt3A_1117 = arith.cmpi slt, %xor3A_6, %lt3A_1116 : vector<16xi32>
        %add3A_1118 = arith.constant 16 : i32
        %add3A_1119 = vector.broadcast %add3A_1118 : i32 to vector<16xi32>
        %add3A_1120 = arith.addi %xor3A_6, %add3A_1119 : vector<16xi32>
        %select_n3A_1121 = arith.select %lt3A_1117, %add3A_1120, %xor3A_6 : vector<16xi1>, vector<16xi32>
        %reshape3A_1122 = vector.shape_cast %select_n3A_1121 : vector<16xi32> to vector<16x1xi32>
        %gather3A_1123 = vector.shape_cast %reshape3A_1122 : vector<16x1xi32> to vector<16xi32>
        %gather3A_1124 = tpu.dynamic_gather %mul3A_1114[%gather3A_1123] in [0] : vector<16xf32>, vector<16xi32> -> vector<16xf32>
        %add3A_1125 = arith.addf %mul3A_1114, %gather3A_1124 : vector<16xf32>
        %lt3A_1126 = arith.constant 0 : i32
        %lt3A_1127 = vector.broadcast %lt3A_1126 : i32 to vector<16xi32>
        %lt3A_1128 = arith.cmpi slt, %xor3A_9, %lt3A_1127 : vector<16xi32>
        %add3A_1129 = arith.constant 16 : i32
        %add3A_1130 = vector.broadcast %add3A_1129 : i32 to vector<16xi32>
        %add3A_1131 = arith.addi %xor3A_9, %add3A_1130 : vector<16xi32>
        %select_n3A_1132 = arith.select %lt3A_1128, %add3A_1131, %xor3A_9 : vector<16xi1>, vector<16xi32>
        %reshape3A_1133 = vector.shape_cast %select_n3A_1132 : vector<16xi32> to vector<16x1xi32>
        %gather3A_1134 = vector.shape_cast %reshape3A_1133 : vector<16x1xi32> to vector<16xi32>
        %gather3A_1135 = tpu.dynamic_gather %add3A_1125[%gather3A_1134] in [0] : vector<16xf32>, vector<16xi32> -> vector<16xf32>
        %add3A_1136 = arith.addf %add3A_1125, %gather3A_1135 : vector<16xf32>
        %bitcast3A_1137 = vector.bitcast %add3A_1136 : vector<16xf32> to vector<16xi32>
        %shift_right_arithmetic3A_1138 = arith.constant 1 : i32
        %shift_right_arithmetic3A_1139 = vector.broadcast %shift_right_arithmetic3A_1138 : i32 to vector<16xi32>
        %shift_right_arithmetic3A_1140 = arith.shrsi %bitcast3A_1137, %shift_right_arithmetic3A_1139 : vector<16xi32>
        %sub3A_1141 = arith.constant 1597463007 : i32
        %sub3A_1142 = vector.broadcast %sub3A_1141 : i32 to vector<16xi32>
        %sub3A_1143 = arith.subi %sub3A_1142, %shift_right_arithmetic3A_1140 : vector<16xi32>
        %bitcast3A_1144 = vector.bitcast %sub3A_1143 : vector<16xi32> to vector<16xf32>
        %mul3A_1145 = arith.constant 5.000000e-01 : f32
        %mul3A_1146 = vector.broadcast %mul3A_1145 : f32 to vector<16xf32>
        %mul3A_1147 = arith.mulf %mul3A_1146, %add3A_1136 : vector<16xf32>
        %mul3A_1148 = arith.mulf %mul3A_1147, %bitcast3A_1144 : vector<16xf32>
        %mul3A_1149 = arith.mulf %mul3A_1148, %bitcast3A_1144 : vector<16xf32>
        %sub3A_1150 = arith.constant 1.500000e+00 : f32
        %sub3A_1151 = vector.broadcast %sub3A_1150 : f32 to vector<16xf32>
        %sub3A_1152 = arith.subf %sub3A_1151, %mul3A_1149 : vector<16xf32>
        %mul3A_1153 = arith.mulf %bitcast3A_1144, %sub3A_1152 : vector<16xf32>
        %mul3A_1154 = arith.mulf %mul3A_1147, %mul3A_1153 : vector<16xf32>
        %mul3A_1155 = arith.mulf %mul3A_1154, %mul3A_1153 : vector<16xf32>
        %sub3A_1156 = arith.constant 1.500000e+00 : f32
        %sub3A_1157 = vector.broadcast %sub3A_1156 : f32 to vector<16xf32>
        %sub3A_1158 = arith.subf %sub3A_1157, %mul3A_1155 : vector<16xf32>
        %mul3A_1159 = arith.mulf %mul3A_1153, %sub3A_1158 : vector<16xf32>
        %mul3A_1160 = arith.mulf %get3A_1107, %mul3A_1159 : vector<16xf32>
        %bitcast3A_1161 = vector.bitcast %get3A_1113 : vector<16xf32> to vector<16xi32>
        %lt3A_1162 = arith.constant 0 : i32
        %lt3A_1163 = vector.broadcast %lt3A_1162 : i32 to vector<16xi32>
        %lt3A_1164 = arith.cmpi slt, %and3A_21, %lt3A_1163 : vector<16xi32>
        %add3A_1165 = arith.constant 16 : i32
        %add3A_1166 = vector.broadcast %add3A_1165 : i32 to vector<16xi32>
        %add3A_1167 = arith.addi %and3A_21, %add3A_1166 : vector<16xi32>
        %select_n3A_1168 = arith.select %lt3A_1164, %add3A_1167, %and3A_21 : vector<16xi1>, vector<16xi32>
        %reshape3A_1169 = vector.shape_cast %select_n3A_1168 : vector<16xi32> to vector<16x1xi32>
        %gather3A_1170 = vector.shape_cast %reshape3A_1169 : vector<16x1xi32> to vector<16xi32>
        %gather3A_1171 = tpu.dynamic_gather %bitcast3A_1161[%gather3A_1170] in [0] : vector<16xi32>, vector<16xi32> -> vector<16xi32>
        %xor3A_1172 = arith.xori %gather3A_1171, %select_n3A : vector<16xi32>
        %bitcast3A_1173 = vector.bitcast %xor3A_1172 : vector<16xi32> to vector<16xf32>
        %lt3A_1174 = arith.constant 0 : i32
        %lt3A_1175 = vector.broadcast %lt3A_1174 : i32 to vector<16xi32>
        %lt3A_1176 = arith.cmpi slt, %or3A_23, %lt3A_1175 : vector<16xi32>
        %add3A_1177 = arith.constant 16 : i32
        %add3A_1178 = vector.broadcast %add3A_1177 : i32 to vector<16xi32>
        %add3A_1179 = arith.addi %or3A_23, %add3A_1178 : vector<16xi32>
        %select_n3A_1180 = arith.select %lt3A_1176, %add3A_1179, %or3A_23 : vector<16xi1>, vector<16xi32>
        %reshape3A_1181 = vector.shape_cast %select_n3A_1180 : vector<16xi32> to vector<16x1xi32>
        %gather3A_1182 = vector.shape_cast %reshape3A_1181 : vector<16x1xi32> to vector<16xi32>
        %gather3A_1183 = tpu.dynamic_gather %bitcast3A_1161[%gather3A_1182] in [0] : vector<16xi32>, vector<16xi32> -> vector<16xi32>
        %xor3A_1184 = arith.xori %gather3A_1183, %select_n3A_38 : vector<16xi32>
        %bitcast3A_1185 = vector.bitcast %xor3A_1184 : vector<16xi32> to vector<16xf32>
        %lt3A_1186 = arith.constant 0 : i32
        %lt3A_1187 = vector.broadcast %lt3A_1186 : i32 to vector<16xi32>
        %lt3A_1188 = arith.cmpi slt, %or3A_26, %lt3A_1187 : vector<16xi32>
        %add3A_1189 = arith.constant 16 : i32
        %add3A_1190 = vector.broadcast %add3A_1189 : i32 to vector<16xi32>
        %add3A_1191 = arith.addi %or3A_26, %add3A_1190 : vector<16xi32>
        %select_n3A_1192 = arith.select %lt3A_1188, %add3A_1191, %or3A_26 : vector<16xi1>, vector<16xi32>
        %reshape3A_1193 = vector.shape_cast %select_n3A_1192 : vector<16xi32> to vector<16x1xi32>
        %gather3A_1194 = vector.shape_cast %reshape3A_1193 : vector<16x1xi32> to vector<16xi32>
        %gather3A_1195 = tpu.dynamic_gather %bitcast3A_1161[%gather3A_1194] in [0] : vector<16xi32>, vector<16xi32> -> vector<16xi32>
        %xor3A_1196 = arith.xori %gather3A_1195, %select_n3A_44 : vector<16xi32>
        %bitcast3A_1197 = vector.bitcast %xor3A_1196 : vector<16xi32> to vector<16xf32>
        %lt3A_1198 = arith.constant 0 : i32
        %lt3A_1199 = vector.broadcast %lt3A_1198 : i32 to vector<16xi32>
        %lt3A_1200 = arith.cmpi slt, %or3A_29, %lt3A_1199 : vector<16xi32>
        %add3A_1201 = arith.constant 16 : i32
        %add3A_1202 = vector.broadcast %add3A_1201 : i32 to vector<16xi32>
        %add3A_1203 = arith.addi %or3A_29, %add3A_1202 : vector<16xi32>
        %select_n3A_1204 = arith.select %lt3A_1200, %add3A_1203, %or3A_29 : vector<16xi1>, vector<16xi32>
        %reshape3A_1205 = vector.shape_cast %select_n3A_1204 : vector<16xi32> to vector<16x1xi32>
        %gather3A_1206 = vector.shape_cast %reshape3A_1205 : vector<16x1xi32> to vector<16xi32>
        %gather3A_1207 = tpu.dynamic_gather %bitcast3A_1161[%gather3A_1206] in [0] : vector<16xi32>, vector<16xi32> -> vector<16xi32>
        %xor3A_1208 = arith.xori %gather3A_1207, %select_n3A_50 : vector<16xi32>
        %bitcast3A_1209 = vector.bitcast %xor3A_1208 : vector<16xi32> to vector<16xf32>
        %mul3A_1210 = arith.mulf %get3A_1110, %bitcast3A_1173 : vector<16xf32>
        %lt3A_1211 = arith.constant 0 : i32
        %lt3A_1212 = vector.broadcast %lt3A_1211 : i32 to vector<16xi32>
        %lt3A_1213 = arith.cmpi slt, %xor3A_6, %lt3A_1212 : vector<16xi32>
        %add3A_1214 = arith.constant 16 : i32
        %add3A_1215 = vector.broadcast %add3A_1214 : i32 to vector<16xi32>
        %add3A_1216 = arith.addi %xor3A_6, %add3A_1215 : vector<16xi32>
        %select_n3A_1217 = arith.select %lt3A_1213, %add3A_1216, %xor3A_6 : vector<16xi1>, vector<16xi32>
        %reshape3A_1218 = vector.shape_cast %select_n3A_1217 : vector<16xi32> to vector<16x1xi32>
        %gather3A_1219 = vector.shape_cast %reshape3A_1218 : vector<16x1xi32> to vector<16xi32>
        %gather3A_1220 = tpu.dynamic_gather %get3A_1110[%gather3A_1219] in [0] : vector<16xf32>, vector<16xi32> -> vector<16xf32>
        %mul3A_1221 = arith.mulf %gather3A_1220, %bitcast3A_1185 : vector<16xf32>
        %add3A_1222 = arith.addf %mul3A_1210, %mul3A_1221 : vector<16xf32>
        %lt3A_1223 = arith.constant 0 : i32
        %lt3A_1224 = vector.broadcast %lt3A_1223 : i32 to vector<16xi32>
        %lt3A_1225 = arith.cmpi slt, %xor3A_9, %lt3A_1224 : vector<16xi32>
        %add3A_1226 = arith.constant 16 : i32
        %add3A_1227 = vector.broadcast %add3A_1226 : i32 to vector<16xi32>
        %add3A_1228 = arith.addi %xor3A_9, %add3A_1227 : vector<16xi32>
        %select_n3A_1229 = arith.select %lt3A_1225, %add3A_1228, %xor3A_9 : vector<16xi1>, vector<16xi32>
        %reshape3A_1230 = vector.shape_cast %select_n3A_1229 : vector<16xi32> to vector<16x1xi32>
        %gather3A_1231 = vector.shape_cast %reshape3A_1230 : vector<16x1xi32> to vector<16xi32>
        %gather3A_1232 = tpu.dynamic_gather %get3A_1110[%gather3A_1231] in [0] : vector<16xf32>, vector<16xi32> -> vector<16xf32>
        %mul3A_1233 = arith.mulf %gather3A_1232, %bitcast3A_1197 : vector<16xf32>
        %add3A_1234 = arith.addf %add3A_1222, %mul3A_1233 : vector<16xf32>
        %lt3A_1235 = arith.constant 0 : i32
        %lt3A_1236 = vector.broadcast %lt3A_1235 : i32 to vector<16xi32>
        %lt3A_1237 = arith.cmpi slt, %xor3A_12, %lt3A_1236 : vector<16xi32>
        %add3A_1238 = arith.constant 16 : i32
        %add3A_1239 = vector.broadcast %add3A_1238 : i32 to vector<16xi32>
        %add3A_1240 = arith.addi %xor3A_12, %add3A_1239 : vector<16xi32>
        %select_n3A_1241 = arith.select %lt3A_1237, %add3A_1240, %xor3A_12 : vector<16xi1>, vector<16xi32>
        %reshape3A_1242 = vector.shape_cast %select_n3A_1241 : vector<16xi32> to vector<16x1xi32>
        %gather3A_1243 = vector.shape_cast %reshape3A_1242 : vector<16x1xi32> to vector<16xi32>
        %gather3A_1244 = tpu.dynamic_gather %get3A_1110[%gather3A_1243] in [0] : vector<16xf32>, vector<16xi32> -> vector<16xf32>
        %mul3A_1245 = arith.mulf %gather3A_1244, %bitcast3A_1209 : vector<16xf32>
        %add3A_1246 = arith.addf %add3A_1234, %mul3A_1245 : vector<16xf32>
        %mul3A_1247 = arith.mulf %mul3A_1160, %add3A_1246 : vector<16xf32>
        %add3A_1248 = arith.addf %add3A_1104, %mul3A_1247 : vector<16xf32>
        %lt3A_1249 = arith.constant 0 : i32
        %lt3A_1250 = vector.broadcast %lt3A_1249 : i32 to vector<16xi32>
        %lt3A_1251 = arith.cmpi slt, %xor3A_6, %lt3A_1250 : vector<16xi32>
        %add3A_1252 = arith.constant 16 : i32
        %add3A_1253 = vector.broadcast %add3A_1252 : i32 to vector<16xi32>
        %add3A_1254 = arith.addi %xor3A_6, %add3A_1253 : vector<16xi32>
        %select_n3A_1255 = arith.select %lt3A_1251, %add3A_1254, %xor3A_6 : vector<16xi1>, vector<16xi32>
        %reshape3A_1256 = vector.shape_cast %select_n3A_1255 : vector<16xi32> to vector<16x1xi32>
        %gather3A_1257 = vector.shape_cast %reshape3A_1256 : vector<16x1xi32> to vector<16xi32>
        %gather3A_1258 = tpu.dynamic_gather %add3A_1248[%gather3A_1257] in [0] : vector<16xf32>, vector<16xi32> -> vector<16xf32>
        %add3A_1259 = arith.addf %add3A_1248, %gather3A_1258 : vector<16xf32>
        %lt3A_1260 = arith.constant 0 : i32
        %lt3A_1261 = vector.broadcast %lt3A_1260 : i32 to vector<16xi32>
        %lt3A_1262 = arith.cmpi slt, %xor3A_9, %lt3A_1261 : vector<16xi32>
        %add3A_1263 = arith.constant 16 : i32
        %add3A_1264 = vector.broadcast %add3A_1263 : i32 to vector<16xi32>
        %add3A_1265 = arith.addi %xor3A_9, %add3A_1264 : vector<16xi32>
        %select_n3A_1266 = arith.select %lt3A_1262, %add3A_1265, %xor3A_9 : vector<16xi1>, vector<16xi32>
        %reshape3A_1267 = vector.shape_cast %select_n3A_1266 : vector<16xi32> to vector<16x1xi32>
        %gather3A_1268 = vector.shape_cast %reshape3A_1267 : vector<16x1xi32> to vector<16xi32>
        %gather3A_1269 = tpu.dynamic_gather %add3A_1259[%gather3A_1268] in [0] : vector<16xf32>, vector<16xi32> -> vector<16xf32>
        %add3A_1270 = arith.addf %add3A_1259, %gather3A_1269 : vector<16xf32>
        %lt3A_1271 = arith.constant 0 : i32
        %lt3A_1272 = vector.broadcast %lt3A_1271 : i32 to vector<16xi32>
        %lt3A_1273 = arith.cmpi slt, %xor3A_15, %lt3A_1272 : vector<16xi32>
        %add3A_1274 = arith.constant 16 : i32
        %add3A_1275 = vector.broadcast %add3A_1274 : i32 to vector<16xi32>
        %add3A_1276 = arith.addi %xor3A_15, %add3A_1275 : vector<16xi32>
        %select_n3A_1277 = arith.select %lt3A_1273, %add3A_1276, %xor3A_15 : vector<16xi1>, vector<16xi32>
        %reshape3A_1278 = vector.shape_cast %select_n3A_1277 : vector<16xi32> to vector<16x1xi32>
        %gather3A_1279 = vector.shape_cast %reshape3A_1278 : vector<16x1xi32> to vector<16xi32>
        %gather3A_1280 = tpu.dynamic_gather %add3A_1270[%gather3A_1279] in [0] : vector<16xf32>, vector<16xi32> -> vector<16xf32>
        %add3A_1281 = arith.addf %add3A_1270, %gather3A_1280 : vector<16xf32>
        %lt3A_1282 = arith.constant 0 : i32
        %lt3A_1283 = vector.broadcast %lt3A_1282 : i32 to vector<16xi32>
        %lt3A_1284 = arith.cmpi slt, %xor3A_18, %lt3A_1283 : vector<16xi32>
        %add3A_1285 = arith.constant 16 : i32
        %add3A_1286 = vector.broadcast %add3A_1285 : i32 to vector<16xi32>
        %add3A_1287 = arith.addi %xor3A_18, %add3A_1286 : vector<16xi32>
        %select_n3A_1288 = arith.select %lt3A_1284, %add3A_1287, %xor3A_18 : vector<16xi1>, vector<16xi32>
        %reshape3A_1289 = vector.shape_cast %select_n3A_1288 : vector<16xi32> to vector<16x1xi32>
        %gather3A_1290 = vector.shape_cast %reshape3A_1289 : vector<16x1xi32> to vector<16xi32>
        %gather3A_1291 = tpu.dynamic_gather %add3A_1281[%gather3A_1290] in [0] : vector<16xf32>, vector<16xi32> -> vector<16xf32>
        %add3A_1292 = arith.addf %add3A_1281, %gather3A_1291 : vector<16xf32>
        %add3A_1293 = arith.constant 1 : i32
        %add3A_1294 = arith.addi %mul3A_99, %add3A_1293 : i32
        %broadcast_in_dim3A_1295 = arith.constant 0.000000e+00 : f32
        %broadcast_in_dim3A_1296 = vector.broadcast %broadcast_in_dim3A_1295 : f32 to vector<16xf32>
        %get3A_1297 = arith.index_cast %add3A_1294 : i32 to index
        %get3A_1298 = arith.constant 0 : index
        %get3A_1299 = tpu.vector_load %arg11[%get3A_1297, %get3A_1298] {strides = array<i32>} : memref<128x128xf32, #tpu.memory_space<vmem>>, vector<16xf32>,
        %get3A_1300 = arith.index_cast %add3A_1294 : i32 to index
        %get3A_1301 = arith.constant 0 : index
        %get3A_1302 = tpu.vector_load %arg12[%get3A_1300, %get3A_1301] {strides = array<i32>} : memref<128x128xf32, #tpu.memory_space<vmem>>, vector<16xf32>,
        %get3A_1303 = arith.index_cast %add3A_1294 : i32 to index
        %get3A_1304 = arith.constant 0 : index
        %get3A_1305 = tpu.vector_load %arg13[%get3A_1303, %get3A_1304] {strides = array<i32>} : memref<128x128xf32, #tpu.memory_space<vmem>>, vector<16xf32>,
        %mul3A_1306 = arith.mulf %get3A_1302, %get3A_1302 : vector<16xf32>
        %lt3A_1307 = arith.constant 0 : i32
        %lt3A_1308 = vector.broadcast %lt3A_1307 : i32 to vector<16xi32>
        %lt3A_1309 = arith.cmpi slt, %xor3A_6, %lt3A_1308 : vector<16xi32>
        %add3A_1310 = arith.constant 16 : i32
        %add3A_1311 = vector.broadcast %add3A_1310 : i32 to vector<16xi32>
        %add3A_1312 = arith.addi %xor3A_6, %add3A_1311 : vector<16xi32>
        %select_n3A_1313 = arith.select %lt3A_1309, %add3A_1312, %xor3A_6 : vector<16xi1>, vector<16xi32>
        %reshape3A_1314 = vector.shape_cast %select_n3A_1313 : vector<16xi32> to vector<16x1xi32>
        %gather3A_1315 = vector.shape_cast %reshape3A_1314 : vector<16x1xi32> to vector<16xi32>
        %gather3A_1316 = tpu.dynamic_gather %mul3A_1306[%gather3A_1315] in [0] : vector<16xf32>, vector<16xi32> -> vector<16xf32>
        %add3A_1317 = arith.addf %mul3A_1306, %gather3A_1316 : vector<16xf32>
        %lt3A_1318 = arith.constant 0 : i32
        %lt3A_1319 = vector.broadcast %lt3A_1318 : i32 to vector<16xi32>
        %lt3A_1320 = arith.cmpi slt, %xor3A_9, %lt3A_1319 : vector<16xi32>
        %add3A_1321 = arith.constant 16 : i32
        %add3A_1322 = vector.broadcast %add3A_1321 : i32 to vector<16xi32>
        %add3A_1323 = arith.addi %xor3A_9, %add3A_1322 : vector<16xi32>
        %select_n3A_1324 = arith.select %lt3A_1320, %add3A_1323, %xor3A_9 : vector<16xi1>, vector<16xi32>
        %reshape3A_1325 = vector.shape_cast %select_n3A_1324 : vector<16xi32> to vector<16x1xi32>
        %gather3A_1326 = vector.shape_cast %reshape3A_1325 : vector<16x1xi32> to vector<16xi32>
        %gather3A_1327 = tpu.dynamic_gather %add3A_1317[%gather3A_1326] in [0] : vector<16xf32>, vector<16xi32> -> vector<16xf32>
        %add3A_1328 = arith.addf %add3A_1317, %gather3A_1327 : vector<16xf32>
        %bitcast3A_1329 = vector.bitcast %add3A_1328 : vector<16xf32> to vector<16xi32>
        %shift_right_arithmetic3A_1330 = arith.constant 1 : i32
        %shift_right_arithmetic3A_1331 = vector.broadcast %shift_right_arithmetic3A_1330 : i32 to vector<16xi32>
        %shift_right_arithmetic3A_1332 = arith.shrsi %bitcast3A_1329, %shift_right_arithmetic3A_1331 : vector<16xi32>
        %sub3A_1333 = arith.constant 1597463007 : i32
        %sub3A_1334 = vector.broadcast %sub3A_1333 : i32 to vector<16xi32>
        %sub3A_1335 = arith.subi %sub3A_1334, %shift_right_arithmetic3A_1332 : vector<16xi32>
        %bitcast3A_1336 = vector.bitcast %sub3A_1335 : vector<16xi32> to vector<16xf32>
        %mul3A_1337 = arith.constant 5.000000e-01 : f32
        %mul3A_1338 = vector.broadcast %mul3A_1337 : f32 to vector<16xf32>
        %mul3A_1339 = arith.mulf %mul3A_1338, %add3A_1328 : vector<16xf32>
        %mul3A_1340 = arith.mulf %mul3A_1339, %bitcast3A_1336 : vector<16xf32>
        %mul3A_1341 = arith.mulf %mul3A_1340, %bitcast3A_1336 : vector<16xf32>
        %sub3A_1342 = arith.constant 1.500000e+00 : f32
        %sub3A_1343 = vector.broadcast %sub3A_1342 : f32 to vector<16xf32>
        %sub3A_1344 = arith.subf %sub3A_1343, %mul3A_1341 : vector<16xf32>
        %mul3A_1345 = arith.mulf %bitcast3A_1336, %sub3A_1344 : vector<16xf32>
        %mul3A_1346 = arith.mulf %mul3A_1339, %mul3A_1345 : vector<16xf32>
        %mul3A_1347 = arith.mulf %mul3A_1346, %mul3A_1345 : vector<16xf32>
        %sub3A_1348 = arith.constant 1.500000e+00 : f32
        %sub3A_1349 = vector.broadcast %sub3A_1348 : f32 to vector<16xf32>
        %sub3A_1350 = arith.subf %sub3A_1349, %mul3A_1347 : vector<16xf32>
        %mul3A_1351 = arith.mulf %mul3A_1345, %sub3A_1350 : vector<16xf32>
        %mul3A_1352 = arith.mulf %get3A_1299, %mul3A_1351 : vector<16xf32>
        %bitcast3A_1353 = vector.bitcast %get3A_1305 : vector<16xf32> to vector<16xi32>
        %lt3A_1354 = arith.constant 0 : i32
        %lt3A_1355 = vector.broadcast %lt3A_1354 : i32 to vector<16xi32>
        %lt3A_1356 = arith.cmpi slt, %and3A_21, %lt3A_1355 : vector<16xi32>
        %add3A_1357 = arith.constant 16 : i32
        %add3A_1358 = vector.broadcast %add3A_1357 : i32 to vector<16xi32>
        %add3A_1359 = arith.addi %and3A_21, %add3A_1358 : vector<16xi32>
        %select_n3A_1360 = arith.select %lt3A_1356, %add3A_1359, %and3A_21 : vector<16xi1>, vector<16xi32>
        %reshape3A_1361 = vector.shape_cast %select_n3A_1360 : vector<16xi32> to vector<16x1xi32>
        %gather3A_1362 = vector.shape_cast %reshape3A_1361 : vector<16x1xi32> to vector<16xi32>
        %gather3A_1363 = tpu.dynamic_gather %bitcast3A_1353[%gather3A_1362] in [0] : vector<16xi32>, vector<16xi32> -> vector<16xi32>
        %xor3A_1364 = arith.xori %gather3A_1363, %select_n3A : vector<16xi32>
        %bitcast3A_1365 = vector.bitcast %xor3A_1364 : vector<16xi32> to vector<16xf32>
        %lt3A_1366 = arith.constant 0 : i32
        %lt3A_1367 = vector.broadcast %lt3A_1366 : i32 to vector<16xi32>
        %lt3A_1368 = arith.cmpi slt, %or3A_23, %lt3A_1367 : vector<16xi32>
        %add3A_1369 = arith.constant 16 : i32
        %add3A_1370 = vector.broadcast %add3A_1369 : i32 to vector<16xi32>
        %add3A_1371 = arith.addi %or3A_23, %add3A_1370 : vector<16xi32>
        %select_n3A_1372 = arith.select %lt3A_1368, %add3A_1371, %or3A_23 : vector<16xi1>, vector<16xi32>
        %reshape3A_1373 = vector.shape_cast %select_n3A_1372 : vector<16xi32> to vector<16x1xi32>
        %gather3A_1374 = vector.shape_cast %reshape3A_1373 : vector<16x1xi32> to vector<16xi32>
        %gather3A_1375 = tpu.dynamic_gather %bitcast3A_1353[%gather3A_1374] in [0] : vector<16xi32>, vector<16xi32> -> vector<16xi32>
        %xor3A_1376 = arith.xori %gather3A_1375, %select_n3A_38 : vector<16xi32>
        %bitcast3A_1377 = vector.bitcast %xor3A_1376 : vector<16xi32> to vector<16xf32>
        %lt3A_1378 = arith.constant 0 : i32
        %lt3A_1379 = vector.broadcast %lt3A_1378 : i32 to vector<16xi32>
        %lt3A_1380 = arith.cmpi slt, %or3A_26, %lt3A_1379 : vector<16xi32>
        %add3A_1381 = arith.constant 16 : i32
        %add3A_1382 = vector.broadcast %add3A_1381 : i32 to vector<16xi32>
        %add3A_1383 = arith.addi %or3A_26, %add3A_1382 : vector<16xi32>
        %select_n3A_1384 = arith.select %lt3A_1380, %add3A_1383, %or3A_26 : vector<16xi1>, vector<16xi32>
        %reshape3A_1385 = vector.shape_cast %select_n3A_1384 : vector<16xi32> to vector<16x1xi32>
        %gather3A_1386 = vector.shape_cast %reshape3A_1385 : vector<16x1xi32> to vector<16xi32>
        %gather3A_1387 = tpu.dynamic_gather %bitcast3A_1353[%gather3A_1386] in [0] : vector<16xi32>, vector<16xi32> -> vector<16xi32>
        %xor3A_1388 = arith.xori %gather3A_1387, %select_n3A_44 : vector<16xi32>
        %bitcast3A_1389 = vector.bitcast %xor3A_1388 : vector<16xi32> to vector<16xf32>
        %lt3A_1390 = arith.constant 0 : i32
        %lt3A_1391 = vector.broadcast %lt3A_1390 : i32 to vector<16xi32>
        %lt3A_1392 = arith.cmpi slt, %or3A_29, %lt3A_1391 : vector<16xi32>
        %add3A_1393 = arith.constant 16 : i32
        %add3A_1394 = vector.broadcast %add3A_1393 : i32 to vector<16xi32>
        %add3A_1395 = arith.addi %or3A_29, %add3A_1394 : vector<16xi32>
        %select_n3A_1396 = arith.select %lt3A_1392, %add3A_1395, %or3A_29 : vector<16xi1>, vector<16xi32>
        %reshape3A_1397 = vector.shape_cast %select_n3A_1396 : vector<16xi32> to vector<16x1xi32>
        %gather3A_1398 = vector.shape_cast %reshape3A_1397 : vector<16x1xi32> to vector<16xi32>
        %gather3A_1399 = tpu.dynamic_gather %bitcast3A_1353[%gather3A_1398] in [0] : vector<16xi32>, vector<16xi32> -> vector<16xi32>
        %xor3A_1400 = arith.xori %gather3A_1399, %select_n3A_50 : vector<16xi32>
        %bitcast3A_1401 = vector.bitcast %xor3A_1400 : vector<16xi32> to vector<16xf32>
        %mul3A_1402 = arith.mulf %get3A_1302, %bitcast3A_1365 : vector<16xf32>
        %lt3A_1403 = arith.constant 0 : i32
        %lt3A_1404 = vector.broadcast %lt3A_1403 : i32 to vector<16xi32>
        %lt3A_1405 = arith.cmpi slt, %xor3A_6, %lt3A_1404 : vector<16xi32>
        %add3A_1406 = arith.constant 16 : i32
        %add3A_1407 = vector.broadcast %add3A_1406 : i32 to vector<16xi32>
        %add3A_1408 = arith.addi %xor3A_6, %add3A_1407 : vector<16xi32>
        %select_n3A_1409 = arith.select %lt3A_1405, %add3A_1408, %xor3A_6 : vector<16xi1>, vector<16xi32>
        %reshape3A_1410 = vector.shape_cast %select_n3A_1409 : vector<16xi32> to vector<16x1xi32>
        %gather3A_1411 = vector.shape_cast %reshape3A_1410 : vector<16x1xi32> to vector<16xi32>
        %gather3A_1412 = tpu.dynamic_gather %get3A_1302[%gather3A_1411] in [0] : vector<16xf32>, vector<16xi32> -> vector<16xf32>
        %mul3A_1413 = arith.mulf %gather3A_1412, %bitcast3A_1377 : vector<16xf32>
        %add3A_1414 = arith.addf %mul3A_1402, %mul3A_1413 : vector<16xf32>
        %lt3A_1415 = arith.constant 0 : i32
        %lt3A_1416 = vector.broadcast %lt3A_1415 : i32 to vector<16xi32>
        %lt3A_1417 = arith.cmpi slt, %xor3A_9, %lt3A_1416 : vector<16xi32>
        %add3A_1418 = arith.constant 16 : i32
        %add3A_1419 = vector.broadcast %add3A_1418 : i32 to vector<16xi32>
        %add3A_1420 = arith.addi %xor3A_9, %add3A_1419 : vector<16xi32>
        %select_n3A_1421 = arith.select %lt3A_1417, %add3A_1420, %xor3A_9 : vector<16xi1>, vector<16xi32>
        %reshape3A_1422 = vector.shape_cast %select_n3A_1421 : vector<16xi32> to vector<16x1xi32>
        %gather3A_1423 = vector.shape_cast %reshape3A_1422 : vector<16x1xi32> to vector<16xi32>
        %gather3A_1424 = tpu.dynamic_gather %get3A_1302[%gather3A_1423] in [0] : vector<16xf32>, vector<16xi32> -> vector<16xf32>
        %mul3A_1425 = arith.mulf %gather3A_1424, %bitcast3A_1389 : vector<16xf32>
        %add3A_1426 = arith.addf %add3A_1414, %mul3A_1425 : vector<16xf32>
        %lt3A_1427 = arith.constant 0 : i32
        %lt3A_1428 = vector.broadcast %lt3A_1427 : i32 to vector<16xi32>
        %lt3A_1429 = arith.cmpi slt, %xor3A_12, %lt3A_1428 : vector<16xi32>
        %add3A_1430 = arith.constant 16 : i32
        %add3A_1431 = vector.broadcast %add3A_1430 : i32 to vector<16xi32>
        %add3A_1432 = arith.addi %xor3A_12, %add3A_1431 : vector<16xi32>
        %select_n3A_1433 = arith.select %lt3A_1429, %add3A_1432, %xor3A_12 : vector<16xi1>, vector<16xi32>
        %reshape3A_1434 = vector.shape_cast %select_n3A_1433 : vector<16xi32> to vector<16x1xi32>
        %gather3A_1435 = vector.shape_cast %reshape3A_1434 : vector<16x1xi32> to vector<16xi32>
        %gather3A_1436 = tpu.dynamic_gather %get3A_1302[%gather3A_1435] in [0] : vector<16xf32>, vector<16xi32> -> vector<16xf32>
        %mul3A_1437 = arith.mulf %gather3A_1436, %bitcast3A_1401 : vector<16xf32>
        %add3A_1438 = arith.addf %add3A_1426, %mul3A_1437 : vector<16xf32>
        %mul3A_1439 = arith.mulf %mul3A_1352, %add3A_1438 : vector<16xf32>
        %add3A_1440 = arith.addf %broadcast_in_dim3A_1296, %mul3A_1439 : vector<16xf32>
        %get3A_1441 = arith.index_cast %add3A_1294 : i32 to index
        %get3A_1442 = arith.constant 16 : index
        %get3A_1443 = tpu.vector_load %arg11[%get3A_1441, %get3A_1442] {strides = array<i32>} : memref<128x128xf32, #tpu.memory_space<vmem>>, vector<16xf32>,
        %get3A_1444 = arith.index_cast %add3A_1294 : i32 to index
        %get3A_1445 = arith.constant 16 : index
        %get3A_1446 = tpu.vector_load %arg12[%get3A_1444, %get3A_1445] {strides = array<i32>} : memref<128x128xf32, #tpu.memory_space<vmem>>, vector<16xf32>,
        %get3A_1447 = arith.index_cast %add3A_1294 : i32 to index
        %get3A_1448 = arith.constant 16 : index
        %get3A_1449 = tpu.vector_load %arg13[%get3A_1447, %get3A_1448] {strides = array<i32>} : memref<128x128xf32, #tpu.memory_space<vmem>>, vector<16xf32>,
        %mul3A_1450 = arith.mulf %get3A_1446, %get3A_1446 : vector<16xf32>
        %lt3A_1451 = arith.constant 0 : i32
        %lt3A_1452 = vector.broadcast %lt3A_1451 : i32 to vector<16xi32>
        %lt3A_1453 = arith.cmpi slt, %xor3A_6, %lt3A_1452 : vector<16xi32>
        %add3A_1454 = arith.constant 16 : i32
        %add3A_1455 = vector.broadcast %add3A_1454 : i32 to vector<16xi32>
        %add3A_1456 = arith.addi %xor3A_6, %add3A_1455 : vector<16xi32>
        %select_n3A_1457 = arith.select %lt3A_1453, %add3A_1456, %xor3A_6 : vector<16xi1>, vector<16xi32>
        %reshape3A_1458 = vector.shape_cast %select_n3A_1457 : vector<16xi32> to vector<16x1xi32>
        %gather3A_1459 = vector.shape_cast %reshape3A_1458 : vector<16x1xi32> to vector<16xi32>
        %gather3A_1460 = tpu.dynamic_gather %mul3A_1450[%gather3A_1459] in [0] : vector<16xf32>, vector<16xi32> -> vector<16xf32>
        %add3A_1461 = arith.addf %mul3A_1450, %gather3A_1460 : vector<16xf32>
        %lt3A_1462 = arith.constant 0 : i32
        %lt3A_1463 = vector.broadcast %lt3A_1462 : i32 to vector<16xi32>
        %lt3A_1464 = arith.cmpi slt, %xor3A_9, %lt3A_1463 : vector<16xi32>
        %add3A_1465 = arith.constant 16 : i32
        %add3A_1466 = vector.broadcast %add3A_1465 : i32 to vector<16xi32>
        %add3A_1467 = arith.addi %xor3A_9, %add3A_1466 : vector<16xi32>
        %select_n3A_1468 = arith.select %lt3A_1464, %add3A_1467, %xor3A_9 : vector<16xi1>, vector<16xi32>
        %reshape3A_1469 = vector.shape_cast %select_n3A_1468 : vector<16xi32> to vector<16x1xi32>
        %gather3A_1470 = vector.shape_cast %reshape3A_1469 : vector<16x1xi32> to vector<16xi32>
        %gather3A_1471 = tpu.dynamic_gather %add3A_1461[%gather3A_1470] in [0] : vector<16xf32>, vector<16xi32> -> vector<16xf32>
        %add3A_1472 = arith.addf %add3A_1461, %gather3A_1471 : vector<16xf32>
        %bitcast3A_1473 = vector.bitcast %add3A_1472 : vector<16xf32> to vector<16xi32>
        %shift_right_arithmetic3A_1474 = arith.constant 1 : i32
        %shift_right_arithmetic3A_1475 = vector.broadcast %shift_right_arithmetic3A_1474 : i32 to vector<16xi32>
        %shift_right_arithmetic3A_1476 = arith.shrsi %bitcast3A_1473, %shift_right_arithmetic3A_1475 : vector<16xi32>
        %sub3A_1477 = arith.constant 1597463007 : i32
        %sub3A_1478 = vector.broadcast %sub3A_1477 : i32 to vector<16xi32>
        %sub3A_1479 = arith.subi %sub3A_1478, %shift_right_arithmetic3A_1476 : vector<16xi32>
        %bitcast3A_1480 = vector.bitcast %sub3A_1479 : vector<16xi32> to vector<16xf32>
        %mul3A_1481 = arith.constant 5.000000e-01 : f32
        %mul3A_1482 = vector.broadcast %mul3A_1481 : f32 to vector<16xf32>
        %mul3A_1483 = arith.mulf %mul3A_1482, %add3A_1472 : vector<16xf32>
        %mul3A_1484 = arith.mulf %mul3A_1483, %bitcast3A_1480 : vector<16xf32>
        %mul3A_1485 = arith.mulf %mul3A_1484, %bitcast3A_1480 : vector<16xf32>
        %sub3A_1486 = arith.constant 1.500000e+00 : f32
        %sub3A_1487 = vector.broadcast %sub3A_1486 : f32 to vector<16xf32>
        %sub3A_1488 = arith.subf %sub3A_1487, %mul3A_1485 : vector<16xf32>
        %mul3A_1489 = arith.mulf %bitcast3A_1480, %sub3A_1488 : vector<16xf32>
        %mul3A_1490 = arith.mulf %mul3A_1483, %mul3A_1489 : vector<16xf32>
        %mul3A_1491 = arith.mulf %mul3A_1490, %mul3A_1489 : vector<16xf32>
        %sub3A_1492 = arith.constant 1.500000e+00 : f32
        %sub3A_1493 = vector.broadcast %sub3A_1492 : f32 to vector<16xf32>
        %sub3A_1494 = arith.subf %sub3A_1493, %mul3A_1491 : vector<16xf32>
        %mul3A_1495 = arith.mulf %mul3A_1489, %sub3A_1494 : vector<16xf32>
        %mul3A_1496 = arith.mulf %get3A_1443, %mul3A_1495 : vector<16xf32>
        %bitcast3A_1497 = vector.bitcast %get3A_1449 : vector<16xf32> to vector<16xi32>
        %lt3A_1498 = arith.constant 0 : i32
        %lt3A_1499 = vector.broadcast %lt3A_1498 : i32 to vector<16xi32>
        %lt3A_1500 = arith.cmpi slt, %and3A_21, %lt3A_1499 : vector<16xi32>
        %add3A_1501 = arith.constant 16 : i32
        %add3A_1502 = vector.broadcast %add3A_1501 : i32 to vector<16xi32>
        %add3A_1503 = arith.addi %and3A_21, %add3A_1502 : vector<16xi32>
        %select_n3A_1504 = arith.select %lt3A_1500, %add3A_1503, %and3A_21 : vector<16xi1>, vector<16xi32>
        %reshape3A_1505 = vector.shape_cast %select_n3A_1504 : vector<16xi32> to vector<16x1xi32>
        %gather3A_1506 = vector.shape_cast %reshape3A_1505 : vector<16x1xi32> to vector<16xi32>
        %gather3A_1507 = tpu.dynamic_gather %bitcast3A_1497[%gather3A_1506] in [0] : vector<16xi32>, vector<16xi32> -> vector<16xi32>
        %xor3A_1508 = arith.xori %gather3A_1507, %select_n3A : vector<16xi32>
        %bitcast3A_1509 = vector.bitcast %xor3A_1508 : vector<16xi32> to vector<16xf32>
        %lt3A_1510 = arith.constant 0 : i32
        %lt3A_1511 = vector.broadcast %lt3A_1510 : i32 to vector<16xi32>
        %lt3A_1512 = arith.cmpi slt, %or3A_23, %lt3A_1511 : vector<16xi32>
        %add3A_1513 = arith.constant 16 : i32
        %add3A_1514 = vector.broadcast %add3A_1513 : i32 to vector<16xi32>
        %add3A_1515 = arith.addi %or3A_23, %add3A_1514 : vector<16xi32>
        %select_n3A_1516 = arith.select %lt3A_1512, %add3A_1515, %or3A_23 : vector<16xi1>, vector<16xi32>
        %reshape3A_1517 = vector.shape_cast %select_n3A_1516 : vector<16xi32> to vector<16x1xi32>
        %gather3A_1518 = vector.shape_cast %reshape3A_1517 : vector<16x1xi32> to vector<16xi32>
        %gather3A_1519 = tpu.dynamic_gather %bitcast3A_1497[%gather3A_1518] in [0] : vector<16xi32>, vector<16xi32> -> vector<16xi32>
        %xor3A_1520 = arith.xori %gather3A_1519, %select_n3A_38 : vector<16xi32>
        %bitcast3A_1521 = vector.bitcast %xor3A_1520 : vector<16xi32> to vector<16xf32>
        %lt3A_1522 = arith.constant 0 : i32
        %lt3A_1523 = vector.broadcast %lt3A_1522 : i32 to vector<16xi32>
        %lt3A_1524 = arith.cmpi slt, %or3A_26, %lt3A_1523 : vector<16xi32>
        %add3A_1525 = arith.constant 16 : i32
        %add3A_1526 = vector.broadcast %add3A_1525 : i32 to vector<16xi32>
        %add3A_1527 = arith.addi %or3A_26, %add3A_1526 : vector<16xi32>
        %select_n3A_1528 = arith.select %lt3A_1524, %add3A_1527, %or3A_26 : vector<16xi1>, vector<16xi32>
        %reshape3A_1529 = vector.shape_cast %select_n3A_1528 : vector<16xi32> to vector<16x1xi32>
        %gather3A_1530 = vector.shape_cast %reshape3A_1529 : vector<16x1xi32> to vector<16xi32>
        %gather3A_1531 = tpu.dynamic_gather %bitcast3A_1497[%gather3A_1530] in [0] : vector<16xi32>, vector<16xi32> -> vector<16xi32>
        %xor3A_1532 = arith.xori %gather3A_1531, %select_n3A_44 : vector<16xi32>
        %bitcast3A_1533 = vector.bitcast %xor3A_1532 : vector<16xi32> to vector<16xf32>
        %lt3A_1534 = arith.constant 0 : i32
        %lt3A_1535 = vector.broadcast %lt3A_1534 : i32 to vector<16xi32>
        %lt3A_1536 = arith.cmpi slt, %or3A_29, %lt3A_1535 : vector<16xi32>
        %add3A_1537 = arith.constant 16 : i32
        %add3A_1538 = vector.broadcast %add3A_1537 : i32 to vector<16xi32>
        %add3A_1539 = arith.addi %or3A_29, %add3A_1538 : vector<16xi32>
        %select_n3A_1540 = arith.select %lt3A_1536, %add3A_1539, %or3A_29 : vector<16xi1>, vector<16xi32>
        %reshape3A_1541 = vector.shape_cast %select_n3A_1540 : vector<16xi32> to vector<16x1xi32>
        %gather3A_1542 = vector.shape_cast %reshape3A_1541 : vector<16x1xi32> to vector<16xi32>
        %gather3A_1543 = tpu.dynamic_gather %bitcast3A_1497[%gather3A_1542] in [0] : vector<16xi32>, vector<16xi32> -> vector<16xi32>
        %xor3A_1544 = arith.xori %gather3A_1543, %select_n3A_50 : vector<16xi32>
        %bitcast3A_1545 = vector.bitcast %xor3A_1544 : vector<16xi32> to vector<16xf32>
        %mul3A_1546 = arith.mulf %get3A_1446, %bitcast3A_1509 : vector<16xf32>
        %lt3A_1547 = arith.constant 0 : i32
        %lt3A_1548 = vector.broadcast %lt3A_1547 : i32 to vector<16xi32>
        %lt3A_1549 = arith.cmpi slt, %xor3A_6, %lt3A_1548 : vector<16xi32>
        %add3A_1550 = arith.constant 16 : i32
        %add3A_1551 = vector.broadcast %add3A_1550 : i32 to vector<16xi32>
        %add3A_1552 = arith.addi %xor3A_6, %add3A_1551 : vector<16xi32>
        %select_n3A_1553 = arith.select %lt3A_1549, %add3A_1552, %xor3A_6 : vector<16xi1>, vector<16xi32>
        %reshape3A_1554 = vector.shape_cast %select_n3A_1553 : vector<16xi32> to vector<16x1xi32>
        %gather3A_1555 = vector.shape_cast %reshape3A_1554 : vector<16x1xi32> to vector<16xi32>
        %gather3A_1556 = tpu.dynamic_gather %get3A_1446[%gather3A_1555] in [0] : vector<16xf32>, vector<16xi32> -> vector<16xf32>
        %mul3A_1557 = arith.mulf %gather3A_1556, %bitcast3A_1521 : vector<16xf32>
        %add3A_1558 = arith.addf %mul3A_1546, %mul3A_1557 : vector<16xf32>
        %lt3A_1559 = arith.constant 0 : i32
        %lt3A_1560 = vector.broadcast %lt3A_1559 : i32 to vector<16xi32>
        %lt3A_1561 = arith.cmpi slt, %xor3A_9, %lt3A_1560 : vector<16xi32>
        %add3A_1562 = arith.constant 16 : i32
        %add3A_1563 = vector.broadcast %add3A_1562 : i32 to vector<16xi32>
        %add3A_1564 = arith.addi %xor3A_9, %add3A_1563 : vector<16xi32>
        %select_n3A_1565 = arith.select %lt3A_1561, %add3A_1564, %xor3A_9 : vector<16xi1>, vector<16xi32>
        %reshape3A_1566 = vector.shape_cast %select_n3A_1565 : vector<16xi32> to vector<16x1xi32>
        %gather3A_1567 = vector.shape_cast %reshape3A_1566 : vector<16x1xi32> to vector<16xi32>
        %gather3A_1568 = tpu.dynamic_gather %get3A_1446[%gather3A_1567] in [0] : vector<16xf32>, vector<16xi32> -> vector<16xf32>
        %mul3A_1569 = arith.mulf %gather3A_1568, %bitcast3A_1533 : vector<16xf32>
        %add3A_1570 = arith.addf %add3A_1558, %mul3A_1569 : vector<16xf32>
        %lt3A_1571 = arith.constant 0 : i32
        %lt3A_1572 = vector.broadcast %lt3A_1571 : i32 to vector<16xi32>
        %lt3A_1573 = arith.cmpi slt, %xor3A_12, %lt3A_1572 : vector<16xi32>
        %add3A_1574 = arith.constant 16 : i32
        %add3A_1575 = vector.broadcast %add3A_1574 : i32 to vector<16xi32>
        %add3A_1576 = arith.addi %xor3A_12, %add3A_1575 : vector<16xi32>
        %select_n3A_1577 = arith.select %lt3A_1573, %add3A_1576, %xor3A_12 : vector<16xi1>, vector<16xi32>
        %reshape3A_1578 = vector.shape_cast %select_n3A_1577 : vector<16xi32> to vector<16x1xi32>
        %gather3A_1579 = vector.shape_cast %reshape3A_1578 : vector<16x1xi32> to vector<16xi32>
        %gather3A_1580 = tpu.dynamic_gather %get3A_1446[%gather3A_1579] in [0] : vector<16xf32>, vector<16xi32> -> vector<16xf32>
        %mul3A_1581 = arith.mulf %gather3A_1580, %bitcast3A_1545 : vector<16xf32>
        %add3A_1582 = arith.addf %add3A_1570, %mul3A_1581 : vector<16xf32>
        %mul3A_1583 = arith.mulf %mul3A_1496, %add3A_1582 : vector<16xf32>
        %add3A_1584 = arith.addf %add3A_1440, %mul3A_1583 : vector<16xf32>
        %get3A_1585 = arith.index_cast %add3A_1294 : i32 to index
        %get3A_1586 = arith.constant 32 : index
        %get3A_1587 = tpu.vector_load %arg11[%get3A_1585, %get3A_1586] {strides = array<i32>} : memref<128x128xf32, #tpu.memory_space<vmem>>, vector<16xf32>,
        %get3A_1588 = arith.index_cast %add3A_1294 : i32 to index
        %get3A_1589 = arith.constant 32 : index
        %get3A_1590 = tpu.vector_load %arg12[%get3A_1588, %get3A_1589] {strides = array<i32>} : memref<128x128xf32, #tpu.memory_space<vmem>>, vector<16xf32>,
        %get3A_1591 = arith.index_cast %add3A_1294 : i32 to index
        %get3A_1592 = arith.constant 32 : index
        %get3A_1593 = tpu.vector_load %arg13[%get3A_1591, %get3A_1592] {strides = array<i32>} : memref<128x128xf32, #tpu.memory_space<vmem>>, vector<16xf32>,
        %mul3A_1594 = arith.mulf %get3A_1590, %get3A_1590 : vector<16xf32>
        %lt3A_1595 = arith.constant 0 : i32
        %lt3A_1596 = vector.broadcast %lt3A_1595 : i32 to vector<16xi32>
        %lt3A_1597 = arith.cmpi slt, %xor3A_6, %lt3A_1596 : vector<16xi32>
        %add3A_1598 = arith.constant 16 : i32
        %add3A_1599 = vector.broadcast %add3A_1598 : i32 to vector<16xi32>
        %add3A_1600 = arith.addi %xor3A_6, %add3A_1599 : vector<16xi32>
        %select_n3A_1601 = arith.select %lt3A_1597, %add3A_1600, %xor3A_6 : vector<16xi1>, vector<16xi32>
        %reshape3A_1602 = vector.shape_cast %select_n3A_1601 : vector<16xi32> to vector<16x1xi32>
        %gather3A_1603 = vector.shape_cast %reshape3A_1602 : vector<16x1xi32> to vector<16xi32>
        %gather3A_1604 = tpu.dynamic_gather %mul3A_1594[%gather3A_1603] in [0] : vector<16xf32>, vector<16xi32> -> vector<16xf32>
        %add3A_1605 = arith.addf %mul3A_1594, %gather3A_1604 : vector<16xf32>
        %lt3A_1606 = arith.constant 0 : i32
        %lt3A_1607 = vector.broadcast %lt3A_1606 : i32 to vector<16xi32>
        %lt3A_1608 = arith.cmpi slt, %xor3A_9, %lt3A_1607 : vector<16xi32>
        %add3A_1609 = arith.constant 16 : i32
        %add3A_1610 = vector.broadcast %add3A_1609 : i32 to vector<16xi32>
        %add3A_1611 = arith.addi %xor3A_9, %add3A_1610 : vector<16xi32>
        %select_n3A_1612 = arith.select %lt3A_1608, %add3A_1611, %xor3A_9 : vector<16xi1>, vector<16xi32>
        %reshape3A_1613 = vector.shape_cast %select_n3A_1612 : vector<16xi32> to vector<16x1xi32>
        %gather3A_1614 = vector.shape_cast %reshape3A_1613 : vector<16x1xi32> to vector<16xi32>
        %gather3A_1615 = tpu.dynamic_gather %add3A_1605[%gather3A_1614] in [0] : vector<16xf32>, vector<16xi32> -> vector<16xf32>
        %add3A_1616 = arith.addf %add3A_1605, %gather3A_1615 : vector<16xf32>
        %bitcast3A_1617 = vector.bitcast %add3A_1616 : vector<16xf32> to vector<16xi32>
        %shift_right_arithmetic3A_1618 = arith.constant 1 : i32
        %shift_right_arithmetic3A_1619 = vector.broadcast %shift_right_arithmetic3A_1618 : i32 to vector<16xi32>
        %shift_right_arithmetic3A_1620 = arith.shrsi %bitcast3A_1617, %shift_right_arithmetic3A_1619 : vector<16xi32>
        %sub3A_1621 = arith.constant 1597463007 : i32
        %sub3A_1622 = vector.broadcast %sub3A_1621 : i32 to vector<16xi32>
        %sub3A_1623 = arith.subi %sub3A_1622, %shift_right_arithmetic3A_1620 : vector<16xi32>
        %bitcast3A_1624 = vector.bitcast %sub3A_1623 : vector<16xi32> to vector<16xf32>
        %mul3A_1625 = arith.constant 5.000000e-01 : f32
        %mul3A_1626 = vector.broadcast %mul3A_1625 : f32 to vector<16xf32>
        %mul3A_1627 = arith.mulf %mul3A_1626, %add3A_1616 : vector<16xf32>
        %mul3A_1628 = arith.mulf %mul3A_1627, %bitcast3A_1624 : vector<16xf32>
        %mul3A_1629 = arith.mulf %mul3A_1628, %bitcast3A_1624 : vector<16xf32>
        %sub3A_1630 = arith.constant 1.500000e+00 : f32
        %sub3A_1631 = vector.broadcast %sub3A_1630 : f32 to vector<16xf32>
        %sub3A_1632 = arith.subf %sub3A_1631, %mul3A_1629 : vector<16xf32>
        %mul3A_1633 = arith.mulf %bitcast3A_1624, %sub3A_1632 : vector<16xf32>
        %mul3A_1634 = arith.mulf %mul3A_1627, %mul3A_1633 : vector<16xf32>
        %mul3A_1635 = arith.mulf %mul3A_1634, %mul3A_1633 : vector<16xf32>
        %sub3A_1636 = arith.constant 1.500000e+00 : f32
        %sub3A_1637 = vector.broadcast %sub3A_1636 : f32 to vector<16xf32>
        %sub3A_1638 = arith.subf %sub3A_1637, %mul3A_1635 : vector<16xf32>
        %mul3A_1639 = arith.mulf %mul3A_1633, %sub3A_1638 : vector<16xf32>
        %mul3A_1640 = arith.mulf %get3A_1587, %mul3A_1639 : vector<16xf32>
        %bitcast3A_1641 = vector.bitcast %get3A_1593 : vector<16xf32> to vector<16xi32>
        %lt3A_1642 = arith.constant 0 : i32
        %lt3A_1643 = vector.broadcast %lt3A_1642 : i32 to vector<16xi32>
        %lt3A_1644 = arith.cmpi slt, %and3A_21, %lt3A_1643 : vector<16xi32>
        %add3A_1645 = arith.constant 16 : i32
        %add3A_1646 = vector.broadcast %add3A_1645 : i32 to vector<16xi32>
        %add3A_1647 = arith.addi %and3A_21, %add3A_1646 : vector<16xi32>
        %select_n3A_1648 = arith.select %lt3A_1644, %add3A_1647, %and3A_21 : vector<16xi1>, vector<16xi32>
        %reshape3A_1649 = vector.shape_cast %select_n3A_1648 : vector<16xi32> to vector<16x1xi32>
        %gather3A_1650 = vector.shape_cast %reshape3A_1649 : vector<16x1xi32> to vector<16xi32>
        %gather3A_1651 = tpu.dynamic_gather %bitcast3A_1641[%gather3A_1650] in [0] : vector<16xi32>, vector<16xi32> -> vector<16xi32>
        %xor3A_1652 = arith.xori %gather3A_1651, %select_n3A : vector<16xi32>
        %bitcast3A_1653 = vector.bitcast %xor3A_1652 : vector<16xi32> to vector<16xf32>
        %lt3A_1654 = arith.constant 0 : i32
        %lt3A_1655 = vector.broadcast %lt3A_1654 : i32 to vector<16xi32>
        %lt3A_1656 = arith.cmpi slt, %or3A_23, %lt3A_1655 : vector<16xi32>
        %add3A_1657 = arith.constant 16 : i32
        %add3A_1658 = vector.broadcast %add3A_1657 : i32 to vector<16xi32>
        %add3A_1659 = arith.addi %or3A_23, %add3A_1658 : vector<16xi32>
        %select_n3A_1660 = arith.select %lt3A_1656, %add3A_1659, %or3A_23 : vector<16xi1>, vector<16xi32>
        %reshape3A_1661 = vector.shape_cast %select_n3A_1660 : vector<16xi32> to vector<16x1xi32>
        %gather3A_1662 = vector.shape_cast %reshape3A_1661 : vector<16x1xi32> to vector<16xi32>
        %gather3A_1663 = tpu.dynamic_gather %bitcast3A_1641[%gather3A_1662] in [0] : vector<16xi32>, vector<16xi32> -> vector<16xi32>
        %xor3A_1664 = arith.xori %gather3A_1663, %select_n3A_38 : vector<16xi32>
        %bitcast3A_1665 = vector.bitcast %xor3A_1664 : vector<16xi32> to vector<16xf32>
        %lt3A_1666 = arith.constant 0 : i32
        %lt3A_1667 = vector.broadcast %lt3A_1666 : i32 to vector<16xi32>
        %lt3A_1668 = arith.cmpi slt, %or3A_26, %lt3A_1667 : vector<16xi32>
        %add3A_1669 = arith.constant 16 : i32
        %add3A_1670 = vector.broadcast %add3A_1669 : i32 to vector<16xi32>
        %add3A_1671 = arith.addi %or3A_26, %add3A_1670 : vector<16xi32>
        %select_n3A_1672 = arith.select %lt3A_1668, %add3A_1671, %or3A_26 : vector<16xi1>, vector<16xi32>
        %reshape3A_1673 = vector.shape_cast %select_n3A_1672 : vector<16xi32> to vector<16x1xi32>
        %gather3A_1674 = vector.shape_cast %reshape3A_1673 : vector<16x1xi32> to vector<16xi32>
        %gather3A_1675 = tpu.dynamic_gather %bitcast3A_1641[%gather3A_1674] in [0] : vector<16xi32>, vector<16xi32> -> vector<16xi32>
        %xor3A_1676 = arith.xori %gather3A_1675, %select_n3A_44 : vector<16xi32>
        %bitcast3A_1677 = vector.bitcast %xor3A_1676 : vector<16xi32> to vector<16xf32>
        %lt3A_1678 = arith.constant 0 : i32
        %lt3A_1679 = vector.broadcast %lt3A_1678 : i32 to vector<16xi32>
        %lt3A_1680 = arith.cmpi slt, %or3A_29, %lt3A_1679 : vector<16xi32>
        %add3A_1681 = arith.constant 16 : i32
        %add3A_1682 = vector.broadcast %add3A_1681 : i32 to vector<16xi32>
        %add3A_1683 = arith.addi %or3A_29, %add3A_1682 : vector<16xi32>
        %select_n3A_1684 = arith.select %lt3A_1680, %add3A_1683, %or3A_29 : vector<16xi1>, vector<16xi32>
        %reshape3A_1685 = vector.shape_cast %select_n3A_1684 : vector<16xi32> to vector<16x1xi32>
        %gather3A_1686 = vector.shape_cast %reshape3A_1685 : vector<16x1xi32> to vector<16xi32>
        %gather3A_1687 = tpu.dynamic_gather %bitcast3A_1641[%gather3A_1686] in [0] : vector<16xi32>, vector<16xi32> -> vector<16xi32>
        %xor3A_1688 = arith.xori %gather3A_1687, %select_n3A_50 : vector<16xi32>
        %bitcast3A_1689 = vector.bitcast %xor3A_1688 : vector<16xi32> to vector<16xf32>
        %mul3A_1690 = arith.mulf %get3A_1590, %bitcast3A_1653 : vector<16xf32>
        %lt3A_1691 = arith.constant 0 : i32
        %lt3A_1692 = vector.broadcast %lt3A_1691 : i32 to vector<16xi32>
        %lt3A_1693 = arith.cmpi slt, %xor3A_6, %lt3A_1692 : vector<16xi32>
        %add3A_1694 = arith.constant 16 : i32
        %add3A_1695 = vector.broadcast %add3A_1694 : i32 to vector<16xi32>
        %add3A_1696 = arith.addi %xor3A_6, %add3A_1695 : vector<16xi32>
        %select_n3A_1697 = arith.select %lt3A_1693, %add3A_1696, %xor3A_6 : vector<16xi1>, vector<16xi32>
        %reshape3A_1698 = vector.shape_cast %select_n3A_1697 : vector<16xi32> to vector<16x1xi32>
        %gather3A_1699 = vector.shape_cast %reshape3A_1698 : vector<16x1xi32> to vector<16xi32>
        %gather3A_1700 = tpu.dynamic_gather %get3A_1590[%gather3A_1699] in [0] : vector<16xf32>, vector<16xi32> -> vector<16xf32>
        %mul3A_1701 = arith.mulf %gather3A_1700, %bitcast3A_1665 : vector<16xf32>
        %add3A_1702 = arith.addf %mul3A_1690, %mul3A_1701 : vector<16xf32>
        %lt3A_1703 = arith.constant 0 : i32
        %lt3A_1704 = vector.broadcast %lt3A_1703 : i32 to vector<16xi32>
        %lt3A_1705 = arith.cmpi slt, %xor3A_9, %lt3A_1704 : vector<16xi32>
        %add3A_1706 = arith.constant 16 : i32
        %add3A_1707 = vector.broadcast %add3A_1706 : i32 to vector<16xi32>
        %add3A_1708 = arith.addi %xor3A_9, %add3A_1707 : vector<16xi32>
        %select_n3A_1709 = arith.select %lt3A_1705, %add3A_1708, %xor3A_9 : vector<16xi1>, vector<16xi32>
        %reshape3A_1710 = vector.shape_cast %select_n3A_1709 : vector<16xi32> to vector<16x1xi32>
        %gather3A_1711 = vector.shape_cast %reshape3A_1710 : vector<16x1xi32> to vector<16xi32>
        %gather3A_1712 = tpu.dynamic_gather %get3A_1590[%gather3A_1711] in [0] : vector<16xf32>, vector<16xi32> -> vector<16xf32>
        %mul3A_1713 = arith.mulf %gather3A_1712, %bitcast3A_1677 : vector<16xf32>
        %add3A_1714 = arith.addf %add3A_1702, %mul3A_1713 : vector<16xf32>
        %lt3A_1715 = arith.constant 0 : i32
        %lt3A_1716 = vector.broadcast %lt3A_1715 : i32 to vector<16xi32>
        %lt3A_1717 = arith.cmpi slt, %xor3A_12, %lt3A_1716 : vector<16xi32>
        %add3A_1718 = arith.constant 16 : i32
        %add3A_1719 = vector.broadcast %add3A_1718 : i32 to vector<16xi32>
        %add3A_1720 = arith.addi %xor3A_12, %add3A_1719 : vector<16xi32>
        %select_n3A_1721 = arith.select %lt3A_1717, %add3A_1720, %xor3A_12 : vector<16xi1>, vector<16xi32>
        %reshape3A_1722 = vector.shape_cast %select_n3A_1721 : vector<16xi32> to vector<16x1xi32>
        %gather3A_1723 = vector.shape_cast %reshape3A_1722 : vector<16x1xi32> to vector<16xi32>
        %gather3A_1724 = tpu.dynamic_gather %get3A_1590[%gather3A_1723] in [0] : vector<16xf32>, vector<16xi32> -> vector<16xf32>
        %mul3A_1725 = arith.mulf %gather3A_1724, %bitcast3A_1689 : vector<16xf32>
        %add3A_1726 = arith.addf %add3A_1714, %mul3A_1725 : vector<16xf32>
        %mul3A_1727 = arith.mulf %mul3A_1640, %add3A_1726 : vector<16xf32>
        %add3A_1728 = arith.addf %add3A_1584, %mul3A_1727 : vector<16xf32>
        %get3A_1729 = arith.index_cast %add3A_1294 : i32 to index
        %get3A_1730 = arith.constant 48 : index
        %get3A_1731 = tpu.vector_load %arg11[%get3A_1729, %get3A_1730] {strides = array<i32>} : memref<128x128xf32, #tpu.memory_space<vmem>>, vector<16xf32>,
        %get3A_1732 = arith.index_cast %add3A_1294 : i32 to index
        %get3A_1733 = arith.constant 48 : index
        %get3A_1734 = tpu.vector_load %arg12[%get3A_1732, %get3A_1733] {strides = array<i32>} : memref<128x128xf32, #tpu.memory_space<vmem>>, vector<16xf32>,
        %get3A_1735 = arith.index_cast %add3A_1294 : i32 to index
        %get3A_1736 = arith.constant 48 : index
        %get3A_1737 = tpu.vector_load %arg13[%get3A_1735, %get3A_1736] {strides = array<i32>} : memref<128x128xf32, #tpu.memory_space<vmem>>, vector<16xf32>,
        %mul3A_1738 = arith.mulf %get3A_1734, %get3A_1734 : vector<16xf32>
        %lt3A_1739 = arith.constant 0 : i32
        %lt3A_1740 = vector.broadcast %lt3A_1739 : i32 to vector<16xi32>
        %lt3A_1741 = arith.cmpi slt, %xor3A_6, %lt3A_1740 : vector<16xi32>
        %add3A_1742 = arith.constant 16 : i32
        %add3A_1743 = vector.broadcast %add3A_1742 : i32 to vector<16xi32>
        %add3A_1744 = arith.addi %xor3A_6, %add3A_1743 : vector<16xi32>
        %select_n3A_1745 = arith.select %lt3A_1741, %add3A_1744, %xor3A_6 : vector<16xi1>, vector<16xi32>
        %reshape3A_1746 = vector.shape_cast %select_n3A_1745 : vector<16xi32> to vector<16x1xi32>
        %gather3A_1747 = vector.shape_cast %reshape3A_1746 : vector<16x1xi32> to vector<16xi32>
        %gather3A_1748 = tpu.dynamic_gather %mul3A_1738[%gather3A_1747] in [0] : vector<16xf32>, vector<16xi32> -> vector<16xf32>
        %add3A_1749 = arith.addf %mul3A_1738, %gather3A_1748 : vector<16xf32>
        %lt3A_1750 = arith.constant 0 : i32
        %lt3A_1751 = vector.broadcast %lt3A_1750 : i32 to vector<16xi32>
        %lt3A_1752 = arith.cmpi slt, %xor3A_9, %lt3A_1751 : vector<16xi32>
        %add3A_1753 = arith.constant 16 : i32
        %add3A_1754 = vector.broadcast %add3A_1753 : i32 to vector<16xi32>
        %add3A_1755 = arith.addi %xor3A_9, %add3A_1754 : vector<16xi32>
        %select_n3A_1756 = arith.select %lt3A_1752, %add3A_1755, %xor3A_9 : vector<16xi1>, vector<16xi32>
        %reshape3A_1757 = vector.shape_cast %select_n3A_1756 : vector<16xi32> to vector<16x1xi32>
        %gather3A_1758 = vector.shape_cast %reshape3A_1757 : vector<16x1xi32> to vector<16xi32>
        %gather3A_1759 = tpu.dynamic_gather %add3A_1749[%gather3A_1758] in [0] : vector<16xf32>, vector<16xi32> -> vector<16xf32>
        %add3A_1760 = arith.addf %add3A_1749, %gather3A_1759 : vector<16xf32>
        %bitcast3A_1761 = vector.bitcast %add3A_1760 : vector<16xf32> to vector<16xi32>
        %shift_right_arithmetic3A_1762 = arith.constant 1 : i32
        %shift_right_arithmetic3A_1763 = vector.broadcast %shift_right_arithmetic3A_1762 : i32 to vector<16xi32>
        %shift_right_arithmetic3A_1764 = arith.shrsi %bitcast3A_1761, %shift_right_arithmetic3A_1763 : vector<16xi32>
        %sub3A_1765 = arith.constant 1597463007 : i32
        %sub3A_1766 = vector.broadcast %sub3A_1765 : i32 to vector<16xi32>
        %sub3A_1767 = arith.subi %sub3A_1766, %shift_right_arithmetic3A_1764 : vector<16xi32>
        %bitcast3A_1768 = vector.bitcast %sub3A_1767 : vector<16xi32> to vector<16xf32>
        %mul3A_1769 = arith.constant 5.000000e-01 : f32
        %mul3A_1770 = vector.broadcast %mul3A_1769 : f32 to vector<16xf32>
        %mul3A_1771 = arith.mulf %mul3A_1770, %add3A_1760 : vector<16xf32>
        %mul3A_1772 = arith.mulf %mul3A_1771, %bitcast3A_1768 : vector<16xf32>
        %mul3A_1773 = arith.mulf %mul3A_1772, %bitcast3A_1768 : vector<16xf32>
        %sub3A_1774 = arith.constant 1.500000e+00 : f32
        %sub3A_1775 = vector.broadcast %sub3A_1774 : f32 to vector<16xf32>
        %sub3A_1776 = arith.subf %sub3A_1775, %mul3A_1773 : vector<16xf32>
        %mul3A_1777 = arith.mulf %bitcast3A_1768, %sub3A_1776 : vector<16xf32>
        %mul3A_1778 = arith.mulf %mul3A_1771, %mul3A_1777 : vector<16xf32>
        %mul3A_1779 = arith.mulf %mul3A_1778, %mul3A_1777 : vector<16xf32>
        %sub3A_1780 = arith.constant 1.500000e+00 : f32
        %sub3A_1781 = vector.broadcast %sub3A_1780 : f32 to vector<16xf32>
        %sub3A_1782 = arith.subf %sub3A_1781, %mul3A_1779 : vector<16xf32>
        %mul3A_1783 = arith.mulf %mul3A_1777, %sub3A_1782 : vector<16xf32>
        %mul3A_1784 = arith.mulf %get3A_1731, %mul3A_1783 : vector<16xf32>
        %bitcast3A_1785 = vector.bitcast %get3A_1737 : vector<16xf32> to vector<16xi32>
        %lt3A_1786 = arith.constant 0 : i32
        %lt3A_1787 = vector.broadcast %lt3A_1786 : i32 to vector<16xi32>
        %lt3A_1788 = arith.cmpi slt, %and3A_21, %lt3A_1787 : vector<16xi32>
        %add3A_1789 = arith.constant 16 : i32
        %add3A_1790 = vector.broadcast %add3A_1789 : i32 to vector<16xi32>
        %add3A_1791 = arith.addi %and3A_21, %add3A_1790 : vector<16xi32>
        %select_n3A_1792 = arith.select %lt3A_1788, %add3A_1791, %and3A_21 : vector<16xi1>, vector<16xi32>
        %reshape3A_1793 = vector.shape_cast %select_n3A_1792 : vector<16xi32> to vector<16x1xi32>
        %gather3A_1794 = vector.shape_cast %reshape3A_1793 : vector<16x1xi32> to vector<16xi32>
        %gather3A_1795 = tpu.dynamic_gather %bitcast3A_1785[%gather3A_1794] in [0] : vector<16xi32>, vector<16xi32> -> vector<16xi32>
        %xor3A_1796 = arith.xori %gather3A_1795, %select_n3A : vector<16xi32>
        %bitcast3A_1797 = vector.bitcast %xor3A_1796 : vector<16xi32> to vector<16xf32>
        %lt3A_1798 = arith.constant 0 : i32
        %lt3A_1799 = vector.broadcast %lt3A_1798 : i32 to vector<16xi32>
        %lt3A_1800 = arith.cmpi slt, %or3A_23, %lt3A_1799 : vector<16xi32>
        %add3A_1801 = arith.constant 16 : i32
        %add3A_1802 = vector.broadcast %add3A_1801 : i32 to vector<16xi32>
        %add3A_1803 = arith.addi %or3A_23, %add3A_1802 : vector<16xi32>
        %select_n3A_1804 = arith.select %lt3A_1800, %add3A_1803, %or3A_23 : vector<16xi1>, vector<16xi32>
        %reshape3A_1805 = vector.shape_cast %select_n3A_1804 : vector<16xi32> to vector<16x1xi32>
        %gather3A_1806 = vector.shape_cast %reshape3A_1805 : vector<16x1xi32> to vector<16xi32>
        %gather3A_1807 = tpu.dynamic_gather %bitcast3A_1785[%gather3A_1806] in [0] : vector<16xi32>, vector<16xi32> -> vector<16xi32>
        %xor3A_1808 = arith.xori %gather3A_1807, %select_n3A_38 : vector<16xi32>
        %bitcast3A_1809 = vector.bitcast %xor3A_1808 : vector<16xi32> to vector<16xf32>
        %lt3A_1810 = arith.constant 0 : i32
        %lt3A_1811 = vector.broadcast %lt3A_1810 : i32 to vector<16xi32>
        %lt3A_1812 = arith.cmpi slt, %or3A_26, %lt3A_1811 : vector<16xi32>
        %add3A_1813 = arith.constant 16 : i32
        %add3A_1814 = vector.broadcast %add3A_1813 : i32 to vector<16xi32>
        %add3A_1815 = arith.addi %or3A_26, %add3A_1814 : vector<16xi32>
        %select_n3A_1816 = arith.select %lt3A_1812, %add3A_1815, %or3A_26 : vector<16xi1>, vector<16xi32>
        %reshape3A_1817 = vector.shape_cast %select_n3A_1816 : vector<16xi32> to vector<16x1xi32>
        %gather3A_1818 = vector.shape_cast %reshape3A_1817 : vector<16x1xi32> to vector<16xi32>
        %gather3A_1819 = tpu.dynamic_gather %bitcast3A_1785[%gather3A_1818] in [0] : vector<16xi32>, vector<16xi32> -> vector<16xi32>
        %xor3A_1820 = arith.xori %gather3A_1819, %select_n3A_44 : vector<16xi32>
        %bitcast3A_1821 = vector.bitcast %xor3A_1820 : vector<16xi32> to vector<16xf32>
        %lt3A_1822 = arith.constant 0 : i32
        %lt3A_1823 = vector.broadcast %lt3A_1822 : i32 to vector<16xi32>
        %lt3A_1824 = arith.cmpi slt, %or3A_29, %lt3A_1823 : vector<16xi32>
        %add3A_1825 = arith.constant 16 : i32
        %add3A_1826 = vector.broadcast %add3A_1825 : i32 to vector<16xi32>
        %add3A_1827 = arith.addi %or3A_29, %add3A_1826 : vector<16xi32>
        %select_n3A_1828 = arith.select %lt3A_1824, %add3A_1827, %or3A_29 : vector<16xi1>, vector<16xi32>
        %reshape3A_1829 = vector.shape_cast %select_n3A_1828 : vector<16xi32> to vector<16x1xi32>
        %gather3A_1830 = vector.shape_cast %reshape3A_1829 : vector<16x1xi32> to vector<16xi32>
        %gather3A_1831 = tpu.dynamic_gather %bitcast3A_1785[%gather3A_1830] in [0] : vector<16xi32>, vector<16xi32> -> vector<16xi32>
        %xor3A_1832 = arith.xori %gather3A_1831, %select_n3A_50 : vector<16xi32>
        %bitcast3A_1833 = vector.bitcast %xor3A_1832 : vector<16xi32> to vector<16xf32>
        %mul3A_1834 = arith.mulf %get3A_1734, %bitcast3A_1797 : vector<16xf32>
        %lt3A_1835 = arith.constant 0 : i32
        %lt3A_1836 = vector.broadcast %lt3A_1835 : i32 to vector<16xi32>
        %lt3A_1837 = arith.cmpi slt, %xor3A_6, %lt3A_1836 : vector<16xi32>
        %add3A_1838 = arith.constant 16 : i32
        %add3A_1839 = vector.broadcast %add3A_1838 : i32 to vector<16xi32>
        %add3A_1840 = arith.addi %xor3A_6, %add3A_1839 : vector<16xi32>
        %select_n3A_1841 = arith.select %lt3A_1837, %add3A_1840, %xor3A_6 : vector<16xi1>, vector<16xi32>
        %reshape3A_1842 = vector.shape_cast %select_n3A_1841 : vector<16xi32> to vector<16x1xi32>
        %gather3A_1843 = vector.shape_cast %reshape3A_1842 : vector<16x1xi32> to vector<16xi32>
        %gather3A_1844 = tpu.dynamic_gather %get3A_1734[%gather3A_1843] in [0] : vector<16xf32>, vector<16xi32> -> vector<16xf32>
        %mul3A_1845 = arith.mulf %gather3A_1844, %bitcast3A_1809 : vector<16xf32>
        %add3A_1846 = arith.addf %mul3A_1834, %mul3A_1845 : vector<16xf32>
        %lt3A_1847 = arith.constant 0 : i32
        %lt3A_1848 = vector.broadcast %lt3A_1847 : i32 to vector<16xi32>
        %lt3A_1849 = arith.cmpi slt, %xor3A_9, %lt3A_1848 : vector<16xi32>
        %add3A_1850 = arith.constant 16 : i32
        %add3A_1851 = vector.broadcast %add3A_1850 : i32 to vector<16xi32>
        %add3A_1852 = arith.addi %xor3A_9, %add3A_1851 : vector<16xi32>
        %select_n3A_1853 = arith.select %lt3A_1849, %add3A_1852, %xor3A_9 : vector<16xi1>, vector<16xi32>
        %reshape3A_1854 = vector.shape_cast %select_n3A_1853 : vector<16xi32> to vector<16x1xi32>
        %gather3A_1855 = vector.shape_cast %reshape3A_1854 : vector<16x1xi32> to vector<16xi32>
        %gather3A_1856 = tpu.dynamic_gather %get3A_1734[%gather3A_1855] in [0] : vector<16xf32>, vector<16xi32> -> vector<16xf32>
        %mul3A_1857 = arith.mulf %gather3A_1856, %bitcast3A_1821 : vector<16xf32>
        %add3A_1858 = arith.addf %add3A_1846, %mul3A_1857 : vector<16xf32>
        %lt3A_1859 = arith.constant 0 : i32
        %lt3A_1860 = vector.broadcast %lt3A_1859 : i32 to vector<16xi32>
        %lt3A_1861 = arith.cmpi slt, %xor3A_12, %lt3A_1860 : vector<16xi32>
        %add3A_1862 = arith.constant 16 : i32
        %add3A_1863 = vector.broadcast %add3A_1862 : i32 to vector<16xi32>
        %add3A_1864 = arith.addi %xor3A_12, %add3A_1863 : vector<16xi32>
        %select_n3A_1865 = arith.select %lt3A_1861, %add3A_1864, %xor3A_12 : vector<16xi1>, vector<16xi32>
        %reshape3A_1866 = vector.shape_cast %select_n3A_1865 : vector<16xi32> to vector<16x1xi32>
        %gather3A_1867 = vector.shape_cast %reshape3A_1866 : vector<16x1xi32> to vector<16xi32>
        %gather3A_1868 = tpu.dynamic_gather %get3A_1734[%gather3A_1867] in [0] : vector<16xf32>, vector<16xi32> -> vector<16xf32>
        %mul3A_1869 = arith.mulf %gather3A_1868, %bitcast3A_1833 : vector<16xf32>
        %add3A_1870 = arith.addf %add3A_1858, %mul3A_1869 : vector<16xf32>
        %mul3A_1871 = arith.mulf %mul3A_1784, %add3A_1870 : vector<16xf32>
        %add3A_1872 = arith.addf %add3A_1728, %mul3A_1871 : vector<16xf32>
        %get3A_1873 = arith.index_cast %add3A_1294 : i32 to index
        %get3A_1874 = arith.constant 64 : index
        %get3A_1875 = tpu.vector_load %arg11[%get3A_1873, %get3A_1874] {strides = array<i32>} : memref<128x128xf32, #tpu.memory_space<vmem>>, vector<16xf32>,
        %get3A_1876 = arith.index_cast %add3A_1294 : i32 to index
        %get3A_1877 = arith.constant 64 : index
        %get3A_1878 = tpu.vector_load %arg12[%get3A_1876, %get3A_1877] {strides = array<i32>} : memref<128x128xf32, #tpu.memory_space<vmem>>, vector<16xf32>,
        %get3A_1879 = arith.index_cast %add3A_1294 : i32 to index
        %get3A_1880 = arith.constant 64 : index
        %get3A_1881 = tpu.vector_load %arg13[%get3A_1879, %get3A_1880] {strides = array<i32>} : memref<128x128xf32, #tpu.memory_space<vmem>>, vector<16xf32>,
        %mul3A_1882 = arith.mulf %get3A_1878, %get3A_1878 : vector<16xf32>
        %lt3A_1883 = arith.constant 0 : i32
        %lt3A_1884 = vector.broadcast %lt3A_1883 : i32 to vector<16xi32>
        %lt3A_1885 = arith.cmpi slt, %xor3A_6, %lt3A_1884 : vector<16xi32>
        %add3A_1886 = arith.constant 16 : i32
        %add3A_1887 = vector.broadcast %add3A_1886 : i32 to vector<16xi32>
        %add3A_1888 = arith.addi %xor3A_6, %add3A_1887 : vector<16xi32>
        %select_n3A_1889 = arith.select %lt3A_1885, %add3A_1888, %xor3A_6 : vector<16xi1>, vector<16xi32>
        %reshape3A_1890 = vector.shape_cast %select_n3A_1889 : vector<16xi32> to vector<16x1xi32>
        %gather3A_1891 = vector.shape_cast %reshape3A_1890 : vector<16x1xi32> to vector<16xi32>
        %gather3A_1892 = tpu.dynamic_gather %mul3A_1882[%gather3A_1891] in [0] : vector<16xf32>, vector<16xi32> -> vector<16xf32>
        %add3A_1893 = arith.addf %mul3A_1882, %gather3A_1892 : vector<16xf32>
        %lt3A_1894 = arith.constant 0 : i32
        %lt3A_1895 = vector.broadcast %lt3A_1894 : i32 to vector<16xi32>
        %lt3A_1896 = arith.cmpi slt, %xor3A_9, %lt3A_1895 : vector<16xi32>
        %add3A_1897 = arith.constant 16 : i32
        %add3A_1898 = vector.broadcast %add3A_1897 : i32 to vector<16xi32>
        %add3A_1899 = arith.addi %xor3A_9, %add3A_1898 : vector<16xi32>
        %select_n3A_1900 = arith.select %lt3A_1896, %add3A_1899, %xor3A_9 : vector<16xi1>, vector<16xi32>
        %reshape3A_1901 = vector.shape_cast %select_n3A_1900 : vector<16xi32> to vector<16x1xi32>
        %gather3A_1902 = vector.shape_cast %reshape3A_1901 : vector<16x1xi32> to vector<16xi32>
        %gather3A_1903 = tpu.dynamic_gather %add3A_1893[%gather3A_1902] in [0] : vector<16xf32>, vector<16xi32> -> vector<16xf32>
        %add3A_1904 = arith.addf %add3A_1893, %gather3A_1903 : vector<16xf32>
        %bitcast3A_1905 = vector.bitcast %add3A_1904 : vector<16xf32> to vector<16xi32>
        %shift_right_arithmetic3A_1906 = arith.constant 1 : i32
        %shift_right_arithmetic3A_1907 = vector.broadcast %shift_right_arithmetic3A_1906 : i32 to vector<16xi32>
        %shift_right_arithmetic3A_1908 = arith.shrsi %bitcast3A_1905, %shift_right_arithmetic3A_1907 : vector<16xi32>
        %sub3A_1909 = arith.constant 1597463007 : i32
        %sub3A_1910 = vector.broadcast %sub3A_1909 : i32 to vector<16xi32>
        %sub3A_1911 = arith.subi %sub3A_1910, %shift_right_arithmetic3A_1908 : vector<16xi32>
        %bitcast3A_1912 = vector.bitcast %sub3A_1911 : vector<16xi32> to vector<16xf32>
        %mul3A_1913 = arith.constant 5.000000e-01 : f32
        %mul3A_1914 = vector.broadcast %mul3A_1913 : f32 to vector<16xf32>
        %mul3A_1915 = arith.mulf %mul3A_1914, %add3A_1904 : vector<16xf32>
        %mul3A_1916 = arith.mulf %mul3A_1915, %bitcast3A_1912 : vector<16xf32>
        %mul3A_1917 = arith.mulf %mul3A_1916, %bitcast3A_1912 : vector<16xf32>
        %sub3A_1918 = arith.constant 1.500000e+00 : f32
        %sub3A_1919 = vector.broadcast %sub3A_1918 : f32 to vector<16xf32>
        %sub3A_1920 = arith.subf %sub3A_1919, %mul3A_1917 : vector<16xf32>
        %mul3A_1921 = arith.mulf %bitcast3A_1912, %sub3A_1920 : vector<16xf32>
        %mul3A_1922 = arith.mulf %mul3A_1915, %mul3A_1921 : vector<16xf32>
        %mul3A_1923 = arith.mulf %mul3A_1922, %mul3A_1921 : vector<16xf32>
        %sub3A_1924 = arith.constant 1.500000e+00 : f32
        %sub3A_1925 = vector.broadcast %sub3A_1924 : f32 to vector<16xf32>
        %sub3A_1926 = arith.subf %sub3A_1925, %mul3A_1923 : vector<16xf32>
        %mul3A_1927 = arith.mulf %mul3A_1921, %sub3A_1926 : vector<16xf32>
        %mul3A_1928 = arith.mulf %get3A_1875, %mul3A_1927 : vector<16xf32>
        %bitcast3A_1929 = vector.bitcast %get3A_1881 : vector<16xf32> to vector<16xi32>
        %lt3A_1930 = arith.constant 0 : i32
        %lt3A_1931 = vector.broadcast %lt3A_1930 : i32 to vector<16xi32>
        %lt3A_1932 = arith.cmpi slt, %and3A_21, %lt3A_1931 : vector<16xi32>
        %add3A_1933 = arith.constant 16 : i32
        %add3A_1934 = vector.broadcast %add3A_1933 : i32 to vector<16xi32>
        %add3A_1935 = arith.addi %and3A_21, %add3A_1934 : vector<16xi32>
        %select_n3A_1936 = arith.select %lt3A_1932, %add3A_1935, %and3A_21 : vector<16xi1>, vector<16xi32>
        %reshape3A_1937 = vector.shape_cast %select_n3A_1936 : vector<16xi32> to vector<16x1xi32>
        %gather3A_1938 = vector.shape_cast %reshape3A_1937 : vector<16x1xi32> to vector<16xi32>
        %gather3A_1939 = tpu.dynamic_gather %bitcast3A_1929[%gather3A_1938] in [0] : vector<16xi32>, vector<16xi32> -> vector<16xi32>
        %xor3A_1940 = arith.xori %gather3A_1939, %select_n3A : vector<16xi32>
        %bitcast3A_1941 = vector.bitcast %xor3A_1940 : vector<16xi32> to vector<16xf32>
        %lt3A_1942 = arith.constant 0 : i32
        %lt3A_1943 = vector.broadcast %lt3A_1942 : i32 to vector<16xi32>
        %lt3A_1944 = arith.cmpi slt, %or3A_23, %lt3A_1943 : vector<16xi32>
        %add3A_1945 = arith.constant 16 : i32
        %add3A_1946 = vector.broadcast %add3A_1945 : i32 to vector<16xi32>
        %add3A_1947 = arith.addi %or3A_23, %add3A_1946 : vector<16xi32>
        %select_n3A_1948 = arith.select %lt3A_1944, %add3A_1947, %or3A_23 : vector<16xi1>, vector<16xi32>
        %reshape3A_1949 = vector.shape_cast %select_n3A_1948 : vector<16xi32> to vector<16x1xi32>
        %gather3A_1950 = vector.shape_cast %reshape3A_1949 : vector<16x1xi32> to vector<16xi32>
        %gather3A_1951 = tpu.dynamic_gather %bitcast3A_1929[%gather3A_1950] in [0] : vector<16xi32>, vector<16xi32> -> vector<16xi32>
        %xor3A_1952 = arith.xori %gather3A_1951, %select_n3A_38 : vector<16xi32>
        %bitcast3A_1953 = vector.bitcast %xor3A_1952 : vector<16xi32> to vector<16xf32>
        %lt3A_1954 = arith.constant 0 : i32
        %lt3A_1955 = vector.broadcast %lt3A_1954 : i32 to vector<16xi32>
        %lt3A_1956 = arith.cmpi slt, %or3A_26, %lt3A_1955 : vector<16xi32>
        %add3A_1957 = arith.constant 16 : i32
        %add3A_1958 = vector.broadcast %add3A_1957 : i32 to vector<16xi32>
        %add3A_1959 = arith.addi %or3A_26, %add3A_1958 : vector<16xi32>
        %select_n3A_1960 = arith.select %lt3A_1956, %add3A_1959, %or3A_26 : vector<16xi1>, vector<16xi32>
        %reshape3A_1961 = vector.shape_cast %select_n3A_1960 : vector<16xi32> to vector<16x1xi32>
        %gather3A_1962 = vector.shape_cast %reshape3A_1961 : vector<16x1xi32> to vector<16xi32>
        %gather3A_1963 = tpu.dynamic_gather %bitcast3A_1929[%gather3A_1962] in [0] : vector<16xi32>, vector<16xi32> -> vector<16xi32>
        %xor3A_1964 = arith.xori %gather3A_1963, %select_n3A_44 : vector<16xi32>
        %bitcast3A_1965 = vector.bitcast %xor3A_1964 : vector<16xi32> to vector<16xf32>
        %lt3A_1966 = arith.constant 0 : i32
        %lt3A_1967 = vector.broadcast %lt3A_1966 : i32 to vector<16xi32>
        %lt3A_1968 = arith.cmpi slt, %or3A_29, %lt3A_1967 : vector<16xi32>
        %add3A_1969 = arith.constant 16 : i32
        %add3A_1970 = vector.broadcast %add3A_1969 : i32 to vector<16xi32>
        %add3A_1971 = arith.addi %or3A_29, %add3A_1970 : vector<16xi32>
        %select_n3A_1972 = arith.select %lt3A_1968, %add3A_1971, %or3A_29 : vector<16xi1>, vector<16xi32>
        %reshape3A_1973 = vector.shape_cast %select_n3A_1972 : vector<16xi32> to vector<16x1xi32>
        %gather3A_1974 = vector.shape_cast %reshape3A_1973 : vector<16x1xi32> to vector<16xi32>
        %gather3A_1975 = tpu.dynamic_gather %bitcast3A_1929[%gather3A_1974] in [0] : vector<16xi32>, vector<16xi32> -> vector<16xi32>
        %xor3A_1976 = arith.xori %gather3A_1975, %select_n3A_50 : vector<16xi32>
        %bitcast3A_1977 = vector.bitcast %xor3A_1976 : vector<16xi32> to vector<16xf32>
        %mul3A_1978 = arith.mulf %get3A_1878, %bitcast3A_1941 : vector<16xf32>
        %lt3A_1979 = arith.constant 0 : i32
        %lt3A_1980 = vector.broadcast %lt3A_1979 : i32 to vector<16xi32>
        %lt3A_1981 = arith.cmpi slt, %xor3A_6, %lt3A_1980 : vector<16xi32>
        %add3A_1982 = arith.constant 16 : i32
        %add3A_1983 = vector.broadcast %add3A_1982 : i32 to vector<16xi32>
        %add3A_1984 = arith.addi %xor3A_6, %add3A_1983 : vector<16xi32>
        %select_n3A_1985 = arith.select %lt3A_1981, %add3A_1984, %xor3A_6 : vector<16xi1>, vector<16xi32>
        %reshape3A_1986 = vector.shape_cast %select_n3A_1985 : vector<16xi32> to vector<16x1xi32>
        %gather3A_1987 = vector.shape_cast %reshape3A_1986 : vector<16x1xi32> to vector<16xi32>
        %gather3A_1988 = tpu.dynamic_gather %get3A_1878[%gather3A_1987] in [0] : vector<16xf32>, vector<16xi32> -> vector<16xf32>
        %mul3A_1989 = arith.mulf %gather3A_1988, %bitcast3A_1953 : vector<16xf32>
        %add3A_1990 = arith.addf %mul3A_1978, %mul3A_1989 : vector<16xf32>
        %lt3A_1991 = arith.constant 0 : i32
        %lt3A_1992 = vector.broadcast %lt3A_1991 : i32 to vector<16xi32>
        %lt3A_1993 = arith.cmpi slt, %xor3A_9, %lt3A_1992 : vector<16xi32>
        %add3A_1994 = arith.constant 16 : i32
        %add3A_1995 = vector.broadcast %add3A_1994 : i32 to vector<16xi32>
        %add3A_1996 = arith.addi %xor3A_9, %add3A_1995 : vector<16xi32>
        %select_n3A_1997 = arith.select %lt3A_1993, %add3A_1996, %xor3A_9 : vector<16xi1>, vector<16xi32>
        %reshape3A_1998 = vector.shape_cast %select_n3A_1997 : vector<16xi32> to vector<16x1xi32>
        %gather3A_1999 = vector.shape_cast %reshape3A_1998 : vector<16x1xi32> to vector<16xi32>
        %gather3A_2000 = tpu.dynamic_gather %get3A_1878[%gather3A_1999] in [0] : vector<16xf32>, vector<16xi32> -> vector<16xf32>
        %mul3A_2001 = arith.mulf %gather3A_2000, %bitcast3A_1965 : vector<16xf32>
        %add3A_2002 = arith.addf %add3A_1990, %mul3A_2001 : vector<16xf32>
        %lt3A_2003 = arith.constant 0 : i32
        %lt3A_2004 = vector.broadcast %lt3A_2003 : i32 to vector<16xi32>
        %lt3A_2005 = arith.cmpi slt, %xor3A_12, %lt3A_2004 : vector<16xi32>
        %add3A_2006 = arith.constant 16 : i32
        %add3A_2007 = vector.broadcast %add3A_2006 : i32 to vector<16xi32>
        %add3A_2008 = arith.addi %xor3A_12, %add3A_2007 : vector<16xi32>
        %select_n3A_2009 = arith.select %lt3A_2005, %add3A_2008, %xor3A_12 : vector<16xi1>, vector<16xi32>
        %reshape3A_2010 = vector.shape_cast %select_n3A_2009 : vector<16xi32> to vector<16x1xi32>
        %gather3A_2011 = vector.shape_cast %reshape3A_2010 : vector<16x1xi32> to vector<16xi32>
        %gather3A_2012 = tpu.dynamic_gather %get3A_1878[%gather3A_2011] in [0] : vector<16xf32>, vector<16xi32> -> vector<16xf32>
        %mul3A_2013 = arith.mulf %gather3A_2012, %bitcast3A_1977 : vector<16xf32>
        %add3A_2014 = arith.addf %add3A_2002, %mul3A_2013 : vector<16xf32>
        %mul3A_2015 = arith.mulf %mul3A_1928, %add3A_2014 : vector<16xf32>
        %add3A_2016 = arith.addf %add3A_1872, %mul3A_2015 : vector<16xf32>
        %get3A_2017 = arith.index_cast %add3A_1294 : i32 to index
        %get3A_2018 = arith.constant 80 : index
        %get3A_2019 = tpu.vector_load %arg11[%get3A_2017, %get3A_2018] {strides = array<i32>} : memref<128x128xf32, #tpu.memory_space<vmem>>, vector<16xf32>,
        %get3A_2020 = arith.index_cast %add3A_1294 : i32 to index
        %get3A_2021 = arith.constant 80 : index
        %get3A_2022 = tpu.vector_load %arg12[%get3A_2020, %get3A_2021] {strides = array<i32>} : memref<128x128xf32, #tpu.memory_space<vmem>>, vector<16xf32>,
        %get3A_2023 = arith.index_cast %add3A_1294 : i32 to index
        %get3A_2024 = arith.constant 80 : index
        %get3A_2025 = tpu.vector_load %arg13[%get3A_2023, %get3A_2024] {strides = array<i32>} : memref<128x128xf32, #tpu.memory_space<vmem>>, vector<16xf32>,
        %mul3A_2026 = arith.mulf %get3A_2022, %get3A_2022 : vector<16xf32>
        %lt3A_2027 = arith.constant 0 : i32
        %lt3A_2028 = vector.broadcast %lt3A_2027 : i32 to vector<16xi32>
        %lt3A_2029 = arith.cmpi slt, %xor3A_6, %lt3A_2028 : vector<16xi32>
        %add3A_2030 = arith.constant 16 : i32
        %add3A_2031 = vector.broadcast %add3A_2030 : i32 to vector<16xi32>
        %add3A_2032 = arith.addi %xor3A_6, %add3A_2031 : vector<16xi32>
        %select_n3A_2033 = arith.select %lt3A_2029, %add3A_2032, %xor3A_6 : vector<16xi1>, vector<16xi32>
        %reshape3A_2034 = vector.shape_cast %select_n3A_2033 : vector<16xi32> to vector<16x1xi32>
        %gather3A_2035 = vector.shape_cast %reshape3A_2034 : vector<16x1xi32> to vector<16xi32>
        %gather3A_2036 = tpu.dynamic_gather %mul3A_2026[%gather3A_2035] in [0] : vector<16xf32>, vector<16xi32> -> vector<16xf32>
        %add3A_2037 = arith.addf %mul3A_2026, %gather3A_2036 : vector<16xf32>
        %lt3A_2038 = arith.constant 0 : i32
        %lt3A_2039 = vector.broadcast %lt3A_2038 : i32 to vector<16xi32>
        %lt3A_2040 = arith.cmpi slt, %xor3A_9, %lt3A_2039 : vector<16xi32>
        %add3A_2041 = arith.constant 16 : i32
        %add3A_2042 = vector.broadcast %add3A_2041 : i32 to vector<16xi32>
        %add3A_2043 = arith.addi %xor3A_9, %add3A_2042 : vector<16xi32>
        %select_n3A_2044 = arith.select %lt3A_2040, %add3A_2043, %xor3A_9 : vector<16xi1>, vector<16xi32>
        %reshape3A_2045 = vector.shape_cast %select_n3A_2044 : vector<16xi32> to vector<16x1xi32>
        %gather3A_2046 = vector.shape_cast %reshape3A_2045 : vector<16x1xi32> to vector<16xi32>
        %gather3A_2047 = tpu.dynamic_gather %add3A_2037[%gather3A_2046] in [0] : vector<16xf32>, vector<16xi32> -> vector<16xf32>
        %add3A_2048 = arith.addf %add3A_2037, %gather3A_2047 : vector<16xf32>
        %bitcast3A_2049 = vector.bitcast %add3A_2048 : vector<16xf32> to vector<16xi32>
        %shift_right_arithmetic3A_2050 = arith.constant 1 : i32
        %shift_right_arithmetic3A_2051 = vector.broadcast %shift_right_arithmetic3A_2050 : i32 to vector<16xi32>
        %shift_right_arithmetic3A_2052 = arith.shrsi %bitcast3A_2049, %shift_right_arithmetic3A_2051 : vector<16xi32>
        %sub3A_2053 = arith.constant 1597463007 : i32
        %sub3A_2054 = vector.broadcast %sub3A_2053 : i32 to vector<16xi32>
        %sub3A_2055 = arith.subi %sub3A_2054, %shift_right_arithmetic3A_2052 : vector<16xi32>
        %bitcast3A_2056 = vector.bitcast %sub3A_2055 : vector<16xi32> to vector<16xf32>
        %mul3A_2057 = arith.constant 5.000000e-01 : f32
        %mul3A_2058 = vector.broadcast %mul3A_2057 : f32 to vector<16xf32>
        %mul3A_2059 = arith.mulf %mul3A_2058, %add3A_2048 : vector<16xf32>
        %mul3A_2060 = arith.mulf %mul3A_2059, %bitcast3A_2056 : vector<16xf32>
        %mul3A_2061 = arith.mulf %mul3A_2060, %bitcast3A_2056 : vector<16xf32>
        %sub3A_2062 = arith.constant 1.500000e+00 : f32
        %sub3A_2063 = vector.broadcast %sub3A_2062 : f32 to vector<16xf32>
        %sub3A_2064 = arith.subf %sub3A_2063, %mul3A_2061 : vector<16xf32>
        %mul3A_2065 = arith.mulf %bitcast3A_2056, %sub3A_2064 : vector<16xf32>
        %mul3A_2066 = arith.mulf %mul3A_2059, %mul3A_2065 : vector<16xf32>
        %mul3A_2067 = arith.mulf %mul3A_2066, %mul3A_2065 : vector<16xf32>
        %sub3A_2068 = arith.constant 1.500000e+00 : f32
        %sub3A_2069 = vector.broadcast %sub3A_2068 : f32 to vector<16xf32>
        %sub3A_2070 = arith.subf %sub3A_2069, %mul3A_2067 : vector<16xf32>
        %mul3A_2071 = arith.mulf %mul3A_2065, %sub3A_2070 : vector<16xf32>
        %mul3A_2072 = arith.mulf %get3A_2019, %mul3A_2071 : vector<16xf32>
        %bitcast3A_2073 = vector.bitcast %get3A_2025 : vector<16xf32> to vector<16xi32>
        %lt3A_2074 = arith.constant 0 : i32
        %lt3A_2075 = vector.broadcast %lt3A_2074 : i32 to vector<16xi32>
        %lt3A_2076 = arith.cmpi slt, %and3A_21, %lt3A_2075 : vector<16xi32>
        %add3A_2077 = arith.constant 16 : i32
        %add3A_2078 = vector.broadcast %add3A_2077 : i32 to vector<16xi32>
        %add3A_2079 = arith.addi %and3A_21, %add3A_2078 : vector<16xi32>
        %select_n3A_2080 = arith.select %lt3A_2076, %add3A_2079, %and3A_21 : vector<16xi1>, vector<16xi32>
        %reshape3A_2081 = vector.shape_cast %select_n3A_2080 : vector<16xi32> to vector<16x1xi32>
        %gather3A_2082 = vector.shape_cast %reshape3A_2081 : vector<16x1xi32> to vector<16xi32>
        %gather3A_2083 = tpu.dynamic_gather %bitcast3A_2073[%gather3A_2082] in [0] : vector<16xi32>, vector<16xi32> -> vector<16xi32>
        %xor3A_2084 = arith.xori %gather3A_2083, %select_n3A : vector<16xi32>
        %bitcast3A_2085 = vector.bitcast %xor3A_2084 : vector<16xi32> to vector<16xf32>
        %lt3A_2086 = arith.constant 0 : i32
        %lt3A_2087 = vector.broadcast %lt3A_2086 : i32 to vector<16xi32>
        %lt3A_2088 = arith.cmpi slt, %or3A_23, %lt3A_2087 : vector<16xi32>
        %add3A_2089 = arith.constant 16 : i32
        %add3A_2090 = vector.broadcast %add3A_2089 : i32 to vector<16xi32>
        %add3A_2091 = arith.addi %or3A_23, %add3A_2090 : vector<16xi32>
        %select_n3A_2092 = arith.select %lt3A_2088, %add3A_2091, %or3A_23 : vector<16xi1>, vector<16xi32>
        %reshape3A_2093 = vector.shape_cast %select_n3A_2092 : vector<16xi32> to vector<16x1xi32>
        %gather3A_2094 = vector.shape_cast %reshape3A_2093 : vector<16x1xi32> to vector<16xi32>
        %gather3A_2095 = tpu.dynamic_gather %bitcast3A_2073[%gather3A_2094] in [0] : vector<16xi32>, vector<16xi32> -> vector<16xi32>
        %xor3A_2096 = arith.xori %gather3A_2095, %select_n3A_38 : vector<16xi32>
        %bitcast3A_2097 = vector.bitcast %xor3A_2096 : vector<16xi32> to vector<16xf32>
        %lt3A_2098 = arith.constant 0 : i32
        %lt3A_2099 = vector.broadcast %lt3A_2098 : i32 to vector<16xi32>
        %lt3A_2100 = arith.cmpi slt, %or3A_26, %lt3A_2099 : vector<16xi32>
        %add3A_2101 = arith.constant 16 : i32
        %add3A_2102 = vector.broadcast %add3A_2101 : i32 to vector<16xi32>
        %add3A_2103 = arith.addi %or3A_26, %add3A_2102 : vector<16xi32>
        %select_n3A_2104 = arith.select %lt3A_2100, %add3A_2103, %or3A_26 : vector<16xi1>, vector<16xi32>
        %reshape3A_2105 = vector.shape_cast %select_n3A_2104 : vector<16xi32> to vector<16x1xi32>
        %gather3A_2106 = vector.shape_cast %reshape3A_2105 : vector<16x1xi32> to vector<16xi32>
        %gather3A_2107 = tpu.dynamic_gather %bitcast3A_2073[%gather3A_2106] in [0] : vector<16xi32>, vector<16xi32> -> vector<16xi32>
        %xor3A_2108 = arith.xori %gather3A_2107, %select_n3A_44 : vector<16xi32>
        %bitcast3A_2109 = vector.bitcast %xor3A_2108 : vector<16xi32> to vector<16xf32>
        %lt3A_2110 = arith.constant 0 : i32
        %lt3A_2111 = vector.broadcast %lt3A_2110 : i32 to vector<16xi32>
        %lt3A_2112 = arith.cmpi slt, %or3A_29, %lt3A_2111 : vector<16xi32>
        %add3A_2113 = arith.constant 16 : i32
        %add3A_2114 = vector.broadcast %add3A_2113 : i32 to vector<16xi32>
        %add3A_2115 = arith.addi %or3A_29, %add3A_2114 : vector<16xi32>
        %select_n3A_2116 = arith.select %lt3A_2112, %add3A_2115, %or3A_29 : vector<16xi1>, vector<16xi32>
        %reshape3A_2117 = vector.shape_cast %select_n3A_2116 : vector<16xi32> to vector<16x1xi32>
        %gather3A_2118 = vector.shape_cast %reshape3A_2117 : vector<16x1xi32> to vector<16xi32>
        %gather3A_2119 = tpu.dynamic_gather %bitcast3A_2073[%gather3A_2118] in [0] : vector<16xi32>, vector<16xi32> -> vector<16xi32>
        %xor3A_2120 = arith.xori %gather3A_2119, %select_n3A_50 : vector<16xi32>
        %bitcast3A_2121 = vector.bitcast %xor3A_2120 : vector<16xi32> to vector<16xf32>
        %mul3A_2122 = arith.mulf %get3A_2022, %bitcast3A_2085 : vector<16xf32>
        %lt3A_2123 = arith.constant 0 : i32
        %lt3A_2124 = vector.broadcast %lt3A_2123 : i32 to vector<16xi32>
        %lt3A_2125 = arith.cmpi slt, %xor3A_6, %lt3A_2124 : vector<16xi32>
        %add3A_2126 = arith.constant 16 : i32
        %add3A_2127 = vector.broadcast %add3A_2126 : i32 to vector<16xi32>
        %add3A_2128 = arith.addi %xor3A_6, %add3A_2127 : vector<16xi32>
        %select_n3A_2129 = arith.select %lt3A_2125, %add3A_2128, %xor3A_6 : vector<16xi1>, vector<16xi32>
        %reshape3A_2130 = vector.shape_cast %select_n3A_2129 : vector<16xi32> to vector<16x1xi32>
        %gather3A_2131 = vector.shape_cast %reshape3A_2130 : vector<16x1xi32> to vector<16xi32>
        %gather3A_2132 = tpu.dynamic_gather %get3A_2022[%gather3A_2131] in [0] : vector<16xf32>, vector<16xi32> -> vector<16xf32>
        %mul3A_2133 = arith.mulf %gather3A_2132, %bitcast3A_2097 : vector<16xf32>
        %add3A_2134 = arith.addf %mul3A_2122, %mul3A_2133 : vector<16xf32>
        %lt3A_2135 = arith.constant 0 : i32
        %lt3A_2136 = vector.broadcast %lt3A_2135 : i32 to vector<16xi32>
        %lt3A_2137 = arith.cmpi slt, %xor3A_9, %lt3A_2136 : vector<16xi32>
        %add3A_2138 = arith.constant 16 : i32
        %add3A_2139 = vector.broadcast %add3A_2138 : i32 to vector<16xi32>
        %add3A_2140 = arith.addi %xor3A_9, %add3A_2139 : vector<16xi32>
        %select_n3A_2141 = arith.select %lt3A_2137, %add3A_2140, %xor3A_9 : vector<16xi1>, vector<16xi32>
        %reshape3A_2142 = vector.shape_cast %select_n3A_2141 : vector<16xi32> to vector<16x1xi32>
        %gather3A_2143 = vector.shape_cast %reshape3A_2142 : vector<16x1xi32> to vector<16xi32>
        %gather3A_2144 = tpu.dynamic_gather %get3A_2022[%gather3A_2143] in [0] : vector<16xf32>, vector<16xi32> -> vector<16xf32>
        %mul3A_2145 = arith.mulf %gather3A_2144, %bitcast3A_2109 : vector<16xf32>
        %add3A_2146 = arith.addf %add3A_2134, %mul3A_2145 : vector<16xf32>
        %lt3A_2147 = arith.constant 0 : i32
        %lt3A_2148 = vector.broadcast %lt3A_2147 : i32 to vector<16xi32>
        %lt3A_2149 = arith.cmpi slt, %xor3A_12, %lt3A_2148 : vector<16xi32>
        %add3A_2150 = arith.constant 16 : i32
        %add3A_2151 = vector.broadcast %add3A_2150 : i32 to vector<16xi32>
        %add3A_2152 = arith.addi %xor3A_12, %add3A_2151 : vector<16xi32>
        %select_n3A_2153 = arith.select %lt3A_2149, %add3A_2152, %xor3A_12 : vector<16xi1>, vector<16xi32>
        %reshape3A_2154 = vector.shape_cast %select_n3A_2153 : vector<16xi32> to vector<16x1xi32>
        %gather3A_2155 = vector.shape_cast %reshape3A_2154 : vector<16x1xi32> to vector<16xi32>
        %gather3A_2156 = tpu.dynamic_gather %get3A_2022[%gather3A_2155] in [0] : vector<16xf32>, vector<16xi32> -> vector<16xf32>
        %mul3A_2157 = arith.mulf %gather3A_2156, %bitcast3A_2121 : vector<16xf32>
        %add3A_2158 = arith.addf %add3A_2146, %mul3A_2157 : vector<16xf32>
        %mul3A_2159 = arith.mulf %mul3A_2072, %add3A_2158 : vector<16xf32>
        %add3A_2160 = arith.addf %add3A_2016, %mul3A_2159 : vector<16xf32>
        %get3A_2161 = arith.index_cast %add3A_1294 : i32 to index
        %get3A_2162 = arith.constant 96 : index
        %get3A_2163 = tpu.vector_load %arg11[%get3A_2161, %get3A_2162] {strides = array<i32>} : memref<128x128xf32, #tpu.memory_space<vmem>>, vector<16xf32>,
        %get3A_2164 = arith.index_cast %add3A_1294 : i32 to index
        %get3A_2165 = arith.constant 96 : index
        %get3A_2166 = tpu.vector_load %arg12[%get3A_2164, %get3A_2165] {strides = array<i32>} : memref<128x128xf32, #tpu.memory_space<vmem>>, vector<16xf32>,
        %get3A_2167 = arith.index_cast %add3A_1294 : i32 to index
        %get3A_2168 = arith.constant 96 : index
        %get3A_2169 = tpu.vector_load %arg13[%get3A_2167, %get3A_2168] {strides = array<i32>} : memref<128x128xf32, #tpu.memory_space<vmem>>, vector<16xf32>,
        %mul3A_2170 = arith.mulf %get3A_2166, %get3A_2166 : vector<16xf32>
        %lt3A_2171 = arith.constant 0 : i32
        %lt3A_2172 = vector.broadcast %lt3A_2171 : i32 to vector<16xi32>
        %lt3A_2173 = arith.cmpi slt, %xor3A_6, %lt3A_2172 : vector<16xi32>
        %add3A_2174 = arith.constant 16 : i32
        %add3A_2175 = vector.broadcast %add3A_2174 : i32 to vector<16xi32>
        %add3A_2176 = arith.addi %xor3A_6, %add3A_2175 : vector<16xi32>
        %select_n3A_2177 = arith.select %lt3A_2173, %add3A_2176, %xor3A_6 : vector<16xi1>, vector<16xi32>
        %reshape3A_2178 = vector.shape_cast %select_n3A_2177 : vector<16xi32> to vector<16x1xi32>
        %gather3A_2179 = vector.shape_cast %reshape3A_2178 : vector<16x1xi32> to vector<16xi32>
        %gather3A_2180 = tpu.dynamic_gather %mul3A_2170[%gather3A_2179] in [0] : vector<16xf32>, vector<16xi32> -> vector<16xf32>
        %add3A_2181 = arith.addf %mul3A_2170, %gather3A_2180 : vector<16xf32>
        %lt3A_2182 = arith.constant 0 : i32
        %lt3A_2183 = vector.broadcast %lt3A_2182 : i32 to vector<16xi32>
        %lt3A_2184 = arith.cmpi slt, %xor3A_9, %lt3A_2183 : vector<16xi32>
        %add3A_2185 = arith.constant 16 : i32
        %add3A_2186 = vector.broadcast %add3A_2185 : i32 to vector<16xi32>
        %add3A_2187 = arith.addi %xor3A_9, %add3A_2186 : vector<16xi32>
        %select_n3A_2188 = arith.select %lt3A_2184, %add3A_2187, %xor3A_9 : vector<16xi1>, vector<16xi32>
        %reshape3A_2189 = vector.shape_cast %select_n3A_2188 : vector<16xi32> to vector<16x1xi32>
        %gather3A_2190 = vector.shape_cast %reshape3A_2189 : vector<16x1xi32> to vector<16xi32>
        %gather3A_2191 = tpu.dynamic_gather %add3A_2181[%gather3A_2190] in [0] : vector<16xf32>, vector<16xi32> -> vector<16xf32>
        %add3A_2192 = arith.addf %add3A_2181, %gather3A_2191 : vector<16xf32>
        %bitcast3A_2193 = vector.bitcast %add3A_2192 : vector<16xf32> to vector<16xi32>
        %shift_right_arithmetic3A_2194 = arith.constant 1 : i32
        %shift_right_arithmetic3A_2195 = vector.broadcast %shift_right_arithmetic3A_2194 : i32 to vector<16xi32>
        %shift_right_arithmetic3A_2196 = arith.shrsi %bitcast3A_2193, %shift_right_arithmetic3A_2195 : vector<16xi32>
        %sub3A_2197 = arith.constant 1597463007 : i32
        %sub3A_2198 = vector.broadcast %sub3A_2197 : i32 to vector<16xi32>
        %sub3A_2199 = arith.subi %sub3A_2198, %shift_right_arithmetic3A_2196 : vector<16xi32>
        %bitcast3A_2200 = vector.bitcast %sub3A_2199 : vector<16xi32> to vector<16xf32>
        %mul3A_2201 = arith.constant 5.000000e-01 : f32
        %mul3A_2202 = vector.broadcast %mul3A_2201 : f32 to vector<16xf32>
        %mul3A_2203 = arith.mulf %mul3A_2202, %add3A_2192 : vector<16xf32>
        %mul3A_2204 = arith.mulf %mul3A_2203, %bitcast3A_2200 : vector<16xf32>
        %mul3A_2205 = arith.mulf %mul3A_2204, %bitcast3A_2200 : vector<16xf32>
        %sub3A_2206 = arith.constant 1.500000e+00 : f32
        %sub3A_2207 = vector.broadcast %sub3A_2206 : f32 to vector<16xf32>
        %sub3A_2208 = arith.subf %sub3A_2207, %mul3A_2205 : vector<16xf32>
        %mul3A_2209 = arith.mulf %bitcast3A_2200, %sub3A_2208 : vector<16xf32>
        %mul3A_2210 = arith.mulf %mul3A_2203, %mul3A_2209 : vector<16xf32>
        %mul3A_2211 = arith.mulf %mul3A_2210, %mul3A_2209 : vector<16xf32>
        %sub3A_2212 = arith.constant 1.500000e+00 : f32
        %sub3A_2213 = vector.broadcast %sub3A_2212 : f32 to vector<16xf32>
        %sub3A_2214 = arith.subf %sub3A_2213, %mul3A_2211 : vector<16xf32>
        %mul3A_2215 = arith.mulf %mul3A_2209, %sub3A_2214 : vector<16xf32>
        %mul3A_2216 = arith.mulf %get3A_2163, %mul3A_2215 : vector<16xf32>
        %bitcast3A_2217 = vector.bitcast %get3A_2169 : vector<16xf32> to vector<16xi32>
        %lt3A_2218 = arith.constant 0 : i32
        %lt3A_2219 = vector.broadcast %lt3A_2218 : i32 to vector<16xi32>
        %lt3A_2220 = arith.cmpi slt, %and3A_21, %lt3A_2219 : vector<16xi32>
        %add3A_2221 = arith.constant 16 : i32
        %add3A_2222 = vector.broadcast %add3A_2221 : i32 to vector<16xi32>
        %add3A_2223 = arith.addi %and3A_21, %add3A_2222 : vector<16xi32>
        %select_n3A_2224 = arith.select %lt3A_2220, %add3A_2223, %and3A_21 : vector<16xi1>, vector<16xi32>
        %reshape3A_2225 = vector.shape_cast %select_n3A_2224 : vector<16xi32> to vector<16x1xi32>
        %gather3A_2226 = vector.shape_cast %reshape3A_2225 : vector<16x1xi32> to vector<16xi32>
        %gather3A_2227 = tpu.dynamic_gather %bitcast3A_2217[%gather3A_2226] in [0] : vector<16xi32>, vector<16xi32> -> vector<16xi32>
        %xor3A_2228 = arith.xori %gather3A_2227, %select_n3A : vector<16xi32>
        %bitcast3A_2229 = vector.bitcast %xor3A_2228 : vector<16xi32> to vector<16xf32>
        %lt3A_2230 = arith.constant 0 : i32
        %lt3A_2231 = vector.broadcast %lt3A_2230 : i32 to vector<16xi32>
        %lt3A_2232 = arith.cmpi slt, %or3A_23, %lt3A_2231 : vector<16xi32>
        %add3A_2233 = arith.constant 16 : i32
        %add3A_2234 = vector.broadcast %add3A_2233 : i32 to vector<16xi32>
        %add3A_2235 = arith.addi %or3A_23, %add3A_2234 : vector<16xi32>
        %select_n3A_2236 = arith.select %lt3A_2232, %add3A_2235, %or3A_23 : vector<16xi1>, vector<16xi32>
        %reshape3A_2237 = vector.shape_cast %select_n3A_2236 : vector<16xi32> to vector<16x1xi32>
        %gather3A_2238 = vector.shape_cast %reshape3A_2237 : vector<16x1xi32> to vector<16xi32>
        %gather3A_2239 = tpu.dynamic_gather %bitcast3A_2217[%gather3A_2238] in [0] : vector<16xi32>, vector<16xi32> -> vector<16xi32>
        %xor3A_2240 = arith.xori %gather3A_2239, %select_n3A_38 : vector<16xi32>
        %bitcast3A_2241 = vector.bitcast %xor3A_2240 : vector<16xi32> to vector<16xf32>
        %lt3A_2242 = arith.constant 0 : i32
        %lt3A_2243 = vector.broadcast %lt3A_2242 : i32 to vector<16xi32>
        %lt3A_2244 = arith.cmpi slt, %or3A_26, %lt3A_2243 : vector<16xi32>
        %add3A_2245 = arith.constant 16 : i32
        %add3A_2246 = vector.broadcast %add3A_2245 : i32 to vector<16xi32>
        %add3A_2247 = arith.addi %or3A_26, %add3A_2246 : vector<16xi32>
        %select_n3A_2248 = arith.select %lt3A_2244, %add3A_2247, %or3A_26 : vector<16xi1>, vector<16xi32>
        %reshape3A_2249 = vector.shape_cast %select_n3A_2248 : vector<16xi32> to vector<16x1xi32>
        %gather3A_2250 = vector.shape_cast %reshape3A_2249 : vector<16x1xi32> to vector<16xi32>
        %gather3A_2251 = tpu.dynamic_gather %bitcast3A_2217[%gather3A_2250] in [0] : vector<16xi32>, vector<16xi32> -> vector<16xi32>
        %xor3A_2252 = arith.xori %gather3A_2251, %select_n3A_44 : vector<16xi32>
        %bitcast3A_2253 = vector.bitcast %xor3A_2252 : vector<16xi32> to vector<16xf32>
        %lt3A_2254 = arith.constant 0 : i32
        %lt3A_2255 = vector.broadcast %lt3A_2254 : i32 to vector<16xi32>
        %lt3A_2256 = arith.cmpi slt, %or3A_29, %lt3A_2255 : vector<16xi32>
        %add3A_2257 = arith.constant 16 : i32
        %add3A_2258 = vector.broadcast %add3A_2257 : i32 to vector<16xi32>
        %add3A_2259 = arith.addi %or3A_29, %add3A_2258 : vector<16xi32>
        %select_n3A_2260 = arith.select %lt3A_2256, %add3A_2259, %or3A_29 : vector<16xi1>, vector<16xi32>
        %reshape3A_2261 = vector.shape_cast %select_n3A_2260 : vector<16xi32> to vector<16x1xi32>
        %gather3A_2262 = vector.shape_cast %reshape3A_2261 : vector<16x1xi32> to vector<16xi32>
        %gather3A_2263 = tpu.dynamic_gather %bitcast3A_2217[%gather3A_2262] in [0] : vector<16xi32>, vector<16xi32> -> vector<16xi32>
        %xor3A_2264 = arith.xori %gather3A_2263, %select_n3A_50 : vector<16xi32>
        %bitcast3A_2265 = vector.bitcast %xor3A_2264 : vector<16xi32> to vector<16xf32>
        %mul3A_2266 = arith.mulf %get3A_2166, %bitcast3A_2229 : vector<16xf32>
        %lt3A_2267 = arith.constant 0 : i32
        %lt3A_2268 = vector.broadcast %lt3A_2267 : i32 to vector<16xi32>
        %lt3A_2269 = arith.cmpi slt, %xor3A_6, %lt3A_2268 : vector<16xi32>
        %add3A_2270 = arith.constant 16 : i32
        %add3A_2271 = vector.broadcast %add3A_2270 : i32 to vector<16xi32>
        %add3A_2272 = arith.addi %xor3A_6, %add3A_2271 : vector<16xi32>
        %select_n3A_2273 = arith.select %lt3A_2269, %add3A_2272, %xor3A_6 : vector<16xi1>, vector<16xi32>
        %reshape3A_2274 = vector.shape_cast %select_n3A_2273 : vector<16xi32> to vector<16x1xi32>
        %gather3A_2275 = vector.shape_cast %reshape3A_2274 : vector<16x1xi32> to vector<16xi32>
        %gather3A_2276 = tpu.dynamic_gather %get3A_2166[%gather3A_2275] in [0] : vector<16xf32>, vector<16xi32> -> vector<16xf32>
        %mul3A_2277 = arith.mulf %gather3A_2276, %bitcast3A_2241 : vector<16xf32>
        %add3A_2278 = arith.addf %mul3A_2266, %mul3A_2277 : vector<16xf32>
        %lt3A_2279 = arith.constant 0 : i32
        %lt3A_2280 = vector.broadcast %lt3A_2279 : i32 to vector<16xi32>
        %lt3A_2281 = arith.cmpi slt, %xor3A_9, %lt3A_2280 : vector<16xi32>
        %add3A_2282 = arith.constant 16 : i32
        %add3A_2283 = vector.broadcast %add3A_2282 : i32 to vector<16xi32>
        %add3A_2284 = arith.addi %xor3A_9, %add3A_2283 : vector<16xi32>
        %select_n3A_2285 = arith.select %lt3A_2281, %add3A_2284, %xor3A_9 : vector<16xi1>, vector<16xi32>
        %reshape3A_2286 = vector.shape_cast %select_n3A_2285 : vector<16xi32> to vector<16x1xi32>
        %gather3A_2287 = vector.shape_cast %reshape3A_2286 : vector<16x1xi32> to vector<16xi32>
        %gather3A_2288 = tpu.dynamic_gather %get3A_2166[%gather3A_2287] in [0] : vector<16xf32>, vector<16xi32> -> vector<16xf32>
        %mul3A_2289 = arith.mulf %gather3A_2288, %bitcast3A_2253 : vector<16xf32>
        %add3A_2290 = arith.addf %add3A_2278, %mul3A_2289 : vector<16xf32>
        %lt3A_2291 = arith.constant 0 : i32
        %lt3A_2292 = vector.broadcast %lt3A_2291 : i32 to vector<16xi32>
        %lt3A_2293 = arith.cmpi slt, %xor3A_12, %lt3A_2292 : vector<16xi32>
        %add3A_2294 = arith.constant 16 : i32
        %add3A_2295 = vector.broadcast %add3A_2294 : i32 to vector<16xi32>
        %add3A_2296 = arith.addi %xor3A_12, %add3A_2295 : vector<16xi32>
        %select_n3A_2297 = arith.select %lt3A_2293, %add3A_2296, %xor3A_12 : vector<16xi1>, vector<16xi32>
        %reshape3A_2298 = vector.shape_cast %select_n3A_2297 : vector<16xi32> to vector<16x1xi32>
        %gather3A_2299 = vector.shape_cast %reshape3A_2298 : vector<16x1xi32> to vector<16xi32>
        %gather3A_2300 = tpu.dynamic_gather %get3A_2166[%gather3A_2299] in [0] : vector<16xf32>, vector<16xi32> -> vector<16xf32>
        %mul3A_2301 = arith.mulf %gather3A_2300, %bitcast3A_2265 : vector<16xf32>
        %add3A_2302 = arith.addf %add3A_2290, %mul3A_2301 : vector<16xf32>
        %mul3A_2303 = arith.mulf %mul3A_2216, %add3A_2302 : vector<16xf32>
        %add3A_2304 = arith.addf %add3A_2160, %mul3A_2303 : vector<16xf32>
        %get3A_2305 = arith.index_cast %add3A_1294 : i32 to index
        %get3A_2306 = arith.constant 112 : index
        %get3A_2307 = tpu.vector_load %arg11[%get3A_2305, %get3A_2306] {strides = array<i32>} : memref<128x128xf32, #tpu.memory_space<vmem>>, vector<16xf32>,
        %get3A_2308 = arith.index_cast %add3A_1294 : i32 to index
        %get3A_2309 = arith.constant 112 : index
        %get3A_2310 = tpu.vector_load %arg12[%get3A_2308, %get3A_2309] {strides = array<i32>} : memref<128x128xf32, #tpu.memory_space<vmem>>, vector<16xf32>,
        %get3A_2311 = arith.index_cast %add3A_1294 : i32 to index
        %get3A_2312 = arith.constant 112 : index
        %get3A_2313 = tpu.vector_load %arg13[%get3A_2311, %get3A_2312] {strides = array<i32>} : memref<128x128xf32, #tpu.memory_space<vmem>>, vector<16xf32>,
        %mul3A_2314 = arith.mulf %get3A_2310, %get3A_2310 : vector<16xf32>
        %lt3A_2315 = arith.constant 0 : i32
        %lt3A_2316 = vector.broadcast %lt3A_2315 : i32 to vector<16xi32>
        %lt3A_2317 = arith.cmpi slt, %xor3A_6, %lt3A_2316 : vector<16xi32>
        %add3A_2318 = arith.constant 16 : i32
        %add3A_2319 = vector.broadcast %add3A_2318 : i32 to vector<16xi32>
        %add3A_2320 = arith.addi %xor3A_6, %add3A_2319 : vector<16xi32>
        %select_n3A_2321 = arith.select %lt3A_2317, %add3A_2320, %xor3A_6 : vector<16xi1>, vector<16xi32>
        %reshape3A_2322 = vector.shape_cast %select_n3A_2321 : vector<16xi32> to vector<16x1xi32>
        %gather3A_2323 = vector.shape_cast %reshape3A_2322 : vector<16x1xi32> to vector<16xi32>
        %gather3A_2324 = tpu.dynamic_gather %mul3A_2314[%gather3A_2323] in [0] : vector<16xf32>, vector<16xi32> -> vector<16xf32>
        %add3A_2325 = arith.addf %mul3A_2314, %gather3A_2324 : vector<16xf32>
        %lt3A_2326 = arith.constant 0 : i32
        %lt3A_2327 = vector.broadcast %lt3A_2326 : i32 to vector<16xi32>
        %lt3A_2328 = arith.cmpi slt, %xor3A_9, %lt3A_2327 : vector<16xi32>
        %add3A_2329 = arith.constant 16 : i32
        %add3A_2330 = vector.broadcast %add3A_2329 : i32 to vector<16xi32>
        %add3A_2331 = arith.addi %xor3A_9, %add3A_2330 : vector<16xi32>
        %select_n3A_2332 = arith.select %lt3A_2328, %add3A_2331, %xor3A_9 : vector<16xi1>, vector<16xi32>
        %reshape3A_2333 = vector.shape_cast %select_n3A_2332 : vector<16xi32> to vector<16x1xi32>
        %gather3A_2334 = vector.shape_cast %reshape3A_2333 : vector<16x1xi32> to vector<16xi32>
        %gather3A_2335 = tpu.dynamic_gather %add3A_2325[%gather3A_2334] in [0] : vector<16xf32>, vector<16xi32> -> vector<16xf32>
        %add3A_2336 = arith.addf %add3A_2325, %gather3A_2335 : vector<16xf32>
        %bitcast3A_2337 = vector.bitcast %add3A_2336 : vector<16xf32> to vector<16xi32>
        %shift_right_arithmetic3A_2338 = arith.constant 1 : i32
        %shift_right_arithmetic3A_2339 = vector.broadcast %shift_right_arithmetic3A_2338 : i32 to vector<16xi32>
        %shift_right_arithmetic3A_2340 = arith.shrsi %bitcast3A_2337, %shift_right_arithmetic3A_2339 : vector<16xi32>
        %sub3A_2341 = arith.constant 1597463007 : i32
        %sub3A_2342 = vector.broadcast %sub3A_2341 : i32 to vector<16xi32>
        %sub3A_2343 = arith.subi %sub3A_2342, %shift_right_arithmetic3A_2340 : vector<16xi32>
        %bitcast3A_2344 = vector.bitcast %sub3A_2343 : vector<16xi32> to vector<16xf32>
        %mul3A_2345 = arith.constant 5.000000e-01 : f32
        %mul3A_2346 = vector.broadcast %mul3A_2345 : f32 to vector<16xf32>
        %mul3A_2347 = arith.mulf %mul3A_2346, %add3A_2336 : vector<16xf32>
        %mul3A_2348 = arith.mulf %mul3A_2347, %bitcast3A_2344 : vector<16xf32>
        %mul3A_2349 = arith.mulf %mul3A_2348, %bitcast3A_2344 : vector<16xf32>
        %sub3A_2350 = arith.constant 1.500000e+00 : f32
        %sub3A_2351 = vector.broadcast %sub3A_2350 : f32 to vector<16xf32>
        %sub3A_2352 = arith.subf %sub3A_2351, %mul3A_2349 : vector<16xf32>
        %mul3A_2353 = arith.mulf %bitcast3A_2344, %sub3A_2352 : vector<16xf32>
        %mul3A_2354 = arith.mulf %mul3A_2347, %mul3A_2353 : vector<16xf32>
        %mul3A_2355 = arith.mulf %mul3A_2354, %mul3A_2353 : vector<16xf32>
        %sub3A_2356 = arith.constant 1.500000e+00 : f32
        %sub3A_2357 = vector.broadcast %sub3A_2356 : f32 to vector<16xf32>
        %sub3A_2358 = arith.subf %sub3A_2357, %mul3A_2355 : vector<16xf32>
        %mul3A_2359 = arith.mulf %mul3A_2353, %sub3A_2358 : vector<16xf32>
        %mul3A_2360 = arith.mulf %get3A_2307, %mul3A_2359 : vector<16xf32>
        %bitcast3A_2361 = vector.bitcast %get3A_2313 : vector<16xf32> to vector<16xi32>
        %lt3A_2362 = arith.constant 0 : i32
        %lt3A_2363 = vector.broadcast %lt3A_2362 : i32 to vector<16xi32>
        %lt3A_2364 = arith.cmpi slt, %and3A_21, %lt3A_2363 : vector<16xi32>
        %add3A_2365 = arith.constant 16 : i32
        %add3A_2366 = vector.broadcast %add3A_2365 : i32 to vector<16xi32>
        %add3A_2367 = arith.addi %and3A_21, %add3A_2366 : vector<16xi32>
        %select_n3A_2368 = arith.select %lt3A_2364, %add3A_2367, %and3A_21 : vector<16xi1>, vector<16xi32>
        %reshape3A_2369 = vector.shape_cast %select_n3A_2368 : vector<16xi32> to vector<16x1xi32>
        %gather3A_2370 = vector.shape_cast %reshape3A_2369 : vector<16x1xi32> to vector<16xi32>
        %gather3A_2371 = tpu.dynamic_gather %bitcast3A_2361[%gather3A_2370] in [0] : vector<16xi32>, vector<16xi32> -> vector<16xi32>
        %xor3A_2372 = arith.xori %gather3A_2371, %select_n3A : vector<16xi32>
        %bitcast3A_2373 = vector.bitcast %xor3A_2372 : vector<16xi32> to vector<16xf32>
        %lt3A_2374 = arith.constant 0 : i32
        %lt3A_2375 = vector.broadcast %lt3A_2374 : i32 to vector<16xi32>
        %lt3A_2376 = arith.cmpi slt, %or3A_23, %lt3A_2375 : vector<16xi32>
        %add3A_2377 = arith.constant 16 : i32
        %add3A_2378 = vector.broadcast %add3A_2377 : i32 to vector<16xi32>
        %add3A_2379 = arith.addi %or3A_23, %add3A_2378 : vector<16xi32>
        %select_n3A_2380 = arith.select %lt3A_2376, %add3A_2379, %or3A_23 : vector<16xi1>, vector<16xi32>
        %reshape3A_2381 = vector.shape_cast %select_n3A_2380 : vector<16xi32> to vector<16x1xi32>
        %gather3A_2382 = vector.shape_cast %reshape3A_2381 : vector<16x1xi32> to vector<16xi32>
        %gather3A_2383 = tpu.dynamic_gather %bitcast3A_2361[%gather3A_2382] in [0] : vector<16xi32>, vector<16xi32> -> vector<16xi32>
        %xor3A_2384 = arith.xori %gather3A_2383, %select_n3A_38 : vector<16xi32>
        %bitcast3A_2385 = vector.bitcast %xor3A_2384 : vector<16xi32> to vector<16xf32>
        %lt3A_2386 = arith.constant 0 : i32
        %lt3A_2387 = vector.broadcast %lt3A_2386 : i32 to vector<16xi32>
        %lt3A_2388 = arith.cmpi slt, %or3A_26, %lt3A_2387 : vector<16xi32>
        %add3A_2389 = arith.constant 16 : i32
        %add3A_2390 = vector.broadcast %add3A_2389 : i32 to vector<16xi32>
        %add3A_2391 = arith.addi %or3A_26, %add3A_2390 : vector<16xi32>
        %select_n3A_2392 = arith.select %lt3A_2388, %add3A_2391, %or3A_26 : vector<16xi1>, vector<16xi32>
        %reshape3A_2393 = vector.shape_cast %select_n3A_2392 : vector<16xi32> to vector<16x1xi32>
        %gather3A_2394 = vector.shape_cast %reshape3A_2393 : vector<16x1xi32> to vector<16xi32>
        %gather3A_2395 = tpu.dynamic_gather %bitcast3A_2361[%gather3A_2394] in [0] : vector<16xi32>, vector<16xi32> -> vector<16xi32>
        %xor3A_2396 = arith.xori %gather3A_2395, %select_n3A_44 : vector<16xi32>
        %bitcast3A_2397 = vector.bitcast %xor3A_2396 : vector<16xi32> to vector<16xf32>
        %lt3A_2398 = arith.constant 0 : i32
        %lt3A_2399 = vector.broadcast %lt3A_2398 : i32 to vector<16xi32>
        %lt3A_2400 = arith.cmpi slt, %or3A_29, %lt3A_2399 : vector<16xi32>
        %add3A_2401 = arith.constant 16 : i32
        %add3A_2402 = vector.broadcast %add3A_2401 : i32 to vector<16xi32>
        %add3A_2403 = arith.addi %or3A_29, %add3A_2402 : vector<16xi32>
        %select_n3A_2404 = arith.select %lt3A_2400, %add3A_2403, %or3A_29 : vector<16xi1>, vector<16xi32>
        %reshape3A_2405 = vector.shape_cast %select_n3A_2404 : vector<16xi32> to vector<16x1xi32>
        %gather3A_2406 = vector.shape_cast %reshape3A_2405 : vector<16x1xi32> to vector<16xi32>
        %gather3A_2407 = tpu.dynamic_gather %bitcast3A_2361[%gather3A_2406] in [0] : vector<16xi32>, vector<16xi32> -> vector<16xi32>
        %xor3A_2408 = arith.xori %gather3A_2407, %select_n3A_50 : vector<16xi32>
        %bitcast3A_2409 = vector.bitcast %xor3A_2408 : vector<16xi32> to vector<16xf32>
        %mul3A_2410 = arith.mulf %get3A_2310, %bitcast3A_2373 : vector<16xf32>
        %lt3A_2411 = arith.constant 0 : i32
        %lt3A_2412 = vector.broadcast %lt3A_2411 : i32 to vector<16xi32>
        %lt3A_2413 = arith.cmpi slt, %xor3A_6, %lt3A_2412 : vector<16xi32>
        %add3A_2414 = arith.constant 16 : i32
        %add3A_2415 = vector.broadcast %add3A_2414 : i32 to vector<16xi32>
        %add3A_2416 = arith.addi %xor3A_6, %add3A_2415 : vector<16xi32>
        %select_n3A_2417 = arith.select %lt3A_2413, %add3A_2416, %xor3A_6 : vector<16xi1>, vector<16xi32>
        %reshape3A_2418 = vector.shape_cast %select_n3A_2417 : vector<16xi32> to vector<16x1xi32>
        %gather3A_2419 = vector.shape_cast %reshape3A_2418 : vector<16x1xi32> to vector<16xi32>
        %gather3A_2420 = tpu.dynamic_gather %get3A_2310[%gather3A_2419] in [0] : vector<16xf32>, vector<16xi32> -> vector<16xf32>
        %mul3A_2421 = arith.mulf %gather3A_2420, %bitcast3A_2385 : vector<16xf32>
        %add3A_2422 = arith.addf %mul3A_2410, %mul3A_2421 : vector<16xf32>
        %lt3A_2423 = arith.constant 0 : i32
        %lt3A_2424 = vector.broadcast %lt3A_2423 : i32 to vector<16xi32>
        %lt3A_2425 = arith.cmpi slt, %xor3A_9, %lt3A_2424 : vector<16xi32>
        %add3A_2426 = arith.constant 16 : i32
        %add3A_2427 = vector.broadcast %add3A_2426 : i32 to vector<16xi32>
        %add3A_2428 = arith.addi %xor3A_9, %add3A_2427 : vector<16xi32>
        %select_n3A_2429 = arith.select %lt3A_2425, %add3A_2428, %xor3A_9 : vector<16xi1>, vector<16xi32>
        %reshape3A_2430 = vector.shape_cast %select_n3A_2429 : vector<16xi32> to vector<16x1xi32>
        %gather3A_2431 = vector.shape_cast %reshape3A_2430 : vector<16x1xi32> to vector<16xi32>
        %gather3A_2432 = tpu.dynamic_gather %get3A_2310[%gather3A_2431] in [0] : vector<16xf32>, vector<16xi32> -> vector<16xf32>
        %mul3A_2433 = arith.mulf %gather3A_2432, %bitcast3A_2397 : vector<16xf32>
        %add3A_2434 = arith.addf %add3A_2422, %mul3A_2433 : vector<16xf32>
        %lt3A_2435 = arith.constant 0 : i32
        %lt3A_2436 = vector.broadcast %lt3A_2435 : i32 to vector<16xi32>
        %lt3A_2437 = arith.cmpi slt, %xor3A_12, %lt3A_2436 : vector<16xi32>
        %add3A_2438 = arith.constant 16 : i32
        %add3A_2439 = vector.broadcast %add3A_2438 : i32 to vector<16xi32>
        %add3A_2440 = arith.addi %xor3A_12, %add3A_2439 : vector<16xi32>
        %select_n3A_2441 = arith.select %lt3A_2437, %add3A_2440, %xor3A_12 : vector<16xi1>, vector<16xi32>
        %reshape3A_2442 = vector.shape_cast %select_n3A_2441 : vector<16xi32> to vector<16x1xi32>
        %gather3A_2443 = vector.shape_cast %reshape3A_2442 : vector<16x1xi32> to vector<16xi32>
        %gather3A_2444 = tpu.dynamic_gather %get3A_2310[%gather3A_2443] in [0] : vector<16xf32>, vector<16xi32> -> vector<16xf32>
        %mul3A_2445 = arith.mulf %gather3A_2444, %bitcast3A_2409 : vector<16xf32>
        %add3A_2446 = arith.addf %add3A_2434, %mul3A_2445 : vector<16xf32>
        %mul3A_2447 = arith.mulf %mul3A_2360, %add3A_2446 : vector<16xf32>
        %add3A_2448 = arith.addf %add3A_2304, %mul3A_2447 : vector<16xf32>
        %lt3A_2449 = arith.constant 0 : i32
        %lt3A_2450 = vector.broadcast %lt3A_2449 : i32 to vector<16xi32>
        %lt3A_2451 = arith.cmpi slt, %xor3A_6, %lt3A_2450 : vector<16xi32>
        %add3A_2452 = arith.constant 16 : i32
        %add3A_2453 = vector.broadcast %add3A_2452 : i32 to vector<16xi32>
        %add3A_2454 = arith.addi %xor3A_6, %add3A_2453 : vector<16xi32>
        %select_n3A_2455 = arith.select %lt3A_2451, %add3A_2454, %xor3A_6 : vector<16xi1>, vector<16xi32>
        %reshape3A_2456 = vector.shape_cast %select_n3A_2455 : vector<16xi32> to vector<16x1xi32>
        %gather3A_2457 = vector.shape_cast %reshape3A_2456 : vector<16x1xi32> to vector<16xi32>
        %gather3A_2458 = tpu.dynamic_gather %add3A_2448[%gather3A_2457] in [0] : vector<16xf32>, vector<16xi32> -> vector<16xf32>
        %add3A_2459 = arith.addf %add3A_2448, %gather3A_2458 : vector<16xf32>
        %lt3A_2460 = arith.constant 0 : i32
        %lt3A_2461 = vector.broadcast %lt3A_2460 : i32 to vector<16xi32>
        %lt3A_2462 = arith.cmpi slt, %xor3A_9, %lt3A_2461 : vector<16xi32>
        %add3A_2463 = arith.constant 16 : i32
        %add3A_2464 = vector.broadcast %add3A_2463 : i32 to vector<16xi32>
        %add3A_2465 = arith.addi %xor3A_9, %add3A_2464 : vector<16xi32>
        %select_n3A_2466 = arith.select %lt3A_2462, %add3A_2465, %xor3A_9 : vector<16xi1>, vector<16xi32>
        %reshape3A_2467 = vector.shape_cast %select_n3A_2466 : vector<16xi32> to vector<16x1xi32>
        %gather3A_2468 = vector.shape_cast %reshape3A_2467 : vector<16x1xi32> to vector<16xi32>
        %gather3A_2469 = tpu.dynamic_gather %add3A_2459[%gather3A_2468] in [0] : vector<16xf32>, vector<16xi32> -> vector<16xf32>
        %add3A_2470 = arith.addf %add3A_2459, %gather3A_2469 : vector<16xf32>
        %lt3A_2471 = arith.constant 0 : i32
        %lt3A_2472 = vector.broadcast %lt3A_2471 : i32 to vector<16xi32>
        %lt3A_2473 = arith.cmpi slt, %xor3A_15, %lt3A_2472 : vector<16xi32>
        %add3A_2474 = arith.constant 16 : i32
        %add3A_2475 = vector.broadcast %add3A_2474 : i32 to vector<16xi32>
        %add3A_2476 = arith.addi %xor3A_15, %add3A_2475 : vector<16xi32>
        %select_n3A_2477 = arith.select %lt3A_2473, %add3A_2476, %xor3A_15 : vector<16xi1>, vector<16xi32>
        %reshape3A_2478 = vector.shape_cast %select_n3A_2477 : vector<16xi32> to vector<16x1xi32>
        %gather3A_2479 = vector.shape_cast %reshape3A_2478 : vector<16x1xi32> to vector<16xi32>
        %gather3A_2480 = tpu.dynamic_gather %add3A_2470[%gather3A_2479] in [0] : vector<16xf32>, vector<16xi32> -> vector<16xf32>
        %add3A_2481 = arith.addf %add3A_2470, %gather3A_2480 : vector<16xf32>
        %lt3A_2482 = arith.constant 0 : i32
        %lt3A_2483 = vector.broadcast %lt3A_2482 : i32 to vector<16xi32>
        %lt3A_2484 = arith.cmpi slt, %xor3A_18, %lt3A_2483 : vector<16xi32>
        %add3A_2485 = arith.constant 16 : i32
        %add3A_2486 = vector.broadcast %add3A_2485 : i32 to vector<16xi32>
        %add3A_2487 = arith.addi %xor3A_18, %add3A_2486 : vector<16xi32>
        %select_n3A_2488 = arith.select %lt3A_2484, %add3A_2487, %xor3A_18 : vector<16xi1>, vector<16xi32>
        %reshape3A_2489 = vector.shape_cast %select_n3A_2488 : vector<16xi32> to vector<16x1xi32>
        %gather3A_2490 = vector.shape_cast %reshape3A_2489 : vector<16x1xi32> to vector<16xi32>
        %gather3A_2491 = tpu.dynamic_gather %add3A_2481[%gather3A_2490] in [0] : vector<16xf32>, vector<16xi32> -> vector<16xf32>
        %add3A_2492 = arith.addf %add3A_2481, %gather3A_2491 : vector<16xf32>
        %add3A_2493 = arith.constant 2 : i32
        %add3A_2494 = arith.addi %mul3A_99, %add3A_2493 : i32
        %broadcast_in_dim3A_2495 = arith.constant 0.000000e+00 : f32
        %broadcast_in_dim3A_2496 = vector.broadcast %broadcast_in_dim3A_2495 : f32 to vector<16xf32>
        %get3A_2497 = arith.index_cast %add3A_2494 : i32 to index
        %get3A_2498 = arith.constant 0 : index
        %get3A_2499 = tpu.vector_load %arg11[%get3A_2497, %get3A_2498] {strides = array<i32>} : memref<128x128xf32, #tpu.memory_space<vmem>>, vector<16xf32>,
        %get3A_2500 = arith.index_cast %add3A_2494 : i32 to index
        %get3A_2501 = arith.constant 0 : index
        %get3A_2502 = tpu.vector_load %arg12[%get3A_2500, %get3A_2501] {strides = array<i32>} : memref<128x128xf32, #tpu.memory_space<vmem>>, vector<16xf32>,
        %get3A_2503 = arith.index_cast %add3A_2494 : i32 to index
        %get3A_2504 = arith.constant 0 : index
        %get3A_2505 = tpu.vector_load %arg13[%get3A_2503, %get3A_2504] {strides = array<i32>} : memref<128x128xf32, #tpu.memory_space<vmem>>, vector<16xf32>,
        %mul3A_2506 = arith.mulf %get3A_2502, %get3A_2502 : vector<16xf32>
        %lt3A_2507 = arith.constant 0 : i32
        %lt3A_2508 = vector.broadcast %lt3A_2507 : i32 to vector<16xi32>
        %lt3A_2509 = arith.cmpi slt, %xor3A_6, %lt3A_2508 : vector<16xi32>
        %add3A_2510 = arith.constant 16 : i32
        %add3A_2511 = vector.broadcast %add3A_2510 : i32 to vector<16xi32>
        %add3A_2512 = arith.addi %xor3A_6, %add3A_2511 : vector<16xi32>
        %select_n3A_2513 = arith.select %lt3A_2509, %add3A_2512, %xor3A_6 : vector<16xi1>, vector<16xi32>
        %reshape3A_2514 = vector.shape_cast %select_n3A_2513 : vector<16xi32> to vector<16x1xi32>
        %gather3A_2515 = vector.shape_cast %reshape3A_2514 : vector<16x1xi32> to vector<16xi32>
        %gather3A_2516 = tpu.dynamic_gather %mul3A_2506[%gather3A_2515] in [0] : vector<16xf32>, vector<16xi32> -> vector<16xf32>
        %add3A_2517 = arith.addf %mul3A_2506, %gather3A_2516 : vector<16xf32>
        %lt3A_2518 = arith.constant 0 : i32
        %lt3A_2519 = vector.broadcast %lt3A_2518 : i32 to vector<16xi32>
        %lt3A_2520 = arith.cmpi slt, %xor3A_9, %lt3A_2519 : vector<16xi32>
        %add3A_2521 = arith.constant 16 : i32
        %add3A_2522 = vector.broadcast %add3A_2521 : i32 to vector<16xi32>
        %add3A_2523 = arith.addi %xor3A_9, %add3A_2522 : vector<16xi32>
        %select_n3A_2524 = arith.select %lt3A_2520, %add3A_2523, %xor3A_9 : vector<16xi1>, vector<16xi32>
        %reshape3A_2525 = vector.shape_cast %select_n3A_2524 : vector<16xi32> to vector<16x1xi32>
        %gather3A_2526 = vector.shape_cast %reshape3A_2525 : vector<16x1xi32> to vector<16xi32>
        %gather3A_2527 = tpu.dynamic_gather %add3A_2517[%gather3A_2526] in [0] : vector<16xf32>, vector<16xi32> -> vector<16xf32>
        %add3A_2528 = arith.addf %add3A_2517, %gather3A_2527 : vector<16xf32>
        %bitcast3A_2529 = vector.bitcast %add3A_2528 : vector<16xf32> to vector<16xi32>
        %shift_right_arithmetic3A_2530 = arith.constant 1 : i32
        %shift_right_arithmetic3A_2531 = vector.broadcast %shift_right_arithmetic3A_2530 : i32 to vector<16xi32>
        %shift_right_arithmetic3A_2532 = arith.shrsi %bitcast3A_2529, %shift_right_arithmetic3A_2531 : vector<16xi32>
        %sub3A_2533 = arith.constant 1597463007 : i32
        %sub3A_2534 = vector.broadcast %sub3A_2533 : i32 to vector<16xi32>
        %sub3A_2535 = arith.subi %sub3A_2534, %shift_right_arithmetic3A_2532 : vector<16xi32>
        %bitcast3A_2536 = vector.bitcast %sub3A_2535 : vector<16xi32> to vector<16xf32>
        %mul3A_2537 = arith.constant 5.000000e-01 : f32
        %mul3A_2538 = vector.broadcast %mul3A_2537 : f32 to vector<16xf32>
        %mul3A_2539 = arith.mulf %mul3A_2538, %add3A_2528 : vector<16xf32>
        %mul3A_2540 = arith.mulf %mul3A_2539, %bitcast3A_2536 : vector<16xf32>
        %mul3A_2541 = arith.mulf %mul3A_2540, %bitcast3A_2536 : vector<16xf32>
        %sub3A_2542 = arith.constant 1.500000e+00 : f32
        %sub3A_2543 = vector.broadcast %sub3A_2542 : f32 to vector<16xf32>
        %sub3A_2544 = arith.subf %sub3A_2543, %mul3A_2541 : vector<16xf32>
        %mul3A_2545 = arith.mulf %bitcast3A_2536, %sub3A_2544 : vector<16xf32>
        %mul3A_2546 = arith.mulf %mul3A_2539, %mul3A_2545 : vector<16xf32>
        %mul3A_2547 = arith.mulf %mul3A_2546, %mul3A_2545 : vector<16xf32>
        %sub3A_2548 = arith.constant 1.500000e+00 : f32
        %sub3A_2549 = vector.broadcast %sub3A_2548 : f32 to vector<16xf32>
        %sub3A_2550 = arith.subf %sub3A_2549, %mul3A_2547 : vector<16xf32>
        %mul3A_2551 = arith.mulf %mul3A_2545, %sub3A_2550 : vector<16xf32>
        %mul3A_2552 = arith.mulf %get3A_2499, %mul3A_2551 : vector<16xf32>
        %bitcast3A_2553 = vector.bitcast %get3A_2505 : vector<16xf32> to vector<16xi32>
        %lt3A_2554 = arith.constant 0 : i32
        %lt3A_2555 = vector.broadcast %lt3A_2554 : i32 to vector<16xi32>
        %lt3A_2556 = arith.cmpi slt, %and3A_21, %lt3A_2555 : vector<16xi32>
        %add3A_2557 = arith.constant 16 : i32
        %add3A_2558 = vector.broadcast %add3A_2557 : i32 to vector<16xi32>
        %add3A_2559 = arith.addi %and3A_21, %add3A_2558 : vector<16xi32>
        %select_n3A_2560 = arith.select %lt3A_2556, %add3A_2559, %and3A_21 : vector<16xi1>, vector<16xi32>
        %reshape3A_2561 = vector.shape_cast %select_n3A_2560 : vector<16xi32> to vector<16x1xi32>
        %gather3A_2562 = vector.shape_cast %reshape3A_2561 : vector<16x1xi32> to vector<16xi32>
        %gather3A_2563 = tpu.dynamic_gather %bitcast3A_2553[%gather3A_2562] in [0] : vector<16xi32>, vector<16xi32> -> vector<16xi32>
        %xor3A_2564 = arith.xori %gather3A_2563, %select_n3A : vector<16xi32>
        %bitcast3A_2565 = vector.bitcast %xor3A_2564 : vector<16xi32> to vector<16xf32>
        %lt3A_2566 = arith.constant 0 : i32
        %lt3A_2567 = vector.broadcast %lt3A_2566 : i32 to vector<16xi32>
        %lt3A_2568 = arith.cmpi slt, %or3A_23, %lt3A_2567 : vector<16xi32>
        %add3A_2569 = arith.constant 16 : i32
        %add3A_2570 = vector.broadcast %add3A_2569 : i32 to vector<16xi32>
        %add3A_2571 = arith.addi %or3A_23, %add3A_2570 : vector<16xi32>
        %select_n3A_2572 = arith.select %lt3A_2568, %add3A_2571, %or3A_23 : vector<16xi1>, vector<16xi32>
        %reshape3A_2573 = vector.shape_cast %select_n3A_2572 : vector<16xi32> to vector<16x1xi32>
        %gather3A_2574 = vector.shape_cast %reshape3A_2573 : vector<16x1xi32> to vector<16xi32>
        %gather3A_2575 = tpu.dynamic_gather %bitcast3A_2553[%gather3A_2574] in [0] : vector<16xi32>, vector<16xi32> -> vector<16xi32>
        %xor3A_2576 = arith.xori %gather3A_2575, %select_n3A_38 : vector<16xi32>
        %bitcast3A_2577 = vector.bitcast %xor3A_2576 : vector<16xi32> to vector<16xf32>
        %lt3A_2578 = arith.constant 0 : i32
        %lt3A_2579 = vector.broadcast %lt3A_2578 : i32 to vector<16xi32>
        %lt3A_2580 = arith.cmpi slt, %or3A_26, %lt3A_2579 : vector<16xi32>
        %add3A_2581 = arith.constant 16 : i32
        %add3A_2582 = vector.broadcast %add3A_2581 : i32 to vector<16xi32>
        %add3A_2583 = arith.addi %or3A_26, %add3A_2582 : vector<16xi32>
        %select_n3A_2584 = arith.select %lt3A_2580, %add3A_2583, %or3A_26 : vector<16xi1>, vector<16xi32>
        %reshape3A_2585 = vector.shape_cast %select_n3A_2584 : vector<16xi32> to vector<16x1xi32>
        %gather3A_2586 = vector.shape_cast %reshape3A_2585 : vector<16x1xi32> to vector<16xi32>
        %gather3A_2587 = tpu.dynamic_gather %bitcast3A_2553[%gather3A_2586] in [0] : vector<16xi32>, vector<16xi32> -> vector<16xi32>
        %xor3A_2588 = arith.xori %gather3A_2587, %select_n3A_44 : vector<16xi32>
        %bitcast3A_2589 = vector.bitcast %xor3A_2588 : vector<16xi32> to vector<16xf32>
        %lt3A_2590 = arith.constant 0 : i32
        %lt3A_2591 = vector.broadcast %lt3A_2590 : i32 to vector<16xi32>
        %lt3A_2592 = arith.cmpi slt, %or3A_29, %lt3A_2591 : vector<16xi32>
        %add3A_2593 = arith.constant 16 : i32
        %add3A_2594 = vector.broadcast %add3A_2593 : i32 to vector<16xi32>
        %add3A_2595 = arith.addi %or3A_29, %add3A_2594 : vector<16xi32>
        %select_n3A_2596 = arith.select %lt3A_2592, %add3A_2595, %or3A_29 : vector<16xi1>, vector<16xi32>
        %reshape3A_2597 = vector.shape_cast %select_n3A_2596 : vector<16xi32> to vector<16x1xi32>
        %gather3A_2598 = vector.shape_cast %reshape3A_2597 : vector<16x1xi32> to vector<16xi32>
        %gather3A_2599 = tpu.dynamic_gather %bitcast3A_2553[%gather3A_2598] in [0] : vector<16xi32>, vector<16xi32> -> vector<16xi32>
        %xor3A_2600 = arith.xori %gather3A_2599, %select_n3A_50 : vector<16xi32>
        %bitcast3A_2601 = vector.bitcast %xor3A_2600 : vector<16xi32> to vector<16xf32>
        %mul3A_2602 = arith.mulf %get3A_2502, %bitcast3A_2565 : vector<16xf32>
        %lt3A_2603 = arith.constant 0 : i32
        %lt3A_2604 = vector.broadcast %lt3A_2603 : i32 to vector<16xi32>
        %lt3A_2605 = arith.cmpi slt, %xor3A_6, %lt3A_2604 : vector<16xi32>
        %add3A_2606 = arith.constant 16 : i32
        %add3A_2607 = vector.broadcast %add3A_2606 : i32 to vector<16xi32>
        %add3A_2608 = arith.addi %xor3A_6, %add3A_2607 : vector<16xi32>
        %select_n3A_2609 = arith.select %lt3A_2605, %add3A_2608, %xor3A_6 : vector<16xi1>, vector<16xi32>
        %reshape3A_2610 = vector.shape_cast %select_n3A_2609 : vector<16xi32> to vector<16x1xi32>
        %gather3A_2611 = vector.shape_cast %reshape3A_2610 : vector<16x1xi32> to vector<16xi32>
        %gather3A_2612 = tpu.dynamic_gather %get3A_2502[%gather3A_2611] in [0] : vector<16xf32>, vector<16xi32> -> vector<16xf32>
        %mul3A_2613 = arith.mulf %gather3A_2612, %bitcast3A_2577 : vector<16xf32>
        %add3A_2614 = arith.addf %mul3A_2602, %mul3A_2613 : vector<16xf32>
        %lt3A_2615 = arith.constant 0 : i32
        %lt3A_2616 = vector.broadcast %lt3A_2615 : i32 to vector<16xi32>
        %lt3A_2617 = arith.cmpi slt, %xor3A_9, %lt3A_2616 : vector<16xi32>
        %add3A_2618 = arith.constant 16 : i32
        %add3A_2619 = vector.broadcast %add3A_2618 : i32 to vector<16xi32>
        %add3A_2620 = arith.addi %xor3A_9, %add3A_2619 : vector<16xi32>
        %select_n3A_2621 = arith.select %lt3A_2617, %add3A_2620, %xor3A_9 : vector<16xi1>, vector<16xi32>
        %reshape3A_2622 = vector.shape_cast %select_n3A_2621 : vector<16xi32> to vector<16x1xi32>
        %gather3A_2623 = vector.shape_cast %reshape3A_2622 : vector<16x1xi32> to vector<16xi32>
        %gather3A_2624 = tpu.dynamic_gather %get3A_2502[%gather3A_2623] in [0] : vector<16xf32>, vector<16xi32> -> vector<16xf32>
        %mul3A_2625 = arith.mulf %gather3A_2624, %bitcast3A_2589 : vector<16xf32>
        %add3A_2626 = arith.addf %add3A_2614, %mul3A_2625 : vector<16xf32>
        %lt3A_2627 = arith.constant 0 : i32
        %lt3A_2628 = vector.broadcast %lt3A_2627 : i32 to vector<16xi32>
        %lt3A_2629 = arith.cmpi slt, %xor3A_12, %lt3A_2628 : vector<16xi32>
        %add3A_2630 = arith.constant 16 : i32
        %add3A_2631 = vector.broadcast %add3A_2630 : i32 to vector<16xi32>
        %add3A_2632 = arith.addi %xor3A_12, %add3A_2631 : vector<16xi32>
        %select_n3A_2633 = arith.select %lt3A_2629, %add3A_2632, %xor3A_12 : vector<16xi1>, vector<16xi32>
        %reshape3A_2634 = vector.shape_cast %select_n3A_2633 : vector<16xi32> to vector<16x1xi32>
        %gather3A_2635 = vector.shape_cast %reshape3A_2634 : vector<16x1xi32> to vector<16xi32>
        %gather3A_2636 = tpu.dynamic_gather %get3A_2502[%gather3A_2635] in [0] : vector<16xf32>, vector<16xi32> -> vector<16xf32>
        %mul3A_2637 = arith.mulf %gather3A_2636, %bitcast3A_2601 : vector<16xf32>
        %add3A_2638 = arith.addf %add3A_2626, %mul3A_2637 : vector<16xf32>
        %mul3A_2639 = arith.mulf %mul3A_2552, %add3A_2638 : vector<16xf32>
        %add3A_2640 = arith.addf %broadcast_in_dim3A_2496, %mul3A_2639 : vector<16xf32>
        %get3A_2641 = arith.index_cast %add3A_2494 : i32 to index
        %get3A_2642 = arith.constant 16 : index
        %get3A_2643 = tpu.vector_load %arg11[%get3A_2641, %get3A_2642] {strides = array<i32>} : memref<128x128xf32, #tpu.memory_space<vmem>>, vector<16xf32>,
        %get3A_2644 = arith.index_cast %add3A_2494 : i32 to index
        %get3A_2645 = arith.constant 16 : index
        %get3A_2646 = tpu.vector_load %arg12[%get3A_2644, %get3A_2645] {strides = array<i32>} : memref<128x128xf32, #tpu.memory_space<vmem>>, vector<16xf32>,
        %get3A_2647 = arith.index_cast %add3A_2494 : i32 to index
        %get3A_2648 = arith.constant 16 : index
        %get3A_2649 = tpu.vector_load %arg13[%get3A_2647, %get3A_2648] {strides = array<i32>} : memref<128x128xf32, #tpu.memory_space<vmem>>, vector<16xf32>,
        %mul3A_2650 = arith.mulf %get3A_2646, %get3A_2646 : vector<16xf32>
        %lt3A_2651 = arith.constant 0 : i32
        %lt3A_2652 = vector.broadcast %lt3A_2651 : i32 to vector<16xi32>
        %lt3A_2653 = arith.cmpi slt, %xor3A_6, %lt3A_2652 : vector<16xi32>
        %add3A_2654 = arith.constant 16 : i32
        %add3A_2655 = vector.broadcast %add3A_2654 : i32 to vector<16xi32>
        %add3A_2656 = arith.addi %xor3A_6, %add3A_2655 : vector<16xi32>
        %select_n3A_2657 = arith.select %lt3A_2653, %add3A_2656, %xor3A_6 : vector<16xi1>, vector<16xi32>
        %reshape3A_2658 = vector.shape_cast %select_n3A_2657 : vector<16xi32> to vector<16x1xi32>
        %gather3A_2659 = vector.shape_cast %reshape3A_2658 : vector<16x1xi32> to vector<16xi32>
        %gather3A_2660 = tpu.dynamic_gather %mul3A_2650[%gather3A_2659] in [0] : vector<16xf32>, vector<16xi32> -> vector<16xf32>
        %add3A_2661 = arith.addf %mul3A_2650, %gather3A_2660 : vector<16xf32>
        %lt3A_2662 = arith.constant 0 : i32
        %lt3A_2663 = vector.broadcast %lt3A_2662 : i32 to vector<16xi32>
        %lt3A_2664 = arith.cmpi slt, %xor3A_9, %lt3A_2663 : vector<16xi32>
        %add3A_2665 = arith.constant 16 : i32
        %add3A_2666 = vector.broadcast %add3A_2665 : i32 to vector<16xi32>
        %add3A_2667 = arith.addi %xor3A_9, %add3A_2666 : vector<16xi32>
        %select_n3A_2668 = arith.select %lt3A_2664, %add3A_2667, %xor3A_9 : vector<16xi1>, vector<16xi32>
        %reshape3A_2669 = vector.shape_cast %select_n3A_2668 : vector<16xi32> to vector<16x1xi32>
        %gather3A_2670 = vector.shape_cast %reshape3A_2669 : vector<16x1xi32> to vector<16xi32>
        %gather3A_2671 = tpu.dynamic_gather %add3A_2661[%gather3A_2670] in [0] : vector<16xf32>, vector<16xi32> -> vector<16xf32>
        %add3A_2672 = arith.addf %add3A_2661, %gather3A_2671 : vector<16xf32>
        %bitcast3A_2673 = vector.bitcast %add3A_2672 : vector<16xf32> to vector<16xi32>
        %shift_right_arithmetic3A_2674 = arith.constant 1 : i32
        %shift_right_arithmetic3A_2675 = vector.broadcast %shift_right_arithmetic3A_2674 : i32 to vector<16xi32>
        %shift_right_arithmetic3A_2676 = arith.shrsi %bitcast3A_2673, %shift_right_arithmetic3A_2675 : vector<16xi32>
        %sub3A_2677 = arith.constant 1597463007 : i32
        %sub3A_2678 = vector.broadcast %sub3A_2677 : i32 to vector<16xi32>
        %sub3A_2679 = arith.subi %sub3A_2678, %shift_right_arithmetic3A_2676 : vector<16xi32>
        %bitcast3A_2680 = vector.bitcast %sub3A_2679 : vector<16xi32> to vector<16xf32>
        %mul3A_2681 = arith.constant 5.000000e-01 : f32
        %mul3A_2682 = vector.broadcast %mul3A_2681 : f32 to vector<16xf32>
        %mul3A_2683 = arith.mulf %mul3A_2682, %add3A_2672 : vector<16xf32>
        %mul3A_2684 = arith.mulf %mul3A_2683, %bitcast3A_2680 : vector<16xf32>
        %mul3A_2685 = arith.mulf %mul3A_2684, %bitcast3A_2680 : vector<16xf32>
        %sub3A_2686 = arith.constant 1.500000e+00 : f32
        %sub3A_2687 = vector.broadcast %sub3A_2686 : f32 to vector<16xf32>
        %sub3A_2688 = arith.subf %sub3A_2687, %mul3A_2685 : vector<16xf32>
        %mul3A_2689 = arith.mulf %bitcast3A_2680, %sub3A_2688 : vector<16xf32>
        %mul3A_2690 = arith.mulf %mul3A_2683, %mul3A_2689 : vector<16xf32>
        %mul3A_2691 = arith.mulf %mul3A_2690, %mul3A_2689 : vector<16xf32>
        %sub3A_2692 = arith.constant 1.500000e+00 : f32
        %sub3A_2693 = vector.broadcast %sub3A_2692 : f32 to vector<16xf32>
        %sub3A_2694 = arith.subf %sub3A_2693, %mul3A_2691 : vector<16xf32>
        %mul3A_2695 = arith.mulf %mul3A_2689, %sub3A_2694 : vector<16xf32>
        %mul3A_2696 = arith.mulf %get3A_2643, %mul3A_2695 : vector<16xf32>
        %bitcast3A_2697 = vector.bitcast %get3A_2649 : vector<16xf32> to vector<16xi32>
        %lt3A_2698 = arith.constant 0 : i32
        %lt3A_2699 = vector.broadcast %lt3A_2698 : i32 to vector<16xi32>
        %lt3A_2700 = arith.cmpi slt, %and3A_21, %lt3A_2699 : vector<16xi32>
        %add3A_2701 = arith.constant 16 : i32
        %add3A_2702 = vector.broadcast %add3A_2701 : i32 to vector<16xi32>
        %add3A_2703 = arith.addi %and3A_21, %add3A_2702 : vector<16xi32>
        %select_n3A_2704 = arith.select %lt3A_2700, %add3A_2703, %and3A_21 : vector<16xi1>, vector<16xi32>
        %reshape3A_2705 = vector.shape_cast %select_n3A_2704 : vector<16xi32> to vector<16x1xi32>
        %gather3A_2706 = vector.shape_cast %reshape3A_2705 : vector<16x1xi32> to vector<16xi32>
        %gather3A_2707 = tpu.dynamic_gather %bitcast3A_2697[%gather3A_2706] in [0] : vector<16xi32>, vector<16xi32> -> vector<16xi32>
        %xor3A_2708 = arith.xori %gather3A_2707, %select_n3A : vector<16xi32>
        %bitcast3A_2709 = vector.bitcast %xor3A_2708 : vector<16xi32> to vector<16xf32>
        %lt3A_2710 = arith.constant 0 : i32
        %lt3A_2711 = vector.broadcast %lt3A_2710 : i32 to vector<16xi32>
        %lt3A_2712 = arith.cmpi slt, %or3A_23, %lt3A_2711 : vector<16xi32>
        %add3A_2713 = arith.constant 16 : i32
        %add3A_2714 = vector.broadcast %add3A_2713 : i32 to vector<16xi32>
        %add3A_2715 = arith.addi %or3A_23, %add3A_2714 : vector<16xi32>
        %select_n3A_2716 = arith.select %lt3A_2712, %add3A_2715, %or3A_23 : vector<16xi1>, vector<16xi32>
        %reshape3A_2717 = vector.shape_cast %select_n3A_2716 : vector<16xi32> to vector<16x1xi32>
        %gather3A_2718 = vector.shape_cast %reshape3A_2717 : vector<16x1xi32> to vector<16xi32>
        %gather3A_2719 = tpu.dynamic_gather %bitcast3A_2697[%gather3A_2718] in [0] : vector<16xi32>, vector<16xi32> -> vector<16xi32>
        %xor3A_2720 = arith.xori %gather3A_2719, %select_n3A_38 : vector<16xi32>
        %bitcast3A_2721 = vector.bitcast %xor3A_2720 : vector<16xi32> to vector<16xf32>
        %lt3A_2722 = arith.constant 0 : i32
        %lt3A_2723 = vector.broadcast %lt3A_2722 : i32 to vector<16xi32>
        %lt3A_2724 = arith.cmpi slt, %or3A_26, %lt3A_2723 : vector<16xi32>
        %add3A_2725 = arith.constant 16 : i32
        %add3A_2726 = vector.broadcast %add3A_2725 : i32 to vector<16xi32>
        %add3A_2727 = arith.addi %or3A_26, %add3A_2726 : vector<16xi32>
        %select_n3A_2728 = arith.select %lt3A_2724, %add3A_2727, %or3A_26 : vector<16xi1>, vector<16xi32>
        %reshape3A_2729 = vector.shape_cast %select_n3A_2728 : vector<16xi32> to vector<16x1xi32>
        %gather3A_2730 = vector.shape_cast %reshape3A_2729 : vector<16x1xi32> to vector<16xi32>
        %gather3A_2731 = tpu.dynamic_gather %bitcast3A_2697[%gather3A_2730] in [0] : vector<16xi32>, vector<16xi32> -> vector<16xi32>
        %xor3A_2732 = arith.xori %gather3A_2731, %select_n3A_44 : vector<16xi32>
        %bitcast3A_2733 = vector.bitcast %xor3A_2732 : vector<16xi32> to vector<16xf32>
        %lt3A_2734 = arith.constant 0 : i32
        %lt3A_2735 = vector.broadcast %lt3A_2734 : i32 to vector<16xi32>
        %lt3A_2736 = arith.cmpi slt, %or3A_29, %lt3A_2735 : vector<16xi32>
        %add3A_2737 = arith.constant 16 : i32
        %add3A_2738 = vector.broadcast %add3A_2737 : i32 to vector<16xi32>
        %add3A_2739 = arith.addi %or3A_29, %add3A_2738 : vector<16xi32>
        %select_n3A_2740 = arith.select %lt3A_2736, %add3A_2739, %or3A_29 : vector<16xi1>, vector<16xi32>
        %reshape3A_2741 = vector.shape_cast %select_n3A_2740 : vector<16xi32> to vector<16x1xi32>
        %gather3A_2742 = vector.shape_cast %reshape3A_2741 : vector<16x1xi32> to vector<16xi32>
        %gather3A_2743 = tpu.dynamic_gather %bitcast3A_2697[%gather3A_2742] in [0] : vector<16xi32>, vector<16xi32> -> vector<16xi32>
        %xor3A_2744 = arith.xori %gather3A_2743, %select_n3A_50 : vector<16xi32>
        %bitcast3A_2745 = vector.bitcast %xor3A_2744 : vector<16xi32> to vector<16xf32>
        %mul3A_2746 = arith.mulf %get3A_2646, %bitcast3A_2709 : vector<16xf32>
        %lt3A_2747 = arith.constant 0 : i32
        %lt3A_2748 = vector.broadcast %lt3A_2747 : i32 to vector<16xi32>
        %lt3A_2749 = arith.cmpi slt, %xor3A_6, %lt3A_2748 : vector<16xi32>
        %add3A_2750 = arith.constant 16 : i32
        %add3A_2751 = vector.broadcast %add3A_2750 : i32 to vector<16xi32>
        %add3A_2752 = arith.addi %xor3A_6, %add3A_2751 : vector<16xi32>
        %select_n3A_2753 = arith.select %lt3A_2749, %add3A_2752, %xor3A_6 : vector<16xi1>, vector<16xi32>
        %reshape3A_2754 = vector.shape_cast %select_n3A_2753 : vector<16xi32> to vector<16x1xi32>
        %gather3A_2755 = vector.shape_cast %reshape3A_2754 : vector<16x1xi32> to vector<16xi32>
        %gather3A_2756 = tpu.dynamic_gather %get3A_2646[%gather3A_2755] in [0] : vector<16xf32>, vector<16xi32> -> vector<16xf32>
        %mul3A_2757 = arith.mulf %gather3A_2756, %bitcast3A_2721 : vector<16xf32>
        %add3A_2758 = arith.addf %mul3A_2746, %mul3A_2757 : vector<16xf32>
        %lt3A_2759 = arith.constant 0 : i32
        %lt3A_2760 = vector.broadcast %lt3A_2759 : i32 to vector<16xi32>
        %lt3A_2761 = arith.cmpi slt, %xor3A_9, %lt3A_2760 : vector<16xi32>
        %add3A_2762 = arith.constant 16 : i32
        %add3A_2763 = vector.broadcast %add3A_2762 : i32 to vector<16xi32>
        %add3A_2764 = arith.addi %xor3A_9, %add3A_2763 : vector<16xi32>
        %select_n3A_2765 = arith.select %lt3A_2761, %add3A_2764, %xor3A_9 : vector<16xi1>, vector<16xi32>
        %reshape3A_2766 = vector.shape_cast %select_n3A_2765 : vector<16xi32> to vector<16x1xi32>
        %gather3A_2767 = vector.shape_cast %reshape3A_2766 : vector<16x1xi32> to vector<16xi32>
        %gather3A_2768 = tpu.dynamic_gather %get3A_2646[%gather3A_2767] in [0] : vector<16xf32>, vector<16xi32> -> vector<16xf32>
        %mul3A_2769 = arith.mulf %gather3A_2768, %bitcast3A_2733 : vector<16xf32>
        %add3A_2770 = arith.addf %add3A_2758, %mul3A_2769 : vector<16xf32>
        %lt3A_2771 = arith.constant 0 : i32
        %lt3A_2772 = vector.broadcast %lt3A_2771 : i32 to vector<16xi32>
        %lt3A_2773 = arith.cmpi slt, %xor3A_12, %lt3A_2772 : vector<16xi32>
        %add3A_2774 = arith.constant 16 : i32
        %add3A_2775 = vector.broadcast %add3A_2774 : i32 to vector<16xi32>
        %add3A_2776 = arith.addi %xor3A_12, %add3A_2775 : vector<16xi32>
        %select_n3A_2777 = arith.select %lt3A_2773, %add3A_2776, %xor3A_12 : vector<16xi1>, vector<16xi32>
        %reshape3A_2778 = vector.shape_cast %select_n3A_2777 : vector<16xi32> to vector<16x1xi32>
        %gather3A_2779 = vector.shape_cast %reshape3A_2778 : vector<16x1xi32> to vector<16xi32>
        %gather3A_2780 = tpu.dynamic_gather %get3A_2646[%gather3A_2779] in [0] : vector<16xf32>, vector<16xi32> -> vector<16xf32>
        %mul3A_2781 = arith.mulf %gather3A_2780, %bitcast3A_2745 : vector<16xf32>
        %add3A_2782 = arith.addf %add3A_2770, %mul3A_2781 : vector<16xf32>
        %mul3A_2783 = arith.mulf %mul3A_2696, %add3A_2782 : vector<16xf32>
        %add3A_2784 = arith.addf %add3A_2640, %mul3A_2783 : vector<16xf32>
        %get3A_2785 = arith.index_cast %add3A_2494 : i32 to index
        %get3A_2786 = arith.constant 32 : index
        %get3A_2787 = tpu.vector_load %arg11[%get3A_2785, %get3A_2786] {strides = array<i32>} : memref<128x128xf32, #tpu.memory_space<vmem>>, vector<16xf32>,
        %get3A_2788 = arith.index_cast %add3A_2494 : i32 to index
        %get3A_2789 = arith.constant 32 : index
        %get3A_2790 = tpu.vector_load %arg12[%get3A_2788, %get3A_2789] {strides = array<i32>} : memref<128x128xf32, #tpu.memory_space<vmem>>, vector<16xf32>,
        %get3A_2791 = arith.index_cast %add3A_2494 : i32 to index
        %get3A_2792 = arith.constant 32 : index
        %get3A_2793 = tpu.vector_load %arg13[%get3A_2791, %get3A_2792] {strides = array<i32>} : memref<128x128xf32, #tpu.memory_space<vmem>>, vector<16xf32>,
        %mul3A_2794 = arith.mulf %get3A_2790, %get3A_2790 : vector<16xf32>
        %lt3A_2795 = arith.constant 0 : i32
        %lt3A_2796 = vector.broadcast %lt3A_2795 : i32 to vector<16xi32>
        %lt3A_2797 = arith.cmpi slt, %xor3A_6, %lt3A_2796 : vector<16xi32>
        %add3A_2798 = arith.constant 16 : i32
        %add3A_2799 = vector.broadcast %add3A_2798 : i32 to vector<16xi32>
        %add3A_2800 = arith.addi %xor3A_6, %add3A_2799 : vector<16xi32>
        %select_n3A_2801 = arith.select %lt3A_2797, %add3A_2800, %xor3A_6 : vector<16xi1>, vector<16xi32>
        %reshape3A_2802 = vector.shape_cast %select_n3A_2801 : vector<16xi32> to vector<16x1xi32>
        %gather3A_2803 = vector.shape_cast %reshape3A_2802 : vector<16x1xi32> to vector<16xi32>
        %gather3A_2804 = tpu.dynamic_gather %mul3A_2794[%gather3A_2803] in [0] : vector<16xf32>, vector<16xi32> -> vector<16xf32>
        %add3A_2805 = arith.addf %mul3A_2794, %gather3A_2804 : vector<16xf32>
        %lt3A_2806 = arith.constant 0 : i32
        %lt3A_2807 = vector.broadcast %lt3A_2806 : i32 to vector<16xi32>
        %lt3A_2808 = arith.cmpi slt, %xor3A_9, %lt3A_2807 : vector<16xi32>
        %add3A_2809 = arith.constant 16 : i32
        %add3A_2810 = vector.broadcast %add3A_2809 : i32 to vector<16xi32>
        %add3A_2811 = arith.addi %xor3A_9, %add3A_2810 : vector<16xi32>
        %select_n3A_2812 = arith.select %lt3A_2808, %add3A_2811, %xor3A_9 : vector<16xi1>, vector<16xi32>
        %reshape3A_2813 = vector.shape_cast %select_n3A_2812 : vector<16xi32> to vector<16x1xi32>
        %gather3A_2814 = vector.shape_cast %reshape3A_2813 : vector<16x1xi32> to vector<16xi32>
        %gather3A_2815 = tpu.dynamic_gather %add3A_2805[%gather3A_2814] in [0] : vector<16xf32>, vector<16xi32> -> vector<16xf32>
        %add3A_2816 = arith.addf %add3A_2805, %gather3A_2815 : vector<16xf32>
        %bitcast3A_2817 = vector.bitcast %add3A_2816 : vector<16xf32> to vector<16xi32>
        %shift_right_arithmetic3A_2818 = arith.constant 1 : i32
        %shift_right_arithmetic3A_2819 = vector.broadcast %shift_right_arithmetic3A_2818 : i32 to vector<16xi32>
        %shift_right_arithmetic3A_2820 = arith.shrsi %bitcast3A_2817, %shift_right_arithmetic3A_2819 : vector<16xi32>
        %sub3A_2821 = arith.constant 1597463007 : i32
        %sub3A_2822 = vector.broadcast %sub3A_2821 : i32 to vector<16xi32>
        %sub3A_2823 = arith.subi %sub3A_2822, %shift_right_arithmetic3A_2820 : vector<16xi32>
        %bitcast3A_2824 = vector.bitcast %sub3A_2823 : vector<16xi32> to vector<16xf32>
        %mul3A_2825 = arith.constant 5.000000e-01 : f32
        %mul3A_2826 = vector.broadcast %mul3A_2825 : f32 to vector<16xf32>
        %mul3A_2827 = arith.mulf %mul3A_2826, %add3A_2816 : vector<16xf32>
        %mul3A_2828 = arith.mulf %mul3A_2827, %bitcast3A_2824 : vector<16xf32>
        %mul3A_2829 = arith.mulf %mul3A_2828, %bitcast3A_2824 : vector<16xf32>
        %sub3A_2830 = arith.constant 1.500000e+00 : f32
        %sub3A_2831 = vector.broadcast %sub3A_2830 : f32 to vector<16xf32>
        %sub3A_2832 = arith.subf %sub3A_2831, %mul3A_2829 : vector<16xf32>
        %mul3A_2833 = arith.mulf %bitcast3A_2824, %sub3A_2832 : vector<16xf32>
        %mul3A_2834 = arith.mulf %mul3A_2827, %mul3A_2833 : vector<16xf32>
        %mul3A_2835 = arith.mulf %mul3A_2834, %mul3A_2833 : vector<16xf32>
        %sub3A_2836 = arith.constant 1.500000e+00 : f32
        %sub3A_2837 = vector.broadcast %sub3A_2836 : f32 to vector<16xf32>
        %sub3A_2838 = arith.subf %sub3A_2837, %mul3A_2835 : vector<16xf32>
        %mul3A_2839 = arith.mulf %mul3A_2833, %sub3A_2838 : vector<16xf32>
        %mul3A_2840 = arith.mulf %get3A_2787, %mul3A_2839 : vector<16xf32>
        %bitcast3A_2841 = vector.bitcast %get3A_2793 : vector<16xf32> to vector<16xi32>
        %lt3A_2842 = arith.constant 0 : i32
        %lt3A_2843 = vector.broadcast %lt3A_2842 : i32 to vector<16xi32>
        %lt3A_2844 = arith.cmpi slt, %and3A_21, %lt3A_2843 : vector<16xi32>
        %add3A_2845 = arith.constant 16 : i32
        %add3A_2846 = vector.broadcast %add3A_2845 : i32 to vector<16xi32>
        %add3A_2847 = arith.addi %and3A_21, %add3A_2846 : vector<16xi32>
        %select_n3A_2848 = arith.select %lt3A_2844, %add3A_2847, %and3A_21 : vector<16xi1>, vector<16xi32>
        %reshape3A_2849 = vector.shape_cast %select_n3A_2848 : vector<16xi32> to vector<16x1xi32>
        %gather3A_2850 = vector.shape_cast %reshape3A_2849 : vector<16x1xi32> to vector<16xi32>
        %gather3A_2851 = tpu.dynamic_gather %bitcast3A_2841[%gather3A_2850] in [0] : vector<16xi32>, vector<16xi32> -> vector<16xi32>
        %xor3A_2852 = arith.xori %gather3A_2851, %select_n3A : vector<16xi32>
        %bitcast3A_2853 = vector.bitcast %xor3A_2852 : vector<16xi32> to vector<16xf32>
        %lt3A_2854 = arith.constant 0 : i32
        %lt3A_2855 = vector.broadcast %lt3A_2854 : i32 to vector<16xi32>
        %lt3A_2856 = arith.cmpi slt, %or3A_23, %lt3A_2855 : vector<16xi32>
        %add3A_2857 = arith.constant 16 : i32
        %add3A_2858 = vector.broadcast %add3A_2857 : i32 to vector<16xi32>
        %add3A_2859 = arith.addi %or3A_23, %add3A_2858 : vector<16xi32>
        %select_n3A_2860 = arith.select %lt3A_2856, %add3A_2859, %or3A_23 : vector<16xi1>, vector<16xi32>
        %reshape3A_2861 = vector.shape_cast %select_n3A_2860 : vector<16xi32> to vector<16x1xi32>
        %gather3A_2862 = vector.shape_cast %reshape3A_2861 : vector<16x1xi32> to vector<16xi32>
        %gather3A_2863 = tpu.dynamic_gather %bitcast3A_2841[%gather3A_2862] in [0] : vector<16xi32>, vector<16xi32> -> vector<16xi32>
        %xor3A_2864 = arith.xori %gather3A_2863, %select_n3A_38 : vector<16xi32>
        %bitcast3A_2865 = vector.bitcast %xor3A_2864 : vector<16xi32> to vector<16xf32>
        %lt3A_2866 = arith.constant 0 : i32
        %lt3A_2867 = vector.broadcast %lt3A_2866 : i32 to vector<16xi32>
        %lt3A_2868 = arith.cmpi slt, %or3A_26, %lt3A_2867 : vector<16xi32>
        %add3A_2869 = arith.constant 16 : i32
        %add3A_2870 = vector.broadcast %add3A_2869 : i32 to vector<16xi32>
        %add3A_2871 = arith.addi %or3A_26, %add3A_2870 : vector<16xi32>
        %select_n3A_2872 = arith.select %lt3A_2868, %add3A_2871, %or3A_26 : vector<16xi1>, vector<16xi32>
        %reshape3A_2873 = vector.shape_cast %select_n3A_2872 : vector<16xi32> to vector<16x1xi32>
        %gather3A_2874 = vector.shape_cast %reshape3A_2873 : vector<16x1xi32> to vector<16xi32>
        %gather3A_2875 = tpu.dynamic_gather %bitcast3A_2841[%gather3A_2874] in [0] : vector<16xi32>, vector<16xi32> -> vector<16xi32>
        %xor3A_2876 = arith.xori %gather3A_2875, %select_n3A_44 : vector<16xi32>
        %bitcast3A_2877 = vector.bitcast %xor3A_2876 : vector<16xi32> to vector<16xf32>
        %lt3A_2878 = arith.constant 0 : i32
        %lt3A_2879 = vector.broadcast %lt3A_2878 : i32 to vector<16xi32>
        %lt3A_2880 = arith.cmpi slt, %or3A_29, %lt3A_2879 : vector<16xi32>
        %add3A_2881 = arith.constant 16 : i32
        %add3A_2882 = vector.broadcast %add3A_2881 : i32 to vector<16xi32>
        %add3A_2883 = arith.addi %or3A_29, %add3A_2882 : vector<16xi32>
        %select_n3A_2884 = arith.select %lt3A_2880, %add3A_2883, %or3A_29 : vector<16xi1>, vector<16xi32>
        %reshape3A_2885 = vector.shape_cast %select_n3A_2884 : vector<16xi32> to vector<16x1xi32>
        %gather3A_2886 = vector.shape_cast %reshape3A_2885 : vector<16x1xi32> to vector<16xi32>
        %gather3A_2887 = tpu.dynamic_gather %bitcast3A_2841[%gather3A_2886] in [0] : vector<16xi32>, vector<16xi32> -> vector<16xi32>
        %xor3A_2888 = arith.xori %gather3A_2887, %select_n3A_50 : vector<16xi32>
        %bitcast3A_2889 = vector.bitcast %xor3A_2888 : vector<16xi32> to vector<16xf32>
        %mul3A_2890 = arith.mulf %get3A_2790, %bitcast3A_2853 : vector<16xf32>
        %lt3A_2891 = arith.constant 0 : i32
        %lt3A_2892 = vector.broadcast %lt3A_2891 : i32 to vector<16xi32>
        %lt3A_2893 = arith.cmpi slt, %xor3A_6, %lt3A_2892 : vector<16xi32>
        %add3A_2894 = arith.constant 16 : i32
        %add3A_2895 = vector.broadcast %add3A_2894 : i32 to vector<16xi32>
        %add3A_2896 = arith.addi %xor3A_6, %add3A_2895 : vector<16xi32>
        %select_n3A_2897 = arith.select %lt3A_2893, %add3A_2896, %xor3A_6 : vector<16xi1>, vector<16xi32>
        %reshape3A_2898 = vector.shape_cast %select_n3A_2897 : vector<16xi32> to vector<16x1xi32>
        %gather3A_2899 = vector.shape_cast %reshape3A_2898 : vector<16x1xi32> to vector<16xi32>
        %gather3A_2900 = tpu.dynamic_gather %get3A_2790[%gather3A_2899] in [0] : vector<16xf32>, vector<16xi32> -> vector<16xf32>
        %mul3A_2901 = arith.mulf %gather3A_2900, %bitcast3A_2865 : vector<16xf32>
        %add3A_2902 = arith.addf %mul3A_2890, %mul3A_2901 : vector<16xf32>
        %lt3A_2903 = arith.constant 0 : i32
        %lt3A_2904 = vector.broadcast %lt3A_2903 : i32 to vector<16xi32>
        %lt3A_2905 = arith.cmpi slt, %xor3A_9, %lt3A_2904 : vector<16xi32>
        %add3A_2906 = arith.constant 16 : i32
        %add3A_2907 = vector.broadcast %add3A_2906 : i32 to vector<16xi32>
        %add3A_2908 = arith.addi %xor3A_9, %add3A_2907 : vector<16xi32>
        %select_n3A_2909 = arith.select %lt3A_2905, %add3A_2908, %xor3A_9 : vector<16xi1>, vector<16xi32>
        %reshape3A_2910 = vector.shape_cast %select_n3A_2909 : vector<16xi32> to vector<16x1xi32>
        %gather3A_2911 = vector.shape_cast %reshape3A_2910 : vector<16x1xi32> to vector<16xi32>
        %gather3A_2912 = tpu.dynamic_gather %get3A_2790[%gather3A_2911] in [0] : vector<16xf32>, vector<16xi32> -> vector<16xf32>
        %mul3A_2913 = arith.mulf %gather3A_2912, %bitcast3A_2877 : vector<16xf32>
        %add3A_2914 = arith.addf %add3A_2902, %mul3A_2913 : vector<16xf32>
        %lt3A_2915 = arith.constant 0 : i32
        %lt3A_2916 = vector.broadcast %lt3A_2915 : i32 to vector<16xi32>
        %lt3A_2917 = arith.cmpi slt, %xor3A_12, %lt3A_2916 : vector<16xi32>
        %add3A_2918 = arith.constant 16 : i32
        %add3A_2919 = vector.broadcast %add3A_2918 : i32 to vector<16xi32>
        %add3A_2920 = arith.addi %xor3A_12, %add3A_2919 : vector<16xi32>
        %select_n3A_2921 = arith.select %lt3A_2917, %add3A_2920, %xor3A_12 : vector<16xi1>, vector<16xi32>
        %reshape3A_2922 = vector.shape_cast %select_n3A_2921 : vector<16xi32> to vector<16x1xi32>
        %gather3A_2923 = vector.shape_cast %reshape3A_2922 : vector<16x1xi32> to vector<16xi32>
        %gather3A_2924 = tpu.dynamic_gather %get3A_2790[%gather3A_2923] in [0] : vector<16xf32>, vector<16xi32> -> vector<16xf32>
        %mul3A_2925 = arith.mulf %gather3A_2924, %bitcast3A_2889 : vector<16xf32>
        %add3A_2926 = arith.addf %add3A_2914, %mul3A_2925 : vector<16xf32>
        %mul3A_2927 = arith.mulf %mul3A_2840, %add3A_2926 : vector<16xf32>
        %add3A_2928 = arith.addf %add3A_2784, %mul3A_2927 : vector<16xf32>
        %get3A_2929 = arith.index_cast %add3A_2494 : i32 to index
        %get3A_2930 = arith.constant 48 : index
        %get3A_2931 = tpu.vector_load %arg11[%get3A_2929, %get3A_2930] {strides = array<i32>} : memref<128x128xf32, #tpu.memory_space<vmem>>, vector<16xf32>,
        %get3A_2932 = arith.index_cast %add3A_2494 : i32 to index
        %get3A_2933 = arith.constant 48 : index
        %get3A_2934 = tpu.vector_load %arg12[%get3A_2932, %get3A_2933] {strides = array<i32>} : memref<128x128xf32, #tpu.memory_space<vmem>>, vector<16xf32>,
        %get3A_2935 = arith.index_cast %add3A_2494 : i32 to index
        %get3A_2936 = arith.constant 48 : index
        %get3A_2937 = tpu.vector_load %arg13[%get3A_2935, %get3A_2936] {strides = array<i32>} : memref<128x128xf32, #tpu.memory_space<vmem>>, vector<16xf32>,
        %mul3A_2938 = arith.mulf %get3A_2934, %get3A_2934 : vector<16xf32>
        %lt3A_2939 = arith.constant 0 : i32
        %lt3A_2940 = vector.broadcast %lt3A_2939 : i32 to vector<16xi32>
        %lt3A_2941 = arith.cmpi slt, %xor3A_6, %lt3A_2940 : vector<16xi32>
        %add3A_2942 = arith.constant 16 : i32
        %add3A_2943 = vector.broadcast %add3A_2942 : i32 to vector<16xi32>
        %add3A_2944 = arith.addi %xor3A_6, %add3A_2943 : vector<16xi32>
        %select_n3A_2945 = arith.select %lt3A_2941, %add3A_2944, %xor3A_6 : vector<16xi1>, vector<16xi32>
        %reshape3A_2946 = vector.shape_cast %select_n3A_2945 : vector<16xi32> to vector<16x1xi32>
        %gather3A_2947 = vector.shape_cast %reshape3A_2946 : vector<16x1xi32> to vector<16xi32>
        %gather3A_2948 = tpu.dynamic_gather %mul3A_2938[%gather3A_2947] in [0] : vector<16xf32>, vector<16xi32> -> vector<16xf32>
        %add3A_2949 = arith.addf %mul3A_2938, %gather3A_2948 : vector<16xf32>
        %lt3A_2950 = arith.constant 0 : i32
        %lt3A_2951 = vector.broadcast %lt3A_2950 : i32 to vector<16xi32>
        %lt3A_2952 = arith.cmpi slt, %xor3A_9, %lt3A_2951 : vector<16xi32>
        %add3A_2953 = arith.constant 16 : i32
        %add3A_2954 = vector.broadcast %add3A_2953 : i32 to vector<16xi32>
        %add3A_2955 = arith.addi %xor3A_9, %add3A_2954 : vector<16xi32>
        %select_n3A_2956 = arith.select %lt3A_2952, %add3A_2955, %xor3A_9 : vector<16xi1>, vector<16xi32>
        %reshape3A_2957 = vector.shape_cast %select_n3A_2956 : vector<16xi32> to vector<16x1xi32>
        %gather3A_2958 = vector.shape_cast %reshape3A_2957 : vector<16x1xi32> to vector<16xi32>
        %gather3A_2959 = tpu.dynamic_gather %add3A_2949[%gather3A_2958] in [0] : vector<16xf32>, vector<16xi32> -> vector<16xf32>
        %add3A_2960 = arith.addf %add3A_2949, %gather3A_2959 : vector<16xf32>
        %bitcast3A_2961 = vector.bitcast %add3A_2960 : vector<16xf32> to vector<16xi32>
        %shift_right_arithmetic3A_2962 = arith.constant 1 : i32
        %shift_right_arithmetic3A_2963 = vector.broadcast %shift_right_arithmetic3A_2962 : i32 to vector<16xi32>
        %shift_right_arithmetic3A_2964 = arith.shrsi %bitcast3A_2961, %shift_right_arithmetic3A_2963 : vector<16xi32>
        %sub3A_2965 = arith.constant 1597463007 : i32
        %sub3A_2966 = vector.broadcast %sub3A_2965 : i32 to vector<16xi32>
        %sub3A_2967 = arith.subi %sub3A_2966, %shift_right_arithmetic3A_2964 : vector<16xi32>
        %bitcast3A_2968 = vector.bitcast %sub3A_2967 : vector<16xi32> to vector<16xf32>
        %mul3A_2969 = arith.constant 5.000000e-01 : f32
        %mul3A_2970 = vector.broadcast %mul3A_2969 : f32 to vector<16xf32>
        %mul3A_2971 = arith.mulf %mul3A_2970, %add3A_2960 : vector<16xf32>
        %mul3A_2972 = arith.mulf %mul3A_2971, %bitcast3A_2968 : vector<16xf32>
        %mul3A_2973 = arith.mulf %mul3A_2972, %bitcast3A_2968 : vector<16xf32>
        %sub3A_2974 = arith.constant 1.500000e+00 : f32
        %sub3A_2975 = vector.broadcast %sub3A_2974 : f32 to vector<16xf32>
        %sub3A_2976 = arith.subf %sub3A_2975, %mul3A_2973 : vector<16xf32>
        %mul3A_2977 = arith.mulf %bitcast3A_2968, %sub3A_2976 : vector<16xf32>
        %mul3A_2978 = arith.mulf %mul3A_2971, %mul3A_2977 : vector<16xf32>
        %mul3A_2979 = arith.mulf %mul3A_2978, %mul3A_2977 : vector<16xf32>
        %sub3A_2980 = arith.constant 1.500000e+00 : f32
        %sub3A_2981 = vector.broadcast %sub3A_2980 : f32 to vector<16xf32>
        %sub3A_2982 = arith.subf %sub3A_2981, %mul3A_2979 : vector<16xf32>
        %mul3A_2983 = arith.mulf %mul3A_2977, %sub3A_2982 : vector<16xf32>
        %mul3A_2984 = arith.mulf %get3A_2931, %mul3A_2983 : vector<16xf32>
        %bitcast3A_2985 = vector.bitcast %get3A_2937 : vector<16xf32> to vector<16xi32>
        %lt3A_2986 = arith.constant 0 : i32
        %lt3A_2987 = vector.broadcast %lt3A_2986 : i32 to vector<16xi32>
        %lt3A_2988 = arith.cmpi slt, %and3A_21, %lt3A_2987 : vector<16xi32>
        %add3A_2989 = arith.constant 16 : i32
        %add3A_2990 = vector.broadcast %add3A_2989 : i32 to vector<16xi32>
        %add3A_2991 = arith.addi %and3A_21, %add3A_2990 : vector<16xi32>
        %select_n3A_2992 = arith.select %lt3A_2988, %add3A_2991, %and3A_21 : vector<16xi1>, vector<16xi32>
        %reshape3A_2993 = vector.shape_cast %select_n3A_2992 : vector<16xi32> to vector<16x1xi32>
        %gather3A_2994 = vector.shape_cast %reshape3A_2993 : vector<16x1xi32> to vector<16xi32>
        %gather3A_2995 = tpu.dynamic_gather %bitcast3A_2985[%gather3A_2994] in [0] : vector<16xi32>, vector<16xi32> -> vector<16xi32>
        %xor3A_2996 = arith.xori %gather3A_2995, %select_n3A : vector<16xi32>
        %bitcast3A_2997 = vector.bitcast %xor3A_2996 : vector<16xi32> to vector<16xf32>
        %lt3A_2998 = arith.constant 0 : i32
        %lt3A_2999 = vector.broadcast %lt3A_2998 : i32 to vector<16xi32>
        %lt3A_3000 = arith.cmpi slt, %or3A_23, %lt3A_2999 : vector<16xi32>
        %add3A_3001 = arith.constant 16 : i32
        %add3A_3002 = vector.broadcast %add3A_3001 : i32 to vector<16xi32>
        %add3A_3003 = arith.addi %or3A_23, %add3A_3002 : vector<16xi32>
        %select_n3A_3004 = arith.select %lt3A_3000, %add3A_3003, %or3A_23 : vector<16xi1>, vector<16xi32>
        %reshape3A_3005 = vector.shape_cast %select_n3A_3004 : vector<16xi32> to vector<16x1xi32>
        %gather3A_3006 = vector.shape_cast %reshape3A_3005 : vector<16x1xi32> to vector<16xi32>
        %gather3A_3007 = tpu.dynamic_gather %bitcast3A_2985[%gather3A_3006] in [0] : vector<16xi32>, vector<16xi32> -> vector<16xi32>
        %xor3A_3008 = arith.xori %gather3A_3007, %select_n3A_38 : vector<16xi32>
        %bitcast3A_3009 = vector.bitcast %xor3A_3008 : vector<16xi32> to vector<16xf32>
        %lt3A_3010 = arith.constant 0 : i32
        %lt3A_3011 = vector.broadcast %lt3A_3010 : i32 to vector<16xi32>
        %lt3A_3012 = arith.cmpi slt, %or3A_26, %lt3A_3011 : vector<16xi32>
        %add3A_3013 = arith.constant 16 : i32
        %add3A_3014 = vector.broadcast %add3A_3013 : i32 to vector<16xi32>
        %add3A_3015 = arith.addi %or3A_26, %add3A_3014 : vector<16xi32>
        %select_n3A_3016 = arith.select %lt3A_3012, %add3A_3015, %or3A_26 : vector<16xi1>, vector<16xi32>
        %reshape3A_3017 = vector.shape_cast %select_n3A_3016 : vector<16xi32> to vector<16x1xi32>
        %gather3A_3018 = vector.shape_cast %reshape3A_3017 : vector<16x1xi32> to vector<16xi32>
        %gather3A_3019 = tpu.dynamic_gather %bitcast3A_2985[%gather3A_3018] in [0] : vector<16xi32>, vector<16xi32> -> vector<16xi32>
        %xor3A_3020 = arith.xori %gather3A_3019, %select_n3A_44 : vector<16xi32>
        %bitcast3A_3021 = vector.bitcast %xor3A_3020 : vector<16xi32> to vector<16xf32>
        %lt3A_3022 = arith.constant 0 : i32
        %lt3A_3023 = vector.broadcast %lt3A_3022 : i32 to vector<16xi32>
        %lt3A_3024 = arith.cmpi slt, %or3A_29, %lt3A_3023 : vector<16xi32>
        %add3A_3025 = arith.constant 16 : i32
        %add3A_3026 = vector.broadcast %add3A_3025 : i32 to vector<16xi32>
        %add3A_3027 = arith.addi %or3A_29, %add3A_3026 : vector<16xi32>
        %select_n3A_3028 = arith.select %lt3A_3024, %add3A_3027, %or3A_29 : vector<16xi1>, vector<16xi32>
        %reshape3A_3029 = vector.shape_cast %select_n3A_3028 : vector<16xi32> to vector<16x1xi32>
        %gather3A_3030 = vector.shape_cast %reshape3A_3029 : vector<16x1xi32> to vector<16xi32>
        %gather3A_3031 = tpu.dynamic_gather %bitcast3A_2985[%gather3A_3030] in [0] : vector<16xi32>, vector<16xi32> -> vector<16xi32>
        %xor3A_3032 = arith.xori %gather3A_3031, %select_n3A_50 : vector<16xi32>
        %bitcast3A_3033 = vector.bitcast %xor3A_3032 : vector<16xi32> to vector<16xf32>
        %mul3A_3034 = arith.mulf %get3A_2934, %bitcast3A_2997 : vector<16xf32>
        %lt3A_3035 = arith.constant 0 : i32
        %lt3A_3036 = vector.broadcast %lt3A_3035 : i32 to vector<16xi32>
        %lt3A_3037 = arith.cmpi slt, %xor3A_6, %lt3A_3036 : vector<16xi32>
        %add3A_3038 = arith.constant 16 : i32
        %add3A_3039 = vector.broadcast %add3A_3038 : i32 to vector<16xi32>
        %add3A_3040 = arith.addi %xor3A_6, %add3A_3039 : vector<16xi32>
        %select_n3A_3041 = arith.select %lt3A_3037, %add3A_3040, %xor3A_6 : vector<16xi1>, vector<16xi32>
        %reshape3A_3042 = vector.shape_cast %select_n3A_3041 : vector<16xi32> to vector<16x1xi32>
        %gather3A_3043 = vector.shape_cast %reshape3A_3042 : vector<16x1xi32> to vector<16xi32>
        %gather3A_3044 = tpu.dynamic_gather %get3A_2934[%gather3A_3043] in [0] : vector<16xf32>, vector<16xi32> -> vector<16xf32>
        %mul3A_3045 = arith.mulf %gather3A_3044, %bitcast3A_3009 : vector<16xf32>
        %add3A_3046 = arith.addf %mul3A_3034, %mul3A_3045 : vector<16xf32>
        %lt3A_3047 = arith.constant 0 : i32
        %lt3A_3048 = vector.broadcast %lt3A_3047 : i32 to vector<16xi32>
        %lt3A_3049 = arith.cmpi slt, %xor3A_9, %lt3A_3048 : vector<16xi32>
        %add3A_3050 = arith.constant 16 : i32
        %add3A_3051 = vector.broadcast %add3A_3050 : i32 to vector<16xi32>
        %add3A_3052 = arith.addi %xor3A_9, %add3A_3051 : vector<16xi32>
        %select_n3A_3053 = arith.select %lt3A_3049, %add3A_3052, %xor3A_9 : vector<16xi1>, vector<16xi32>
        %reshape3A_3054 = vector.shape_cast %select_n3A_3053 : vector<16xi32> to vector<16x1xi32>
        %gather3A_3055 = vector.shape_cast %reshape3A_3054 : vector<16x1xi32> to vector<16xi32>
        %gather3A_3056 = tpu.dynamic_gather %get3A_2934[%gather3A_3055] in [0] : vector<16xf32>, vector<16xi32> -> vector<16xf32>
        %mul3A_3057 = arith.mulf %gather3A_3056, %bitcast3A_3021 : vector<16xf32>
        %add3A_3058 = arith.addf %add3A_3046, %mul3A_3057 : vector<16xf32>
        %lt3A_3059 = arith.constant 0 : i32
        %lt3A_3060 = vector.broadcast %lt3A_3059 : i32 to vector<16xi32>
        %lt3A_3061 = arith.cmpi slt, %xor3A_12, %lt3A_3060 : vector<16xi32>
        %add3A_3062 = arith.constant 16 : i32
        %add3A_3063 = vector.broadcast %add3A_3062 : i32 to vector<16xi32>
        %add3A_3064 = arith.addi %xor3A_12, %add3A_3063 : vector<16xi32>
        %select_n3A_3065 = arith.select %lt3A_3061, %add3A_3064, %xor3A_12 : vector<16xi1>, vector<16xi32>
        %reshape3A_3066 = vector.shape_cast %select_n3A_3065 : vector<16xi32> to vector<16x1xi32>
        %gather3A_3067 = vector.shape_cast %reshape3A_3066 : vector<16x1xi32> to vector<16xi32>
        %gather3A_3068 = tpu.dynamic_gather %get3A_2934[%gather3A_3067] in [0] : vector<16xf32>, vector<16xi32> -> vector<16xf32>
        %mul3A_3069 = arith.mulf %gather3A_3068, %bitcast3A_3033 : vector<16xf32>
        %add3A_3070 = arith.addf %add3A_3058, %mul3A_3069 : vector<16xf32>
        %mul3A_3071 = arith.mulf %mul3A_2984, %add3A_3070 : vector<16xf32>
        %add3A_3072 = arith.addf %add3A_2928, %mul3A_3071 : vector<16xf32>
        %get3A_3073 = arith.index_cast %add3A_2494 : i32 to index
        %get3A_3074 = arith.constant 64 : index
        %get3A_3075 = tpu.vector_load %arg11[%get3A_3073, %get3A_3074] {strides = array<i32>} : memref<128x128xf32, #tpu.memory_space<vmem>>, vector<16xf32>,
        %get3A_3076 = arith.index_cast %add3A_2494 : i32 to index
        %get3A_3077 = arith.constant 64 : index
        %get3A_3078 = tpu.vector_load %arg12[%get3A_3076, %get3A_3077] {strides = array<i32>} : memref<128x128xf32, #tpu.memory_space<vmem>>, vector<16xf32>,
        %get3A_3079 = arith.index_cast %add3A_2494 : i32 to index
        %get3A_3080 = arith.constant 64 : index
        %get3A_3081 = tpu.vector_load %arg13[%get3A_3079, %get3A_3080] {strides = array<i32>} : memref<128x128xf32, #tpu.memory_space<vmem>>, vector<16xf32>,
        %mul3A_3082 = arith.mulf %get3A_3078, %get3A_3078 : vector<16xf32>
        %lt3A_3083 = arith.constant 0 : i32
        %lt3A_3084 = vector.broadcast %lt3A_3083 : i32 to vector<16xi32>
        %lt3A_3085 = arith.cmpi slt, %xor3A_6, %lt3A_3084 : vector<16xi32>
        %add3A_3086 = arith.constant 16 : i32
        %add3A_3087 = vector.broadcast %add3A_3086 : i32 to vector<16xi32>
        %add3A_3088 = arith.addi %xor3A_6, %add3A_3087 : vector<16xi32>
        %select_n3A_3089 = arith.select %lt3A_3085, %add3A_3088, %xor3A_6 : vector<16xi1>, vector<16xi32>
        %reshape3A_3090 = vector.shape_cast %select_n3A_3089 : vector<16xi32> to vector<16x1xi32>
        %gather3A_3091 = vector.shape_cast %reshape3A_3090 : vector<16x1xi32> to vector<16xi32>
        %gather3A_3092 = tpu.dynamic_gather %mul3A_3082[%gather3A_3091] in [0] : vector<16xf32>, vector<16xi32> -> vector<16xf32>
        %add3A_3093 = arith.addf %mul3A_3082, %gather3A_3092 : vector<16xf32>
        %lt3A_3094 = arith.constant 0 : i32
        %lt3A_3095 = vector.broadcast %lt3A_3094 : i32 to vector<16xi32>
        %lt3A_3096 = arith.cmpi slt, %xor3A_9, %lt3A_3095 : vector<16xi32>
        %add3A_3097 = arith.constant 16 : i32
        %add3A_3098 = vector.broadcast %add3A_3097 : i32 to vector<16xi32>
        %add3A_3099 = arith.addi %xor3A_9, %add3A_3098 : vector<16xi32>
        %select_n3A_3100 = arith.select %lt3A_3096, %add3A_3099, %xor3A_9 : vector<16xi1>, vector<16xi32>
        %reshape3A_3101 = vector.shape_cast %select_n3A_3100 : vector<16xi32> to vector<16x1xi32>
        %gather3A_3102 = vector.shape_cast %reshape3A_3101 : vector<16x1xi32> to vector<16xi32>
        %gather3A_3103 = tpu.dynamic_gather %add3A_3093[%gather3A_3102] in [0] : vector<16xf32>, vector<16xi32> -> vector<16xf32>
        %add3A_3104 = arith.addf %add3A_3093, %gather3A_3103 : vector<16xf32>
        %bitcast3A_3105 = vector.bitcast %add3A_3104 : vector<16xf32> to vector<16xi32>
        %shift_right_arithmetic3A_3106 = arith.constant 1 : i32
        %shift_right_arithmetic3A_3107 = vector.broadcast %shift_right_arithmetic3A_3106 : i32 to vector<16xi32>
        %shift_right_arithmetic3A_3108 = arith.shrsi %bitcast3A_3105, %shift_right_arithmetic3A_3107 : vector<16xi32>
        %sub3A_3109 = arith.constant 1597463007 : i32
        %sub3A_3110 = vector.broadcast %sub3A_3109 : i32 to vector<16xi32>
        %sub3A_3111 = arith.subi %sub3A_3110, %shift_right_arithmetic3A_3108 : vector<16xi32>
        %bitcast3A_3112 = vector.bitcast %sub3A_3111 : vector<16xi32> to vector<16xf32>
        %mul3A_3113 = arith.constant 5.000000e-01 : f32
        %mul3A_3114 = vector.broadcast %mul3A_3113 : f32 to vector<16xf32>
        %mul3A_3115 = arith.mulf %mul3A_3114, %add3A_3104 : vector<16xf32>
        %mul3A_3116 = arith.mulf %mul3A_3115, %bitcast3A_3112 : vector<16xf32>
        %mul3A_3117 = arith.mulf %mul3A_3116, %bitcast3A_3112 : vector<16xf32>
        %sub3A_3118 = arith.constant 1.500000e+00 : f32
        %sub3A_3119 = vector.broadcast %sub3A_3118 : f32 to vector<16xf32>
        %sub3A_3120 = arith.subf %sub3A_3119, %mul3A_3117 : vector<16xf32>
        %mul3A_3121 = arith.mulf %bitcast3A_3112, %sub3A_3120 : vector<16xf32>
        %mul3A_3122 = arith.mulf %mul3A_3115, %mul3A_3121 : vector<16xf32>
        %mul3A_3123 = arith.mulf %mul3A_3122, %mul3A_3121 : vector<16xf32>
        %sub3A_3124 = arith.constant 1.500000e+00 : f32
        %sub3A_3125 = vector.broadcast %sub3A_3124 : f32 to vector<16xf32>
        %sub3A_3126 = arith.subf %sub3A_3125, %mul3A_3123 : vector<16xf32>
        %mul3A_3127 = arith.mulf %mul3A_3121, %sub3A_3126 : vector<16xf32>
        %mul3A_3128 = arith.mulf %get3A_3075, %mul3A_3127 : vector<16xf32>
        %bitcast3A_3129 = vector.bitcast %get3A_3081 : vector<16xf32> to vector<16xi32>
        %lt3A_3130 = arith.constant 0 : i32
        %lt3A_3131 = vector.broadcast %lt3A_3130 : i32 to vector<16xi32>
        %lt3A_3132 = arith.cmpi slt, %and3A_21, %lt3A_3131 : vector<16xi32>
        %add3A_3133 = arith.constant 16 : i32
        %add3A_3134 = vector.broadcast %add3A_3133 : i32 to vector<16xi32>
        %add3A_3135 = arith.addi %and3A_21, %add3A_3134 : vector<16xi32>
        %select_n3A_3136 = arith.select %lt3A_3132, %add3A_3135, %and3A_21 : vector<16xi1>, vector<16xi32>
        %reshape3A_3137 = vector.shape_cast %select_n3A_3136 : vector<16xi32> to vector<16x1xi32>
        %gather3A_3138 = vector.shape_cast %reshape3A_3137 : vector<16x1xi32> to vector<16xi32>
        %gather3A_3139 = tpu.dynamic_gather %bitcast3A_3129[%gather3A_3138] in [0] : vector<16xi32>, vector<16xi32> -> vector<16xi32>
        %xor3A_3140 = arith.xori %gather3A_3139, %select_n3A : vector<16xi32>
        %bitcast3A_3141 = vector.bitcast %xor3A_3140 : vector<16xi32> to vector<16xf32>
        %lt3A_3142 = arith.constant 0 : i32
        %lt3A_3143 = vector.broadcast %lt3A_3142 : i32 to vector<16xi32>
        %lt3A_3144 = arith.cmpi slt, %or3A_23, %lt3A_3143 : vector<16xi32>
        %add3A_3145 = arith.constant 16 : i32
        %add3A_3146 = vector.broadcast %add3A_3145 : i32 to vector<16xi32>
        %add3A_3147 = arith.addi %or3A_23, %add3A_3146 : vector<16xi32>
        %select_n3A_3148 = arith.select %lt3A_3144, %add3A_3147, %or3A_23 : vector<16xi1>, vector<16xi32>
        %reshape3A_3149 = vector.shape_cast %select_n3A_3148 : vector<16xi32> to vector<16x1xi32>
        %gather3A_3150 = vector.shape_cast %reshape3A_3149 : vector<16x1xi32> to vector<16xi32>
        %gather3A_3151 = tpu.dynamic_gather %bitcast3A_3129[%gather3A_3150] in [0] : vector<16xi32>, vector<16xi32> -> vector<16xi32>
        %xor3A_3152 = arith.xori %gather3A_3151, %select_n3A_38 : vector<16xi32>
        %bitcast3A_3153 = vector.bitcast %xor3A_3152 : vector<16xi32> to vector<16xf32>
        %lt3A_3154 = arith.constant 0 : i32
        %lt3A_3155 = vector.broadcast %lt3A_3154 : i32 to vector<16xi32>
        %lt3A_3156 = arith.cmpi slt, %or3A_26, %lt3A_3155 : vector<16xi32>
        %add3A_3157 = arith.constant 16 : i32
        %add3A_3158 = vector.broadcast %add3A_3157 : i32 to vector<16xi32>
        %add3A_3159 = arith.addi %or3A_26, %add3A_3158 : vector<16xi32>
        %select_n3A_3160 = arith.select %lt3A_3156, %add3A_3159, %or3A_26 : vector<16xi1>, vector<16xi32>
        %reshape3A_3161 = vector.shape_cast %select_n3A_3160 : vector<16xi32> to vector<16x1xi32>
        %gather3A_3162 = vector.shape_cast %reshape3A_3161 : vector<16x1xi32> to vector<16xi32>
        %gather3A_3163 = tpu.dynamic_gather %bitcast3A_3129[%gather3A_3162] in [0] : vector<16xi32>, vector<16xi32> -> vector<16xi32>
        %xor3A_3164 = arith.xori %gather3A_3163, %select_n3A_44 : vector<16xi32>
        %bitcast3A_3165 = vector.bitcast %xor3A_3164 : vector<16xi32> to vector<16xf32>
        %lt3A_3166 = arith.constant 0 : i32
        %lt3A_3167 = vector.broadcast %lt3A_3166 : i32 to vector<16xi32>
        %lt3A_3168 = arith.cmpi slt, %or3A_29, %lt3A_3167 : vector<16xi32>
        %add3A_3169 = arith.constant 16 : i32
        %add3A_3170 = vector.broadcast %add3A_3169 : i32 to vector<16xi32>
        %add3A_3171 = arith.addi %or3A_29, %add3A_3170 : vector<16xi32>
        %select_n3A_3172 = arith.select %lt3A_3168, %add3A_3171, %or3A_29 : vector<16xi1>, vector<16xi32>
        %reshape3A_3173 = vector.shape_cast %select_n3A_3172 : vector<16xi32> to vector<16x1xi32>
        %gather3A_3174 = vector.shape_cast %reshape3A_3173 : vector<16x1xi32> to vector<16xi32>
        %gather3A_3175 = tpu.dynamic_gather %bitcast3A_3129[%gather3A_3174] in [0] : vector<16xi32>, vector<16xi32> -> vector<16xi32>
        %xor3A_3176 = arith.xori %gather3A_3175, %select_n3A_50 : vector<16xi32>
        %bitcast3A_3177 = vector.bitcast %xor3A_3176 : vector<16xi32> to vector<16xf32>
        %mul3A_3178 = arith.mulf %get3A_3078, %bitcast3A_3141 : vector<16xf32>
        %lt3A_3179 = arith.constant 0 : i32
        %lt3A_3180 = vector.broadcast %lt3A_3179 : i32 to vector<16xi32>
        %lt3A_3181 = arith.cmpi slt, %xor3A_6, %lt3A_3180 : vector<16xi32>
        %add3A_3182 = arith.constant 16 : i32
        %add3A_3183 = vector.broadcast %add3A_3182 : i32 to vector<16xi32>
        %add3A_3184 = arith.addi %xor3A_6, %add3A_3183 : vector<16xi32>
        %select_n3A_3185 = arith.select %lt3A_3181, %add3A_3184, %xor3A_6 : vector<16xi1>, vector<16xi32>
        %reshape3A_3186 = vector.shape_cast %select_n3A_3185 : vector<16xi32> to vector<16x1xi32>
        %gather3A_3187 = vector.shape_cast %reshape3A_3186 : vector<16x1xi32> to vector<16xi32>
        %gather3A_3188 = tpu.dynamic_gather %get3A_3078[%gather3A_3187] in [0] : vector<16xf32>, vector<16xi32> -> vector<16xf32>
        %mul3A_3189 = arith.mulf %gather3A_3188, %bitcast3A_3153 : vector<16xf32>
        %add3A_3190 = arith.addf %mul3A_3178, %mul3A_3189 : vector<16xf32>
        %lt3A_3191 = arith.constant 0 : i32
        %lt3A_3192 = vector.broadcast %lt3A_3191 : i32 to vector<16xi32>
        %lt3A_3193 = arith.cmpi slt, %xor3A_9, %lt3A_3192 : vector<16xi32>
        %add3A_3194 = arith.constant 16 : i32
        %add3A_3195 = vector.broadcast %add3A_3194 : i32 to vector<16xi32>
        %add3A_3196 = arith.addi %xor3A_9, %add3A_3195 : vector<16xi32>
        %select_n3A_3197 = arith.select %lt3A_3193, %add3A_3196, %xor3A_9 : vector<16xi1>, vector<16xi32>
        %reshape3A_3198 = vector.shape_cast %select_n3A_3197 : vector<16xi32> to vector<16x1xi32>
        %gather3A_3199 = vector.shape_cast %reshape3A_3198 : vector<16x1xi32> to vector<16xi32>
        %gather3A_3200 = tpu.dynamic_gather %get3A_3078[%gather3A_3199] in [0] : vector<16xf32>, vector<16xi32> -> vector<16xf32>
        %mul3A_3201 = arith.mulf %gather3A_3200, %bitcast3A_3165 : vector<16xf32>
        %add3A_3202 = arith.addf %add3A_3190, %mul3A_3201 : vector<16xf32>
        %lt3A_3203 = arith.constant 0 : i32
        %lt3A_3204 = vector.broadcast %lt3A_3203 : i32 to vector<16xi32>
        %lt3A_3205 = arith.cmpi slt, %xor3A_12, %lt3A_3204 : vector<16xi32>
        %add3A_3206 = arith.constant 16 : i32
        %add3A_3207 = vector.broadcast %add3A_3206 : i32 to vector<16xi32>
        %add3A_3208 = arith.addi %xor3A_12, %add3A_3207 : vector<16xi32>
        %select_n3A_3209 = arith.select %lt3A_3205, %add3A_3208, %xor3A_12 : vector<16xi1>, vector<16xi32>
        %reshape3A_3210 = vector.shape_cast %select_n3A_3209 : vector<16xi32> to vector<16x1xi32>
        %gather3A_3211 = vector.shape_cast %reshape3A_3210 : vector<16x1xi32> to vector<16xi32>
        %gather3A_3212 = tpu.dynamic_gather %get3A_3078[%gather3A_3211] in [0] : vector<16xf32>, vector<16xi32> -> vector<16xf32>
        %mul3A_3213 = arith.mulf %gather3A_3212, %bitcast3A_3177 : vector<16xf32>
        %add3A_3214 = arith.addf %add3A_3202, %mul3A_3213 : vector<16xf32>
        %mul3A_3215 = arith.mulf %mul3A_3128, %add3A_3214 : vector<16xf32>
        %add3A_3216 = arith.addf %add3A_3072, %mul3A_3215 : vector<16xf32>
        %get3A_3217 = arith.index_cast %add3A_2494 : i32 to index
        %get3A_3218 = arith.constant 80 : index
        %get3A_3219 = tpu.vector_load %arg11[%get3A_3217, %get3A_3218] {strides = array<i32>} : memref<128x128xf32, #tpu.memory_space<vmem>>, vector<16xf32>,
        %get3A_3220 = arith.index_cast %add3A_2494 : i32 to index
        %get3A_3221 = arith.constant 80 : index
        %get3A_3222 = tpu.vector_load %arg12[%get3A_3220, %get3A_3221] {strides = array<i32>} : memref<128x128xf32, #tpu.memory_space<vmem>>, vector<16xf32>,
        %get3A_3223 = arith.index_cast %add3A_2494 : i32 to index
        %get3A_3224 = arith.constant 80 : index
        %get3A_3225 = tpu.vector_load %arg13[%get3A_3223, %get3A_3224] {strides = array<i32>} : memref<128x128xf32, #tpu.memory_space<vmem>>, vector<16xf32>,
        %mul3A_3226 = arith.mulf %get3A_3222, %get3A_3222 : vector<16xf32>
        %lt3A_3227 = arith.constant 0 : i32
        %lt3A_3228 = vector.broadcast %lt3A_3227 : i32 to vector<16xi32>
        %lt3A_3229 = arith.cmpi slt, %xor3A_6, %lt3A_3228 : vector<16xi32>
        %add3A_3230 = arith.constant 16 : i32
        %add3A_3231 = vector.broadcast %add3A_3230 : i32 to vector<16xi32>
        %add3A_3232 = arith.addi %xor3A_6, %add3A_3231 : vector<16xi32>
        %select_n3A_3233 = arith.select %lt3A_3229, %add3A_3232, %xor3A_6 : vector<16xi1>, vector<16xi32>
        %reshape3A_3234 = vector.shape_cast %select_n3A_3233 : vector<16xi32> to vector<16x1xi32>
        %gather3A_3235 = vector.shape_cast %reshape3A_3234 : vector<16x1xi32> to vector<16xi32>
        %gather3A_3236 = tpu.dynamic_gather %mul3A_3226[%gather3A_3235] in [0] : vector<16xf32>, vector<16xi32> -> vector<16xf32>
        %add3A_3237 = arith.addf %mul3A_3226, %gather3A_3236 : vector<16xf32>
        %lt3A_3238 = arith.constant 0 : i32
        %lt3A_3239 = vector.broadcast %lt3A_3238 : i32 to vector<16xi32>
        %lt3A_3240 = arith.cmpi slt, %xor3A_9, %lt3A_3239 : vector<16xi32>
        %add3A_3241 = arith.constant 16 : i32
        %add3A_3242 = vector.broadcast %add3A_3241 : i32 to vector<16xi32>
        %add3A_3243 = arith.addi %xor3A_9, %add3A_3242 : vector<16xi32>
        %select_n3A_3244 = arith.select %lt3A_3240, %add3A_3243, %xor3A_9 : vector<16xi1>, vector<16xi32>
        %reshape3A_3245 = vector.shape_cast %select_n3A_3244 : vector<16xi32> to vector<16x1xi32>
        %gather3A_3246 = vector.shape_cast %reshape3A_3245 : vector<16x1xi32> to vector<16xi32>
        %gather3A_3247 = tpu.dynamic_gather %add3A_3237[%gather3A_3246] in [0] : vector<16xf32>, vector<16xi32> -> vector<16xf32>
        %add3A_3248 = arith.addf %add3A_3237, %gather3A_3247 : vector<16xf32>
        %bitcast3A_3249 = vector.bitcast %add3A_3248 : vector<16xf32> to vector<16xi32>
        %shift_right_arithmetic3A_3250 = arith.constant 1 : i32
        %shift_right_arithmetic3A_3251 = vector.broadcast %shift_right_arithmetic3A_3250 : i32 to vector<16xi32>
        %shift_right_arithmetic3A_3252 = arith.shrsi %bitcast3A_3249, %shift_right_arithmetic3A_3251 : vector<16xi32>
        %sub3A_3253 = arith.constant 1597463007 : i32
        %sub3A_3254 = vector.broadcast %sub3A_3253 : i32 to vector<16xi32>
        %sub3A_3255 = arith.subi %sub3A_3254, %shift_right_arithmetic3A_3252 : vector<16xi32>
        %bitcast3A_3256 = vector.bitcast %sub3A_3255 : vector<16xi32> to vector<16xf32>
        %mul3A_3257 = arith.constant 5.000000e-01 : f32
        %mul3A_3258 = vector.broadcast %mul3A_3257 : f32 to vector<16xf32>
        %mul3A_3259 = arith.mulf %mul3A_3258, %add3A_3248 : vector<16xf32>
        %mul3A_3260 = arith.mulf %mul3A_3259, %bitcast3A_3256 : vector<16xf32>
        %mul3A_3261 = arith.mulf %mul3A_3260, %bitcast3A_3256 : vector<16xf32>
        %sub3A_3262 = arith.constant 1.500000e+00 : f32
        %sub3A_3263 = vector.broadcast %sub3A_3262 : f32 to vector<16xf32>
        %sub3A_3264 = arith.subf %sub3A_3263, %mul3A_3261 : vector<16xf32>
        %mul3A_3265 = arith.mulf %bitcast3A_3256, %sub3A_3264 : vector<16xf32>
        %mul3A_3266 = arith.mulf %mul3A_3259, %mul3A_3265 : vector<16xf32>
        %mul3A_3267 = arith.mulf %mul3A_3266, %mul3A_3265 : vector<16xf32>
        %sub3A_3268 = arith.constant 1.500000e+00 : f32
        %sub3A_3269 = vector.broadcast %sub3A_3268 : f32 to vector<16xf32>
        %sub3A_3270 = arith.subf %sub3A_3269, %mul3A_3267 : vector<16xf32>
        %mul3A_3271 = arith.mulf %mul3A_3265, %sub3A_3270 : vector<16xf32>
        %mul3A_3272 = arith.mulf %get3A_3219, %mul3A_3271 : vector<16xf32>
        %bitcast3A_3273 = vector.bitcast %get3A_3225 : vector<16xf32> to vector<16xi32>
        %lt3A_3274 = arith.constant 0 : i32
        %lt3A_3275 = vector.broadcast %lt3A_3274 : i32 to vector<16xi32>
        %lt3A_3276 = arith.cmpi slt, %and3A_21, %lt3A_3275 : vector<16xi32>
        %add3A_3277 = arith.constant 16 : i32
        %add3A_3278 = vector.broadcast %add3A_3277 : i32 to vector<16xi32>
        %add3A_3279 = arith.addi %and3A_21, %add3A_3278 : vector<16xi32>
        %select_n3A_3280 = arith.select %lt3A_3276, %add3A_3279, %and3A_21 : vector<16xi1>, vector<16xi32>
        %reshape3A_3281 = vector.shape_cast %select_n3A_3280 : vector<16xi32> to vector<16x1xi32>
        %gather3A_3282 = vector.shape_cast %reshape3A_3281 : vector<16x1xi32> to vector<16xi32>
        %gather3A_3283 = tpu.dynamic_gather %bitcast3A_3273[%gather3A_3282] in [0] : vector<16xi32>, vector<16xi32> -> vector<16xi32>
        %xor3A_3284 = arith.xori %gather3A_3283, %select_n3A : vector<16xi32>
        %bitcast3A_3285 = vector.bitcast %xor3A_3284 : vector<16xi32> to vector<16xf32>
        %lt3A_3286 = arith.constant 0 : i32
        %lt3A_3287 = vector.broadcast %lt3A_3286 : i32 to vector<16xi32>
        %lt3A_3288 = arith.cmpi slt, %or3A_23, %lt3A_3287 : vector<16xi32>
        %add3A_3289 = arith.constant 16 : i32
        %add3A_3290 = vector.broadcast %add3A_3289 : i32 to vector<16xi32>
        %add3A_3291 = arith.addi %or3A_23, %add3A_3290 : vector<16xi32>
        %select_n3A_3292 = arith.select %lt3A_3288, %add3A_3291, %or3A_23 : vector<16xi1>, vector<16xi32>
        %reshape3A_3293 = vector.shape_cast %select_n3A_3292 : vector<16xi32> to vector<16x1xi32>
        %gather3A_3294 = vector.shape_cast %reshape3A_3293 : vector<16x1xi32> to vector<16xi32>
        %gather3A_3295 = tpu.dynamic_gather %bitcast3A_3273[%gather3A_3294] in [0] : vector<16xi32>, vector<16xi32> -> vector<16xi32>
        %xor3A_3296 = arith.xori %gather3A_3295, %select_n3A_38 : vector<16xi32>
        %bitcast3A_3297 = vector.bitcast %xor3A_3296 : vector<16xi32> to vector<16xf32>
        %lt3A_3298 = arith.constant 0 : i32
        %lt3A_3299 = vector.broadcast %lt3A_3298 : i32 to vector<16xi32>
        %lt3A_3300 = arith.cmpi slt, %or3A_26, %lt3A_3299 : vector<16xi32>
        %add3A_3301 = arith.constant 16 : i32
        %add3A_3302 = vector.broadcast %add3A_3301 : i32 to vector<16xi32>
        %add3A_3303 = arith.addi %or3A_26, %add3A_3302 : vector<16xi32>
        %select_n3A_3304 = arith.select %lt3A_3300, %add3A_3303, %or3A_26 : vector<16xi1>, vector<16xi32>
        %reshape3A_3305 = vector.shape_cast %select_n3A_3304 : vector<16xi32> to vector<16x1xi32>
        %gather3A_3306 = vector.shape_cast %reshape3A_3305 : vector<16x1xi32> to vector<16xi32>
        %gather3A_3307 = tpu.dynamic_gather %bitcast3A_3273[%gather3A_3306] in [0] : vector<16xi32>, vector<16xi32> -> vector<16xi32>
        %xor3A_3308 = arith.xori %gather3A_3307, %select_n3A_44 : vector<16xi32>
        %bitcast3A_3309 = vector.bitcast %xor3A_3308 : vector<16xi32> to vector<16xf32>
        %lt3A_3310 = arith.constant 0 : i32
        %lt3A_3311 = vector.broadcast %lt3A_3310 : i32 to vector<16xi32>
        %lt3A_3312 = arith.cmpi slt, %or3A_29, %lt3A_3311 : vector<16xi32>
        %add3A_3313 = arith.constant 16 : i32
        %add3A_3314 = vector.broadcast %add3A_3313 : i32 to vector<16xi32>
        %add3A_3315 = arith.addi %or3A_29, %add3A_3314 : vector<16xi32>
        %select_n3A_3316 = arith.select %lt3A_3312, %add3A_3315, %or3A_29 : vector<16xi1>, vector<16xi32>
        %reshape3A_3317 = vector.shape_cast %select_n3A_3316 : vector<16xi32> to vector<16x1xi32>
        %gather3A_3318 = vector.shape_cast %reshape3A_3317 : vector<16x1xi32> to vector<16xi32>
        %gather3A_3319 = tpu.dynamic_gather %bitcast3A_3273[%gather3A_3318] in [0] : vector<16xi32>, vector<16xi32> -> vector<16xi32>
        %xor3A_3320 = arith.xori %gather3A_3319, %select_n3A_50 : vector<16xi32>
        %bitcast3A_3321 = vector.bitcast %xor3A_3320 : vector<16xi32> to vector<16xf32>
        %mul3A_3322 = arith.mulf %get3A_3222, %bitcast3A_3285 : vector<16xf32>
        %lt3A_3323 = arith.constant 0 : i32
        %lt3A_3324 = vector.broadcast %lt3A_3323 : i32 to vector<16xi32>
        %lt3A_3325 = arith.cmpi slt, %xor3A_6, %lt3A_3324 : vector<16xi32>
        %add3A_3326 = arith.constant 16 : i32
        %add3A_3327 = vector.broadcast %add3A_3326 : i32 to vector<16xi32>
        %add3A_3328 = arith.addi %xor3A_6, %add3A_3327 : vector<16xi32>
        %select_n3A_3329 = arith.select %lt3A_3325, %add3A_3328, %xor3A_6 : vector<16xi1>, vector<16xi32>
        %reshape3A_3330 = vector.shape_cast %select_n3A_3329 : vector<16xi32> to vector<16x1xi32>
        %gather3A_3331 = vector.shape_cast %reshape3A_3330 : vector<16x1xi32> to vector<16xi32>
        %gather3A_3332 = tpu.dynamic_gather %get3A_3222[%gather3A_3331] in [0] : vector<16xf32>, vector<16xi32> -> vector<16xf32>
        %mul3A_3333 = arith.mulf %gather3A_3332, %bitcast3A_3297 : vector<16xf32>
        %add3A_3334 = arith.addf %mul3A_3322, %mul3A_3333 : vector<16xf32>
        %lt3A_3335 = arith.constant 0 : i32
        %lt3A_3336 = vector.broadcast %lt3A_3335 : i32 to vector<16xi32>
        %lt3A_3337 = arith.cmpi slt, %xor3A_9, %lt3A_3336 : vector<16xi32>
        %add3A_3338 = arith.constant 16 : i32
        %add3A_3339 = vector.broadcast %add3A_3338 : i32 to vector<16xi32>
        %add3A_3340 = arith.addi %xor3A_9, %add3A_3339 : vector<16xi32>
        %select_n3A_3341 = arith.select %lt3A_3337, %add3A_3340, %xor3A_9 : vector<16xi1>, vector<16xi32>
        %reshape3A_3342 = vector.shape_cast %select_n3A_3341 : vector<16xi32> to vector<16x1xi32>
        %gather3A_3343 = vector.shape_cast %reshape3A_3342 : vector<16x1xi32> to vector<16xi32>
        %gather3A_3344 = tpu.dynamic_gather %get3A_3222[%gather3A_3343] in [0] : vector<16xf32>, vector<16xi32> -> vector<16xf32>
        %mul3A_3345 = arith.mulf %gather3A_3344, %bitcast3A_3309 : vector<16xf32>
        %add3A_3346 = arith.addf %add3A_3334, %mul3A_3345 : vector<16xf32>
        %lt3A_3347 = arith.constant 0 : i32
        %lt3A_3348 = vector.broadcast %lt3A_3347 : i32 to vector<16xi32>
        %lt3A_3349 = arith.cmpi slt, %xor3A_12, %lt3A_3348 : vector<16xi32>
        %add3A_3350 = arith.constant 16 : i32
        %add3A_3351 = vector.broadcast %add3A_3350 : i32 to vector<16xi32>
        %add3A_3352 = arith.addi %xor3A_12, %add3A_3351 : vector<16xi32>
        %select_n3A_3353 = arith.select %lt3A_3349, %add3A_3352, %xor3A_12 : vector<16xi1>, vector<16xi32>
        %reshape3A_3354 = vector.shape_cast %select_n3A_3353 : vector<16xi32> to vector<16x1xi32>
        %gather3A_3355 = vector.shape_cast %reshape3A_3354 : vector<16x1xi32> to vector<16xi32>
        %gather3A_3356 = tpu.dynamic_gather %get3A_3222[%gather3A_3355] in [0] : vector<16xf32>, vector<16xi32> -> vector<16xf32>
        %mul3A_3357 = arith.mulf %gather3A_3356, %bitcast3A_3321 : vector<16xf32>
        %add3A_3358 = arith.addf %add3A_3346, %mul3A_3357 : vector<16xf32>
        %mul3A_3359 = arith.mulf %mul3A_3272, %add3A_3358 : vector<16xf32>
        %add3A_3360 = arith.addf %add3A_3216, %mul3A_3359 : vector<16xf32>
        %get3A_3361 = arith.index_cast %add3A_2494 : i32 to index
        %get3A_3362 = arith.constant 96 : index
        %get3A_3363 = tpu.vector_load %arg11[%get3A_3361, %get3A_3362] {strides = array<i32>} : memref<128x128xf32, #tpu.memory_space<vmem>>, vector<16xf32>,
        %get3A_3364 = arith.index_cast %add3A_2494 : i32 to index
        %get3A_3365 = arith.constant 96 : index
        %get3A_3366 = tpu.vector_load %arg12[%get3A_3364, %get3A_3365] {strides = array<i32>} : memref<128x128xf32, #tpu.memory_space<vmem>>, vector<16xf32>,
        %get3A_3367 = arith.index_cast %add3A_2494 : i32 to index
        %get3A_3368 = arith.constant 96 : index
        %get3A_3369 = tpu.vector_load %arg13[%get3A_3367, %get3A_3368] {strides = array<i32>} : memref<128x128xf32, #tpu.memory_space<vmem>>, vector<16xf32>,
        %mul3A_3370 = arith.mulf %get3A_3366, %get3A_3366 : vector<16xf32>
        %lt3A_3371 = arith.constant 0 : i32
        %lt3A_3372 = vector.broadcast %lt3A_3371 : i32 to vector<16xi32>
        %lt3A_3373 = arith.cmpi slt, %xor3A_6, %lt3A_3372 : vector<16xi32>
        %add3A_3374 = arith.constant 16 : i32
        %add3A_3375 = vector.broadcast %add3A_3374 : i32 to vector<16xi32>
        %add3A_3376 = arith.addi %xor3A_6, %add3A_3375 : vector<16xi32>
        %select_n3A_3377 = arith.select %lt3A_3373, %add3A_3376, %xor3A_6 : vector<16xi1>, vector<16xi32>
        %reshape3A_3378 = vector.shape_cast %select_n3A_3377 : vector<16xi32> to vector<16x1xi32>
        %gather3A_3379 = vector.shape_cast %reshape3A_3378 : vector<16x1xi32> to vector<16xi32>
        %gather3A_3380 = tpu.dynamic_gather %mul3A_3370[%gather3A_3379] in [0] : vector<16xf32>, vector<16xi32> -> vector<16xf32>
        %add3A_3381 = arith.addf %mul3A_3370, %gather3A_3380 : vector<16xf32>
        %lt3A_3382 = arith.constant 0 : i32
        %lt3A_3383 = vector.broadcast %lt3A_3382 : i32 to vector<16xi32>
        %lt3A_3384 = arith.cmpi slt, %xor3A_9, %lt3A_3383 : vector<16xi32>
        %add3A_3385 = arith.constant 16 : i32
        %add3A_3386 = vector.broadcast %add3A_3385 : i32 to vector<16xi32>
        %add3A_3387 = arith.addi %xor3A_9, %add3A_3386 : vector<16xi32>
        %select_n3A_3388 = arith.select %lt3A_3384, %add3A_3387, %xor3A_9 : vector<16xi1>, vector<16xi32>
        %reshape3A_3389 = vector.shape_cast %select_n3A_3388 : vector<16xi32> to vector<16x1xi32>
        %gather3A_3390 = vector.shape_cast %reshape3A_3389 : vector<16x1xi32> to vector<16xi32>
        %gather3A_3391 = tpu.dynamic_gather %add3A_3381[%gather3A_3390] in [0] : vector<16xf32>, vector<16xi32> -> vector<16xf32>
        %add3A_3392 = arith.addf %add3A_3381, %gather3A_3391 : vector<16xf32>
        %bitcast3A_3393 = vector.bitcast %add3A_3392 : vector<16xf32> to vector<16xi32>
        %shift_right_arithmetic3A_3394 = arith.constant 1 : i32
        %shift_right_arithmetic3A_3395 = vector.broadcast %shift_right_arithmetic3A_3394 : i32 to vector<16xi32>
        %shift_right_arithmetic3A_3396 = arith.shrsi %bitcast3A_3393, %shift_right_arithmetic3A_3395 : vector<16xi32>
        %sub3A_3397 = arith.constant 1597463007 : i32
        %sub3A_3398 = vector.broadcast %sub3A_3397 : i32 to vector<16xi32>
        %sub3A_3399 = arith.subi %sub3A_3398, %shift_right_arithmetic3A_3396 : vector<16xi32>
        %bitcast3A_3400 = vector.bitcast %sub3A_3399 : vector<16xi32> to vector<16xf32>
        %mul3A_3401 = arith.constant 5.000000e-01 : f32
        %mul3A_3402 = vector.broadcast %mul3A_3401 : f32 to vector<16xf32>
        %mul3A_3403 = arith.mulf %mul3A_3402, %add3A_3392 : vector<16xf32>
        %mul3A_3404 = arith.mulf %mul3A_3403, %bitcast3A_3400 : vector<16xf32>
        %mul3A_3405 = arith.mulf %mul3A_3404, %bitcast3A_3400 : vector<16xf32>
        %sub3A_3406 = arith.constant 1.500000e+00 : f32
        %sub3A_3407 = vector.broadcast %sub3A_3406 : f32 to vector<16xf32>
        %sub3A_3408 = arith.subf %sub3A_3407, %mul3A_3405 : vector<16xf32>
        %mul3A_3409 = arith.mulf %bitcast3A_3400, %sub3A_3408 : vector<16xf32>
        %mul3A_3410 = arith.mulf %mul3A_3403, %mul3A_3409 : vector<16xf32>
        %mul3A_3411 = arith.mulf %mul3A_3410, %mul3A_3409 : vector<16xf32>
        %sub3A_3412 = arith.constant 1.500000e+00 : f32
        %sub3A_3413 = vector.broadcast %sub3A_3412 : f32 to vector<16xf32>
        %sub3A_3414 = arith.subf %sub3A_3413, %mul3A_3411 : vector<16xf32>
        %mul3A_3415 = arith.mulf %mul3A_3409, %sub3A_3414 : vector<16xf32>
        %mul3A_3416 = arith.mulf %get3A_3363, %mul3A_3415 : vector<16xf32>
        %bitcast3A_3417 = vector.bitcast %get3A_3369 : vector<16xf32> to vector<16xi32>
        %lt3A_3418 = arith.constant 0 : i32
        %lt3A_3419 = vector.broadcast %lt3A_3418 : i32 to vector<16xi32>
        %lt3A_3420 = arith.cmpi slt, %and3A_21, %lt3A_3419 : vector<16xi32>
        %add3A_3421 = arith.constant 16 : i32
        %add3A_3422 = vector.broadcast %add3A_3421 : i32 to vector<16xi32>
        %add3A_3423 = arith.addi %and3A_21, %add3A_3422 : vector<16xi32>
        %select_n3A_3424 = arith.select %lt3A_3420, %add3A_3423, %and3A_21 : vector<16xi1>, vector<16xi32>
        %reshape3A_3425 = vector.shape_cast %select_n3A_3424 : vector<16xi32> to vector<16x1xi32>
        %gather3A_3426 = vector.shape_cast %reshape3A_3425 : vector<16x1xi32> to vector<16xi32>
        %gather3A_3427 = tpu.dynamic_gather %bitcast3A_3417[%gather3A_3426] in [0] : vector<16xi32>, vector<16xi32> -> vector<16xi32>
        %xor3A_3428 = arith.xori %gather3A_3427, %select_n3A : vector<16xi32>
        %bitcast3A_3429 = vector.bitcast %xor3A_3428 : vector<16xi32> to vector<16xf32>
        %lt3A_3430 = arith.constant 0 : i32
        %lt3A_3431 = vector.broadcast %lt3A_3430 : i32 to vector<16xi32>
        %lt3A_3432 = arith.cmpi slt, %or3A_23, %lt3A_3431 : vector<16xi32>
        %add3A_3433 = arith.constant 16 : i32
        %add3A_3434 = vector.broadcast %add3A_3433 : i32 to vector<16xi32>
        %add3A_3435 = arith.addi %or3A_23, %add3A_3434 : vector<16xi32>
        %select_n3A_3436 = arith.select %lt3A_3432, %add3A_3435, %or3A_23 : vector<16xi1>, vector<16xi32>
        %reshape3A_3437 = vector.shape_cast %select_n3A_3436 : vector<16xi32> to vector<16x1xi32>
        %gather3A_3438 = vector.shape_cast %reshape3A_3437 : vector<16x1xi32> to vector<16xi32>
        %gather3A_3439 = tpu.dynamic_gather %bitcast3A_3417[%gather3A_3438] in [0] : vector<16xi32>, vector<16xi32> -> vector<16xi32>
        %xor3A_3440 = arith.xori %gather3A_3439, %select_n3A_38 : vector<16xi32>
        %bitcast3A_3441 = vector.bitcast %xor3A_3440 : vector<16xi32> to vector<16xf32>
        %lt3A_3442 = arith.constant 0 : i32
        %lt3A_3443 = vector.broadcast %lt3A_3442 : i32 to vector<16xi32>
        %lt3A_3444 = arith.cmpi slt, %or3A_26, %lt3A_3443 : vector<16xi32>
        %add3A_3445 = arith.constant 16 : i32
        %add3A_3446 = vector.broadcast %add3A_3445 : i32 to vector<16xi32>
        %add3A_3447 = arith.addi %or3A_26, %add3A_3446 : vector<16xi32>
        %select_n3A_3448 = arith.select %lt3A_3444, %add3A_3447, %or3A_26 : vector<16xi1>, vector<16xi32>
        %reshape3A_3449 = vector.shape_cast %select_n3A_3448 : vector<16xi32> to vector<16x1xi32>
        %gather3A_3450 = vector.shape_cast %reshape3A_3449 : vector<16x1xi32> to vector<16xi32>
        %gather3A_3451 = tpu.dynamic_gather %bitcast3A_3417[%gather3A_3450] in [0] : vector<16xi32>, vector<16xi32> -> vector<16xi32>
        %xor3A_3452 = arith.xori %gather3A_3451, %select_n3A_44 : vector<16xi32>
        %bitcast3A_3453 = vector.bitcast %xor3A_3452 : vector<16xi32> to vector<16xf32>
        %lt3A_3454 = arith.constant 0 : i32
        %lt3A_3455 = vector.broadcast %lt3A_3454 : i32 to vector<16xi32>
        %lt3A_3456 = arith.cmpi slt, %or3A_29, %lt3A_3455 : vector<16xi32>
        %add3A_3457 = arith.constant 16 : i32
        %add3A_3458 = vector.broadcast %add3A_3457 : i32 to vector<16xi32>
        %add3A_3459 = arith.addi %or3A_29, %add3A_3458 : vector<16xi32>
        %select_n3A_3460 = arith.select %lt3A_3456, %add3A_3459, %or3A_29 : vector<16xi1>, vector<16xi32>
        %reshape3A_3461 = vector.shape_cast %select_n3A_3460 : vector<16xi32> to vector<16x1xi32>
        %gather3A_3462 = vector.shape_cast %reshape3A_3461 : vector<16x1xi32> to vector<16xi32>
        %gather3A_3463 = tpu.dynamic_gather %bitcast3A_3417[%gather3A_3462] in [0] : vector<16xi32>, vector<16xi32> -> vector<16xi32>
        %xor3A_3464 = arith.xori %gather3A_3463, %select_n3A_50 : vector<16xi32>
        %bitcast3A_3465 = vector.bitcast %xor3A_3464 : vector<16xi32> to vector<16xf32>
        %mul3A_3466 = arith.mulf %get3A_3366, %bitcast3A_3429 : vector<16xf32>
        %lt3A_3467 = arith.constant 0 : i32
        %lt3A_3468 = vector.broadcast %lt3A_3467 : i32 to vector<16xi32>
        %lt3A_3469 = arith.cmpi slt, %xor3A_6, %lt3A_3468 : vector<16xi32>
        %add3A_3470 = arith.constant 16 : i32
        %add3A_3471 = vector.broadcast %add3A_3470 : i32 to vector<16xi32>
        %add3A_3472 = arith.addi %xor3A_6, %add3A_3471 : vector<16xi32>
        %select_n3A_3473 = arith.select %lt3A_3469, %add3A_3472, %xor3A_6 : vector<16xi1>, vector<16xi32>
        %reshape3A_3474 = vector.shape_cast %select_n3A_3473 : vector<16xi32> to vector<16x1xi32>
        %gather3A_3475 = vector.shape_cast %reshape3A_3474 : vector<16x1xi32> to vector<16xi32>
        %gather3A_3476 = tpu.dynamic_gather %get3A_3366[%gather3A_3475] in [0] : vector<16xf32>, vector<16xi32> -> vector<16xf32>
        %mul3A_3477 = arith.mulf %gather3A_3476, %bitcast3A_3441 : vector<16xf32>
        %add3A_3478 = arith.addf %mul3A_3466, %mul3A_3477 : vector<16xf32>
        %lt3A_3479 = arith.constant 0 : i32
        %lt3A_3480 = vector.broadcast %lt3A_3479 : i32 to vector<16xi32>
        %lt3A_3481 = arith.cmpi slt, %xor3A_9, %lt3A_3480 : vector<16xi32>
        %add3A_3482 = arith.constant 16 : i32
        %add3A_3483 = vector.broadcast %add3A_3482 : i32 to vector<16xi32>
        %add3A_3484 = arith.addi %xor3A_9, %add3A_3483 : vector<16xi32>
        %select_n3A_3485 = arith.select %lt3A_3481, %add3A_3484, %xor3A_9 : vector<16xi1>, vector<16xi32>
        %reshape3A_3486 = vector.shape_cast %select_n3A_3485 : vector<16xi32> to vector<16x1xi32>
        %gather3A_3487 = vector.shape_cast %reshape3A_3486 : vector<16x1xi32> to vector<16xi32>
        %gather3A_3488 = tpu.dynamic_gather %get3A_3366[%gather3A_3487] in [0] : vector<16xf32>, vector<16xi32> -> vector<16xf32>
        %mul3A_3489 = arith.mulf %gather3A_3488, %bitcast3A_3453 : vector<16xf32>
        %add3A_3490 = arith.addf %add3A_3478, %mul3A_3489 : vector<16xf32>
        %lt3A_3491 = arith.constant 0 : i32
        %lt3A_3492 = vector.broadcast %lt3A_3491 : i32 to vector<16xi32>
        %lt3A_3493 = arith.cmpi slt, %xor3A_12, %lt3A_3492 : vector<16xi32>
        %add3A_3494 = arith.constant 16 : i32
        %add3A_3495 = vector.broadcast %add3A_3494 : i32 to vector<16xi32>
        %add3A_3496 = arith.addi %xor3A_12, %add3A_3495 : vector<16xi32>
        %select_n3A_3497 = arith.select %lt3A_3493, %add3A_3496, %xor3A_12 : vector<16xi1>, vector<16xi32>
        %reshape3A_3498 = vector.shape_cast %select_n3A_3497 : vector<16xi32> to vector<16x1xi32>
        %gather3A_3499 = vector.shape_cast %reshape3A_3498 : vector<16x1xi32> to vector<16xi32>
        %gather3A_3500 = tpu.dynamic_gather %get3A_3366[%gather3A_3499] in [0] : vector<16xf32>, vector<16xi32> -> vector<16xf32>
        %mul3A_3501 = arith.mulf %gather3A_3500, %bitcast3A_3465 : vector<16xf32>
        %add3A_3502 = arith.addf %add3A_3490, %mul3A_3501 : vector<16xf32>
        %mul3A_3503 = arith.mulf %mul3A_3416, %add3A_3502 : vector<16xf32>
        %add3A_3504 = arith.addf %add3A_3360, %mul3A_3503 : vector<16xf32>
        %get3A_3505 = arith.index_cast %add3A_2494 : i32 to index
        %get3A_3506 = arith.constant 112 : index
        %get3A_3507 = tpu.vector_load %arg11[%get3A_3505, %get3A_3506] {strides = array<i32>} : memref<128x128xf32, #tpu.memory_space<vmem>>, vector<16xf32>,
        %get3A_3508 = arith.index_cast %add3A_2494 : i32 to index
        %get3A_3509 = arith.constant 112 : index
        %get3A_3510 = tpu.vector_load %arg12[%get3A_3508, %get3A_3509] {strides = array<i32>} : memref<128x128xf32, #tpu.memory_space<vmem>>, vector<16xf32>,
        %get3A_3511 = arith.index_cast %add3A_2494 : i32 to index
        %get3A_3512 = arith.constant 112 : index
        %get3A_3513 = tpu.vector_load %arg13[%get3A_3511, %get3A_3512] {strides = array<i32>} : memref<128x128xf32, #tpu.memory_space<vmem>>, vector<16xf32>,
        %mul3A_3514 = arith.mulf %get3A_3510, %get3A_3510 : vector<16xf32>
        %lt3A_3515 = arith.constant 0 : i32
        %lt3A_3516 = vector.broadcast %lt3A_3515 : i32 to vector<16xi32>
        %lt3A_3517 = arith.cmpi slt, %xor3A_6, %lt3A_3516 : vector<16xi32>
        %add3A_3518 = arith.constant 16 : i32
        %add3A_3519 = vector.broadcast %add3A_3518 : i32 to vector<16xi32>
        %add3A_3520 = arith.addi %xor3A_6, %add3A_3519 : vector<16xi32>
        %select_n3A_3521 = arith.select %lt3A_3517, %add3A_3520, %xor3A_6 : vector<16xi1>, vector<16xi32>
        %reshape3A_3522 = vector.shape_cast %select_n3A_3521 : vector<16xi32> to vector<16x1xi32>
        %gather3A_3523 = vector.shape_cast %reshape3A_3522 : vector<16x1xi32> to vector<16xi32>
        %gather3A_3524 = tpu.dynamic_gather %mul3A_3514[%gather3A_3523] in [0] : vector<16xf32>, vector<16xi32> -> vector<16xf32>
        %add3A_3525 = arith.addf %mul3A_3514, %gather3A_3524 : vector<16xf32>
        %lt3A_3526 = arith.constant 0 : i32
        %lt3A_3527 = vector.broadcast %lt3A_3526 : i32 to vector<16xi32>
        %lt3A_3528 = arith.cmpi slt, %xor3A_9, %lt3A_3527 : vector<16xi32>
        %add3A_3529 = arith.constant 16 : i32
        %add3A_3530 = vector.broadcast %add3A_3529 : i32 to vector<16xi32>
        %add3A_3531 = arith.addi %xor3A_9, %add3A_3530 : vector<16xi32>
        %select_n3A_3532 = arith.select %lt3A_3528, %add3A_3531, %xor3A_9 : vector<16xi1>, vector<16xi32>
        %reshape3A_3533 = vector.shape_cast %select_n3A_3532 : vector<16xi32> to vector<16x1xi32>
        %gather3A_3534 = vector.shape_cast %reshape3A_3533 : vector<16x1xi32> to vector<16xi32>
        %gather3A_3535 = tpu.dynamic_gather %add3A_3525[%gather3A_3534] in [0] : vector<16xf32>, vector<16xi32> -> vector<16xf32>
        %add3A_3536 = arith.addf %add3A_3525, %gather3A_3535 : vector<16xf32>
        %bitcast3A_3537 = vector.bitcast %add3A_3536 : vector<16xf32> to vector<16xi32>
        %shift_right_arithmetic3A_3538 = arith.constant 1 : i32
        %shift_right_arithmetic3A_3539 = vector.broadcast %shift_right_arithmetic3A_3538 : i32 to vector<16xi32>
        %shift_right_arithmetic3A_3540 = arith.shrsi %bitcast3A_3537, %shift_right_arithmetic3A_3539 : vector<16xi32>
        %sub3A_3541 = arith.constant 1597463007 : i32
        %sub3A_3542 = vector.broadcast %sub3A_3541 : i32 to vector<16xi32>
        %sub3A_3543 = arith.subi %sub3A_3542, %shift_right_arithmetic3A_3540 : vector<16xi32>
        %bitcast3A_3544 = vector.bitcast %sub3A_3543 : vector<16xi32> to vector<16xf32>
        %mul3A_3545 = arith.constant 5.000000e-01 : f32
        %mul3A_3546 = vector.broadcast %mul3A_3545 : f32 to vector<16xf32>
        %mul3A_3547 = arith.mulf %mul3A_3546, %add3A_3536 : vector<16xf32>
        %mul3A_3548 = arith.mulf %mul3A_3547, %bitcast3A_3544 : vector<16xf32>
        %mul3A_3549 = arith.mulf %mul3A_3548, %bitcast3A_3544 : vector<16xf32>
        %sub3A_3550 = arith.constant 1.500000e+00 : f32
        %sub3A_3551 = vector.broadcast %sub3A_3550 : f32 to vector<16xf32>
        %sub3A_3552 = arith.subf %sub3A_3551, %mul3A_3549 : vector<16xf32>
        %mul3A_3553 = arith.mulf %bitcast3A_3544, %sub3A_3552 : vector<16xf32>
        %mul3A_3554 = arith.mulf %mul3A_3547, %mul3A_3553 : vector<16xf32>
        %mul3A_3555 = arith.mulf %mul3A_3554, %mul3A_3553 : vector<16xf32>
        %sub3A_3556 = arith.constant 1.500000e+00 : f32
        %sub3A_3557 = vector.broadcast %sub3A_3556 : f32 to vector<16xf32>
        %sub3A_3558 = arith.subf %sub3A_3557, %mul3A_3555 : vector<16xf32>
        %mul3A_3559 = arith.mulf %mul3A_3553, %sub3A_3558 : vector<16xf32>
        %mul3A_3560 = arith.mulf %get3A_3507, %mul3A_3559 : vector<16xf32>
        %bitcast3A_3561 = vector.bitcast %get3A_3513 : vector<16xf32> to vector<16xi32>
        %lt3A_3562 = arith.constant 0 : i32
        %lt3A_3563 = vector.broadcast %lt3A_3562 : i32 to vector<16xi32>
        %lt3A_3564 = arith.cmpi slt, %and3A_21, %lt3A_3563 : vector<16xi32>
        %add3A_3565 = arith.constant 16 : i32
        %add3A_3566 = vector.broadcast %add3A_3565 : i32 to vector<16xi32>
        %add3A_3567 = arith.addi %and3A_21, %add3A_3566 : vector<16xi32>
        %select_n3A_3568 = arith.select %lt3A_3564, %add3A_3567, %and3A_21 : vector<16xi1>, vector<16xi32>
        %reshape3A_3569 = vector.shape_cast %select_n3A_3568 : vector<16xi32> to vector<16x1xi32>
        %gather3A_3570 = vector.shape_cast %reshape3A_3569 : vector<16x1xi32> to vector<16xi32>
        %gather3A_3571 = tpu.dynamic_gather %bitcast3A_3561[%gather3A_3570] in [0] : vector<16xi32>, vector<16xi32> -> vector<16xi32>
        %xor3A_3572 = arith.xori %gather3A_3571, %select_n3A : vector<16xi32>
        %bitcast3A_3573 = vector.bitcast %xor3A_3572 : vector<16xi32> to vector<16xf32>
        %lt3A_3574 = arith.constant 0 : i32
        %lt3A_3575 = vector.broadcast %lt3A_3574 : i32 to vector<16xi32>
        %lt3A_3576 = arith.cmpi slt, %or3A_23, %lt3A_3575 : vector<16xi32>
        %add3A_3577 = arith.constant 16 : i32
        %add3A_3578 = vector.broadcast %add3A_3577 : i32 to vector<16xi32>
        %add3A_3579 = arith.addi %or3A_23, %add3A_3578 : vector<16xi32>
        %select_n3A_3580 = arith.select %lt3A_3576, %add3A_3579, %or3A_23 : vector<16xi1>, vector<16xi32>
        %reshape3A_3581 = vector.shape_cast %select_n3A_3580 : vector<16xi32> to vector<16x1xi32>
        %gather3A_3582 = vector.shape_cast %reshape3A_3581 : vector<16x1xi32> to vector<16xi32>
        %gather3A_3583 = tpu.dynamic_gather %bitcast3A_3561[%gather3A_3582] in [0] : vector<16xi32>, vector<16xi32> -> vector<16xi32>
        %xor3A_3584 = arith.xori %gather3A_3583, %select_n3A_38 : vector<16xi32>
        %bitcast3A_3585 = vector.bitcast %xor3A_3584 : vector<16xi32> to vector<16xf32>
        %lt3A_3586 = arith.constant 0 : i32
        %lt3A_3587 = vector.broadcast %lt3A_3586 : i32 to vector<16xi32>
        %lt3A_3588 = arith.cmpi slt, %or3A_26, %lt3A_3587 : vector<16xi32>
        %add3A_3589 = arith.constant 16 : i32
        %add3A_3590 = vector.broadcast %add3A_3589 : i32 to vector<16xi32>
        %add3A_3591 = arith.addi %or3A_26, %add3A_3590 : vector<16xi32>
        %select_n3A_3592 = arith.select %lt3A_3588, %add3A_3591, %or3A_26 : vector<16xi1>, vector<16xi32>
        %reshape3A_3593 = vector.shape_cast %select_n3A_3592 : vector<16xi32> to vector<16x1xi32>
        %gather3A_3594 = vector.shape_cast %reshape3A_3593 : vector<16x1xi32> to vector<16xi32>
        %gather3A_3595 = tpu.dynamic_gather %bitcast3A_3561[%gather3A_3594] in [0] : vector<16xi32>, vector<16xi32> -> vector<16xi32>
        %xor3A_3596 = arith.xori %gather3A_3595, %select_n3A_44 : vector<16xi32>
        %bitcast3A_3597 = vector.bitcast %xor3A_3596 : vector<16xi32> to vector<16xf32>
        %lt3A_3598 = arith.constant 0 : i32
        %lt3A_3599 = vector.broadcast %lt3A_3598 : i32 to vector<16xi32>
        %lt3A_3600 = arith.cmpi slt, %or3A_29, %lt3A_3599 : vector<16xi32>
        %add3A_3601 = arith.constant 16 : i32
        %add3A_3602 = vector.broadcast %add3A_3601 : i32 to vector<16xi32>
        %add3A_3603 = arith.addi %or3A_29, %add3A_3602 : vector<16xi32>
        %select_n3A_3604 = arith.select %lt3A_3600, %add3A_3603, %or3A_29 : vector<16xi1>, vector<16xi32>
        %reshape3A_3605 = vector.shape_cast %select_n3A_3604 : vector<16xi32> to vector<16x1xi32>
        %gather3A_3606 = vector.shape_cast %reshape3A_3605 : vector<16x1xi32> to vector<16xi32>
        %gather3A_3607 = tpu.dynamic_gather %bitcast3A_3561[%gather3A_3606] in [0] : vector<16xi32>, vector<16xi32> -> vector<16xi32>
        %xor3A_3608 = arith.xori %gather3A_3607, %select_n3A_50 : vector<16xi32>
        %bitcast3A_3609 = vector.bitcast %xor3A_3608 : vector<16xi32> to vector<16xf32>
        %mul3A_3610 = arith.mulf %get3A_3510, %bitcast3A_3573 : vector<16xf32>
        %lt3A_3611 = arith.constant 0 : i32
        %lt3A_3612 = vector.broadcast %lt3A_3611 : i32 to vector<16xi32>
        %lt3A_3613 = arith.cmpi slt, %xor3A_6, %lt3A_3612 : vector<16xi32>
        %add3A_3614 = arith.constant 16 : i32
        %add3A_3615 = vector.broadcast %add3A_3614 : i32 to vector<16xi32>
        %add3A_3616 = arith.addi %xor3A_6, %add3A_3615 : vector<16xi32>
        %select_n3A_3617 = arith.select %lt3A_3613, %add3A_3616, %xor3A_6 : vector<16xi1>, vector<16xi32>
        %reshape3A_3618 = vector.shape_cast %select_n3A_3617 : vector<16xi32> to vector<16x1xi32>
        %gather3A_3619 = vector.shape_cast %reshape3A_3618 : vector<16x1xi32> to vector<16xi32>
        %gather3A_3620 = tpu.dynamic_gather %get3A_3510[%gather3A_3619] in [0] : vector<16xf32>, vector<16xi32> -> vector<16xf32>
        %mul3A_3621 = arith.mulf %gather3A_3620, %bitcast3A_3585 : vector<16xf32>
        %add3A_3622 = arith.addf %mul3A_3610, %mul3A_3621 : vector<16xf32>
        %lt3A_3623 = arith.constant 0 : i32
        %lt3A_3624 = vector.broadcast %lt3A_3623 : i32 to vector<16xi32>
        %lt3A_3625 = arith.cmpi slt, %xor3A_9, %lt3A_3624 : vector<16xi32>
        %add3A_3626 = arith.constant 16 : i32
        %add3A_3627 = vector.broadcast %add3A_3626 : i32 to vector<16xi32>
        %add3A_3628 = arith.addi %xor3A_9, %add3A_3627 : vector<16xi32>
        %select_n3A_3629 = arith.select %lt3A_3625, %add3A_3628, %xor3A_9 : vector<16xi1>, vector<16xi32>
        %reshape3A_3630 = vector.shape_cast %select_n3A_3629 : vector<16xi32> to vector<16x1xi32>
        %gather3A_3631 = vector.shape_cast %reshape3A_3630 : vector<16x1xi32> to vector<16xi32>
        %gather3A_3632 = tpu.dynamic_gather %get3A_3510[%gather3A_3631] in [0] : vector<16xf32>, vector<16xi32> -> vector<16xf32>
        %mul3A_3633 = arith.mulf %gather3A_3632, %bitcast3A_3597 : vector<16xf32>
        %add3A_3634 = arith.addf %add3A_3622, %mul3A_3633 : vector<16xf32>
        %lt3A_3635 = arith.constant 0 : i32
        %lt3A_3636 = vector.broadcast %lt3A_3635 : i32 to vector<16xi32>
        %lt3A_3637 = arith.cmpi slt, %xor3A_12, %lt3A_3636 : vector<16xi32>
        %add3A_3638 = arith.constant 16 : i32
        %add3A_3639 = vector.broadcast %add3A_3638 : i32 to vector<16xi32>
        %add3A_3640 = arith.addi %xor3A_12, %add3A_3639 : vector<16xi32>
        %select_n3A_3641 = arith.select %lt3A_3637, %add3A_3640, %xor3A_12 : vector<16xi1>, vector<16xi32>
        %reshape3A_3642 = vector.shape_cast %select_n3A_3641 : vector<16xi32> to vector<16x1xi32>
        %gather3A_3643 = vector.shape_cast %reshape3A_3642 : vector<16x1xi32> to vector<16xi32>
        %gather3A_3644 = tpu.dynamic_gather %get3A_3510[%gather3A_3643] in [0] : vector<16xf32>, vector<16xi32> -> vector<16xf32>
        %mul3A_3645 = arith.mulf %gather3A_3644, %bitcast3A_3609 : vector<16xf32>
        %add3A_3646 = arith.addf %add3A_3634, %mul3A_3645 : vector<16xf32>
        %mul3A_3647 = arith.mulf %mul3A_3560, %add3A_3646 : vector<16xf32>
        %add3A_3648 = arith.addf %add3A_3504, %mul3A_3647 : vector<16xf32>
        %lt3A_3649 = arith.constant 0 : i32
        %lt3A_3650 = vector.broadcast %lt3A_3649 : i32 to vector<16xi32>
        %lt3A_3651 = arith.cmpi slt, %xor3A_6, %lt3A_3650 : vector<16xi32>
        %add3A_3652 = arith.constant 16 : i32
        %add3A_3653 = vector.broadcast %add3A_3652 : i32 to vector<16xi32>
        %add3A_3654 = arith.addi %xor3A_6, %add3A_3653 : vector<16xi32>
        %select_n3A_3655 = arith.select %lt3A_3651, %add3A_3654, %xor3A_6 : vector<16xi1>, vector<16xi32>
        %reshape3A_3656 = vector.shape_cast %select_n3A_3655 : vector<16xi32> to vector<16x1xi32>
        %gather3A_3657 = vector.shape_cast %reshape3A_3656 : vector<16x1xi32> to vector<16xi32>
        %gather3A_3658 = tpu.dynamic_gather %add3A_3648[%gather3A_3657] in [0] : vector<16xf32>, vector<16xi32> -> vector<16xf32>
        %add3A_3659 = arith.addf %add3A_3648, %gather3A_3658 : vector<16xf32>
        %lt3A_3660 = arith.constant 0 : i32
        %lt3A_3661 = vector.broadcast %lt3A_3660 : i32 to vector<16xi32>
        %lt3A_3662 = arith.cmpi slt, %xor3A_9, %lt3A_3661 : vector<16xi32>
        %add3A_3663 = arith.constant 16 : i32
        %add3A_3664 = vector.broadcast %add3A_3663 : i32 to vector<16xi32>
        %add3A_3665 = arith.addi %xor3A_9, %add3A_3664 : vector<16xi32>
        %select_n3A_3666 = arith.select %lt3A_3662, %add3A_3665, %xor3A_9 : vector<16xi1>, vector<16xi32>
        %reshape3A_3667 = vector.shape_cast %select_n3A_3666 : vector<16xi32> to vector<16x1xi32>
        %gather3A_3668 = vector.shape_cast %reshape3A_3667 : vector<16x1xi32> to vector<16xi32>
        %gather3A_3669 = tpu.dynamic_gather %add3A_3659[%gather3A_3668] in [0] : vector<16xf32>, vector<16xi32> -> vector<16xf32>
        %add3A_3670 = arith.addf %add3A_3659, %gather3A_3669 : vector<16xf32>
        %lt3A_3671 = arith.constant 0 : i32
        %lt3A_3672 = vector.broadcast %lt3A_3671 : i32 to vector<16xi32>
        %lt3A_3673 = arith.cmpi slt, %xor3A_15, %lt3A_3672 : vector<16xi32>
        %add3A_3674 = arith.constant 16 : i32
        %add3A_3675 = vector.broadcast %add3A_3674 : i32 to vector<16xi32>
        %add3A_3676 = arith.addi %xor3A_15, %add3A_3675 : vector<16xi32>
        %select_n3A_3677 = arith.select %lt3A_3673, %add3A_3676, %xor3A_15 : vector<16xi1>, vector<16xi32>
        %reshape3A_3678 = vector.shape_cast %select_n3A_3677 : vector<16xi32> to vector<16x1xi32>
        %gather3A_3679 = vector.shape_cast %reshape3A_3678 : vector<16x1xi32> to vector<16xi32>
        %gather3A_3680 = tpu.dynamic_gather %add3A_3670[%gather3A_3679] in [0] : vector<16xf32>, vector<16xi32> -> vector<16xf32>
        %add3A_3681 = arith.addf %add3A_3670, %gather3A_3680 : vector<16xf32>
        %lt3A_3682 = arith.constant 0 : i32
        %lt3A_3683 = vector.broadcast %lt3A_3682 : i32 to vector<16xi32>
        %lt3A_3684 = arith.cmpi slt, %xor3A_18, %lt3A_3683 : vector<16xi32>
        %add3A_3685 = arith.constant 16 : i32
        %add3A_3686 = vector.broadcast %add3A_3685 : i32 to vector<16xi32>
        %add3A_3687 = arith.addi %xor3A_18, %add3A_3686 : vector<16xi32>
        %select_n3A_3688 = arith.select %lt3A_3684, %add3A_3687, %xor3A_18 : vector<16xi1>, vector<16xi32>
        %reshape3A_3689 = vector.shape_cast %select_n3A_3688 : vector<16xi32> to vector<16x1xi32>
        %gather3A_3690 = vector.shape_cast %reshape3A_3689 : vector<16x1xi32> to vector<16xi32>
        %gather3A_3691 = tpu.dynamic_gather %add3A_3681[%gather3A_3690] in [0] : vector<16xf32>, vector<16xi32> -> vector<16xf32>
        %add3A_3692 = arith.addf %add3A_3681, %gather3A_3691 : vector<16xf32>
        %add3A_3693 = arith.constant 3 : i32
        %add3A_3694 = arith.addi %mul3A_99, %add3A_3693 : i32
        %broadcast_in_dim3A_3695 = arith.constant 0.000000e+00 : f32
        %broadcast_in_dim3A_3696 = vector.broadcast %broadcast_in_dim3A_3695 : f32 to vector<16xf32>
        %get3A_3697 = arith.index_cast %add3A_3694 : i32 to index
        %get3A_3698 = arith.constant 0 : index
        %get3A_3699 = tpu.vector_load %arg11[%get3A_3697, %get3A_3698] {strides = array<i32>} : memref<128x128xf32, #tpu.memory_space<vmem>>, vector<16xf32>,
        %get3A_3700 = arith.index_cast %add3A_3694 : i32 to index
        %get3A_3701 = arith.constant 0 : index
        %get3A_3702 = tpu.vector_load %arg12[%get3A_3700, %get3A_3701] {strides = array<i32>} : memref<128x128xf32, #tpu.memory_space<vmem>>, vector<16xf32>,
        %get3A_3703 = arith.index_cast %add3A_3694 : i32 to index
        %get3A_3704 = arith.constant 0 : index
        %get3A_3705 = tpu.vector_load %arg13[%get3A_3703, %get3A_3704] {strides = array<i32>} : memref<128x128xf32, #tpu.memory_space<vmem>>, vector<16xf32>,
        %mul3A_3706 = arith.mulf %get3A_3702, %get3A_3702 : vector<16xf32>
        %lt3A_3707 = arith.constant 0 : i32
        %lt3A_3708 = vector.broadcast %lt3A_3707 : i32 to vector<16xi32>
        %lt3A_3709 = arith.cmpi slt, %xor3A_6, %lt3A_3708 : vector<16xi32>
        %add3A_3710 = arith.constant 16 : i32
        %add3A_3711 = vector.broadcast %add3A_3710 : i32 to vector<16xi32>
        %add3A_3712 = arith.addi %xor3A_6, %add3A_3711 : vector<16xi32>
        %select_n3A_3713 = arith.select %lt3A_3709, %add3A_3712, %xor3A_6 : vector<16xi1>, vector<16xi32>
        %reshape3A_3714 = vector.shape_cast %select_n3A_3713 : vector<16xi32> to vector<16x1xi32>
        %gather3A_3715 = vector.shape_cast %reshape3A_3714 : vector<16x1xi32> to vector<16xi32>
        %gather3A_3716 = tpu.dynamic_gather %mul3A_3706[%gather3A_3715] in [0] : vector<16xf32>, vector<16xi32> -> vector<16xf32>
        %add3A_3717 = arith.addf %mul3A_3706, %gather3A_3716 : vector<16xf32>
        %lt3A_3718 = arith.constant 0 : i32
        %lt3A_3719 = vector.broadcast %lt3A_3718 : i32 to vector<16xi32>
        %lt3A_3720 = arith.cmpi slt, %xor3A_9, %lt3A_3719 : vector<16xi32>
        %add3A_3721 = arith.constant 16 : i32
        %add3A_3722 = vector.broadcast %add3A_3721 : i32 to vector<16xi32>
        %add3A_3723 = arith.addi %xor3A_9, %add3A_3722 : vector<16xi32>
        %select_n3A_3724 = arith.select %lt3A_3720, %add3A_3723, %xor3A_9 : vector<16xi1>, vector<16xi32>
        %reshape3A_3725 = vector.shape_cast %select_n3A_3724 : vector<16xi32> to vector<16x1xi32>
        %gather3A_3726 = vector.shape_cast %reshape3A_3725 : vector<16x1xi32> to vector<16xi32>
        %gather3A_3727 = tpu.dynamic_gather %add3A_3717[%gather3A_3726] in [0] : vector<16xf32>, vector<16xi32> -> vector<16xf32>
        %add3A_3728 = arith.addf %add3A_3717, %gather3A_3727 : vector<16xf32>
        %bitcast3A_3729 = vector.bitcast %add3A_3728 : vector<16xf32> to vector<16xi32>
        %shift_right_arithmetic3A_3730 = arith.constant 1 : i32
        %shift_right_arithmetic3A_3731 = vector.broadcast %shift_right_arithmetic3A_3730 : i32 to vector<16xi32>
        %shift_right_arithmetic3A_3732 = arith.shrsi %bitcast3A_3729, %shift_right_arithmetic3A_3731 : vector<16xi32>
        %sub3A_3733 = arith.constant 1597463007 : i32
        %sub3A_3734 = vector.broadcast %sub3A_3733 : i32 to vector<16xi32>
        %sub3A_3735 = arith.subi %sub3A_3734, %shift_right_arithmetic3A_3732 : vector<16xi32>
        %bitcast3A_3736 = vector.bitcast %sub3A_3735 : vector<16xi32> to vector<16xf32>
        %mul3A_3737 = arith.constant 5.000000e-01 : f32
        %mul3A_3738 = vector.broadcast %mul3A_3737 : f32 to vector<16xf32>
        %mul3A_3739 = arith.mulf %mul3A_3738, %add3A_3728 : vector<16xf32>
        %mul3A_3740 = arith.mulf %mul3A_3739, %bitcast3A_3736 : vector<16xf32>
        %mul3A_3741 = arith.mulf %mul3A_3740, %bitcast3A_3736 : vector<16xf32>
        %sub3A_3742 = arith.constant 1.500000e+00 : f32
        %sub3A_3743 = vector.broadcast %sub3A_3742 : f32 to vector<16xf32>
        %sub3A_3744 = arith.subf %sub3A_3743, %mul3A_3741 : vector<16xf32>
        %mul3A_3745 = arith.mulf %bitcast3A_3736, %sub3A_3744 : vector<16xf32>
        %mul3A_3746 = arith.mulf %mul3A_3739, %mul3A_3745 : vector<16xf32>
        %mul3A_3747 = arith.mulf %mul3A_3746, %mul3A_3745 : vector<16xf32>
        %sub3A_3748 = arith.constant 1.500000e+00 : f32
        %sub3A_3749 = vector.broadcast %sub3A_3748 : f32 to vector<16xf32>
        %sub3A_3750 = arith.subf %sub3A_3749, %mul3A_3747 : vector<16xf32>
        %mul3A_3751 = arith.mulf %mul3A_3745, %sub3A_3750 : vector<16xf32>
        %mul3A_3752 = arith.mulf %get3A_3699, %mul3A_3751 : vector<16xf32>
        %bitcast3A_3753 = vector.bitcast %get3A_3705 : vector<16xf32> to vector<16xi32>
        %lt3A_3754 = arith.constant 0 : i32
        %lt3A_3755 = vector.broadcast %lt3A_3754 : i32 to vector<16xi32>
        %lt3A_3756 = arith.cmpi slt, %and3A_21, %lt3A_3755 : vector<16xi32>
        %add3A_3757 = arith.constant 16 : i32
        %add3A_3758 = vector.broadcast %add3A_3757 : i32 to vector<16xi32>
        %add3A_3759 = arith.addi %and3A_21, %add3A_3758 : vector<16xi32>
        %select_n3A_3760 = arith.select %lt3A_3756, %add3A_3759, %and3A_21 : vector<16xi1>, vector<16xi32>
        %reshape3A_3761 = vector.shape_cast %select_n3A_3760 : vector<16xi32> to vector<16x1xi32>
        %gather3A_3762 = vector.shape_cast %reshape3A_3761 : vector<16x1xi32> to vector<16xi32>
        %gather3A_3763 = tpu.dynamic_gather %bitcast3A_3753[%gather3A_3762] in [0] : vector<16xi32>, vector<16xi32> -> vector<16xi32>
        %xor3A_3764 = arith.xori %gather3A_3763, %select_n3A : vector<16xi32>
        %bitcast3A_3765 = vector.bitcast %xor3A_3764 : vector<16xi32> to vector<16xf32>
        %lt3A_3766 = arith.constant 0 : i32
        %lt3A_3767 = vector.broadcast %lt3A_3766 : i32 to vector<16xi32>
        %lt3A_3768 = arith.cmpi slt, %or3A_23, %lt3A_3767 : vector<16xi32>
        %add3A_3769 = arith.constant 16 : i32
        %add3A_3770 = vector.broadcast %add3A_3769 : i32 to vector<16xi32>
        %add3A_3771 = arith.addi %or3A_23, %add3A_3770 : vector<16xi32>
        %select_n3A_3772 = arith.select %lt3A_3768, %add3A_3771, %or3A_23 : vector<16xi1>, vector<16xi32>
        %reshape3A_3773 = vector.shape_cast %select_n3A_3772 : vector<16xi32> to vector<16x1xi32>
        %gather3A_3774 = vector.shape_cast %reshape3A_3773 : vector<16x1xi32> to vector<16xi32>
        %gather3A_3775 = tpu.dynamic_gather %bitcast3A_3753[%gather3A_3774] in [0] : vector<16xi32>, vector<16xi32> -> vector<16xi32>
        %xor3A_3776 = arith.xori %gather3A_3775, %select_n3A_38 : vector<16xi32>
        %bitcast3A_3777 = vector.bitcast %xor3A_3776 : vector<16xi32> to vector<16xf32>
        %lt3A_3778 = arith.constant 0 : i32
        %lt3A_3779 = vector.broadcast %lt3A_3778 : i32 to vector<16xi32>
        %lt3A_3780 = arith.cmpi slt, %or3A_26, %lt3A_3779 : vector<16xi32>
        %add3A_3781 = arith.constant 16 : i32
        %add3A_3782 = vector.broadcast %add3A_3781 : i32 to vector<16xi32>
        %add3A_3783 = arith.addi %or3A_26, %add3A_3782 : vector<16xi32>
        %select_n3A_3784 = arith.select %lt3A_3780, %add3A_3783, %or3A_26 : vector<16xi1>, vector<16xi32>
        %reshape3A_3785 = vector.shape_cast %select_n3A_3784 : vector<16xi32> to vector<16x1xi32>
        %gather3A_3786 = vector.shape_cast %reshape3A_3785 : vector<16x1xi32> to vector<16xi32>
        %gather3A_3787 = tpu.dynamic_gather %bitcast3A_3753[%gather3A_3786] in [0] : vector<16xi32>, vector<16xi32> -> vector<16xi32>
        %xor3A_3788 = arith.xori %gather3A_3787, %select_n3A_44 : vector<16xi32>
        %bitcast3A_3789 = vector.bitcast %xor3A_3788 : vector<16xi32> to vector<16xf32>
        %lt3A_3790 = arith.constant 0 : i32
        %lt3A_3791 = vector.broadcast %lt3A_3790 : i32 to vector<16xi32>
        %lt3A_3792 = arith.cmpi slt, %or3A_29, %lt3A_3791 : vector<16xi32>
        %add3A_3793 = arith.constant 16 : i32
        %add3A_3794 = vector.broadcast %add3A_3793 : i32 to vector<16xi32>
        %add3A_3795 = arith.addi %or3A_29, %add3A_3794 : vector<16xi32>
        %select_n3A_3796 = arith.select %lt3A_3792, %add3A_3795, %or3A_29 : vector<16xi1>, vector<16xi32>
        %reshape3A_3797 = vector.shape_cast %select_n3A_3796 : vector<16xi32> to vector<16x1xi32>
        %gather3A_3798 = vector.shape_cast %reshape3A_3797 : vector<16x1xi32> to vector<16xi32>
        %gather3A_3799 = tpu.dynamic_gather %bitcast3A_3753[%gather3A_3798] in [0] : vector<16xi32>, vector<16xi32> -> vector<16xi32>
        %xor3A_3800 = arith.xori %gather3A_3799, %select_n3A_50 : vector<16xi32>
        %bitcast3A_3801 = vector.bitcast %xor3A_3800 : vector<16xi32> to vector<16xf32>
        %mul3A_3802 = arith.mulf %get3A_3702, %bitcast3A_3765 : vector<16xf32>
        %lt3A_3803 = arith.constant 0 : i32
        %lt3A_3804 = vector.broadcast %lt3A_3803 : i32 to vector<16xi32>
        %lt3A_3805 = arith.cmpi slt, %xor3A_6, %lt3A_3804 : vector<16xi32>
        %add3A_3806 = arith.constant 16 : i32
        %add3A_3807 = vector.broadcast %add3A_3806 : i32 to vector<16xi32>
        %add3A_3808 = arith.addi %xor3A_6, %add3A_3807 : vector<16xi32>
        %select_n3A_3809 = arith.select %lt3A_3805, %add3A_3808, %xor3A_6 : vector<16xi1>, vector<16xi32>
        %reshape3A_3810 = vector.shape_cast %select_n3A_3809 : vector<16xi32> to vector<16x1xi32>
        %gather3A_3811 = vector.shape_cast %reshape3A_3810 : vector<16x1xi32> to vector<16xi32>
        %gather3A_3812 = tpu.dynamic_gather %get3A_3702[%gather3A_3811] in [0] : vector<16xf32>, vector<16xi32> -> vector<16xf32>
        %mul3A_3813 = arith.mulf %gather3A_3812, %bitcast3A_3777 : vector<16xf32>
        %add3A_3814 = arith.addf %mul3A_3802, %mul3A_3813 : vector<16xf32>
        %lt3A_3815 = arith.constant 0 : i32
        %lt3A_3816 = vector.broadcast %lt3A_3815 : i32 to vector<16xi32>
        %lt3A_3817 = arith.cmpi slt, %xor3A_9, %lt3A_3816 : vector<16xi32>
        %add3A_3818 = arith.constant 16 : i32
        %add3A_3819 = vector.broadcast %add3A_3818 : i32 to vector<16xi32>
        %add3A_3820 = arith.addi %xor3A_9, %add3A_3819 : vector<16xi32>
        %select_n3A_3821 = arith.select %lt3A_3817, %add3A_3820, %xor3A_9 : vector<16xi1>, vector<16xi32>
        %reshape3A_3822 = vector.shape_cast %select_n3A_3821 : vector<16xi32> to vector<16x1xi32>
        %gather3A_3823 = vector.shape_cast %reshape3A_3822 : vector<16x1xi32> to vector<16xi32>
        %gather3A_3824 = tpu.dynamic_gather %get3A_3702[%gather3A_3823] in [0] : vector<16xf32>, vector<16xi32> -> vector<16xf32>
        %mul3A_3825 = arith.mulf %gather3A_3824, %bitcast3A_3789 : vector<16xf32>
        %add3A_3826 = arith.addf %add3A_3814, %mul3A_3825 : vector<16xf32>
        %lt3A_3827 = arith.constant 0 : i32
        %lt3A_3828 = vector.broadcast %lt3A_3827 : i32 to vector<16xi32>
        %lt3A_3829 = arith.cmpi slt, %xor3A_12, %lt3A_3828 : vector<16xi32>
        %add3A_3830 = arith.constant 16 : i32
        %add3A_3831 = vector.broadcast %add3A_3830 : i32 to vector<16xi32>
        %add3A_3832 = arith.addi %xor3A_12, %add3A_3831 : vector<16xi32>
        %select_n3A_3833 = arith.select %lt3A_3829, %add3A_3832, %xor3A_12 : vector<16xi1>, vector<16xi32>
        %reshape3A_3834 = vector.shape_cast %select_n3A_3833 : vector<16xi32> to vector<16x1xi32>
        %gather3A_3835 = vector.shape_cast %reshape3A_3834 : vector<16x1xi32> to vector<16xi32>
        %gather3A_3836 = tpu.dynamic_gather %get3A_3702[%gather3A_3835] in [0] : vector<16xf32>, vector<16xi32> -> vector<16xf32>
        %mul3A_3837 = arith.mulf %gather3A_3836, %bitcast3A_3801 : vector<16xf32>
        %add3A_3838 = arith.addf %add3A_3826, %mul3A_3837 : vector<16xf32>
        %mul3A_3839 = arith.mulf %mul3A_3752, %add3A_3838 : vector<16xf32>
        %add3A_3840 = arith.addf %broadcast_in_dim3A_3696, %mul3A_3839 : vector<16xf32>
        %get3A_3841 = arith.index_cast %add3A_3694 : i32 to index
        %get3A_3842 = arith.constant 16 : index
        %get3A_3843 = tpu.vector_load %arg11[%get3A_3841, %get3A_3842] {strides = array<i32>} : memref<128x128xf32, #tpu.memory_space<vmem>>, vector<16xf32>,
        %get3A_3844 = arith.index_cast %add3A_3694 : i32 to index
        %get3A_3845 = arith.constant 16 : index
        %get3A_3846 = tpu.vector_load %arg12[%get3A_3844, %get3A_3845] {strides = array<i32>} : memref<128x128xf32, #tpu.memory_space<vmem>>, vector<16xf32>,
        %get3A_3847 = arith.index_cast %add3A_3694 : i32 to index
        %get3A_3848 = arith.constant 16 : index
        %get3A_3849 = tpu.vector_load %arg13[%get3A_3847, %get3A_3848] {strides = array<i32>} : memref<128x128xf32, #tpu.memory_space<vmem>>, vector<16xf32>,
        %mul3A_3850 = arith.mulf %get3A_3846, %get3A_3846 : vector<16xf32>
        %lt3A_3851 = arith.constant 0 : i32
        %lt3A_3852 = vector.broadcast %lt3A_3851 : i32 to vector<16xi32>
        %lt3A_3853 = arith.cmpi slt, %xor3A_6, %lt3A_3852 : vector<16xi32>
        %add3A_3854 = arith.constant 16 : i32
        %add3A_3855 = vector.broadcast %add3A_3854 : i32 to vector<16xi32>
        %add3A_3856 = arith.addi %xor3A_6, %add3A_3855 : vector<16xi32>
        %select_n3A_3857 = arith.select %lt3A_3853, %add3A_3856, %xor3A_6 : vector<16xi1>, vector<16xi32>
        %reshape3A_3858 = vector.shape_cast %select_n3A_3857 : vector<16xi32> to vector<16x1xi32>
        %gather3A_3859 = vector.shape_cast %reshape3A_3858 : vector<16x1xi32> to vector<16xi32>
        %gather3A_3860 = tpu.dynamic_gather %mul3A_3850[%gather3A_3859] in [0] : vector<16xf32>, vector<16xi32> -> vector<16xf32>
        %add3A_3861 = arith.addf %mul3A_3850, %gather3A_3860 : vector<16xf32>
        %lt3A_3862 = arith.constant 0 : i32
        %lt3A_3863 = vector.broadcast %lt3A_3862 : i32 to vector<16xi32>
        %lt3A_3864 = arith.cmpi slt, %xor3A_9, %lt3A_3863 : vector<16xi32>
        %add3A_3865 = arith.constant 16 : i32
        %add3A_3866 = vector.broadcast %add3A_3865 : i32 to vector<16xi32>
        %add3A_3867 = arith.addi %xor3A_9, %add3A_3866 : vector<16xi32>
        %select_n3A_3868 = arith.select %lt3A_3864, %add3A_3867, %xor3A_9 : vector<16xi1>, vector<16xi32>
        %reshape3A_3869 = vector.shape_cast %select_n3A_3868 : vector<16xi32> to vector<16x1xi32>
        %gather3A_3870 = vector.shape_cast %reshape3A_3869 : vector<16x1xi32> to vector<16xi32>
        %gather3A_3871 = tpu.dynamic_gather %add3A_3861[%gather3A_3870] in [0] : vector<16xf32>, vector<16xi32> -> vector<16xf32>
        %add3A_3872 = arith.addf %add3A_3861, %gather3A_3871 : vector<16xf32>
        %bitcast3A_3873 = vector.bitcast %add3A_3872 : vector<16xf32> to vector<16xi32>
        %shift_right_arithmetic3A_3874 = arith.constant 1 : i32
        %shift_right_arithmetic3A_3875 = vector.broadcast %shift_right_arithmetic3A_3874 : i32 to vector<16xi32>
        %shift_right_arithmetic3A_3876 = arith.shrsi %bitcast3A_3873, %shift_right_arithmetic3A_3875 : vector<16xi32>
        %sub3A_3877 = arith.constant 1597463007 : i32
        %sub3A_3878 = vector.broadcast %sub3A_3877 : i32 to vector<16xi32>
        %sub3A_3879 = arith.subi %sub3A_3878, %shift_right_arithmetic3A_3876 : vector<16xi32>
        %bitcast3A_3880 = vector.bitcast %sub3A_3879 : vector<16xi32> to vector<16xf32>
        %mul3A_3881 = arith.constant 5.000000e-01 : f32
        %mul3A_3882 = vector.broadcast %mul3A_3881 : f32 to vector<16xf32>
        %mul3A_3883 = arith.mulf %mul3A_3882, %add3A_3872 : vector<16xf32>
        %mul3A_3884 = arith.mulf %mul3A_3883, %bitcast3A_3880 : vector<16xf32>
        %mul3A_3885 = arith.mulf %mul3A_3884, %bitcast3A_3880 : vector<16xf32>
        %sub3A_3886 = arith.constant 1.500000e+00 : f32
        %sub3A_3887 = vector.broadcast %sub3A_3886 : f32 to vector<16xf32>
        %sub3A_3888 = arith.subf %sub3A_3887, %mul3A_3885 : vector<16xf32>
        %mul3A_3889 = arith.mulf %bitcast3A_3880, %sub3A_3888 : vector<16xf32>
        %mul3A_3890 = arith.mulf %mul3A_3883, %mul3A_3889 : vector<16xf32>
        %mul3A_3891 = arith.mulf %mul3A_3890, %mul3A_3889 : vector<16xf32>
        %sub3A_3892 = arith.constant 1.500000e+00 : f32
        %sub3A_3893 = vector.broadcast %sub3A_3892 : f32 to vector<16xf32>
        %sub3A_3894 = arith.subf %sub3A_3893, %mul3A_3891 : vector<16xf32>
        %mul3A_3895 = arith.mulf %mul3A_3889, %sub3A_3894 : vector<16xf32>
        %mul3A_3896 = arith.mulf %get3A_3843, %mul3A_3895 : vector<16xf32>
        %bitcast3A_3897 = vector.bitcast %get3A_3849 : vector<16xf32> to vector<16xi32>
        %lt3A_3898 = arith.constant 0 : i32
        %lt3A_3899 = vector.broadcast %lt3A_3898 : i32 to vector<16xi32>
        %lt3A_3900 = arith.cmpi slt, %and3A_21, %lt3A_3899 : vector<16xi32>
        %add3A_3901 = arith.constant 16 : i32
        %add3A_3902 = vector.broadcast %add3A_3901 : i32 to vector<16xi32>
        %add3A_3903 = arith.addi %and3A_21, %add3A_3902 : vector<16xi32>
        %select_n3A_3904 = arith.select %lt3A_3900, %add3A_3903, %and3A_21 : vector<16xi1>, vector<16xi32>
        %reshape3A_3905 = vector.shape_cast %select_n3A_3904 : vector<16xi32> to vector<16x1xi32>
        %gather3A_3906 = vector.shape_cast %reshape3A_3905 : vector<16x1xi32> to vector<16xi32>
        %gather3A_3907 = tpu.dynamic_gather %bitcast3A_3897[%gather3A_3906] in [0] : vector<16xi32>, vector<16xi32> -> vector<16xi32>
        %xor3A_3908 = arith.xori %gather3A_3907, %select_n3A : vector<16xi32>
        %bitcast3A_3909 = vector.bitcast %xor3A_3908 : vector<16xi32> to vector<16xf32>
        %lt3A_3910 = arith.constant 0 : i32
        %lt3A_3911 = vector.broadcast %lt3A_3910 : i32 to vector<16xi32>
        %lt3A_3912 = arith.cmpi slt, %or3A_23, %lt3A_3911 : vector<16xi32>
        %add3A_3913 = arith.constant 16 : i32
        %add3A_3914 = vector.broadcast %add3A_3913 : i32 to vector<16xi32>
        %add3A_3915 = arith.addi %or3A_23, %add3A_3914 : vector<16xi32>
        %select_n3A_3916 = arith.select %lt3A_3912, %add3A_3915, %or3A_23 : vector<16xi1>, vector<16xi32>
        %reshape3A_3917 = vector.shape_cast %select_n3A_3916 : vector<16xi32> to vector<16x1xi32>
        %gather3A_3918 = vector.shape_cast %reshape3A_3917 : vector<16x1xi32> to vector<16xi32>
        %gather3A_3919 = tpu.dynamic_gather %bitcast3A_3897[%gather3A_3918] in [0] : vector<16xi32>, vector<16xi32> -> vector<16xi32>
        %xor3A_3920 = arith.xori %gather3A_3919, %select_n3A_38 : vector<16xi32>
        %bitcast3A_3921 = vector.bitcast %xor3A_3920 : vector<16xi32> to vector<16xf32>
        %lt3A_3922 = arith.constant 0 : i32
        %lt3A_3923 = vector.broadcast %lt3A_3922 : i32 to vector<16xi32>
        %lt3A_3924 = arith.cmpi slt, %or3A_26, %lt3A_3923 : vector<16xi32>
        %add3A_3925 = arith.constant 16 : i32
        %add3A_3926 = vector.broadcast %add3A_3925 : i32 to vector<16xi32>
        %add3A_3927 = arith.addi %or3A_26, %add3A_3926 : vector<16xi32>
        %select_n3A_3928 = arith.select %lt3A_3924, %add3A_3927, %or3A_26 : vector<16xi1>, vector<16xi32>
        %reshape3A_3929 = vector.shape_cast %select_n3A_3928 : vector<16xi32> to vector<16x1xi32>
        %gather3A_3930 = vector.shape_cast %reshape3A_3929 : vector<16x1xi32> to vector<16xi32>
        %gather3A_3931 = tpu.dynamic_gather %bitcast3A_3897[%gather3A_3930] in [0] : vector<16xi32>, vector<16xi32> -> vector<16xi32>
        %xor3A_3932 = arith.xori %gather3A_3931, %select_n3A_44 : vector<16xi32>
        %bitcast3A_3933 = vector.bitcast %xor3A_3932 : vector<16xi32> to vector<16xf32>
        %lt3A_3934 = arith.constant 0 : i32
        %lt3A_3935 = vector.broadcast %lt3A_3934 : i32 to vector<16xi32>
        %lt3A_3936 = arith.cmpi slt, %or3A_29, %lt3A_3935 : vector<16xi32>
        %add3A_3937 = arith.constant 16 : i32
        %add3A_3938 = vector.broadcast %add3A_3937 : i32 to vector<16xi32>
        %add3A_3939 = arith.addi %or3A_29, %add3A_3938 : vector<16xi32>
        %select_n3A_3940 = arith.select %lt3A_3936, %add3A_3939, %or3A_29 : vector<16xi1>, vector<16xi32>
        %reshape3A_3941 = vector.shape_cast %select_n3A_3940 : vector<16xi32> to vector<16x1xi32>
        %gather3A_3942 = vector.shape_cast %reshape3A_3941 : vector<16x1xi32> to vector<16xi32>
        %gather3A_3943 = tpu.dynamic_gather %bitcast3A_3897[%gather3A_3942] in [0] : vector<16xi32>, vector<16xi32> -> vector<16xi32>
        %xor3A_3944 = arith.xori %gather3A_3943, %select_n3A_50 : vector<16xi32>
        %bitcast3A_3945 = vector.bitcast %xor3A_3944 : vector<16xi32> to vector<16xf32>
        %mul3A_3946 = arith.mulf %get3A_3846, %bitcast3A_3909 : vector<16xf32>
        %lt3A_3947 = arith.constant 0 : i32
        %lt3A_3948 = vector.broadcast %lt3A_3947 : i32 to vector<16xi32>
        %lt3A_3949 = arith.cmpi slt, %xor3A_6, %lt3A_3948 : vector<16xi32>
        %add3A_3950 = arith.constant 16 : i32
        %add3A_3951 = vector.broadcast %add3A_3950 : i32 to vector<16xi32>
        %add3A_3952 = arith.addi %xor3A_6, %add3A_3951 : vector<16xi32>
        %select_n3A_3953 = arith.select %lt3A_3949, %add3A_3952, %xor3A_6 : vector<16xi1>, vector<16xi32>
        %reshape3A_3954 = vector.shape_cast %select_n3A_3953 : vector<16xi32> to vector<16x1xi32>
        %gather3A_3955 = vector.shape_cast %reshape3A_3954 : vector<16x1xi32> to vector<16xi32>
        %gather3A_3956 = tpu.dynamic_gather %get3A_3846[%gather3A_3955] in [0] : vector<16xf32>, vector<16xi32> -> vector<16xf32>
        %mul3A_3957 = arith.mulf %gather3A_3956, %bitcast3A_3921 : vector<16xf32>
        %add3A_3958 = arith.addf %mul3A_3946, %mul3A_3957 : vector<16xf32>
        %lt3A_3959 = arith.constant 0 : i32
        %lt3A_3960 = vector.broadcast %lt3A_3959 : i32 to vector<16xi32>
        %lt3A_3961 = arith.cmpi slt, %xor3A_9, %lt3A_3960 : vector<16xi32>
        %add3A_3962 = arith.constant 16 : i32
        %add3A_3963 = vector.broadcast %add3A_3962 : i32 to vector<16xi32>
        %add3A_3964 = arith.addi %xor3A_9, %add3A_3963 : vector<16xi32>
        %select_n3A_3965 = arith.select %lt3A_3961, %add3A_3964, %xor3A_9 : vector<16xi1>, vector<16xi32>
        %reshape3A_3966 = vector.shape_cast %select_n3A_3965 : vector<16xi32> to vector<16x1xi32>
        %gather3A_3967 = vector.shape_cast %reshape3A_3966 : vector<16x1xi32> to vector<16xi32>
        %gather3A_3968 = tpu.dynamic_gather %get3A_3846[%gather3A_3967] in [0] : vector<16xf32>, vector<16xi32> -> vector<16xf32>
        %mul3A_3969 = arith.mulf %gather3A_3968, %bitcast3A_3933 : vector<16xf32>
        %add3A_3970 = arith.addf %add3A_3958, %mul3A_3969 : vector<16xf32>
        %lt3A_3971 = arith.constant 0 : i32
        %lt3A_3972 = vector.broadcast %lt3A_3971 : i32 to vector<16xi32>
        %lt3A_3973 = arith.cmpi slt, %xor3A_12, %lt3A_3972 : vector<16xi32>
        %add3A_3974 = arith.constant 16 : i32
        %add3A_3975 = vector.broadcast %add3A_3974 : i32 to vector<16xi32>
        %add3A_3976 = arith.addi %xor3A_12, %add3A_3975 : vector<16xi32>
        %select_n3A_3977 = arith.select %lt3A_3973, %add3A_3976, %xor3A_12 : vector<16xi1>, vector<16xi32>
        %reshape3A_3978 = vector.shape_cast %select_n3A_3977 : vector<16xi32> to vector<16x1xi32>
        %gather3A_3979 = vector.shape_cast %reshape3A_3978 : vector<16x1xi32> to vector<16xi32>
        %gather3A_3980 = tpu.dynamic_gather %get3A_3846[%gather3A_3979] in [0] : vector<16xf32>, vector<16xi32> -> vector<16xf32>
        %mul3A_3981 = arith.mulf %gather3A_3980, %bitcast3A_3945 : vector<16xf32>
        %add3A_3982 = arith.addf %add3A_3970, %mul3A_3981 : vector<16xf32>
        %mul3A_3983 = arith.mulf %mul3A_3896, %add3A_3982 : vector<16xf32>
        %add3A_3984 = arith.addf %add3A_3840, %mul3A_3983 : vector<16xf32>
        %get3A_3985 = arith.index_cast %add3A_3694 : i32 to index
        %get3A_3986 = arith.constant 32 : index
        %get3A_3987 = tpu.vector_load %arg11[%get3A_3985, %get3A_3986] {strides = array<i32>} : memref<128x128xf32, #tpu.memory_space<vmem>>, vector<16xf32>,
        %get3A_3988 = arith.index_cast %add3A_3694 : i32 to index
        %get3A_3989 = arith.constant 32 : index
        %get3A_3990 = tpu.vector_load %arg12[%get3A_3988, %get3A_3989] {strides = array<i32>} : memref<128x128xf32, #tpu.memory_space<vmem>>, vector<16xf32>,
        %get3A_3991 = arith.index_cast %add3A_3694 : i32 to index
        %get3A_3992 = arith.constant 32 : index
        %get3A_3993 = tpu.vector_load %arg13[%get3A_3991, %get3A_3992] {strides = array<i32>} : memref<128x128xf32, #tpu.memory_space<vmem>>, vector<16xf32>,
        %mul3A_3994 = arith.mulf %get3A_3990, %get3A_3990 : vector<16xf32>
        %lt3A_3995 = arith.constant 0 : i32
        %lt3A_3996 = vector.broadcast %lt3A_3995 : i32 to vector<16xi32>
        %lt3A_3997 = arith.cmpi slt, %xor3A_6, %lt3A_3996 : vector<16xi32>
        %add3A_3998 = arith.constant 16 : i32
        %add3A_3999 = vector.broadcast %add3A_3998 : i32 to vector<16xi32>
        %add3A_4000 = arith.addi %xor3A_6, %add3A_3999 : vector<16xi32>
        %select_n3A_4001 = arith.select %lt3A_3997, %add3A_4000, %xor3A_6 : vector<16xi1>, vector<16xi32>
        %reshape3A_4002 = vector.shape_cast %select_n3A_4001 : vector<16xi32> to vector<16x1xi32>
        %gather3A_4003 = vector.shape_cast %reshape3A_4002 : vector<16x1xi32> to vector<16xi32>
        %gather3A_4004 = tpu.dynamic_gather %mul3A_3994[%gather3A_4003] in [0] : vector<16xf32>, vector<16xi32> -> vector<16xf32>
        %add3A_4005 = arith.addf %mul3A_3994, %gather3A_4004 : vector<16xf32>
        %lt3A_4006 = arith.constant 0 : i32
        %lt3A_4007 = vector.broadcast %lt3A_4006 : i32 to vector<16xi32>
        %lt3A_4008 = arith.cmpi slt, %xor3A_9, %lt3A_4007 : vector<16xi32>
        %add3A_4009 = arith.constant 16 : i32
        %add3A_4010 = vector.broadcast %add3A_4009 : i32 to vector<16xi32>
        %add3A_4011 = arith.addi %xor3A_9, %add3A_4010 : vector<16xi32>
        %select_n3A_4012 = arith.select %lt3A_4008, %add3A_4011, %xor3A_9 : vector<16xi1>, vector<16xi32>
        %reshape3A_4013 = vector.shape_cast %select_n3A_4012 : vector<16xi32> to vector<16x1xi32>
        %gather3A_4014 = vector.shape_cast %reshape3A_4013 : vector<16x1xi32> to vector<16xi32>
        %gather3A_4015 = tpu.dynamic_gather %add3A_4005[%gather3A_4014] in [0] : vector<16xf32>, vector<16xi32> -> vector<16xf32>
        %add3A_4016 = arith.addf %add3A_4005, %gather3A_4015 : vector<16xf32>
        %bitcast3A_4017 = vector.bitcast %add3A_4016 : vector<16xf32> to vector<16xi32>
        %shift_right_arithmetic3A_4018 = arith.constant 1 : i32
        %shift_right_arithmetic3A_4019 = vector.broadcast %shift_right_arithmetic3A_4018 : i32 to vector<16xi32>
        %shift_right_arithmetic3A_4020 = arith.shrsi %bitcast3A_4017, %shift_right_arithmetic3A_4019 : vector<16xi32>
        %sub3A_4021 = arith.constant 1597463007 : i32
        %sub3A_4022 = vector.broadcast %sub3A_4021 : i32 to vector<16xi32>
        %sub3A_4023 = arith.subi %sub3A_4022, %shift_right_arithmetic3A_4020 : vector<16xi32>
        %bitcast3A_4024 = vector.bitcast %sub3A_4023 : vector<16xi32> to vector<16xf32>
        %mul3A_4025 = arith.constant 5.000000e-01 : f32
        %mul3A_4026 = vector.broadcast %mul3A_4025 : f32 to vector<16xf32>
        %mul3A_4027 = arith.mulf %mul3A_4026, %add3A_4016 : vector<16xf32>
        %mul3A_4028 = arith.mulf %mul3A_4027, %bitcast3A_4024 : vector<16xf32>
        %mul3A_4029 = arith.mulf %mul3A_4028, %bitcast3A_4024 : vector<16xf32>
        %sub3A_4030 = arith.constant 1.500000e+00 : f32
        %sub3A_4031 = vector.broadcast %sub3A_4030 : f32 to vector<16xf32>
        %sub3A_4032 = arith.subf %sub3A_4031, %mul3A_4029 : vector<16xf32>
        %mul3A_4033 = arith.mulf %bitcast3A_4024, %sub3A_4032 : vector<16xf32>
        %mul3A_4034 = arith.mulf %mul3A_4027, %mul3A_4033 : vector<16xf32>
        %mul3A_4035 = arith.mulf %mul3A_4034, %mul3A_4033 : vector<16xf32>
        %sub3A_4036 = arith.constant 1.500000e+00 : f32
        %sub3A_4037 = vector.broadcast %sub3A_4036 : f32 to vector<16xf32>
        %sub3A_4038 = arith.subf %sub3A_4037, %mul3A_4035 : vector<16xf32>
        %mul3A_4039 = arith.mulf %mul3A_4033, %sub3A_4038 : vector<16xf32>
        %mul3A_4040 = arith.mulf %get3A_3987, %mul3A_4039 : vector<16xf32>
        %bitcast3A_4041 = vector.bitcast %get3A_3993 : vector<16xf32> to vector<16xi32>
        %lt3A_4042 = arith.constant 0 : i32
        %lt3A_4043 = vector.broadcast %lt3A_4042 : i32 to vector<16xi32>
        %lt3A_4044 = arith.cmpi slt, %and3A_21, %lt3A_4043 : vector<16xi32>
        %add3A_4045 = arith.constant 16 : i32
        %add3A_4046 = vector.broadcast %add3A_4045 : i32 to vector<16xi32>
        %add3A_4047 = arith.addi %and3A_21, %add3A_4046 : vector<16xi32>
        %select_n3A_4048 = arith.select %lt3A_4044, %add3A_4047, %and3A_21 : vector<16xi1>, vector<16xi32>
        %reshape3A_4049 = vector.shape_cast %select_n3A_4048 : vector<16xi32> to vector<16x1xi32>
        %gather3A_4050 = vector.shape_cast %reshape3A_4049 : vector<16x1xi32> to vector<16xi32>
        %gather3A_4051 = tpu.dynamic_gather %bitcast3A_4041[%gather3A_4050] in [0] : vector<16xi32>, vector<16xi32> -> vector<16xi32>
        %xor3A_4052 = arith.xori %gather3A_4051, %select_n3A : vector<16xi32>
        %bitcast3A_4053 = vector.bitcast %xor3A_4052 : vector<16xi32> to vector<16xf32>
        %lt3A_4054 = arith.constant 0 : i32
        %lt3A_4055 = vector.broadcast %lt3A_4054 : i32 to vector<16xi32>
        %lt3A_4056 = arith.cmpi slt, %or3A_23, %lt3A_4055 : vector<16xi32>
        %add3A_4057 = arith.constant 16 : i32
        %add3A_4058 = vector.broadcast %add3A_4057 : i32 to vector<16xi32>
        %add3A_4059 = arith.addi %or3A_23, %add3A_4058 : vector<16xi32>
        %select_n3A_4060 = arith.select %lt3A_4056, %add3A_4059, %or3A_23 : vector<16xi1>, vector<16xi32>
        %reshape3A_4061 = vector.shape_cast %select_n3A_4060 : vector<16xi32> to vector<16x1xi32>
        %gather3A_4062 = vector.shape_cast %reshape3A_4061 : vector<16x1xi32> to vector<16xi32>
        %gather3A_4063 = tpu.dynamic_gather %bitcast3A_4041[%gather3A_4062] in [0] : vector<16xi32>, vector<16xi32> -> vector<16xi32>
        %xor3A_4064 = arith.xori %gather3A_4063, %select_n3A_38 : vector<16xi32>
        %bitcast3A_4065 = vector.bitcast %xor3A_4064 : vector<16xi32> to vector<16xf32>
        %lt3A_4066 = arith.constant 0 : i32
        %lt3A_4067 = vector.broadcast %lt3A_4066 : i32 to vector<16xi32>
        %lt3A_4068 = arith.cmpi slt, %or3A_26, %lt3A_4067 : vector<16xi32>
        %add3A_4069 = arith.constant 16 : i32
        %add3A_4070 = vector.broadcast %add3A_4069 : i32 to vector<16xi32>
        %add3A_4071 = arith.addi %or3A_26, %add3A_4070 : vector<16xi32>
        %select_n3A_4072 = arith.select %lt3A_4068, %add3A_4071, %or3A_26 : vector<16xi1>, vector<16xi32>
        %reshape3A_4073 = vector.shape_cast %select_n3A_4072 : vector<16xi32> to vector<16x1xi32>
        %gather3A_4074 = vector.shape_cast %reshape3A_4073 : vector<16x1xi32> to vector<16xi32>
        %gather3A_4075 = tpu.dynamic_gather %bitcast3A_4041[%gather3A_4074] in [0] : vector<16xi32>, vector<16xi32> -> vector<16xi32>
        %xor3A_4076 = arith.xori %gather3A_4075, %select_n3A_44 : vector<16xi32>
        %bitcast3A_4077 = vector.bitcast %xor3A_4076 : vector<16xi32> to vector<16xf32>
        %lt3A_4078 = arith.constant 0 : i32
        %lt3A_4079 = vector.broadcast %lt3A_4078 : i32 to vector<16xi32>
        %lt3A_4080 = arith.cmpi slt, %or3A_29, %lt3A_4079 : vector<16xi32>
        %add3A_4081 = arith.constant 16 : i32
        %add3A_4082 = vector.broadcast %add3A_4081 : i32 to vector<16xi32>
        %add3A_4083 = arith.addi %or3A_29, %add3A_4082 : vector<16xi32>
        %select_n3A_4084 = arith.select %lt3A_4080, %add3A_4083, %or3A_29 : vector<16xi1>, vector<16xi32>
        %reshape3A_4085 = vector.shape_cast %select_n3A_4084 : vector<16xi32> to vector<16x1xi32>
        %gather3A_4086 = vector.shape_cast %reshape3A_4085 : vector<16x1xi32> to vector<16xi32>
        %gather3A_4087 = tpu.dynamic_gather %bitcast3A_4041[%gather3A_4086] in [0] : vector<16xi32>, vector<16xi32> -> vector<16xi32>
        %xor3A_4088 = arith.xori %gather3A_4087, %select_n3A_50 : vector<16xi32>
        %bitcast3A_4089 = vector.bitcast %xor3A_4088 : vector<16xi32> to vector<16xf32>
        %mul3A_4090 = arith.mulf %get3A_3990, %bitcast3A_4053 : vector<16xf32>
        %lt3A_4091 = arith.constant 0 : i32
        %lt3A_4092 = vector.broadcast %lt3A_4091 : i32 to vector<16xi32>
        %lt3A_4093 = arith.cmpi slt, %xor3A_6, %lt3A_4092 : vector<16xi32>
        %add3A_4094 = arith.constant 16 : i32
        %add3A_4095 = vector.broadcast %add3A_4094 : i32 to vector<16xi32>
        %add3A_4096 = arith.addi %xor3A_6, %add3A_4095 : vector<16xi32>
        %select_n3A_4097 = arith.select %lt3A_4093, %add3A_4096, %xor3A_6 : vector<16xi1>, vector<16xi32>
        %reshape3A_4098 = vector.shape_cast %select_n3A_4097 : vector<16xi32> to vector<16x1xi32>
        %gather3A_4099 = vector.shape_cast %reshape3A_4098 : vector<16x1xi32> to vector<16xi32>
        %gather3A_4100 = tpu.dynamic_gather %get3A_3990[%gather3A_4099] in [0] : vector<16xf32>, vector<16xi32> -> vector<16xf32>
        %mul3A_4101 = arith.mulf %gather3A_4100, %bitcast3A_4065 : vector<16xf32>
        %add3A_4102 = arith.addf %mul3A_4090, %mul3A_4101 : vector<16xf32>
        %lt3A_4103 = arith.constant 0 : i32
        %lt3A_4104 = vector.broadcast %lt3A_4103 : i32 to vector<16xi32>
        %lt3A_4105 = arith.cmpi slt, %xor3A_9, %lt3A_4104 : vector<16xi32>
        %add3A_4106 = arith.constant 16 : i32
        %add3A_4107 = vector.broadcast %add3A_4106 : i32 to vector<16xi32>
        %add3A_4108 = arith.addi %xor3A_9, %add3A_4107 : vector<16xi32>
        %select_n3A_4109 = arith.select %lt3A_4105, %add3A_4108, %xor3A_9 : vector<16xi1>, vector<16xi32>
        %reshape3A_4110 = vector.shape_cast %select_n3A_4109 : vector<16xi32> to vector<16x1xi32>
        %gather3A_4111 = vector.shape_cast %reshape3A_4110 : vector<16x1xi32> to vector<16xi32>
        %gather3A_4112 = tpu.dynamic_gather %get3A_3990[%gather3A_4111] in [0] : vector<16xf32>, vector<16xi32> -> vector<16xf32>
        %mul3A_4113 = arith.mulf %gather3A_4112, %bitcast3A_4077 : vector<16xf32>
        %add3A_4114 = arith.addf %add3A_4102, %mul3A_4113 : vector<16xf32>
        %lt3A_4115 = arith.constant 0 : i32
        %lt3A_4116 = vector.broadcast %lt3A_4115 : i32 to vector<16xi32>
        %lt3A_4117 = arith.cmpi slt, %xor3A_12, %lt3A_4116 : vector<16xi32>
        %add3A_4118 = arith.constant 16 : i32
        %add3A_4119 = vector.broadcast %add3A_4118 : i32 to vector<16xi32>
        %add3A_4120 = arith.addi %xor3A_12, %add3A_4119 : vector<16xi32>
        %select_n3A_4121 = arith.select %lt3A_4117, %add3A_4120, %xor3A_12 : vector<16xi1>, vector<16xi32>
        %reshape3A_4122 = vector.shape_cast %select_n3A_4121 : vector<16xi32> to vector<16x1xi32>
        %gather3A_4123 = vector.shape_cast %reshape3A_4122 : vector<16x1xi32> to vector<16xi32>
        %gather3A_4124 = tpu.dynamic_gather %get3A_3990[%gather3A_4123] in [0] : vector<16xf32>, vector<16xi32> -> vector<16xf32>
        %mul3A_4125 = arith.mulf %gather3A_4124, %bitcast3A_4089 : vector<16xf32>
        %add3A_4126 = arith.addf %add3A_4114, %mul3A_4125 : vector<16xf32>
        %mul3A_4127 = arith.mulf %mul3A_4040, %add3A_4126 : vector<16xf32>
        %add3A_4128 = arith.addf %add3A_3984, %mul3A_4127 : vector<16xf32>
        %get3A_4129 = arith.index_cast %add3A_3694 : i32 to index
        %get3A_4130 = arith.constant 48 : index
        %get3A_4131 = tpu.vector_load %arg11[%get3A_4129, %get3A_4130] {strides = array<i32>} : memref<128x128xf32, #tpu.memory_space<vmem>>, vector<16xf32>,
        %get3A_4132 = arith.index_cast %add3A_3694 : i32 to index
        %get3A_4133 = arith.constant 48 : index
        %get3A_4134 = tpu.vector_load %arg12[%get3A_4132, %get3A_4133] {strides = array<i32>} : memref<128x128xf32, #tpu.memory_space<vmem>>, vector<16xf32>,
        %get3A_4135 = arith.index_cast %add3A_3694 : i32 to index
        %get3A_4136 = arith.constant 48 : index
        %get3A_4137 = tpu.vector_load %arg13[%get3A_4135, %get3A_4136] {strides = array<i32>} : memref<128x128xf32, #tpu.memory_space<vmem>>, vector<16xf32>,
        %mul3A_4138 = arith.mulf %get3A_4134, %get3A_4134 : vector<16xf32>
        %lt3A_4139 = arith.constant 0 : i32
        %lt3A_4140 = vector.broadcast %lt3A_4139 : i32 to vector<16xi32>
        %lt3A_4141 = arith.cmpi slt, %xor3A_6, %lt3A_4140 : vector<16xi32>
        %add3A_4142 = arith.constant 16 : i32
        %add3A_4143 = vector.broadcast %add3A_4142 : i32 to vector<16xi32>
        %add3A_4144 = arith.addi %xor3A_6, %add3A_4143 : vector<16xi32>
        %select_n3A_4145 = arith.select %lt3A_4141, %add3A_4144, %xor3A_6 : vector<16xi1>, vector<16xi32>
        %reshape3A_4146 = vector.shape_cast %select_n3A_4145 : vector<16xi32> to vector<16x1xi32>
        %gather3A_4147 = vector.shape_cast %reshape3A_4146 : vector<16x1xi32> to vector<16xi32>
        %gather3A_4148 = tpu.dynamic_gather %mul3A_4138[%gather3A_4147] in [0] : vector<16xf32>, vector<16xi32> -> vector<16xf32>
        %add3A_4149 = arith.addf %mul3A_4138, %gather3A_4148 : vector<16xf32>
        %lt3A_4150 = arith.constant 0 : i32
        %lt3A_4151 = vector.broadcast %lt3A_4150 : i32 to vector<16xi32>
        %lt3A_4152 = arith.cmpi slt, %xor3A_9, %lt3A_4151 : vector<16xi32>
        %add3A_4153 = arith.constant 16 : i32
        %add3A_4154 = vector.broadcast %add3A_4153 : i32 to vector<16xi32>
        %add3A_4155 = arith.addi %xor3A_9, %add3A_4154 : vector<16xi32>
        %select_n3A_4156 = arith.select %lt3A_4152, %add3A_4155, %xor3A_9 : vector<16xi1>, vector<16xi32>
        %reshape3A_4157 = vector.shape_cast %select_n3A_4156 : vector<16xi32> to vector<16x1xi32>
        %gather3A_4158 = vector.shape_cast %reshape3A_4157 : vector<16x1xi32> to vector<16xi32>
        %gather3A_4159 = tpu.dynamic_gather %add3A_4149[%gather3A_4158] in [0] : vector<16xf32>, vector<16xi32> -> vector<16xf32>
        %add3A_4160 = arith.addf %add3A_4149, %gather3A_4159 : vector<16xf32>
        %bitcast3A_4161 = vector.bitcast %add3A_4160 : vector<16xf32> to vector<16xi32>
        %shift_right_arithmetic3A_4162 = arith.constant 1 : i32
        %shift_right_arithmetic3A_4163 = vector.broadcast %shift_right_arithmetic3A_4162 : i32 to vector<16xi32>
        %shift_right_arithmetic3A_4164 = arith.shrsi %bitcast3A_4161, %shift_right_arithmetic3A_4163 : vector<16xi32>
        %sub3A_4165 = arith.constant 1597463007 : i32
        %sub3A_4166 = vector.broadcast %sub3A_4165 : i32 to vector<16xi32>
        %sub3A_4167 = arith.subi %sub3A_4166, %shift_right_arithmetic3A_4164 : vector<16xi32>
        %bitcast3A_4168 = vector.bitcast %sub3A_4167 : vector<16xi32> to vector<16xf32>
        %mul3A_4169 = arith.constant 5.000000e-01 : f32
        %mul3A_4170 = vector.broadcast %mul3A_4169 : f32 to vector<16xf32>
        %mul3A_4171 = arith.mulf %mul3A_4170, %add3A_4160 : vector<16xf32>
        %mul3A_4172 = arith.mulf %mul3A_4171, %bitcast3A_4168 : vector<16xf32>
        %mul3A_4173 = arith.mulf %mul3A_4172, %bitcast3A_4168 : vector<16xf32>
        %sub3A_4174 = arith.constant 1.500000e+00 : f32
        %sub3A_4175 = vector.broadcast %sub3A_4174 : f32 to vector<16xf32>
        %sub3A_4176 = arith.subf %sub3A_4175, %mul3A_4173 : vector<16xf32>
        %mul3A_4177 = arith.mulf %bitcast3A_4168, %sub3A_4176 : vector<16xf32>
        %mul3A_4178 = arith.mulf %mul3A_4171, %mul3A_4177 : vector<16xf32>
        %mul3A_4179 = arith.mulf %mul3A_4178, %mul3A_4177 : vector<16xf32>
        %sub3A_4180 = arith.constant 1.500000e+00 : f32
        %sub3A_4181 = vector.broadcast %sub3A_4180 : f32 to vector<16xf32>
        %sub3A_4182 = arith.subf %sub3A_4181, %mul3A_4179 : vector<16xf32>
        %mul3A_4183 = arith.mulf %mul3A_4177, %sub3A_4182 : vector<16xf32>
        %mul3A_4184 = arith.mulf %get3A_4131, %mul3A_4183 : vector<16xf32>
        %bitcast3A_4185 = vector.bitcast %get3A_4137 : vector<16xf32> to vector<16xi32>
        %lt3A_4186 = arith.constant 0 : i32
        %lt3A_4187 = vector.broadcast %lt3A_4186 : i32 to vector<16xi32>
        %lt3A_4188 = arith.cmpi slt, %and3A_21, %lt3A_4187 : vector<16xi32>
        %add3A_4189 = arith.constant 16 : i32
        %add3A_4190 = vector.broadcast %add3A_4189 : i32 to vector<16xi32>
        %add3A_4191 = arith.addi %and3A_21, %add3A_4190 : vector<16xi32>
        %select_n3A_4192 = arith.select %lt3A_4188, %add3A_4191, %and3A_21 : vector<16xi1>, vector<16xi32>
        %reshape3A_4193 = vector.shape_cast %select_n3A_4192 : vector<16xi32> to vector<16x1xi32>
        %gather3A_4194 = vector.shape_cast %reshape3A_4193 : vector<16x1xi32> to vector<16xi32>
        %gather3A_4195 = tpu.dynamic_gather %bitcast3A_4185[%gather3A_4194] in [0] : vector<16xi32>, vector<16xi32> -> vector<16xi32>
        %xor3A_4196 = arith.xori %gather3A_4195, %select_n3A : vector<16xi32>
        %bitcast3A_4197 = vector.bitcast %xor3A_4196 : vector<16xi32> to vector<16xf32>
        %lt3A_4198 = arith.constant 0 : i32
        %lt3A_4199 = vector.broadcast %lt3A_4198 : i32 to vector<16xi32>
        %lt3A_4200 = arith.cmpi slt, %or3A_23, %lt3A_4199 : vector<16xi32>
        %add3A_4201 = arith.constant 16 : i32
        %add3A_4202 = vector.broadcast %add3A_4201 : i32 to vector<16xi32>
        %add3A_4203 = arith.addi %or3A_23, %add3A_4202 : vector<16xi32>
        %select_n3A_4204 = arith.select %lt3A_4200, %add3A_4203, %or3A_23 : vector<16xi1>, vector<16xi32>
        %reshape3A_4205 = vector.shape_cast %select_n3A_4204 : vector<16xi32> to vector<16x1xi32>
        %gather3A_4206 = vector.shape_cast %reshape3A_4205 : vector<16x1xi32> to vector<16xi32>
        %gather3A_4207 = tpu.dynamic_gather %bitcast3A_4185[%gather3A_4206] in [0] : vector<16xi32>, vector<16xi32> -> vector<16xi32>
        %xor3A_4208 = arith.xori %gather3A_4207, %select_n3A_38 : vector<16xi32>
        %bitcast3A_4209 = vector.bitcast %xor3A_4208 : vector<16xi32> to vector<16xf32>
        %lt3A_4210 = arith.constant 0 : i32
        %lt3A_4211 = vector.broadcast %lt3A_4210 : i32 to vector<16xi32>
        %lt3A_4212 = arith.cmpi slt, %or3A_26, %lt3A_4211 : vector<16xi32>
        %add3A_4213 = arith.constant 16 : i32
        %add3A_4214 = vector.broadcast %add3A_4213 : i32 to vector<16xi32>
        %add3A_4215 = arith.addi %or3A_26, %add3A_4214 : vector<16xi32>
        %select_n3A_4216 = arith.select %lt3A_4212, %add3A_4215, %or3A_26 : vector<16xi1>, vector<16xi32>
        %reshape3A_4217 = vector.shape_cast %select_n3A_4216 : vector<16xi32> to vector<16x1xi32>
        %gather3A_4218 = vector.shape_cast %reshape3A_4217 : vector<16x1xi32> to vector<16xi32>
        %gather3A_4219 = tpu.dynamic_gather %bitcast3A_4185[%gather3A_4218] in [0] : vector<16xi32>, vector<16xi32> -> vector<16xi32>
        %xor3A_4220 = arith.xori %gather3A_4219, %select_n3A_44 : vector<16xi32>
        %bitcast3A_4221 = vector.bitcast %xor3A_4220 : vector<16xi32> to vector<16xf32>
        %lt3A_4222 = arith.constant 0 : i32
        %lt3A_4223 = vector.broadcast %lt3A_4222 : i32 to vector<16xi32>
        %lt3A_4224 = arith.cmpi slt, %or3A_29, %lt3A_4223 : vector<16xi32>
        %add3A_4225 = arith.constant 16 : i32
        %add3A_4226 = vector.broadcast %add3A_4225 : i32 to vector<16xi32>
        %add3A_4227 = arith.addi %or3A_29, %add3A_4226 : vector<16xi32>
        %select_n3A_4228 = arith.select %lt3A_4224, %add3A_4227, %or3A_29 : vector<16xi1>, vector<16xi32>
        %reshape3A_4229 = vector.shape_cast %select_n3A_4228 : vector<16xi32> to vector<16x1xi32>
        %gather3A_4230 = vector.shape_cast %reshape3A_4229 : vector<16x1xi32> to vector<16xi32>
        %gather3A_4231 = tpu.dynamic_gather %bitcast3A_4185[%gather3A_4230] in [0] : vector<16xi32>, vector<16xi32> -> vector<16xi32>
        %xor3A_4232 = arith.xori %gather3A_4231, %select_n3A_50 : vector<16xi32>
        %bitcast3A_4233 = vector.bitcast %xor3A_4232 : vector<16xi32> to vector<16xf32>
        %mul3A_4234 = arith.mulf %get3A_4134, %bitcast3A_4197 : vector<16xf32>
        %lt3A_4235 = arith.constant 0 : i32
        %lt3A_4236 = vector.broadcast %lt3A_4235 : i32 to vector<16xi32>
        %lt3A_4237 = arith.cmpi slt, %xor3A_6, %lt3A_4236 : vector<16xi32>
        %add3A_4238 = arith.constant 16 : i32
        %add3A_4239 = vector.broadcast %add3A_4238 : i32 to vector<16xi32>
        %add3A_4240 = arith.addi %xor3A_6, %add3A_4239 : vector<16xi32>
        %select_n3A_4241 = arith.select %lt3A_4237, %add3A_4240, %xor3A_6 : vector<16xi1>, vector<16xi32>
        %reshape3A_4242 = vector.shape_cast %select_n3A_4241 : vector<16xi32> to vector<16x1xi32>
        %gather3A_4243 = vector.shape_cast %reshape3A_4242 : vector<16x1xi32> to vector<16xi32>
        %gather3A_4244 = tpu.dynamic_gather %get3A_4134[%gather3A_4243] in [0] : vector<16xf32>, vector<16xi32> -> vector<16xf32>
        %mul3A_4245 = arith.mulf %gather3A_4244, %bitcast3A_4209 : vector<16xf32>
        %add3A_4246 = arith.addf %mul3A_4234, %mul3A_4245 : vector<16xf32>
        %lt3A_4247 = arith.constant 0 : i32
        %lt3A_4248 = vector.broadcast %lt3A_4247 : i32 to vector<16xi32>
        %lt3A_4249 = arith.cmpi slt, %xor3A_9, %lt3A_4248 : vector<16xi32>
        %add3A_4250 = arith.constant 16 : i32
        %add3A_4251 = vector.broadcast %add3A_4250 : i32 to vector<16xi32>
        %add3A_4252 = arith.addi %xor3A_9, %add3A_4251 : vector<16xi32>
        %select_n3A_4253 = arith.select %lt3A_4249, %add3A_4252, %xor3A_9 : vector<16xi1>, vector<16xi32>
        %reshape3A_4254 = vector.shape_cast %select_n3A_4253 : vector<16xi32> to vector<16x1xi32>
        %gather3A_4255 = vector.shape_cast %reshape3A_4254 : vector<16x1xi32> to vector<16xi32>
        %gather3A_4256 = tpu.dynamic_gather %get3A_4134[%gather3A_4255] in [0] : vector<16xf32>, vector<16xi32> -> vector<16xf32>
        %mul3A_4257 = arith.mulf %gather3A_4256, %bitcast3A_4221 : vector<16xf32>
        %add3A_4258 = arith.addf %add3A_4246, %mul3A_4257 : vector<16xf32>
        %lt3A_4259 = arith.constant 0 : i32
        %lt3A_4260 = vector.broadcast %lt3A_4259 : i32 to vector<16xi32>
        %lt3A_4261 = arith.cmpi slt, %xor3A_12, %lt3A_4260 : vector<16xi32>
        %add3A_4262 = arith.constant 16 : i32
        %add3A_4263 = vector.broadcast %add3A_4262 : i32 to vector<16xi32>
        %add3A_4264 = arith.addi %xor3A_12, %add3A_4263 : vector<16xi32>
        %select_n3A_4265 = arith.select %lt3A_4261, %add3A_4264, %xor3A_12 : vector<16xi1>, vector<16xi32>
        %reshape3A_4266 = vector.shape_cast %select_n3A_4265 : vector<16xi32> to vector<16x1xi32>
        %gather3A_4267 = vector.shape_cast %reshape3A_4266 : vector<16x1xi32> to vector<16xi32>
        %gather3A_4268 = tpu.dynamic_gather %get3A_4134[%gather3A_4267] in [0] : vector<16xf32>, vector<16xi32> -> vector<16xf32>
        %mul3A_4269 = arith.mulf %gather3A_4268, %bitcast3A_4233 : vector<16xf32>
        %add3A_4270 = arith.addf %add3A_4258, %mul3A_4269 : vector<16xf32>
        %mul3A_4271 = arith.mulf %mul3A_4184, %add3A_4270 : vector<16xf32>
        %add3A_4272 = arith.addf %add3A_4128, %mul3A_4271 : vector<16xf32>
        %get3A_4273 = arith.index_cast %add3A_3694 : i32 to index
        %get3A_4274 = arith.constant 64 : index
        %get3A_4275 = tpu.vector_load %arg11[%get3A_4273, %get3A_4274] {strides = array<i32>} : memref<128x128xf32, #tpu.memory_space<vmem>>, vector<16xf32>,
        %get3A_4276 = arith.index_cast %add3A_3694 : i32 to index
        %get3A_4277 = arith.constant 64 : index
        %get3A_4278 = tpu.vector_load %arg12[%get3A_4276, %get3A_4277] {strides = array<i32>} : memref<128x128xf32, #tpu.memory_space<vmem>>, vector<16xf32>,
        %get3A_4279 = arith.index_cast %add3A_3694 : i32 to index
        %get3A_4280 = arith.constant 64 : index
        %get3A_4281 = tpu.vector_load %arg13[%get3A_4279, %get3A_4280] {strides = array<i32>} : memref<128x128xf32, #tpu.memory_space<vmem>>, vector<16xf32>,
        %mul3A_4282 = arith.mulf %get3A_4278, %get3A_4278 : vector<16xf32>
        %lt3A_4283 = arith.constant 0 : i32
        %lt3A_4284 = vector.broadcast %lt3A_4283 : i32 to vector<16xi32>
        %lt3A_4285 = arith.cmpi slt, %xor3A_6, %lt3A_4284 : vector<16xi32>
        %add3A_4286 = arith.constant 16 : i32
        %add3A_4287 = vector.broadcast %add3A_4286 : i32 to vector<16xi32>
        %add3A_4288 = arith.addi %xor3A_6, %add3A_4287 : vector<16xi32>
        %select_n3A_4289 = arith.select %lt3A_4285, %add3A_4288, %xor3A_6 : vector<16xi1>, vector<16xi32>
        %reshape3A_4290 = vector.shape_cast %select_n3A_4289 : vector<16xi32> to vector<16x1xi32>
        %gather3A_4291 = vector.shape_cast %reshape3A_4290 : vector<16x1xi32> to vector<16xi32>
        %gather3A_4292 = tpu.dynamic_gather %mul3A_4282[%gather3A_4291] in [0] : vector<16xf32>, vector<16xi32> -> vector<16xf32>
        %add3A_4293 = arith.addf %mul3A_4282, %gather3A_4292 : vector<16xf32>
        %lt3A_4294 = arith.constant 0 : i32
        %lt3A_4295 = vector.broadcast %lt3A_4294 : i32 to vector<16xi32>
        %lt3A_4296 = arith.cmpi slt, %xor3A_9, %lt3A_4295 : vector<16xi32>
        %add3A_4297 = arith.constant 16 : i32
        %add3A_4298 = vector.broadcast %add3A_4297 : i32 to vector<16xi32>
        %add3A_4299 = arith.addi %xor3A_9, %add3A_4298 : vector<16xi32>
        %select_n3A_4300 = arith.select %lt3A_4296, %add3A_4299, %xor3A_9 : vector<16xi1>, vector<16xi32>
        %reshape3A_4301 = vector.shape_cast %select_n3A_4300 : vector<16xi32> to vector<16x1xi32>
        %gather3A_4302 = vector.shape_cast %reshape3A_4301 : vector<16x1xi32> to vector<16xi32>
        %gather3A_4303 = tpu.dynamic_gather %add3A_4293[%gather3A_4302] in [0] : vector<16xf32>, vector<16xi32> -> vector<16xf32>
        %add3A_4304 = arith.addf %add3A_4293, %gather3A_4303 : vector<16xf32>
        %bitcast3A_4305 = vector.bitcast %add3A_4304 : vector<16xf32> to vector<16xi32>
        %shift_right_arithmetic3A_4306 = arith.constant 1 : i32
        %shift_right_arithmetic3A_4307 = vector.broadcast %shift_right_arithmetic3A_4306 : i32 to vector<16xi32>
        %shift_right_arithmetic3A_4308 = arith.shrsi %bitcast3A_4305, %shift_right_arithmetic3A_4307 : vector<16xi32>
        %sub3A_4309 = arith.constant 1597463007 : i32
        %sub3A_4310 = vector.broadcast %sub3A_4309 : i32 to vector<16xi32>
        %sub3A_4311 = arith.subi %sub3A_4310, %shift_right_arithmetic3A_4308 : vector<16xi32>
        %bitcast3A_4312 = vector.bitcast %sub3A_4311 : vector<16xi32> to vector<16xf32>
        %mul3A_4313 = arith.constant 5.000000e-01 : f32
        %mul3A_4314 = vector.broadcast %mul3A_4313 : f32 to vector<16xf32>
        %mul3A_4315 = arith.mulf %mul3A_4314, %add3A_4304 : vector<16xf32>
        %mul3A_4316 = arith.mulf %mul3A_4315, %bitcast3A_4312 : vector<16xf32>
        %mul3A_4317 = arith.mulf %mul3A_4316, %bitcast3A_4312 : vector<16xf32>
        %sub3A_4318 = arith.constant 1.500000e+00 : f32
        %sub3A_4319 = vector.broadcast %sub3A_4318 : f32 to vector<16xf32>
        %sub3A_4320 = arith.subf %sub3A_4319, %mul3A_4317 : vector<16xf32>
        %mul3A_4321 = arith.mulf %bitcast3A_4312, %sub3A_4320 : vector<16xf32>
        %mul3A_4322 = arith.mulf %mul3A_4315, %mul3A_4321 : vector<16xf32>
        %mul3A_4323 = arith.mulf %mul3A_4322, %mul3A_4321 : vector<16xf32>
        %sub3A_4324 = arith.constant 1.500000e+00 : f32
        %sub3A_4325 = vector.broadcast %sub3A_4324 : f32 to vector<16xf32>
        %sub3A_4326 = arith.subf %sub3A_4325, %mul3A_4323 : vector<16xf32>
        %mul3A_4327 = arith.mulf %mul3A_4321, %sub3A_4326 : vector<16xf32>
        %mul3A_4328 = arith.mulf %get3A_4275, %mul3A_4327 : vector<16xf32>
        %bitcast3A_4329 = vector.bitcast %get3A_4281 : vector<16xf32> to vector<16xi32>
        %lt3A_4330 = arith.constant 0 : i32
        %lt3A_4331 = vector.broadcast %lt3A_4330 : i32 to vector<16xi32>
        %lt3A_4332 = arith.cmpi slt, %and3A_21, %lt3A_4331 : vector<16xi32>
        %add3A_4333 = arith.constant 16 : i32
        %add3A_4334 = vector.broadcast %add3A_4333 : i32 to vector<16xi32>
        %add3A_4335 = arith.addi %and3A_21, %add3A_4334 : vector<16xi32>
        %select_n3A_4336 = arith.select %lt3A_4332, %add3A_4335, %and3A_21 : vector<16xi1>, vector<16xi32>
        %reshape3A_4337 = vector.shape_cast %select_n3A_4336 : vector<16xi32> to vector<16x1xi32>
        %gather3A_4338 = vector.shape_cast %reshape3A_4337 : vector<16x1xi32> to vector<16xi32>
        %gather3A_4339 = tpu.dynamic_gather %bitcast3A_4329[%gather3A_4338] in [0] : vector<16xi32>, vector<16xi32> -> vector<16xi32>
        %xor3A_4340 = arith.xori %gather3A_4339, %select_n3A : vector<16xi32>
        %bitcast3A_4341 = vector.bitcast %xor3A_4340 : vector<16xi32> to vector<16xf32>
        %lt3A_4342 = arith.constant 0 : i32
        %lt3A_4343 = vector.broadcast %lt3A_4342 : i32 to vector<16xi32>
        %lt3A_4344 = arith.cmpi slt, %or3A_23, %lt3A_4343 : vector<16xi32>
        %add3A_4345 = arith.constant 16 : i32
        %add3A_4346 = vector.broadcast %add3A_4345 : i32 to vector<16xi32>
        %add3A_4347 = arith.addi %or3A_23, %add3A_4346 : vector<16xi32>
        %select_n3A_4348 = arith.select %lt3A_4344, %add3A_4347, %or3A_23 : vector<16xi1>, vector<16xi32>
        %reshape3A_4349 = vector.shape_cast %select_n3A_4348 : vector<16xi32> to vector<16x1xi32>
        %gather3A_4350 = vector.shape_cast %reshape3A_4349 : vector<16x1xi32> to vector<16xi32>
        %gather3A_4351 = tpu.dynamic_gather %bitcast3A_4329[%gather3A_4350] in [0] : vector<16xi32>, vector<16xi32> -> vector<16xi32>
        %xor3A_4352 = arith.xori %gather3A_4351, %select_n3A_38 : vector<16xi32>
        %bitcast3A_4353 = vector.bitcast %xor3A_4352 : vector<16xi32> to vector<16xf32>
        %lt3A_4354 = arith.constant 0 : i32
        %lt3A_4355 = vector.broadcast %lt3A_4354 : i32 to vector<16xi32>
        %lt3A_4356 = arith.cmpi slt, %or3A_26, %lt3A_4355 : vector<16xi32>
        %add3A_4357 = arith.constant 16 : i32
        %add3A_4358 = vector.broadcast %add3A_4357 : i32 to vector<16xi32>
        %add3A_4359 = arith.addi %or3A_26, %add3A_4358 : vector<16xi32>
        %select_n3A_4360 = arith.select %lt3A_4356, %add3A_4359, %or3A_26 : vector<16xi1>, vector<16xi32>
        %reshape3A_4361 = vector.shape_cast %select_n3A_4360 : vector<16xi32> to vector<16x1xi32>
        %gather3A_4362 = vector.shape_cast %reshape3A_4361 : vector<16x1xi32> to vector<16xi32>
        %gather3A_4363 = tpu.dynamic_gather %bitcast3A_4329[%gather3A_4362] in [0] : vector<16xi32>, vector<16xi32> -> vector<16xi32>
        %xor3A_4364 = arith.xori %gather3A_4363, %select_n3A_44 : vector<16xi32>
        %bitcast3A_4365 = vector.bitcast %xor3A_4364 : vector<16xi32> to vector<16xf32>
        %lt3A_4366 = arith.constant 0 : i32
        %lt3A_4367 = vector.broadcast %lt3A_4366 : i32 to vector<16xi32>
        %lt3A_4368 = arith.cmpi slt, %or3A_29, %lt3A_4367 : vector<16xi32>
        %add3A_4369 = arith.constant 16 : i32
        %add3A_4370 = vector.broadcast %add3A_4369 : i32 to vector<16xi32>
        %add3A_4371 = arith.addi %or3A_29, %add3A_4370 : vector<16xi32>
        %select_n3A_4372 = arith.select %lt3A_4368, %add3A_4371, %or3A_29 : vector<16xi1>, vector<16xi32>
        %reshape3A_4373 = vector.shape_cast %select_n3A_4372 : vector<16xi32> to vector<16x1xi32>
        %gather3A_4374 = vector.shape_cast %reshape3A_4373 : vector<16x1xi32> to vector<16xi32>
        %gather3A_4375 = tpu.dynamic_gather %bitcast3A_4329[%gather3A_4374] in [0] : vector<16xi32>, vector<16xi32> -> vector<16xi32>
        %xor3A_4376 = arith.xori %gather3A_4375, %select_n3A_50 : vector<16xi32>
        %bitcast3A_4377 = vector.bitcast %xor3A_4376 : vector<16xi32> to vector<16xf32>
        %mul3A_4378 = arith.mulf %get3A_4278, %bitcast3A_4341 : vector<16xf32>
        %lt3A_4379 = arith.constant 0 : i32
        %lt3A_4380 = vector.broadcast %lt3A_4379 : i32 to vector<16xi32>
        %lt3A_4381 = arith.cmpi slt, %xor3A_6, %lt3A_4380 : vector<16xi32>
        %add3A_4382 = arith.constant 16 : i32
        %add3A_4383 = vector.broadcast %add3A_4382 : i32 to vector<16xi32>
        %add3A_4384 = arith.addi %xor3A_6, %add3A_4383 : vector<16xi32>
        %select_n3A_4385 = arith.select %lt3A_4381, %add3A_4384, %xor3A_6 : vector<16xi1>, vector<16xi32>
        %reshape3A_4386 = vector.shape_cast %select_n3A_4385 : vector<16xi32> to vector<16x1xi32>
        %gather3A_4387 = vector.shape_cast %reshape3A_4386 : vector<16x1xi32> to vector<16xi32>
        %gather3A_4388 = tpu.dynamic_gather %get3A_4278[%gather3A_4387] in [0] : vector<16xf32>, vector<16xi32> -> vector<16xf32>
        %mul3A_4389 = arith.mulf %gather3A_4388, %bitcast3A_4353 : vector<16xf32>
        %add3A_4390 = arith.addf %mul3A_4378, %mul3A_4389 : vector<16xf32>
        %lt3A_4391 = arith.constant 0 : i32
        %lt3A_4392 = vector.broadcast %lt3A_4391 : i32 to vector<16xi32>
        %lt3A_4393 = arith.cmpi slt, %xor3A_9, %lt3A_4392 : vector<16xi32>
        %add3A_4394 = arith.constant 16 : i32
        %add3A_4395 = vector.broadcast %add3A_4394 : i32 to vector<16xi32>
        %add3A_4396 = arith.addi %xor3A_9, %add3A_4395 : vector<16xi32>
        %select_n3A_4397 = arith.select %lt3A_4393, %add3A_4396, %xor3A_9 : vector<16xi1>, vector<16xi32>
        %reshape3A_4398 = vector.shape_cast %select_n3A_4397 : vector<16xi32> to vector<16x1xi32>
        %gather3A_4399 = vector.shape_cast %reshape3A_4398 : vector<16x1xi32> to vector<16xi32>
        %gather3A_4400 = tpu.dynamic_gather %get3A_4278[%gather3A_4399] in [0] : vector<16xf32>, vector<16xi32> -> vector<16xf32>
        %mul3A_4401 = arith.mulf %gather3A_4400, %bitcast3A_4365 : vector<16xf32>
        %add3A_4402 = arith.addf %add3A_4390, %mul3A_4401 : vector<16xf32>
        %lt3A_4403 = arith.constant 0 : i32
        %lt3A_4404 = vector.broadcast %lt3A_4403 : i32 to vector<16xi32>
        %lt3A_4405 = arith.cmpi slt, %xor3A_12, %lt3A_4404 : vector<16xi32>
        %add3A_4406 = arith.constant 16 : i32
        %add3A_4407 = vector.broadcast %add3A_4406 : i32 to vector<16xi32>
        %add3A_4408 = arith.addi %xor3A_12, %add3A_4407 : vector<16xi32>
        %select_n3A_4409 = arith.select %lt3A_4405, %add3A_4408, %xor3A_12 : vector<16xi1>, vector<16xi32>
        %reshape3A_4410 = vector.shape_cast %select_n3A_4409 : vector<16xi32> to vector<16x1xi32>
        %gather3A_4411 = vector.shape_cast %reshape3A_4410 : vector<16x1xi32> to vector<16xi32>
        %gather3A_4412 = tpu.dynamic_gather %get3A_4278[%gather3A_4411] in [0] : vector<16xf32>, vector<16xi32> -> vector<16xf32>
        %mul3A_4413 = arith.mulf %gather3A_4412, %bitcast3A_4377 : vector<16xf32>
        %add3A_4414 = arith.addf %add3A_4402, %mul3A_4413 : vector<16xf32>
        %mul3A_4415 = arith.mulf %mul3A_4328, %add3A_4414 : vector<16xf32>
        %add3A_4416 = arith.addf %add3A_4272, %mul3A_4415 : vector<16xf32>
        %get3A_4417 = arith.index_cast %add3A_3694 : i32 to index
        %get3A_4418 = arith.constant 80 : index
        %get3A_4419 = tpu.vector_load %arg11[%get3A_4417, %get3A_4418] {strides = array<i32>} : memref<128x128xf32, #tpu.memory_space<vmem>>, vector<16xf32>,
        %get3A_4420 = arith.index_cast %add3A_3694 : i32 to index
        %get3A_4421 = arith.constant 80 : index
        %get3A_4422 = tpu.vector_load %arg12[%get3A_4420, %get3A_4421] {strides = array<i32>} : memref<128x128xf32, #tpu.memory_space<vmem>>, vector<16xf32>,
        %get3A_4423 = arith.index_cast %add3A_3694 : i32 to index
        %get3A_4424 = arith.constant 80 : index
        %get3A_4425 = tpu.vector_load %arg13[%get3A_4423, %get3A_4424] {strides = array<i32>} : memref<128x128xf32, #tpu.memory_space<vmem>>, vector<16xf32>,
        %mul3A_4426 = arith.mulf %get3A_4422, %get3A_4422 : vector<16xf32>
        %lt3A_4427 = arith.constant 0 : i32
        %lt3A_4428 = vector.broadcast %lt3A_4427 : i32 to vector<16xi32>
        %lt3A_4429 = arith.cmpi slt, %xor3A_6, %lt3A_4428 : vector<16xi32>
        %add3A_4430 = arith.constant 16 : i32
        %add3A_4431 = vector.broadcast %add3A_4430 : i32 to vector<16xi32>
        %add3A_4432 = arith.addi %xor3A_6, %add3A_4431 : vector<16xi32>
        %select_n3A_4433 = arith.select %lt3A_4429, %add3A_4432, %xor3A_6 : vector<16xi1>, vector<16xi32>
        %reshape3A_4434 = vector.shape_cast %select_n3A_4433 : vector<16xi32> to vector<16x1xi32>
        %gather3A_4435 = vector.shape_cast %reshape3A_4434 : vector<16x1xi32> to vector<16xi32>
        %gather3A_4436 = tpu.dynamic_gather %mul3A_4426[%gather3A_4435] in [0] : vector<16xf32>, vector<16xi32> -> vector<16xf32>
        %add3A_4437 = arith.addf %mul3A_4426, %gather3A_4436 : vector<16xf32>
        %lt3A_4438 = arith.constant 0 : i32
        %lt3A_4439 = vector.broadcast %lt3A_4438 : i32 to vector<16xi32>
        %lt3A_4440 = arith.cmpi slt, %xor3A_9, %lt3A_4439 : vector<16xi32>
        %add3A_4441 = arith.constant 16 : i32
        %add3A_4442 = vector.broadcast %add3A_4441 : i32 to vector<16xi32>
        %add3A_4443 = arith.addi %xor3A_9, %add3A_4442 : vector<16xi32>
        %select_n3A_4444 = arith.select %lt3A_4440, %add3A_4443, %xor3A_9 : vector<16xi1>, vector<16xi32>
        %reshape3A_4445 = vector.shape_cast %select_n3A_4444 : vector<16xi32> to vector<16x1xi32>
        %gather3A_4446 = vector.shape_cast %reshape3A_4445 : vector<16x1xi32> to vector<16xi32>
        %gather3A_4447 = tpu.dynamic_gather %add3A_4437[%gather3A_4446] in [0] : vector<16xf32>, vector<16xi32> -> vector<16xf32>
        %add3A_4448 = arith.addf %add3A_4437, %gather3A_4447 : vector<16xf32>
        %bitcast3A_4449 = vector.bitcast %add3A_4448 : vector<16xf32> to vector<16xi32>
        %shift_right_arithmetic3A_4450 = arith.constant 1 : i32
        %shift_right_arithmetic3A_4451 = vector.broadcast %shift_right_arithmetic3A_4450 : i32 to vector<16xi32>
        %shift_right_arithmetic3A_4452 = arith.shrsi %bitcast3A_4449, %shift_right_arithmetic3A_4451 : vector<16xi32>
        %sub3A_4453 = arith.constant 1597463007 : i32
        %sub3A_4454 = vector.broadcast %sub3A_4453 : i32 to vector<16xi32>
        %sub3A_4455 = arith.subi %sub3A_4454, %shift_right_arithmetic3A_4452 : vector<16xi32>
        %bitcast3A_4456 = vector.bitcast %sub3A_4455 : vector<16xi32> to vector<16xf32>
        %mul3A_4457 = arith.constant 5.000000e-01 : f32
        %mul3A_4458 = vector.broadcast %mul3A_4457 : f32 to vector<16xf32>
        %mul3A_4459 = arith.mulf %mul3A_4458, %add3A_4448 : vector<16xf32>
        %mul3A_4460 = arith.mulf %mul3A_4459, %bitcast3A_4456 : vector<16xf32>
        %mul3A_4461 = arith.mulf %mul3A_4460, %bitcast3A_4456 : vector<16xf32>
        %sub3A_4462 = arith.constant 1.500000e+00 : f32
        %sub3A_4463 = vector.broadcast %sub3A_4462 : f32 to vector<16xf32>
        %sub3A_4464 = arith.subf %sub3A_4463, %mul3A_4461 : vector<16xf32>
        %mul3A_4465 = arith.mulf %bitcast3A_4456, %sub3A_4464 : vector<16xf32>
        %mul3A_4466 = arith.mulf %mul3A_4459, %mul3A_4465 : vector<16xf32>
        %mul3A_4467 = arith.mulf %mul3A_4466, %mul3A_4465 : vector<16xf32>
        %sub3A_4468 = arith.constant 1.500000e+00 : f32
        %sub3A_4469 = vector.broadcast %sub3A_4468 : f32 to vector<16xf32>
        %sub3A_4470 = arith.subf %sub3A_4469, %mul3A_4467 : vector<16xf32>
        %mul3A_4471 = arith.mulf %mul3A_4465, %sub3A_4470 : vector<16xf32>
        %mul3A_4472 = arith.mulf %get3A_4419, %mul3A_4471 : vector<16xf32>
        %bitcast3A_4473 = vector.bitcast %get3A_4425 : vector<16xf32> to vector<16xi32>
        %lt3A_4474 = arith.constant 0 : i32
        %lt3A_4475 = vector.broadcast %lt3A_4474 : i32 to vector<16xi32>
        %lt3A_4476 = arith.cmpi slt, %and3A_21, %lt3A_4475 : vector<16xi32>
        %add3A_4477 = arith.constant 16 : i32
        %add3A_4478 = vector.broadcast %add3A_4477 : i32 to vector<16xi32>
        %add3A_4479 = arith.addi %and3A_21, %add3A_4478 : vector<16xi32>
        %select_n3A_4480 = arith.select %lt3A_4476, %add3A_4479, %and3A_21 : vector<16xi1>, vector<16xi32>
        %reshape3A_4481 = vector.shape_cast %select_n3A_4480 : vector<16xi32> to vector<16x1xi32>
        %gather3A_4482 = vector.shape_cast %reshape3A_4481 : vector<16x1xi32> to vector<16xi32>
        %gather3A_4483 = tpu.dynamic_gather %bitcast3A_4473[%gather3A_4482] in [0] : vector<16xi32>, vector<16xi32> -> vector<16xi32>
        %xor3A_4484 = arith.xori %gather3A_4483, %select_n3A : vector<16xi32>
        %bitcast3A_4485 = vector.bitcast %xor3A_4484 : vector<16xi32> to vector<16xf32>
        %lt3A_4486 = arith.constant 0 : i32
        %lt3A_4487 = vector.broadcast %lt3A_4486 : i32 to vector<16xi32>
        %lt3A_4488 = arith.cmpi slt, %or3A_23, %lt3A_4487 : vector<16xi32>
        %add3A_4489 = arith.constant 16 : i32
        %add3A_4490 = vector.broadcast %add3A_4489 : i32 to vector<16xi32>
        %add3A_4491 = arith.addi %or3A_23, %add3A_4490 : vector<16xi32>
        %select_n3A_4492 = arith.select %lt3A_4488, %add3A_4491, %or3A_23 : vector<16xi1>, vector<16xi32>
        %reshape3A_4493 = vector.shape_cast %select_n3A_4492 : vector<16xi32> to vector<16x1xi32>
        %gather3A_4494 = vector.shape_cast %reshape3A_4493 : vector<16x1xi32> to vector<16xi32>
        %gather3A_4495 = tpu.dynamic_gather %bitcast3A_4473[%gather3A_4494] in [0] : vector<16xi32>, vector<16xi32> -> vector<16xi32>
        %xor3A_4496 = arith.xori %gather3A_4495, %select_n3A_38 : vector<16xi32>
        %bitcast3A_4497 = vector.bitcast %xor3A_4496 : vector<16xi32> to vector<16xf32>
        %lt3A_4498 = arith.constant 0 : i32
        %lt3A_4499 = vector.broadcast %lt3A_4498 : i32 to vector<16xi32>
        %lt3A_4500 = arith.cmpi slt, %or3A_26, %lt3A_4499 : vector<16xi32>
        %add3A_4501 = arith.constant 16 : i32
        %add3A_4502 = vector.broadcast %add3A_4501 : i32 to vector<16xi32>
        %add3A_4503 = arith.addi %or3A_26, %add3A_4502 : vector<16xi32>
        %select_n3A_4504 = arith.select %lt3A_4500, %add3A_4503, %or3A_26 : vector<16xi1>, vector<16xi32>
        %reshape3A_4505 = vector.shape_cast %select_n3A_4504 : vector<16xi32> to vector<16x1xi32>
        %gather3A_4506 = vector.shape_cast %reshape3A_4505 : vector<16x1xi32> to vector<16xi32>
        %gather3A_4507 = tpu.dynamic_gather %bitcast3A_4473[%gather3A_4506] in [0] : vector<16xi32>, vector<16xi32> -> vector<16xi32>
        %xor3A_4508 = arith.xori %gather3A_4507, %select_n3A_44 : vector<16xi32>
        %bitcast3A_4509 = vector.bitcast %xor3A_4508 : vector<16xi32> to vector<16xf32>
        %lt3A_4510 = arith.constant 0 : i32
        %lt3A_4511 = vector.broadcast %lt3A_4510 : i32 to vector<16xi32>
        %lt3A_4512 = arith.cmpi slt, %or3A_29, %lt3A_4511 : vector<16xi32>
        %add3A_4513 = arith.constant 16 : i32
        %add3A_4514 = vector.broadcast %add3A_4513 : i32 to vector<16xi32>
        %add3A_4515 = arith.addi %or3A_29, %add3A_4514 : vector<16xi32>
        %select_n3A_4516 = arith.select %lt3A_4512, %add3A_4515, %or3A_29 : vector<16xi1>, vector<16xi32>
        %reshape3A_4517 = vector.shape_cast %select_n3A_4516 : vector<16xi32> to vector<16x1xi32>
        %gather3A_4518 = vector.shape_cast %reshape3A_4517 : vector<16x1xi32> to vector<16xi32>
        %gather3A_4519 = tpu.dynamic_gather %bitcast3A_4473[%gather3A_4518] in [0] : vector<16xi32>, vector<16xi32> -> vector<16xi32>
        %xor3A_4520 = arith.xori %gather3A_4519, %select_n3A_50 : vector<16xi32>
        %bitcast3A_4521 = vector.bitcast %xor3A_4520 : vector<16xi32> to vector<16xf32>
        %mul3A_4522 = arith.mulf %get3A_4422, %bitcast3A_4485 : vector<16xf32>
        %lt3A_4523 = arith.constant 0 : i32
        %lt3A_4524 = vector.broadcast %lt3A_4523 : i32 to vector<16xi32>
        %lt3A_4525 = arith.cmpi slt, %xor3A_6, %lt3A_4524 : vector<16xi32>
        %add3A_4526 = arith.constant 16 : i32
        %add3A_4527 = vector.broadcast %add3A_4526 : i32 to vector<16xi32>
        %add3A_4528 = arith.addi %xor3A_6, %add3A_4527 : vector<16xi32>
        %select_n3A_4529 = arith.select %lt3A_4525, %add3A_4528, %xor3A_6 : vector<16xi1>, vector<16xi32>
        %reshape3A_4530 = vector.shape_cast %select_n3A_4529 : vector<16xi32> to vector<16x1xi32>
        %gather3A_4531 = vector.shape_cast %reshape3A_4530 : vector<16x1xi32> to vector<16xi32>
        %gather3A_4532 = tpu.dynamic_gather %get3A_4422[%gather3A_4531] in [0] : vector<16xf32>, vector<16xi32> -> vector<16xf32>
        %mul3A_4533 = arith.mulf %gather3A_4532, %bitcast3A_4497 : vector<16xf32>
        %add3A_4534 = arith.addf %mul3A_4522, %mul3A_4533 : vector<16xf32>
        %lt3A_4535 = arith.constant 0 : i32
        %lt3A_4536 = vector.broadcast %lt3A_4535 : i32 to vector<16xi32>
        %lt3A_4537 = arith.cmpi slt, %xor3A_9, %lt3A_4536 : vector<16xi32>
        %add3A_4538 = arith.constant 16 : i32
        %add3A_4539 = vector.broadcast %add3A_4538 : i32 to vector<16xi32>
        %add3A_4540 = arith.addi %xor3A_9, %add3A_4539 : vector<16xi32>
        %select_n3A_4541 = arith.select %lt3A_4537, %add3A_4540, %xor3A_9 : vector<16xi1>, vector<16xi32>
        %reshape3A_4542 = vector.shape_cast %select_n3A_4541 : vector<16xi32> to vector<16x1xi32>
        %gather3A_4543 = vector.shape_cast %reshape3A_4542 : vector<16x1xi32> to vector<16xi32>
        %gather3A_4544 = tpu.dynamic_gather %get3A_4422[%gather3A_4543] in [0] : vector<16xf32>, vector<16xi32> -> vector<16xf32>
        %mul3A_4545 = arith.mulf %gather3A_4544, %bitcast3A_4509 : vector<16xf32>
        %add3A_4546 = arith.addf %add3A_4534, %mul3A_4545 : vector<16xf32>
        %lt3A_4547 = arith.constant 0 : i32
        %lt3A_4548 = vector.broadcast %lt3A_4547 : i32 to vector<16xi32>
        %lt3A_4549 = arith.cmpi slt, %xor3A_12, %lt3A_4548 : vector<16xi32>
        %add3A_4550 = arith.constant 16 : i32
        %add3A_4551 = vector.broadcast %add3A_4550 : i32 to vector<16xi32>
        %add3A_4552 = arith.addi %xor3A_12, %add3A_4551 : vector<16xi32>
        %select_n3A_4553 = arith.select %lt3A_4549, %add3A_4552, %xor3A_12 : vector<16xi1>, vector<16xi32>
        %reshape3A_4554 = vector.shape_cast %select_n3A_4553 : vector<16xi32> to vector<16x1xi32>
        %gather3A_4555 = vector.shape_cast %reshape3A_4554 : vector<16x1xi32> to vector<16xi32>
        %gather3A_4556 = tpu.dynamic_gather %get3A_4422[%gather3A_4555] in [0] : vector<16xf32>, vector<16xi32> -> vector<16xf32>
        %mul3A_4557 = arith.mulf %gather3A_4556, %bitcast3A_4521 : vector<16xf32>
        %add3A_4558 = arith.addf %add3A_4546, %mul3A_4557 : vector<16xf32>
        %mul3A_4559 = arith.mulf %mul3A_4472, %add3A_4558 : vector<16xf32>
        %add3A_4560 = arith.addf %add3A_4416, %mul3A_4559 : vector<16xf32>
        %get3A_4561 = arith.index_cast %add3A_3694 : i32 to index
        %get3A_4562 = arith.constant 96 : index
        %get3A_4563 = tpu.vector_load %arg11[%get3A_4561, %get3A_4562] {strides = array<i32>} : memref<128x128xf32, #tpu.memory_space<vmem>>, vector<16xf32>,
        %get3A_4564 = arith.index_cast %add3A_3694 : i32 to index
        %get3A_4565 = arith.constant 96 : index
        %get3A_4566 = tpu.vector_load %arg12[%get3A_4564, %get3A_4565] {strides = array<i32>} : memref<128x128xf32, #tpu.memory_space<vmem>>, vector<16xf32>,
        %get3A_4567 = arith.index_cast %add3A_3694 : i32 to index
        %get3A_4568 = arith.constant 96 : index
        %get3A_4569 = tpu.vector_load %arg13[%get3A_4567, %get3A_4568] {strides = array<i32>} : memref<128x128xf32, #tpu.memory_space<vmem>>, vector<16xf32>,
        %mul3A_4570 = arith.mulf %get3A_4566, %get3A_4566 : vector<16xf32>
        %lt3A_4571 = arith.constant 0 : i32
        %lt3A_4572 = vector.broadcast %lt3A_4571 : i32 to vector<16xi32>
        %lt3A_4573 = arith.cmpi slt, %xor3A_6, %lt3A_4572 : vector<16xi32>
        %add3A_4574 = arith.constant 16 : i32
        %add3A_4575 = vector.broadcast %add3A_4574 : i32 to vector<16xi32>
        %add3A_4576 = arith.addi %xor3A_6, %add3A_4575 : vector<16xi32>
        %select_n3A_4577 = arith.select %lt3A_4573, %add3A_4576, %xor3A_6 : vector<16xi1>, vector<16xi32>
        %reshape3A_4578 = vector.shape_cast %select_n3A_4577 : vector<16xi32> to vector<16x1xi32>
        %gather3A_4579 = vector.shape_cast %reshape3A_4578 : vector<16x1xi32> to vector<16xi32>
        %gather3A_4580 = tpu.dynamic_gather %mul3A_4570[%gather3A_4579] in [0] : vector<16xf32>, vector<16xi32> -> vector<16xf32>
        %add3A_4581 = arith.addf %mul3A_4570, %gather3A_4580 : vector<16xf32>
        %lt3A_4582 = arith.constant 0 : i32
        %lt3A_4583 = vector.broadcast %lt3A_4582 : i32 to vector<16xi32>
        %lt3A_4584 = arith.cmpi slt, %xor3A_9, %lt3A_4583 : vector<16xi32>
        %add3A_4585 = arith.constant 16 : i32
        %add3A_4586 = vector.broadcast %add3A_4585 : i32 to vector<16xi32>
        %add3A_4587 = arith.addi %xor3A_9, %add3A_4586 : vector<16xi32>
        %select_n3A_4588 = arith.select %lt3A_4584, %add3A_4587, %xor3A_9 : vector<16xi1>, vector<16xi32>
        %reshape3A_4589 = vector.shape_cast %select_n3A_4588 : vector<16xi32> to vector<16x1xi32>
        %gather3A_4590 = vector.shape_cast %reshape3A_4589 : vector<16x1xi32> to vector<16xi32>
        %gather3A_4591 = tpu.dynamic_gather %add3A_4581[%gather3A_4590] in [0] : vector<16xf32>, vector<16xi32> -> vector<16xf32>
        %add3A_4592 = arith.addf %add3A_4581, %gather3A_4591 : vector<16xf32>
        %bitcast3A_4593 = vector.bitcast %add3A_4592 : vector<16xf32> to vector<16xi32>
        %shift_right_arithmetic3A_4594 = arith.constant 1 : i32
        %shift_right_arithmetic3A_4595 = vector.broadcast %shift_right_arithmetic3A_4594 : i32 to vector<16xi32>
        %shift_right_arithmetic3A_4596 = arith.shrsi %bitcast3A_4593, %shift_right_arithmetic3A_4595 : vector<16xi32>
        %sub3A_4597 = arith.constant 1597463007 : i32
        %sub3A_4598 = vector.broadcast %sub3A_4597 : i32 to vector<16xi32>
        %sub3A_4599 = arith.subi %sub3A_4598, %shift_right_arithmetic3A_4596 : vector<16xi32>
        %bitcast3A_4600 = vector.bitcast %sub3A_4599 : vector<16xi32> to vector<16xf32>
        %mul3A_4601 = arith.constant 5.000000e-01 : f32
        %mul3A_4602 = vector.broadcast %mul3A_4601 : f32 to vector<16xf32>
        %mul3A_4603 = arith.mulf %mul3A_4602, %add3A_4592 : vector<16xf32>
        %mul3A_4604 = arith.mulf %mul3A_4603, %bitcast3A_4600 : vector<16xf32>
        %mul3A_4605 = arith.mulf %mul3A_4604, %bitcast3A_4600 : vector<16xf32>
        %sub3A_4606 = arith.constant 1.500000e+00 : f32
        %sub3A_4607 = vector.broadcast %sub3A_4606 : f32 to vector<16xf32>
        %sub3A_4608 = arith.subf %sub3A_4607, %mul3A_4605 : vector<16xf32>
        %mul3A_4609 = arith.mulf %bitcast3A_4600, %sub3A_4608 : vector<16xf32>
        %mul3A_4610 = arith.mulf %mul3A_4603, %mul3A_4609 : vector<16xf32>
        %mul3A_4611 = arith.mulf %mul3A_4610, %mul3A_4609 : vector<16xf32>
        %sub3A_4612 = arith.constant 1.500000e+00 : f32
        %sub3A_4613 = vector.broadcast %sub3A_4612 : f32 to vector<16xf32>
        %sub3A_4614 = arith.subf %sub3A_4613, %mul3A_4611 : vector<16xf32>
        %mul3A_4615 = arith.mulf %mul3A_4609, %sub3A_4614 : vector<16xf32>
        %mul3A_4616 = arith.mulf %get3A_4563, %mul3A_4615 : vector<16xf32>
        %bitcast3A_4617 = vector.bitcast %get3A_4569 : vector<16xf32> to vector<16xi32>
        %lt3A_4618 = arith.constant 0 : i32
        %lt3A_4619 = vector.broadcast %lt3A_4618 : i32 to vector<16xi32>
        %lt3A_4620 = arith.cmpi slt, %and3A_21, %lt3A_4619 : vector<16xi32>
        %add3A_4621 = arith.constant 16 : i32
        %add3A_4622 = vector.broadcast %add3A_4621 : i32 to vector<16xi32>
        %add3A_4623 = arith.addi %and3A_21, %add3A_4622 : vector<16xi32>
        %select_n3A_4624 = arith.select %lt3A_4620, %add3A_4623, %and3A_21 : vector<16xi1>, vector<16xi32>
        %reshape3A_4625 = vector.shape_cast %select_n3A_4624 : vector<16xi32> to vector<16x1xi32>
        %gather3A_4626 = vector.shape_cast %reshape3A_4625 : vector<16x1xi32> to vector<16xi32>
        %gather3A_4627 = tpu.dynamic_gather %bitcast3A_4617[%gather3A_4626] in [0] : vector<16xi32>, vector<16xi32> -> vector<16xi32>
        %xor3A_4628 = arith.xori %gather3A_4627, %select_n3A : vector<16xi32>
        %bitcast3A_4629 = vector.bitcast %xor3A_4628 : vector<16xi32> to vector<16xf32>
        %lt3A_4630 = arith.constant 0 : i32
        %lt3A_4631 = vector.broadcast %lt3A_4630 : i32 to vector<16xi32>
        %lt3A_4632 = arith.cmpi slt, %or3A_23, %lt3A_4631 : vector<16xi32>
        %add3A_4633 = arith.constant 16 : i32
        %add3A_4634 = vector.broadcast %add3A_4633 : i32 to vector<16xi32>
        %add3A_4635 = arith.addi %or3A_23, %add3A_4634 : vector<16xi32>
        %select_n3A_4636 = arith.select %lt3A_4632, %add3A_4635, %or3A_23 : vector<16xi1>, vector<16xi32>
        %reshape3A_4637 = vector.shape_cast %select_n3A_4636 : vector<16xi32> to vector<16x1xi32>
        %gather3A_4638 = vector.shape_cast %reshape3A_4637 : vector<16x1xi32> to vector<16xi32>
        %gather3A_4639 = tpu.dynamic_gather %bitcast3A_4617[%gather3A_4638] in [0] : vector<16xi32>, vector<16xi32> -> vector<16xi32>
        %xor3A_4640 = arith.xori %gather3A_4639, %select_n3A_38 : vector<16xi32>
        %bitcast3A_4641 = vector.bitcast %xor3A_4640 : vector<16xi32> to vector<16xf32>
        %lt3A_4642 = arith.constant 0 : i32
        %lt3A_4643 = vector.broadcast %lt3A_4642 : i32 to vector<16xi32>
        %lt3A_4644 = arith.cmpi slt, %or3A_26, %lt3A_4643 : vector<16xi32>
        %add3A_4645 = arith.constant 16 : i32
        %add3A_4646 = vector.broadcast %add3A_4645 : i32 to vector<16xi32>
        %add3A_4647 = arith.addi %or3A_26, %add3A_4646 : vector<16xi32>
        %select_n3A_4648 = arith.select %lt3A_4644, %add3A_4647, %or3A_26 : vector<16xi1>, vector<16xi32>
        %reshape3A_4649 = vector.shape_cast %select_n3A_4648 : vector<16xi32> to vector<16x1xi32>
        %gather3A_4650 = vector.shape_cast %reshape3A_4649 : vector<16x1xi32> to vector<16xi32>
        %gather3A_4651 = tpu.dynamic_gather %bitcast3A_4617[%gather3A_4650] in [0] : vector<16xi32>, vector<16xi32> -> vector<16xi32>
        %xor3A_4652 = arith.xori %gather3A_4651, %select_n3A_44 : vector<16xi32>
        %bitcast3A_4653 = vector.bitcast %xor3A_4652 : vector<16xi32> to vector<16xf32>
        %lt3A_4654 = arith.constant 0 : i32
        %lt3A_4655 = vector.broadcast %lt3A_4654 : i32 to vector<16xi32>
        %lt3A_4656 = arith.cmpi slt, %or3A_29, %lt3A_4655 : vector<16xi32>
        %add3A_4657 = arith.constant 16 : i32
        %add3A_4658 = vector.broadcast %add3A_4657 : i32 to vector<16xi32>
        %add3A_4659 = arith.addi %or3A_29, %add3A_4658 : vector<16xi32>
        %select_n3A_4660 = arith.select %lt3A_4656, %add3A_4659, %or3A_29 : vector<16xi1>, vector<16xi32>
        %reshape3A_4661 = vector.shape_cast %select_n3A_4660 : vector<16xi32> to vector<16x1xi32>
        %gather3A_4662 = vector.shape_cast %reshape3A_4661 : vector<16x1xi32> to vector<16xi32>
        %gather3A_4663 = tpu.dynamic_gather %bitcast3A_4617[%gather3A_4662] in [0] : vector<16xi32>, vector<16xi32> -> vector<16xi32>
        %xor3A_4664 = arith.xori %gather3A_4663, %select_n3A_50 : vector<16xi32>
        %bitcast3A_4665 = vector.bitcast %xor3A_4664 : vector<16xi32> to vector<16xf32>
        %mul3A_4666 = arith.mulf %get3A_4566, %bitcast3A_4629 : vector<16xf32>
        %lt3A_4667 = arith.constant 0 : i32
        %lt3A_4668 = vector.broadcast %lt3A_4667 : i32 to vector<16xi32>
        %lt3A_4669 = arith.cmpi slt, %xor3A_6, %lt3A_4668 : vector<16xi32>
        %add3A_4670 = arith.constant 16 : i32
        %add3A_4671 = vector.broadcast %add3A_4670 : i32 to vector<16xi32>
        %add3A_4672 = arith.addi %xor3A_6, %add3A_4671 : vector<16xi32>
        %select_n3A_4673 = arith.select %lt3A_4669, %add3A_4672, %xor3A_6 : vector<16xi1>, vector<16xi32>
        %reshape3A_4674 = vector.shape_cast %select_n3A_4673 : vector<16xi32> to vector<16x1xi32>
        %gather3A_4675 = vector.shape_cast %reshape3A_4674 : vector<16x1xi32> to vector<16xi32>
        %gather3A_4676 = tpu.dynamic_gather %get3A_4566[%gather3A_4675] in [0] : vector<16xf32>, vector<16xi32> -> vector<16xf32>
        %mul3A_4677 = arith.mulf %gather3A_4676, %bitcast3A_4641 : vector<16xf32>
        %add3A_4678 = arith.addf %mul3A_4666, %mul3A_4677 : vector<16xf32>
        %lt3A_4679 = arith.constant 0 : i32
        %lt3A_4680 = vector.broadcast %lt3A_4679 : i32 to vector<16xi32>
        %lt3A_4681 = arith.cmpi slt, %xor3A_9, %lt3A_4680 : vector<16xi32>
        %add3A_4682 = arith.constant 16 : i32
        %add3A_4683 = vector.broadcast %add3A_4682 : i32 to vector<16xi32>
        %add3A_4684 = arith.addi %xor3A_9, %add3A_4683 : vector<16xi32>
        %select_n3A_4685 = arith.select %lt3A_4681, %add3A_4684, %xor3A_9 : vector<16xi1>, vector<16xi32>
        %reshape3A_4686 = vector.shape_cast %select_n3A_4685 : vector<16xi32> to vector<16x1xi32>
        %gather3A_4687 = vector.shape_cast %reshape3A_4686 : vector<16x1xi32> to vector<16xi32>
        %gather3A_4688 = tpu.dynamic_gather %get3A_4566[%gather3A_4687] in [0] : vector<16xf32>, vector<16xi32> -> vector<16xf32>
        %mul3A_4689 = arith.mulf %gather3A_4688, %bitcast3A_4653 : vector<16xf32>
        %add3A_4690 = arith.addf %add3A_4678, %mul3A_4689 : vector<16xf32>
        %lt3A_4691 = arith.constant 0 : i32
        %lt3A_4692 = vector.broadcast %lt3A_4691 : i32 to vector<16xi32>
        %lt3A_4693 = arith.cmpi slt, %xor3A_12, %lt3A_4692 : vector<16xi32>
        %add3A_4694 = arith.constant 16 : i32
        %add3A_4695 = vector.broadcast %add3A_4694 : i32 to vector<16xi32>
        %add3A_4696 = arith.addi %xor3A_12, %add3A_4695 : vector<16xi32>
        %select_n3A_4697 = arith.select %lt3A_4693, %add3A_4696, %xor3A_12 : vector<16xi1>, vector<16xi32>
        %reshape3A_4698 = vector.shape_cast %select_n3A_4697 : vector<16xi32> to vector<16x1xi32>
        %gather3A_4699 = vector.shape_cast %reshape3A_4698 : vector<16x1xi32> to vector<16xi32>
        %gather3A_4700 = tpu.dynamic_gather %get3A_4566[%gather3A_4699] in [0] : vector<16xf32>, vector<16xi32> -> vector<16xf32>
        %mul3A_4701 = arith.mulf %gather3A_4700, %bitcast3A_4665 : vector<16xf32>
        %add3A_4702 = arith.addf %add3A_4690, %mul3A_4701 : vector<16xf32>
        %mul3A_4703 = arith.mulf %mul3A_4616, %add3A_4702 : vector<16xf32>
        %add3A_4704 = arith.addf %add3A_4560, %mul3A_4703 : vector<16xf32>
        %get3A_4705 = arith.index_cast %add3A_3694 : i32 to index
        %get3A_4706 = arith.constant 112 : index
        %get3A_4707 = tpu.vector_load %arg11[%get3A_4705, %get3A_4706] {strides = array<i32>} : memref<128x128xf32, #tpu.memory_space<vmem>>, vector<16xf32>,
        %get3A_4708 = arith.index_cast %add3A_3694 : i32 to index
        %get3A_4709 = arith.constant 112 : index
        %get3A_4710 = tpu.vector_load %arg12[%get3A_4708, %get3A_4709] {strides = array<i32>} : memref<128x128xf32, #tpu.memory_space<vmem>>, vector<16xf32>,
        %get3A_4711 = arith.index_cast %add3A_3694 : i32 to index
        %get3A_4712 = arith.constant 112 : index
        %get3A_4713 = tpu.vector_load %arg13[%get3A_4711, %get3A_4712] {strides = array<i32>} : memref<128x128xf32, #tpu.memory_space<vmem>>, vector<16xf32>,
        %mul3A_4714 = arith.mulf %get3A_4710, %get3A_4710 : vector<16xf32>
        %lt3A_4715 = arith.constant 0 : i32
        %lt3A_4716 = vector.broadcast %lt3A_4715 : i32 to vector<16xi32>
        %lt3A_4717 = arith.cmpi slt, %xor3A_6, %lt3A_4716 : vector<16xi32>
        %add3A_4718 = arith.constant 16 : i32
        %add3A_4719 = vector.broadcast %add3A_4718 : i32 to vector<16xi32>
        %add3A_4720 = arith.addi %xor3A_6, %add3A_4719 : vector<16xi32>
        %select_n3A_4721 = arith.select %lt3A_4717, %add3A_4720, %xor3A_6 : vector<16xi1>, vector<16xi32>
        %reshape3A_4722 = vector.shape_cast %select_n3A_4721 : vector<16xi32> to vector<16x1xi32>
        %gather3A_4723 = vector.shape_cast %reshape3A_4722 : vector<16x1xi32> to vector<16xi32>
        %gather3A_4724 = tpu.dynamic_gather %mul3A_4714[%gather3A_4723] in [0] : vector<16xf32>, vector<16xi32> -> vector<16xf32>
        %add3A_4725 = arith.addf %mul3A_4714, %gather3A_4724 : vector<16xf32>
        %lt3A_4726 = arith.constant 0 : i32
        %lt3A_4727 = vector.broadcast %lt3A_4726 : i32 to vector<16xi32>
        %lt3A_4728 = arith.cmpi slt, %xor3A_9, %lt3A_4727 : vector<16xi32>
        %add3A_4729 = arith.constant 16 : i32
        %add3A_4730 = vector.broadcast %add3A_4729 : i32 to vector<16xi32>
        %add3A_4731 = arith.addi %xor3A_9, %add3A_4730 : vector<16xi32>
        %select_n3A_4732 = arith.select %lt3A_4728, %add3A_4731, %xor3A_9 : vector<16xi1>, vector<16xi32>
        %reshape3A_4733 = vector.shape_cast %select_n3A_4732 : vector<16xi32> to vector<16x1xi32>
        %gather3A_4734 = vector.shape_cast %reshape3A_4733 : vector<16x1xi32> to vector<16xi32>
        %gather3A_4735 = tpu.dynamic_gather %add3A_4725[%gather3A_4734] in [0] : vector<16xf32>, vector<16xi32> -> vector<16xf32>
        %add3A_4736 = arith.addf %add3A_4725, %gather3A_4735 : vector<16xf32>
        %bitcast3A_4737 = vector.bitcast %add3A_4736 : vector<16xf32> to vector<16xi32>
        %shift_right_arithmetic3A_4738 = arith.constant 1 : i32
        %shift_right_arithmetic3A_4739 = vector.broadcast %shift_right_arithmetic3A_4738 : i32 to vector<16xi32>
        %shift_right_arithmetic3A_4740 = arith.shrsi %bitcast3A_4737, %shift_right_arithmetic3A_4739 : vector<16xi32>
        %sub3A_4741 = arith.constant 1597463007 : i32
        %sub3A_4742 = vector.broadcast %sub3A_4741 : i32 to vector<16xi32>
        %sub3A_4743 = arith.subi %sub3A_4742, %shift_right_arithmetic3A_4740 : vector<16xi32>
        %bitcast3A_4744 = vector.bitcast %sub3A_4743 : vector<16xi32> to vector<16xf32>
        %mul3A_4745 = arith.constant 5.000000e-01 : f32
        %mul3A_4746 = vector.broadcast %mul3A_4745 : f32 to vector<16xf32>
        %mul3A_4747 = arith.mulf %mul3A_4746, %add3A_4736 : vector<16xf32>
        %mul3A_4748 = arith.mulf %mul3A_4747, %bitcast3A_4744 : vector<16xf32>
        %mul3A_4749 = arith.mulf %mul3A_4748, %bitcast3A_4744 : vector<16xf32>
        %sub3A_4750 = arith.constant 1.500000e+00 : f32
        %sub3A_4751 = vector.broadcast %sub3A_4750 : f32 to vector<16xf32>
        %sub3A_4752 = arith.subf %sub3A_4751, %mul3A_4749 : vector<16xf32>
        %mul3A_4753 = arith.mulf %bitcast3A_4744, %sub3A_4752 : vector<16xf32>
        %mul3A_4754 = arith.mulf %mul3A_4747, %mul3A_4753 : vector<16xf32>
        %mul3A_4755 = arith.mulf %mul3A_4754, %mul3A_4753 : vector<16xf32>
        %sub3A_4756 = arith.constant 1.500000e+00 : f32
        %sub3A_4757 = vector.broadcast %sub3A_4756 : f32 to vector<16xf32>
        %sub3A_4758 = arith.subf %sub3A_4757, %mul3A_4755 : vector<16xf32>
        %mul3A_4759 = arith.mulf %mul3A_4753, %sub3A_4758 : vector<16xf32>
        %mul3A_4760 = arith.mulf %get3A_4707, %mul3A_4759 : vector<16xf32>
        %bitcast3A_4761 = vector.bitcast %get3A_4713 : vector<16xf32> to vector<16xi32>
        %lt3A_4762 = arith.constant 0 : i32
        %lt3A_4763 = vector.broadcast %lt3A_4762 : i32 to vector<16xi32>
        %lt3A_4764 = arith.cmpi slt, %and3A_21, %lt3A_4763 : vector<16xi32>
        %add3A_4765 = arith.constant 16 : i32
        %add3A_4766 = vector.broadcast %add3A_4765 : i32 to vector<16xi32>
        %add3A_4767 = arith.addi %and3A_21, %add3A_4766 : vector<16xi32>
        %select_n3A_4768 = arith.select %lt3A_4764, %add3A_4767, %and3A_21 : vector<16xi1>, vector<16xi32>
        %reshape3A_4769 = vector.shape_cast %select_n3A_4768 : vector<16xi32> to vector<16x1xi32>
        %gather3A_4770 = vector.shape_cast %reshape3A_4769 : vector<16x1xi32> to vector<16xi32>
        %gather3A_4771 = tpu.dynamic_gather %bitcast3A_4761[%gather3A_4770] in [0] : vector<16xi32>, vector<16xi32> -> vector<16xi32>
        %xor3A_4772 = arith.xori %gather3A_4771, %select_n3A : vector<16xi32>
        %bitcast3A_4773 = vector.bitcast %xor3A_4772 : vector<16xi32> to vector<16xf32>
        %lt3A_4774 = arith.constant 0 : i32
        %lt3A_4775 = vector.broadcast %lt3A_4774 : i32 to vector<16xi32>
        %lt3A_4776 = arith.cmpi slt, %or3A_23, %lt3A_4775 : vector<16xi32>
        %add3A_4777 = arith.constant 16 : i32
        %add3A_4778 = vector.broadcast %add3A_4777 : i32 to vector<16xi32>
        %add3A_4779 = arith.addi %or3A_23, %add3A_4778 : vector<16xi32>
        %select_n3A_4780 = arith.select %lt3A_4776, %add3A_4779, %or3A_23 : vector<16xi1>, vector<16xi32>
        %reshape3A_4781 = vector.shape_cast %select_n3A_4780 : vector<16xi32> to vector<16x1xi32>
        %gather3A_4782 = vector.shape_cast %reshape3A_4781 : vector<16x1xi32> to vector<16xi32>
        %gather3A_4783 = tpu.dynamic_gather %bitcast3A_4761[%gather3A_4782] in [0] : vector<16xi32>, vector<16xi32> -> vector<16xi32>
        %xor3A_4784 = arith.xori %gather3A_4783, %select_n3A_38 : vector<16xi32>
        %bitcast3A_4785 = vector.bitcast %xor3A_4784 : vector<16xi32> to vector<16xf32>
        %lt3A_4786 = arith.constant 0 : i32
        %lt3A_4787 = vector.broadcast %lt3A_4786 : i32 to vector<16xi32>
        %lt3A_4788 = arith.cmpi slt, %or3A_26, %lt3A_4787 : vector<16xi32>
        %add3A_4789 = arith.constant 16 : i32
        %add3A_4790 = vector.broadcast %add3A_4789 : i32 to vector<16xi32>
        %add3A_4791 = arith.addi %or3A_26, %add3A_4790 : vector<16xi32>
        %select_n3A_4792 = arith.select %lt3A_4788, %add3A_4791, %or3A_26 : vector<16xi1>, vector<16xi32>
        %reshape3A_4793 = vector.shape_cast %select_n3A_4792 : vector<16xi32> to vector<16x1xi32>
        %gather3A_4794 = vector.shape_cast %reshape3A_4793 : vector<16x1xi32> to vector<16xi32>
        %gather3A_4795 = tpu.dynamic_gather %bitcast3A_4761[%gather3A_4794] in [0] : vector<16xi32>, vector<16xi32> -> vector<16xi32>
        %xor3A_4796 = arith.xori %gather3A_4795, %select_n3A_44 : vector<16xi32>
        %bitcast3A_4797 = vector.bitcast %xor3A_4796 : vector<16xi32> to vector<16xf32>
        %lt3A_4798 = arith.constant 0 : i32
        %lt3A_4799 = vector.broadcast %lt3A_4798 : i32 to vector<16xi32>
        %lt3A_4800 = arith.cmpi slt, %or3A_29, %lt3A_4799 : vector<16xi32>
        %add3A_4801 = arith.constant 16 : i32
        %add3A_4802 = vector.broadcast %add3A_4801 : i32 to vector<16xi32>
        %add3A_4803 = arith.addi %or3A_29, %add3A_4802 : vector<16xi32>
        %select_n3A_4804 = arith.select %lt3A_4800, %add3A_4803, %or3A_29 : vector<16xi1>, vector<16xi32>
        %reshape3A_4805 = vector.shape_cast %select_n3A_4804 : vector<16xi32> to vector<16x1xi32>
        %gather3A_4806 = vector.shape_cast %reshape3A_4805 : vector<16x1xi32> to vector<16xi32>
        %gather3A_4807 = tpu.dynamic_gather %bitcast3A_4761[%gather3A_4806] in [0] : vector<16xi32>, vector<16xi32> -> vector<16xi32>
        %xor3A_4808 = arith.xori %gather3A_4807, %select_n3A_50 : vector<16xi32>
        %bitcast3A_4809 = vector.bitcast %xor3A_4808 : vector<16xi32> to vector<16xf32>
        %mul3A_4810 = arith.mulf %get3A_4710, %bitcast3A_4773 : vector<16xf32>
        %lt3A_4811 = arith.constant 0 : i32
        %lt3A_4812 = vector.broadcast %lt3A_4811 : i32 to vector<16xi32>
        %lt3A_4813 = arith.cmpi slt, %xor3A_6, %lt3A_4812 : vector<16xi32>
        %add3A_4814 = arith.constant 16 : i32
        %add3A_4815 = vector.broadcast %add3A_4814 : i32 to vector<16xi32>
        %add3A_4816 = arith.addi %xor3A_6, %add3A_4815 : vector<16xi32>
        %select_n3A_4817 = arith.select %lt3A_4813, %add3A_4816, %xor3A_6 : vector<16xi1>, vector<16xi32>
        %reshape3A_4818 = vector.shape_cast %select_n3A_4817 : vector<16xi32> to vector<16x1xi32>
        %gather3A_4819 = vector.shape_cast %reshape3A_4818 : vector<16x1xi32> to vector<16xi32>
        %gather3A_4820 = tpu.dynamic_gather %get3A_4710[%gather3A_4819] in [0] : vector<16xf32>, vector<16xi32> -> vector<16xf32>
        %mul3A_4821 = arith.mulf %gather3A_4820, %bitcast3A_4785 : vector<16xf32>
        %add3A_4822 = arith.addf %mul3A_4810, %mul3A_4821 : vector<16xf32>
        %lt3A_4823 = arith.constant 0 : i32
        %lt3A_4824 = vector.broadcast %lt3A_4823 : i32 to vector<16xi32>
        %lt3A_4825 = arith.cmpi slt, %xor3A_9, %lt3A_4824 : vector<16xi32>
        %add3A_4826 = arith.constant 16 : i32
        %add3A_4827 = vector.broadcast %add3A_4826 : i32 to vector<16xi32>
        %add3A_4828 = arith.addi %xor3A_9, %add3A_4827 : vector<16xi32>
        %select_n3A_4829 = arith.select %lt3A_4825, %add3A_4828, %xor3A_9 : vector<16xi1>, vector<16xi32>
        %reshape3A_4830 = vector.shape_cast %select_n3A_4829 : vector<16xi32> to vector<16x1xi32>
        %gather3A_4831 = vector.shape_cast %reshape3A_4830 : vector<16x1xi32> to vector<16xi32>
        %gather3A_4832 = tpu.dynamic_gather %get3A_4710[%gather3A_4831] in [0] : vector<16xf32>, vector<16xi32> -> vector<16xf32>
        %mul3A_4833 = arith.mulf %gather3A_4832, %bitcast3A_4797 : vector<16xf32>
        %add3A_4834 = arith.addf %add3A_4822, %mul3A_4833 : vector<16xf32>
        %lt3A_4835 = arith.constant 0 : i32
        %lt3A_4836 = vector.broadcast %lt3A_4835 : i32 to vector<16xi32>
        %lt3A_4837 = arith.cmpi slt, %xor3A_12, %lt3A_4836 : vector<16xi32>
        %add3A_4838 = arith.constant 16 : i32
        %add3A_4839 = vector.broadcast %add3A_4838 : i32 to vector<16xi32>
        %add3A_4840 = arith.addi %xor3A_12, %add3A_4839 : vector<16xi32>
        %select_n3A_4841 = arith.select %lt3A_4837, %add3A_4840, %xor3A_12 : vector<16xi1>, vector<16xi32>
        %reshape3A_4842 = vector.shape_cast %select_n3A_4841 : vector<16xi32> to vector<16x1xi32>
        %gather3A_4843 = vector.shape_cast %reshape3A_4842 : vector<16x1xi32> to vector<16xi32>
        %gather3A_4844 = tpu.dynamic_gather %get3A_4710[%gather3A_4843] in [0] : vector<16xf32>, vector<16xi32> -> vector<16xf32>
        %mul3A_4845 = arith.mulf %gather3A_4844, %bitcast3A_4809 : vector<16xf32>
        %add3A_4846 = arith.addf %add3A_4834, %mul3A_4845 : vector<16xf32>
        %mul3A_4847 = arith.mulf %mul3A_4760, %add3A_4846 : vector<16xf32>
        %add3A_4848 = arith.addf %add3A_4704, %mul3A_4847 : vector<16xf32>
        %lt3A_4849 = arith.constant 0 : i32
        %lt3A_4850 = vector.broadcast %lt3A_4849 : i32 to vector<16xi32>
        %lt3A_4851 = arith.cmpi slt, %xor3A_6, %lt3A_4850 : vector<16xi32>
        %add3A_4852 = arith.constant 16 : i32
        %add3A_4853 = vector.broadcast %add3A_4852 : i32 to vector<16xi32>
        %add3A_4854 = arith.addi %xor3A_6, %add3A_4853 : vector<16xi32>
        %select_n3A_4855 = arith.select %lt3A_4851, %add3A_4854, %xor3A_6 : vector<16xi1>, vector<16xi32>
        %reshape3A_4856 = vector.shape_cast %select_n3A_4855 : vector<16xi32> to vector<16x1xi32>
        %gather3A_4857 = vector.shape_cast %reshape3A_4856 : vector<16x1xi32> to vector<16xi32>
        %gather3A_4858 = tpu.dynamic_gather %add3A_4848[%gather3A_4857] in [0] : vector<16xf32>, vector<16xi32> -> vector<16xf32>
        %add3A_4859 = arith.addf %add3A_4848, %gather3A_4858 : vector<16xf32>
        %lt3A_4860 = arith.constant 0 : i32
        %lt3A_4861 = vector.broadcast %lt3A_4860 : i32 to vector<16xi32>
        %lt3A_4862 = arith.cmpi slt, %xor3A_9, %lt3A_4861 : vector<16xi32>
        %add3A_4863 = arith.constant 16 : i32
        %add3A_4864 = vector.broadcast %add3A_4863 : i32 to vector<16xi32>
        %add3A_4865 = arith.addi %xor3A_9, %add3A_4864 : vector<16xi32>
        %select_n3A_4866 = arith.select %lt3A_4862, %add3A_4865, %xor3A_9 : vector<16xi1>, vector<16xi32>
        %reshape3A_4867 = vector.shape_cast %select_n3A_4866 : vector<16xi32> to vector<16x1xi32>
        %gather3A_4868 = vector.shape_cast %reshape3A_4867 : vector<16x1xi32> to vector<16xi32>
        %gather3A_4869 = tpu.dynamic_gather %add3A_4859[%gather3A_4868] in [0] : vector<16xf32>, vector<16xi32> -> vector<16xf32>
        %add3A_4870 = arith.addf %add3A_4859, %gather3A_4869 : vector<16xf32>
        %lt3A_4871 = arith.constant 0 : i32
        %lt3A_4872 = vector.broadcast %lt3A_4871 : i32 to vector<16xi32>
        %lt3A_4873 = arith.cmpi slt, %xor3A_15, %lt3A_4872 : vector<16xi32>
        %add3A_4874 = arith.constant 16 : i32
        %add3A_4875 = vector.broadcast %add3A_4874 : i32 to vector<16xi32>
        %add3A_4876 = arith.addi %xor3A_15, %add3A_4875 : vector<16xi32>
        %select_n3A_4877 = arith.select %lt3A_4873, %add3A_4876, %xor3A_15 : vector<16xi1>, vector<16xi32>
        %reshape3A_4878 = vector.shape_cast %select_n3A_4877 : vector<16xi32> to vector<16x1xi32>
        %gather3A_4879 = vector.shape_cast %reshape3A_4878 : vector<16x1xi32> to vector<16xi32>
        %gather3A_4880 = tpu.dynamic_gather %add3A_4870[%gather3A_4879] in [0] : vector<16xf32>, vector<16xi32> -> vector<16xf32>
        %add3A_4881 = arith.addf %add3A_4870, %gather3A_4880 : vector<16xf32>
        %lt3A_4882 = arith.constant 0 : i32
        %lt3A_4883 = vector.broadcast %lt3A_4882 : i32 to vector<16xi32>
        %lt3A_4884 = arith.cmpi slt, %xor3A_18, %lt3A_4883 : vector<16xi32>
        %add3A_4885 = arith.constant 16 : i32
        %add3A_4886 = vector.broadcast %add3A_4885 : i32 to vector<16xi32>
        %add3A_4887 = arith.addi %xor3A_18, %add3A_4886 : vector<16xi32>
        %select_n3A_4888 = arith.select %lt3A_4884, %add3A_4887, %xor3A_18 : vector<16xi1>, vector<16xi32>
        %reshape3A_4889 = vector.shape_cast %select_n3A_4888 : vector<16xi32> to vector<16x1xi32>
        %gather3A_4890 = vector.shape_cast %reshape3A_4889 : vector<16x1xi32> to vector<16xi32>
        %gather3A_4891 = tpu.dynamic_gather %add3A_4881[%gather3A_4890] in [0] : vector<16xf32>, vector<16xi32> -> vector<16xf32>
        %add3A_4892 = arith.addf %add3A_4881, %gather3A_4891 : vector<16xf32>
        %add3A_4893 = arith.constant 0 : i32
        %add3A_4894 = arith.addi %mul3A_99, %add3A_4893 : i32
        %swap3A = arith.index_cast %add3A_4894 : i32 to index
        %swap3A_4895 = tpu.vector_load %arg14[%swap3A] masked %eq3A_53 {strides = array<i32>} : memref<144xf32, #tpu.memory_space<vmem>>, vector<16xf32>, vector<16xi1>
        tpu.vector_store %arg14[%swap3A], %add3A_1292 masked %eq3A_53 {strides = array<i32>} : memref<144xf32, #tpu.memory_space<vmem>>, vector<16xf32>, vector<16xi1>
        %add3A_4896 = arith.constant 1 : i32
        %add3A_4897 = arith.addi %mul3A_99, %add3A_4896 : i32
        %swap3A_4898 = arith.index_cast %add3A_4897 : i32 to index
        %swap3A_4899 = tpu.vector_load %arg14[%swap3A_4898] masked %eq3A_53 {strides = array<i32>} : memref<144xf32, #tpu.memory_space<vmem>>, vector<16xf32>, vector<16xi1>
        tpu.vector_store %arg14[%swap3A_4898], %add3A_2492 masked %eq3A_53 {strides = array<i32>} : memref<144xf32, #tpu.memory_space<vmem>>, vector<16xf32>, vector<16xi1>
        %add3A_4900 = arith.constant 2 : i32
        %add3A_4901 = arith.addi %mul3A_99, %add3A_4900 : i32
        %swap3A_4902 = arith.index_cast %add3A_4901 : i32 to index
        %swap3A_4903 = tpu.vector_load %arg14[%swap3A_4902] masked %eq3A_53 {strides = array<i32>} : memref<144xf32, #tpu.memory_space<vmem>>, vector<16xf32>, vector<16xi1>
        tpu.vector_store %arg14[%swap3A_4902], %add3A_3692 masked %eq3A_53 {strides = array<i32>} : memref<144xf32, #tpu.memory_space<vmem>>, vector<16xf32>, vector<16xi1>
        %add3A_4904 = arith.constant 3 : i32
        %add3A_4905 = arith.addi %mul3A_99, %add3A_4904 : i32
        %swap3A_4906 = arith.index_cast %add3A_4905 : i32 to index
        %swap3A_4907 = tpu.vector_load %arg14[%swap3A_4906] masked %eq3A_53 {strides = array<i32>} : memref<144xf32, #tpu.memory_space<vmem>>, vector<16xf32>, vector<16xi1>
        tpu.vector_store %arg14[%swap3A_4906], %add3A_4892 masked %eq3A_53 {strides = array<i32>} : memref<144xf32, #tpu.memory_space<vmem>>, vector<16xf32>, vector<16xi1>
      }
      %scan3A_96 = arith.constant 32 : i32
      "tpu.region"() ({
        %run_scoped3A = tpu.sem_alloc : memref<!tpu.dma_semaphore, #tpu.memory_space<semaphore_mem>>
        %dma_start3A_97 = arith.constant 0 : i32
        %dma_start3A_98 = tpu.memref_slice %arg14[%dma_start3A_97] : memref<144xf32, #tpu.memory_space<vmem>> -> memref<128xf32, #tpu.memory_space<vmem>>
        %dma_start3A_99 = tpu.memref_slice %arg7[%add3A_62] : memref<16384xf32, #tpu.memory_space<hbm>> -> memref<128xf32, #tpu.memory_space<hbm>>
        %dma_start3A_100 = tpu.memref_slice %arg7[%add3A_62] : memref<16384xf32, #tpu.memory_space<hbm>> -> memref<128xf32, #tpu.memory_space<hbm>>
        %dma_start3A_101 = arith.constant 0 : i32
        %dma_start3A_102 = tpu.memref_slice %arg14[%dma_start3A_101] : memref<144xf32, #tpu.memory_space<vmem>> -> memref<128xf32, #tpu.memory_space<vmem>>
        tpu.enqueue_dma source(%dma_start3A_102 : memref<128xf32, #tpu.memory_space<vmem>>) target(%dma_start3A_100 : memref<128xf32, #tpu.memory_space<hbm>>) target_semaphore(%run_scoped3A : memref<!tpu.dma_semaphore, #tpu.memory_space<semaphore_mem>>)
        %dma_wait3A_103 = arith.constant 0 : i32
        %dma_wait3A_104 = tpu.memref_slice %arg14[%dma_wait3A_103] : memref<144xf32, #tpu.memory_space<vmem>> -> memref<128xf32, #tpu.memory_space<vmem>>
        %dma_wait3A_105 = tpu.memref_slice %arg7[%add3A_62] : memref<16384xf32, #tpu.memory_space<hbm>> -> memref<128xf32, #tpu.memory_space<hbm>>
        %dma_wait3A_106 = tpu.memref_slice %arg7[%add3A_62] : memref<16384xf32, #tpu.memory_space<hbm>> -> memref<128xf32, #tpu.memory_space<hbm>>
        %dma_wait3A_107 = arith.constant 0 : i32
        %dma_wait3A_108 = tpu.memref_slice %arg14[%dma_wait3A_107] : memref<144xf32, #tpu.memory_space<vmem>> -> memref<128xf32, #tpu.memory_space<vmem>>
        tpu.wait_dma2 semaphore(%run_scoped3A : memref<!tpu.dma_semaphore, #tpu.memory_space<semaphore_mem>>) src(%dma_wait3A_108 : memref<128xf32, #tpu.memory_space<vmem>>) dst(%dma_wait3A_106 : memref<128xf32, #tpu.memory_space<hbm>>)
        tpu.yield
      }) : () -> ()
    }
    %scan3A_58 = arith.constant 4 : i32
    return
  }
}

module attributes {stable_mosaic.version = 14 : i64} {
  func.func @_ssq_body(%arg0: i32, %arg1: memref<10000x128xf32, #tpu.memory_space<vmem>>, %arg2: memref<10000x128xf32, #tpu.memory_space<vmem>>, %arg3: memref<1xf32, #tpu.memory_space<smem>>, %arg4: memref<2xf32, #tpu.memory_space<smem>>) attributes {dimension_semantics = [#tpu.dimension_semantics<arbitrary>], iteration_bounds = array<i64: 10>, scalar_prefetch = 0 : i64, scratch_operands = 1 : i64, tpu.core_type = #tpu.core_type<tc>, window_params = [{transform_indices = @transform_0, window_bounds = array<i64: 10000, 128>}, {transform_indices = @transform_1, window_bounds = array<i64: 10000, 128>}, {transform_indices = @transform_2, window_bounds = array<i64: 1>}]} {
    %eq3A = arith.constant 0 : i32
    %eq3A_0 = arith.cmpi eq, %arg0, %eq3A : i32
    %convert_element_type3A = arith.extui %eq3A_0 : i1 to i32
    %cond3A = arith.constant 0 : i32
    %cond3A_1 = arith.cmpi ne, %convert_element_type3A, %cond3A : i32
    scf.if %cond3A_1 {
      %swap3A_30 = arith.constant 0.000000e+00 : f32
      %swap3A_31 = arith.constant 0 : index
      %swap3A_32 = memref.load %arg4[%swap3A_31] : memref<2xf32, #tpu.memory_space<smem>>
      memref.store %swap3A_30, %arg4[%swap3A_31] : memref<2xf32, #tpu.memory_space<smem>>
      %swap3A_33 = arith.constant 0.000000e+00 : f32
      %swap3A_34 = arith.constant 1 : index
      %swap3A_35 = memref.load %arg4[%swap3A_34] : memref<2xf32, #tpu.memory_space<smem>>
      memref.store %swap3A_33, %arg4[%swap3A_34] : memref<2xf32, #tpu.memory_space<smem>>
    } else {
    }
    %get3A = arith.constant 0 : index
    %get3A_2 = arith.constant 0 : index
    %get3A_3 = vector.load %arg1[%get3A, %get3A_2] : memref<10000x128xf32, #tpu.memory_space<vmem>>, vector<10000x128xf32>
    %get3A_4 = arith.constant 0 : index
    %get3A_5 = arith.constant 0 : index
    %get3A_6 = vector.load %arg2[%get3A_4, %get3A_5] : memref<10000x128xf32, #tpu.memory_space<vmem>>, vector<10000x128xf32>
    %get3A_7 = arith.constant 0 : index
    %get3A_8 = memref.load %arg4[%get3A_7] : memref<2xf32, #tpu.memory_space<smem>>
    %mul3A = arith.mulf %get3A_3, %get3A_3 : vector<10000x128xf32>
    %reduce_sum3A = vector.shape_cast %mul3A : vector<10000x128xf32> to vector<1x10000x128xf32>
    %reduce_sum3A_9 = arith.constant dense<0.000000e+00> : vector<1xf32>
    %reduce_sum3A_10 = vector.multi_reduction <add>, %reduce_sum3A, %reduce_sum3A_9 [1, 2] : vector<1x10000x128xf32> to vector<1xf32>
    %reduce_sum3A_11 = vector.shape_cast %reduce_sum3A_10 : vector<1xf32> to vector<1x1x1xf32>
    %reduce_sum3A_12 = vector.extract %reduce_sum3A_11[0, 0, 0] : f32 from vector<1x1x1xf32>
    %add3A = arith.addf %get3A_8, %reduce_sum3A_12 : f32
    %swap3A = arith.constant 0 : index
    %swap3A_13 = memref.load %arg4[%swap3A] : memref<2xf32, #tpu.memory_space<smem>>
    memref.store %add3A, %arg4[%swap3A] : memref<2xf32, #tpu.memory_space<smem>>
    %get3A_14 = arith.constant 1 : index
    %get3A_15 = memref.load %arg4[%get3A_14] : memref<2xf32, #tpu.memory_space<smem>>
    %mul3A_16 = arith.mulf %get3A_6, %get3A_6 : vector<10000x128xf32>
    %reduce_sum3A_17 = vector.shape_cast %mul3A_16 : vector<10000x128xf32> to vector<1x10000x128xf32>
    %reduce_sum3A_18 = arith.constant dense<0.000000e+00> : vector<1xf32>
    %reduce_sum3A_19 = vector.multi_reduction <add>, %reduce_sum3A_17, %reduce_sum3A_18 [1, 2] : vector<1x10000x128xf32> to vector<1xf32>
    %reduce_sum3A_20 = vector.shape_cast %reduce_sum3A_19 : vector<1xf32> to vector<1x1x1xf32>
    %reduce_sum3A_21 = vector.extract %reduce_sum3A_20[0, 0, 0] : f32 from vector<1x1x1xf32>
    %add3A_22 = arith.addf %get3A_15, %reduce_sum3A_21 : f32
    %swap3A_23 = arith.constant 1 : index
    %swap3A_24 = memref.load %arg4[%swap3A_23] : memref<2xf32, #tpu.memory_space<smem>>
    memref.store %add3A_22, %arg4[%swap3A_23] : memref<2xf32, #tpu.memory_space<smem>>
    %eq3A_25 = arith.constant 9 : i32
    %eq3A_26 = arith.cmpi eq, %arg0, %eq3A_25 : i32
    %convert_element_type3A_27 = arith.extui %eq3A_26 : i1 to i32
    %cond3A_28 = arith.constant 0 : i32
    %cond3A_29 = arith.cmpi ne, %convert_element_type3A_27, %cond3A_28 : i32
    scf.if %cond3A_29 {
      %get3A_30 = arith.constant 0 : index
      %get3A_31 = memref.load %arg4[%get3A_30] : memref<2xf32, #tpu.memory_space<smem>>
      %sqrt3A = math.sqrt %get3A_31 : f32
      %mul3A_32 = arith.constant 0.00999999977 : f32
      %mul3A_33 = arith.mulf %mul3A_32, %sqrt3A : f32
      %get3A_34 = arith.constant 1 : index
      %get3A_35 = memref.load %arg4[%get3A_34] : memref<2xf32, #tpu.memory_space<smem>>
      %sqrt3A_36 = math.sqrt %get3A_35 : f32
      %mul3A_37 = arith.constant 5.000000e-02 : f32
      %mul3A_38 = arith.mulf %mul3A_37, %sqrt3A_36 : f32
      %add3A_39 = arith.addf %mul3A_33, %mul3A_38 : f32
      %swap3A_40 = arith.constant 0 : index
      %swap3A_41 = memref.load %arg3[%swap3A_40] : memref<1xf32, #tpu.memory_space<smem>>
      memref.store %add3A_39, %arg3[%swap3A_40] : memref<1xf32, #tpu.memory_space<smem>>
    } else {
    }
    return
  }
  func.func @transform_0(%arg0: i32) -> (i32, i32) {
    %c0_i32 = arith.constant 0 : i32
    %c0_i32_0 = arith.constant 0 : i32
    return %arg0, %c0_i32 : i32, i32
  }
  func.func @transform_1(%arg0: i32) -> (i32, i32) {
    %c0_i32 = arith.constant 0 : i32
    %c0_i32_0 = arith.constant 0 : i32
    return %arg0, %c0_i32 : i32, i32
  }
  func.func @transform_2(%arg0: i32) -> i32 {
    %c0_i32 = arith.constant 0 : i32
    %c0_i32_0 = arith.constant 0 : i32
    return %c0_i32 : i32
  }
}

module attributes {stable_mosaic.version = 14 : i64} {
  func.func @_loss_body(%arg0: memref<128x128xf32, #tpu.memory_space<vmem>>, %arg1: memref<128x128xf32, #tpu.memory_space<vmem>>, %arg2: memref<1xf32, #tpu.memory_space<smem>>, %arg3: memref<1xf32, #tpu.memory_space<smem>>) attributes {dimension_semantics = [], scalar_prefetch = 0 : i64, scratch_operands = 0 : i64, tpu.core_type = #tpu.core_type<tc>} {
    %get3A = arith.constant 0 : index
    %get3A_0 = arith.constant 0 : index
    %get3A_1 = vector.load %arg1[%get3A, %get3A_0] : memref<128x128xf32, #tpu.memory_space<vmem>>, vector<128x128xf32>
    %neg3A = arith.constant 0.000000e+00 : f32
    %neg3A_2 = vector.broadcast %neg3A : f32 to vector<128x128xf32>
    %neg3A_3 = arith.subf %neg3A_2, %get3A_1 : vector<128x128xf32>
    %get3A_4 = arith.constant 0 : index
    %get3A_5 = arith.constant 0 : index
    %get3A_6 = vector.load %arg0[%get3A_4, %get3A_5] : memref<128x128xf32, #tpu.memory_space<vmem>>, vector<128x128xf32>
    %mul3A = arith.mulf %neg3A_3, %get3A_6 : vector<128x128xf32>
    %exp3A = math.exp %mul3A : vector<128x128xf32>
    %add3A = arith.constant 1.000000e+00 : f32
    %add3A_7 = vector.broadcast %add3A : f32 to vector<128x128xf32>
    %add3A_8 = arith.addf %add3A_7, %exp3A : vector<128x128xf32>
    %log3A = math.log %add3A_8 : vector<128x128xf32>
    %reduce_sum3A = vector.shape_cast %log3A : vector<128x128xf32> to vector<1x128x128xf32>
    %reduce_sum3A_9 = arith.constant dense<0.000000e+00> : vector<1xf32>
    %reduce_sum3A_10 = vector.multi_reduction <add>, %reduce_sum3A, %reduce_sum3A_9 [1, 2] : vector<1x128x128xf32> to vector<1xf32>
    %reduce_sum3A_11 = vector.shape_cast %reduce_sum3A_10 : vector<1xf32> to vector<1x1x1xf32>
    %reduce_sum3A_12 = vector.extract %reduce_sum3A_11[0, 0, 0] : f32 from vector<1x1x1xf32>
    %get3A_13 = arith.constant 0 : index
    %get3A_14 = memref.load %arg2[%get3A_13] : memref<1xf32, #tpu.memory_space<smem>>
    %add3A_15 = arith.addf %reduce_sum3A_12, %get3A_14 : f32
    %swap3A = arith.constant 0 : index
    %swap3A_16 = memref.load %arg3[%swap3A] : memref<1xf32, #tpu.memory_space<smem>>
    memref.store %add3A_15, %arg3[%swap3A] : memref<1xf32, #tpu.memory_space<smem>>
    return
  }
}

</mosaic_0001>

<sc_bundles>
// kernel: kernel.5.cloned.1.call-start
scs
__scs_entry_jumppad:
0x0: {  	(pc) =	sbr.rel $0x88, $3  }
0x1: {  	(tag) =	ssettag $0x0;
	lr =	simm.s32 $0x1  }
0x2: {  	[smem:$0x3F9D] =	sst lr;
	_ =	strace $0xD0000000  }
0x3: {  	_ = 	snop  }
0x4: {  	_ = 	snop  }
0x5: {  	_ = 	snop  }
0x6: {  	_ = 	snop  }
0x7: {  	_ = 	snop  }
__scs_overlays_trampoline_lowered:
0x8: {  	[smem:$0x3FAC] =	sst s0  }
0x9: {  	[smem:$0x3FAD] =	sst s1  }
0xa: {  	[smem:$0x3FAE] =	sst s2  }
0xb: {  	[smem:$0x3FAF] =	sst s3  }
0xc: {  	[smem:$0x3FB0] =	sst s4  }
0xd: {  	[smem:$0x3FB1] =	sst s5  }
0xe: {  	[smem:$0x3FB2] =	sst s6  }
0xf: {  	[smem:$0x3FB3] =	sst s7  }
0x10: {  	[smem:$0x3FB4] =	sst s8  }
0x11: {  	[smem:$0x3FB5] =	sst s9;
	s0 =	simm.s32 @!p0 $0x0  }
0x12: {  	s1 =	sld [smem:$0x3F9B];
	s0 =	simm.s32 @p0 $0x1  }
0x13: {  	[smem:$0x3FB6] =	sst s0;
	s0 =	simm.s32 @!p1 $0x0  }
0x14: {  	s2 =	sld [smem:$0x3F9A];
	s0 =	simm.s32 @p1 $0x1  }
0x15: {  	[smem:$0x3FB7] =	sst s0;
	s0 =	simm.s32 @!p2 $0x0  }
0x16: {  	s3 =	sld [smem:$0x3FDB];
	s0 =	simm.s32 @p2 $0x1  }
0x17: {  	s4 =	simm.s32 $0x1BF5;
	[smem:$0x3FB9] =	sst s0  }
0x18: {  	s0 =	sld [smem:$0x3F9C];
	_ =	swait.ge [sflag:s4], $0x0  }
0x19: {  	s7 =	sld [smem:$0x3F9D]  }
0x1a: {  	s8 =	sadd.s32 $0xFFFFE003, lr  }
0x1b: {  	s9 =	sadd.s32 $0xFFFFFEF7, lr;
	s5 =	simm.s32 $0xFFFFFFFF;
	p2 =	slt.u32 s8, $0xFFFFF086  }
0x1c: {  	p1 =	slt.u32 s9, $0xF7A;
	s5 =	simm.s32 @!p2 $0x0  }
0x1d: {  	s5 =	simm.s32 @p1 $0x1;
	p0 =	seq.s32 s7, s2  }
0x1e: {  	s7 =	smul.u32 @!p0 $0xF7A, s2;
	p2 =	seq.s32 @!p0 s5, $0x0  }
0x1f: {  	s9 =	smul.u32 $0xF7A, s1;
	s8 =	simm.s32 @!p0 $0x1BF5;
	p2 =	por !p2, p0  }
0x20: {  	[sflag:s8] =	ssyncset.s32 @!p0 $0xFFFFF086;
	s6 =	sadd.s32 @!p0 s3, s7;
	s7 =	simm.s32 @!p0 $0x108  }
0x21: {  	s3 =	sadd.s32 s3, s9;
	s6 =	sadd.s32 @!p0 $0x88, s6;
	s7 =	simm.s32 @p2 $0x1082  }
0x22: {  	[simem:s7], [sflag:s8] =	dma.local @!p0 [hbm:s6], $0xF7A  }
0x23: {  	s9 =	sor.u32 $0xD0000000, s2;
	s6 =	simm.s32 $0x108;
	_ =	swait.ge @!p0 [sflag:s8], $0x0  }
0x24: {  	s3 =	sadd.s32 $0x88, s3;
	s6 =	simm.s32 @!p1 $0x1082;
	[sflag:s4] =	ssyncset.s32 $0xFFFFF086  }
0x25: {  	[simem:s6], [sflag:s4] =	dma.local [hbm:s3], $0xF7A  }
0x26: {  	[smem:$0x3F9D] =	sst s1;
	(tag) =	ssettag s2;
	_ =	strace s9  }
0x27: {  	s1 =	sld [smem:$0x3FAD]  }
0x28: {  	s2 =	sld [smem:$0x3FAE]  }
0x29: {  	s4 =	sld [smem:$0x3FB0]  }
0x2a: {  	p0 =	seq.s32 s5, $0x0;
	s5 =	sld [smem:$0x3FB1]  }
0x2b: {  	s6 =	sld [smem:$0x3FB2]  }
0x2c: {  	s7 =	sld [smem:$0x3FB3]  }
0x2d: {  	s3 =	simm.s32 $0x108;
	s8 =	sld [smem:$0x3FB4]  }
0x2e: {  	s3 =	simm.s32 @!p0 $0x1082;
	s9 =	sld [smem:$0x3FB5]  }
0x2f: {  	lr =	sadd.s32 s0, s3;
	s0 =	sld [smem:$0x3FAC]  }
0x30: {  	s3 =	sld [smem:$0x3FAF]  }
0x31: {  	[smem:$0x3FB8] =	sst s10  }
0x32: {  	s10 =	sld [smem:$0x3FB6];
	_ =	sdelay $0x3  }
0x33: {  	p0 =	seq.s32 s10, $0x1;
	s10 =	sld [smem:$0x3FB8];
	_ =	sdelay $0x3  }
0x34: {  	[smem:$0x3FB8] =	sst s10  }
0x35: {  	s10 =	sld [smem:$0x3FB7];
	_ =	sdelay $0x3  }
0x36: {  	p1 =	seq.s32 s10, $0x1;
	s10 =	sld [smem:$0x3FB8];
	_ =	sdelay $0x3  }
0x37: {  	[smem:$0x3FB8] =	sst s10  }
0x38: {  	s10 =	sld [smem:$0x3FB9]  }
0x39: {  	_ = 	snop;
	(pc) =	sbr.ind lr, $3  }
0x3a: {  	_ = 	snop  }
0x3b: {  	_ = 	snop  }
0x3c: {  	p2 =	seq.s32 s10, $0x1;
	s10 =	sld [smem:$0x3FB8]  }
0x3d: {  	_ =	shalt  }
0x3e: {  	_ =	shalt  }
0x3f: {  	_ =	shalt  }
0x40: {  	_ =	shalt  }
0x41: {  	_ =	shalt  }
0x42: {  	_ =	shalt  }
0x43: {  	_ =	shalt  }
0x44: {  	_ =	shalt  }
0x45: {  	_ =	shalt  }
0x46: {  	_ =	shalt  }
0x47: {  	_ =	shalt  }
0x48: {  	_ =	shalt  }
0x49: {  	_ =	shalt  }
0x4a: {  	_ =	shalt  }
0x4b: {  	_ =	shalt  }
0x4c: {  	_ =	shalt  }
0x4d: {  	_ =	shalt  }
0x4e: {  	_ =	shalt  }
0x4f: {  	_ =	shalt  }
0x50: {  	_ =	shalt  }
0x51: {  	_ =	shalt  }
0x52: {  	_ =	shalt  }
0x53: {  	_ =	shalt  }
0x54: {  	_ =	shalt  }
0x55: {  	_ =	shalt  }
0x56: {  	_ =	shalt  }
0x57: {  	_ =	shalt  }
0x58: {  	_ =	shalt  }
0x59: {  	_ =	shalt  }
0x5a: {  	_ =	shalt  }
0x5b: {  	_ =	shalt  }
0x5c: {  	_ =	shalt  }
0x5d: {  	_ =	shalt  }
0x5e: {  	_ =	shalt  }
0x5f: {  	_ =	shalt  }
0x60: {  	_ =	shalt  }
0x61: {  	_ =	shalt  }
0x62: {  	_ =	shalt  }
0x63: {  	_ =	shalt  }
0x64: {  	_ =	shalt  }
0x65: {  	_ =	shalt  }
0x66: {  	_ =	shalt  }
0x67: {  	_ =	shalt  }
0x68: {  	_ =	shalt  }
0x69: {  	_ =	shalt  }
0x6a: {  	_ =	shalt  }
0x6b: {  	_ =	shalt  }
0x6c: {  	_ =	shalt  }
0x6d: {  	_ =	shalt  }
0x6e: {  	_ =	shalt  }
0x6f: {  	_ =	shalt  }
0x70: {  	_ =	shalt  }
0x71: {  	_ =	shalt  }
0x72: {  	_ =	shalt  }
0x73: {  	_ =	shalt  }
0x74: {  	_ =	shalt  }
0x75: {  	_ =	shalt  }
0x76: {  	_ =	shalt  }
0x77: {  	_ =	shalt  }
0x78: {  	_ =	shalt  }
0x79: {  	_ =	shalt  }
0x7a: {  	_ =	shalt  }
0x7b: {  	_ =	shalt  }
0x7c: {  	_ =	shalt  }
0x7d: {  	_ =	shalt  }
0x7e: {  	_ =	shalt  }
0x7f: {  	_ =	shalt  }
0x80: {  	_ =	shalt  }
0x81: {  	_ =	shalt  }
0x82: {  	_ =	shalt  }
0x83: {  	_ =	shalt  }
0x84: {  	_ =	shalt  }
0x85: {  	_ =	shalt  }
0x86: {  	_ =	shalt  }
0x87: {  	_ =	shalt  }
.Lfunc_end0:
.L_simem_size_0:
called_computation_lowered:
.L_overlay_start_0:
0x88: {  	s2 =	sld [smem:$0x3FD9]  }
0x89: {  	s3 =	sld [smem:$0x3FFE];
	_ =	sdelay $0x1  }
0x8a: {  	s1 =	srdreg.scid  }
0x8b: {  	s0 =	sand.u32 $0x1, s1  }
0x8c: {  	s17 =	sshll.u32 s0, $0xA;
	s2 =	sadd.s32 s3, s2  }
0x8d: {  	s2 =	sadd.s32 s2, s17  }
0x8e: {  	[smem:$0x3FC4] =	sst s2  }
0x8f: {  	_ = 	snop  }
0x90: {  	s2 =	sld [smem:$0x3FC7]  }
0x91: {  	s18 =	sld [smem:$0x3FC6];
	(tm) =	ssettm $0x1  }
0x92: {  	s4 =	sld [smem:$0x3FFB];
	_ =	sdelay $0x3  }
0x93: {  	_ =	strace s4  }
0x94: {  	s4 =	sld [smem:$0x3FFC];
	_ =	sdelay $0x3  }
0x95: {  	_ =	strace s4  }
0x96: {  	s4 =	sld [smem:$0x3FFD];
	_ =	sdelay $0x3  }
0x97: {  	_ =	strace s4  }
0x98: {  	_ =	strace $0x8FFFFFFF  }
0x99: {  	s19 =	sld [smem:$0x3FDB];
	_ =	sdelay $0x1  }
0x9a: {  	s5 =	simm.s32 $_scs_section_size  }
0x9b: {  	s6 =	simm.s32 $_size__tile_overlayer_lowered;
	s7 =	simm.s32 $_tile_overlayer_lowered  }
0x9c: {  	s22 =	simm.s32 $0x1BFF;
	s21 =	sshll.u32 s7, $0x1;
	s4 =	sadd.s32 s5, s19  }
0x9d: {  	s8 =	simm.s32 $0x0;
	s20 =	sshll.u32 s6, $0x1;
	s6 =	sadd.s32 s21, s4  }
0x9e: {  	[timem:s8], [sflag:s22] =	dma.local [hbm:s6], s20  }
0x9f: {  	_ =	swait.ge [sflag:s22], s20  }
0xa0: {  	s5 =	ssub.s32 $0x0, s20;
	[sflag:s22] =	ssyncset.done $0x0  }
0xa1: {  	[sflag:s22] =	ssyncadd.s32 s5;
	_ =	sdelay $0x1  }
0xa2: {  	s23 =	simm.s32 $0x1B8B  }
0xa3: {  	_ =	swait.ge [sflag:s23], $0x1  }
0xa4: {  	[sflag:s23] =	ssyncset.done $0x0  }
0xa5: {  	s25 =	simm.s32 $0x1B8E;
	s24 =	sld [smem:$0x3FFE];
	[sflag:s23] =	ssyncadd.s32 $0xFFFFFFFF  }
0xa6: {  	s26 =	simm.s32 $execute0_lowered;
	[smem:$0x3FD2] =	sst s25  }
0xa7: {  	s6 =	sshll.u32 s26, $0x1;
	_ =	strace $0x80000046;
	[dreg:$0x1] =	wrdreg $0xFFFFFFFF  }
0xa8: {  	s28 =	simm.s32 $_size_execute0_lowered;
	s4 =	sadd.s32 s4, s6;
	[dreg:$0x0] =	wrdreg $0x0  }
0xa9: {  	s6 =	sshll.u32 s28, $0x1;
	[dreg:$0x2] =	wrdreg s4  }
0xaa: {  	[dreg:$0x3] =	wrdreg s6  }
0xab: {  	[dreg:$0x4] =	wrdreg $0xC0  }
0xac: {  	_ =	task [dreg:s8], $0x5FFFF  }
0xad: {  	[dreg:$0x1] =	wrdreg $0xFFFFFFFF  }
0xae: {  	[dreg:$0x0] =	wrdreg $0x60  }
0xaf: {  	[dreg:$0x2] =	wrdreg s2  }
0xb0: {  	[dreg:$0x3] =	wrdreg s18  }
0xb1: {  	[dreg:$0x4] =	wrdreg s24  }
0xb2: {  	[dreg:$0x5] =	wrdreg $0x9  }
0xb3: {  	_ =	task.clear_ibuf [dreg:s8], $0x6FFFF;
	_ =	strace $0x90000046  }
0xb4: {  	s29 =	simm.s32 $0x9;
	_ =	strace $0x80000048  }
0xb5: {  	_ =	swait.ge [sflag:s29], $0x1  }
0xb6: {  	[sflag:s29] =	ssyncadd.s32 $0xFFFFFFFF  }
0xb7: {  	_ =	strace $0x90000048  }
0xb8: {  	_ =	sfence  }
0xb9: {  	s30 =	sld [smem:$0x0];
	_ =	sdelay $0x2  }
0xba: {  	s31 =	sshll.u32 s1, $0xD;
	s1 =	sshrl.u32 s1, $0x2  }
0xbb: {  	s3 =	sand.u32 $0x4000, s31;
	s1 =	sadd.s32 s1, s30  }
0xbc: {  	s0 =	sor.u32 s3, s0;
	s1 =	sshll.u32 s1, $0x11  }
0xbd: {  	s0 =	sor.u32 s1, s0  }
0xbe: {  	s0 =	sadd.s32 $0x8F2B, s0  }
0xbf: {  	[sflag:s0] =	ssyncadd.remote.s32 $0x1  }
0xc0: {  	_ =	sfence.sel $0xFFFF  }
0xc1: {  	[dreg:$0x0] =	wrdreg $0xFFFFFFFF;
	(pc) =	sbr.abs _section_cstart, $3  }
0xc2: {  	[dreg:$0x1] =	wrdreg $0xFFFFFFFF  }
0xc3: {  	_ =	task.clear_ibuf [dreg:s8], $0x2FFFF;
	_ =	strace $0x9FFFFFFF  }
0xc4: {  	(tm) =	ssettm $0x7FFFFFFF  }
0xc5: {  	_ =	shalt  }
tec
execute0_lowered:
.L_overlay_start_1:
0x0: {  	(tag) =	ssettag $0x1  }
0x1: {  	v0 =	vimm.s32 $0xEFCDAB89;
	v1 =	vimm.s32 $0x67452301  }
0x2: {  	v2 =	vimm.s32 $0xDCFE98BA;
	v3 =	vimm.s32 $0x54761032;
	vm0 =	vcmask $0x300  }
0x3: {  	v4 =	vimm.s32 $0x80000000;
	vm13 =	vcmask $0x1310;
	vm14 =	vcmask $0x2320  }
0x4: {  	vm15 =	vcmask $0x3330;
	vm4 =	vcmask $0xB00;
	vm5 =	vcmask $0x1B10  }
0x5: {  	vm6 =	vcmask $0x2B20;
	vm7 =	vcmask $0x3B30;
	vm8 =	vcmask $0x704  }
0x6: {  	v6 =	vimm.s32 $0x0;
	vm9 =	vcmask $0x1714;
	vm10 =	vcmask $0x2724  }
0x7: {  	vm11 =	vcmask $0x3734;
	vm12 =	vcmask $0xB08;
	v7 =	vimm.s32 $0xCDEF89AB  }
0x8: {  	v9 =	vimm.s32 $0x45670123;
	v10 =	vimm.s32 $0xBA98FEDC;
	v11 =	vimm.s32 $0x32107654  }
0x9: {  	v12 =	vimm.s32 $0xFEDCBA98;
	v13 =	vimm.s32 $0x76543210;
	v0 =	vunpack.c.l.s4.s8 v0  }
0xa: {  	v1 =	vunpack.c.l.s4.s8 v1;
	v2 =	vunpack.c.l.s4.s8 v2;
	v3 =	vunpack.c.l.s4.s8 v3  }
0xb: {  	v5 =	vsel vm0, $0x0, v4;
	v8 =	vsel vm12, $0x80000000, v6;
	v7 =	vunpack.c.l.s4.s8 v7  }
0xc: {  	v9 =	vunpack.c.l.s4.s8 v9;
	v10 =	vunpack.c.l.s4.s8 v10;
	v11 =	vunpack.c.l.s4.s8 v11  }
0xd: {  	v12 =	vunpack.c.l.s4.s8 v12;
	v13 =	vunpack.c.l.s4.s8 v13;
	v5 =	vsel vm13, $0x0, v5  }
0xe: {  	vm13 =	vcmask $0x1B18;
	v0 =	vunpack.c.0.s8.s32 v0;
	v1 =	vunpack.c.0.s8.s32 v1  }
0xf: {  	v2 =	vunpack.c.0.s8.s32 v2;
	v3 =	vunpack.c.0.s8.s32 v3;
	v5 =	vsel vm14, $0x0, v5  }
0x10: {  	s0 =	rddreg [dreg:$0x0];
	v8 =	vsel vm13, $0x80000000, v8;
	vm14 =	vcmask $0x2B28;
	v7 =	vunpack.c.0.s8.s32 v7  }
0x11: {  	s1 =	rddreg [dreg:$0x1];
	v9 =	vunpack.c.0.s8.s32 v9;
	v10 =	vunpack.c.0.s8.s32 v10;
	v11 =	vunpack.c.0.s8.s32 v11  }
0x12: {  	s8 =	rddreg [dreg:$0x2];
	v12 =	vunpack.c.0.s8.s32 v12;
	v13 =	vunpack.c.0.s8.s32 v13;
	v8 =	vsel vm14, $0x80000000, v8  }
0x13: {  	s2 =	rddreg [dreg:$0x3];
	s3 =	simm.s32 $0x0;
	s4 =	srdreg.scid;
	v1 =	vcombine.low v1, v0;
	v0 =	vsel vm15, $0x0, v5;
	v2 =	vcombine.low v3, v2  }
0x14: {  	s6 =	stileid.u32;
	s12 =	simm.s32 $0x100;
	s13 =	simm.s32 $0x1;
	v3 =	vsel vm4, $0x0, v4;
	v4 =	vlaneseq.u32;
	v5 =	vsel vm8, $0x80000000, v6  }
0x15: {  	s14 =	simm.s32 $0x180;
	s15 =	simm.s32 $0x4180;
	s16 =	simm.s32 $0x8180;
	v14 =	vcombine.low v9, v7;
	v11 =	vcombine.low v11, v10;
	vm15 =	vcmask $0x3B38  }
0x16: {  	s17 =	simm.s32 $0xC180;
	s18 =	simm.s32 $0x2;
	s19 =	simm.s32 $0x0;
	v12 =	vand.u32 $0xF, v12;
	v3 =	vsel vm5, $0x0, v3;
	v4 =	vshrl.u32 v4, $0x2  }
0x17: {  	[smem:$0x7FF] =	sst s3;
	s9 =	sand.u32 $0x1, s4;
	s4 =	sadd.s32 $0x1A00, s8;
	v5 =	vsel vm9, $0x80000000, v5;
	v8 =	vsel vm15, $0x80000000, v8;
	v12 =	vcombine.low v12, v13  }
0x18: {  	s5 =	sadd.s32 $0x1200, s8;
	s7 =	sadd.s32 $0xA00, s8;
	s10 =	ssub.s32 $0x2, s9;
	v1 =	vand.u32 $0xF, v1;
	v2 =	vand.u32 $0xF, v2;
	v3 =	vsel vm6, $0x0, v3  }
0x19: {  	s31 =	sshll.u32 s6, $0x7;
	s8 =	sadd.s32 $0x2200, s8;
	s11 =	sshrl.u32 s10, $0x1;
	v4 =	vmul.u32 $0x4, v4;
	v5 =	vsel vm10, $0x80000000, v5;
	v10 =	vand.u32 $0xF, v14  }
0x1a: {  	_ =	strace $0x80000047;
	s9 =	sshll.u32 s9, $0x6;
	s10 =	ssub.s32 s10, s11;
	v11 =	vand.u32 $0xF, v11;
	v3 =	vsel vm7, $0x0, v3;
	v5 =	vsel vm11, $0x80000000, v5  }
0x1b: {  	s9 =	sor.u32 s9, s31;
	s11 =	simm.s32 $0x80;
	s10 =	smax.u32 s10, $0x1;
	v6 =	vor.u32 $0x1, v4;
	v7 =	vor.u32 $0x2, v4;
	v9 =	vor.u32 $0x3, v4  }
.LBB2_1:
0x1c: {  	s20 =	simm.s32 $0x0  }
.LBB2_2:
0x1d: {  	s21 =	sshll.u32 s20, $0x4  }
0x1e: {  	s21 =	sadd.s32 s9, s21  }
0x1f: {  	s22 =	simm.s32 $0x0;
	s23 =	sadd.s32 s4, s21  }
0x20: {  	[tilespmem:s22], [sflag:$0x1] =	stream.linear.gather [hbm4b:s23+s22], $0x80, $0x38;
	[tilespmem:$0xC280] =	vst v63  }
0x21: {  	s30 =	sadd.s32 s5, s21  }
0x22: {  	[tilespmem:s11], [sflag:$0x1] =	stream.linear.gather [hbm4b:s30+s22], $0x80, $0x38;
	[tilespmem:$0xC280] =	vst v63  }
0x23: {  	s31 =	sadd.s32 s7, s21  }
0x24: {  	[tilespmem:s12], [sflag:$0x1] =	stream.linear.gather [hbm4b:s31+s22], $0x80, $0x38;
	[tilespmem:$0xC280] =	vst v63  }
0x25: {  	_ =	swait.ge [sflag:s13], $0x80  }
0x26: {  	[sflag:s13] =	ssyncset.done $0x0  }
0x27: {  	[sflag:s13] =	ssyncadd.s32 $0xFFFFFF80  }
0x28: {  	_ =	swait.ge [sflag:s13], $0x80  }
0x29: {  	[sflag:s13] =	ssyncset.done $0x0  }
0x2a: {  	[sflag:s13] =	ssyncadd.s32 $0xFFFFFF80  }
0x2b: {  	_ =	swait.ge [sflag:s13], $0x80  }
0x2c: {  	[sflag:s13] =	ssyncset.done $0x0  }
0x2d: {  	[sflag:s13] =	ssyncadd.s32 $0xFFFFFF80  }
0x2e: {  	[tilespmem:s14], [sflag:$0x1] =	stream.indirect.gather [hbm4b:s0+s11], $0x80, s22, s11, $0xb8;
	[tilespmem:$0xC280] =	vst v63  }
0x2f: {  	_ = 	snop  }
0x30: {  	[tilespmem:s15], [sflag:$0x1] =	stream.indirect.gather [hbm4b:s1+s11], $0x80, s11, s11, $0xb8;
	[tilespmem:$0xC280] =	vst v63  }
0x31: {  	_ = 	snop  }
0x32: {  	[tilespmem:s16], [sflag:$0x1] =	stream.indirect.gather [hbm4b:s0+s11], $0x80, s12, s11, $0xb8;
	[tilespmem:$0xC280] =	vst v63  }
0x33: {  	_ =	swait.ge [sflag:s13], $0x4000  }
0x34: {  	[sflag:s13] =	ssyncset.done $0x0  }
0x35: {  	[sflag:s13] =	ssyncadd.s32 $0xFFFFC000  }
0x36: {  	_ =	swait.ge [sflag:s13], $0x4000  }
0x37: {  	[sflag:s13] =	ssyncset.done $0x0  }
0x38: {  	[sflag:s13] =	ssyncadd.s32 $0xFFFFC000  }
0x39: {  	_ =	swait.ge [sflag:s13], $0x4000  }
0x3a: {  	[sflag:s13] =	ssyncset.done $0x0  }
0x3b: {  	s23 =	simm.s32 $0xC182;
	[sflag:s13] =	ssyncadd.s32 $0xFFFFC000  }
.LBB2_3:
0x3c: {  	s24 =	sshra.s32 s22, $0x2  }
0x3d: {  	v13 =	vld [tilespmem:s24+$0x4180];
	_ =	sdelay $0x4  }
0x3e: {  	v14 =	vmul.f32 v13, v13;
	_ =	sdelay $0x1  }
0x3f: {  	v15 =	vperm.xlane v14, v1  }
0x40: {  	v17 =	vld [tilespmem:s24+$0x4190]  }
0x41: {  	v18 =	vld [tilespmem:s24+$0x8180];
	v14 =	vadd.f32 v15, v14;
	_ =	sdelay $0x1  }
0x42: {  	v15 =	vperm.xlane v14, v2  }
0x43: {  	v36 =	vld [tilespmem:s24+$0x41A0]  }
0x44: {  	v14 =	vadd.f32 v15, v14  }
0x45: {  	v19 =	vmul.f32 v17, v17;
	v20 =	vperm.xlane v18, v4  }
0x46: {  	v53 =	vld [tilespmem:s24+$0x81A0];
	v21 =	vperm.xlane v18, v6;
	v15 =	vshra.s32 v14, $0x1;
	v14 =	vmul.f32 $5.000000000e-01, v14  }
0x47: {  	v23 =	vperm.xlane v18, v7;
	v24 =	vperm.xlane v13, v1;
	v15 =	vsub.s32 $0x5F3759DF, v15  }
0x48: {  	v38 =	vmul.f32 v36, v36;
	v16 =	vmul.f32 v15, v14  }
0x49: {  	v40 =	vperm.xlane v13, v2;
	v18 =	vperm.xlane v18, v9  }
0x4a: {  	v28 =	vperm.xlane v17, v1;
	v16 =	vmul.f32 v15, v16  }
0x4b: {  	v52 =	vperm.xlane v17, v2;
	v57 =	vperm.xlane v53, v4  }
0x4c: {  	v58 =	vperm.xlane v53, v6;
	v35 =	vperm.xlane v19, v1;
	v16 =	vsub.f32 $1.500000000e+00, v16  }
0x4d: {  	v60 =	vperm.xlane v53, v7;
	v30 =	vperm.xlane v36, v1  }
0x4e: {  	v63 =	vld [tilespmem:s24+$0x81B0];
	v31 =	vperm.xlane v36, v2;
	v15 =	vmul.f32 v15, v16;
	v16 =	vadd.f32 v35, v19  }
0x4f: {  	v20 =	vxor.u32 v0, v20;
	v21 =	vxor.u32 v3, v21;
	v26 =	vperm.xlane v38, v1  }
0x50: {  	v37 =	vxor.u32 v5, v23;
	v23 =	vld [tilespmem:s24+$0x41B0];
	v14 =	vmul.f32 v15, v14;
	v22 =	vperm.xlane v16, v2  }
0x51: {  	v20 =	vmul.f32 v20, v13;
	v21 =	vmul.f32 v21, v24  }
0x52: {  	v13 =	vperm.xlane v13, v10;
	v14 =	vmul.f32 v14, v15;
	v16 =	vadd.f32 v22, v16  }
0x53: {  	v42 =	vadd.f32 v26, v38;
	v38 =	vperm.xlane v63, v7;
	v20 =	vadd.f32 v21, v20  }
0x54: {  	v27 =	vld [tilespmem:s24+$0x180];
	v14 =	vsub.f32 $1.500000000e+00, v14;
	v39 =	vshra.s32 v16, $0x1;
	v25 =	vmul.f32 $5.000000000e-01, v16  }
0x55: {  	v48 =	vmul.f32 v23, v23;
	v16 =	vmul.f32 v37, v40;
	v24 =	vsub.s32 $0x5F3759DF, v39  }
0x56: {  	v41 =	vmul.f32 v24, v25;
	v14 =	vmul.f32 v14, v15;
	v15 =	vxor.u32 v8, v18  }
0x57: {  	v44 =	vperm.xlane v42, v2;
	v16 =	vadd.f32 v16, v20;
	v13 =	vmul.f32 v15, v13  }
0x58: {  	v50 =	vperm.xlane v48, v1;
	v15 =	vld [tilespmem:s24+$0x8190];
	v43 =	vmul.f32 v24, v41  }
0x59: {  	v19 =	vperm.xlane v36, v10;
	v14 =	vmul.f32 v14, v27;
	v13 =	vadd.f32 v13, v16  }
0x5a: {  	v39 =	vperm.xlane v23, v1;
	v20 =	vadd.f32 v44, v42;
	v18 =	vsub.f32 $1.500000000e+00, v43  }
0x5b: {  	v40 =	vld [tilespmem:s24+$0x81C0];
	v42 =	vperm.xlane v23, v2;
	v16 =	vmul.f32 v14, v13  }
0x5c: {  	v13 =	vshra.s32 v20, $0x1;
	v14 =	vmul.f32 $5.000000000e-01, v20;
	v18 =	vmul.f32 v24, v18  }
0x5d: {  	v46 =	vperm.xlane v15, v4;
	v13 =	vsub.s32 $0x5F3759DF, v13;
	v49 =	vperm.xlane v15, v6  }
0x5e: {  	v51 =	vperm.xlane v15, v7;
	v24 =	vadd.f32 v50, v48;
	v15 =	vperm.xlane v15, v9  }
0x5f: {  	v47 =	vmul.f32 v13, v14;
	v45 =	vmul.f32 v18, v25  }
0x60: {  	v21 =	vxor.u32 v0, v46;
	v54 =	vperm.xlane v24, v2;
	v46 =	vperm.xlane v40, v6  }
0x61: {  	v25 =	vxor.u32 v3, v49;
	v49 =	vperm.xlane v40, v7;
	v22 =	vmul.f32 v13, v47  }
0x62: {  	v27 =	vxor.u32 v5, v51;
	v21 =	vmul.f32 v21, v17;
	v25 =	vmul.f32 v25, v28  }
0x63: {  	v15 =	vxor.u32 v8, v15;
	v55 =	vmul.f32 v27, v52;
	v17 =	vperm.xlane v17, v10  }
0x64: {  	v27 =	vxor.u32 v5, v60;
	v28 =	vperm.xlane v53, v9;
	v20 =	vmul.f32 v45, v18  }
0x65: {  	v56 =	vadd.f32 v54, v24;
	v27 =	vmul.f32 v27, v31;
	v22 =	vsub.f32 $1.500000000e+00, v22  }
0x66: {  	v21 =	vadd.f32 v25, v21;
	v15 =	vmul.f32 v15, v17;
	v17 =	vxor.u32 v0, v57  }
0x67: {  	v33 =	vld [tilespmem:s24+$0x190];
	v25 =	vxor.u32 v3, v58;
	v20 =	vsub.f32 $1.500000000e+00, v20;
	v17 =	vmul.f32 v17, v36  }
0x68: {  	v24 =	vshra.s32 v56, $0x1;
	v25 =	vmul.f32 v25, v30;
	v13 =	vmul.f32 v13, v22;
	v22 =	vld [tilespmem:s24+$0x41C0]  }
0x69: {  	v21 =	vadd.f32 v55, v21;
	v18 =	vmul.f32 v20, v18;
	v20 =	vmul.f32 $5.000000000e-01, v56  }
0x6a: {  	v24 =	vsub.s32 $0x5F3759DF, v24;
	v17 =	vadd.f32 v25, v17;
	v14 =	vmul.f32 v13, v14  }
0x6b: {  	v45 =	vperm.xlane v40, v4;
	v15 =	vadd.f32 v15, v21;
	v59 =	vmul.f32 v24, v20  }
0x6c: {  	v17 =	vadd.f32 v27, v17;
	v18 =	vmul.f32 v18, v33;
	v14 =	vmul.f32 v14, v13  }
0x6d: {  	v27 =	vxor.u32 v5, v38;
	v29 =	vmul.f32 v22, v22;
	v26 =	vmul.f32 v24, v59  }
0x6e: {  	v36 =	vperm.xlane v63, v6;
	v44 =	vmul.f32 v27, v42;
	v14 =	vsub.f32 $1.500000000e+00, v14  }
0x6f: {  	v61 =	vld [tilespmem:s24+$0x1A0];
	v21 =	vmul.f32 v18, v15;
	v32 =	vperm.xlane v29, v1;
	v26 =	vsub.f32 $1.500000000e+00, v26  }
0x70: {  	v27 =	vld [tilespmem:s24+$0x41E0];
	v50 =	vperm.xlane v22, v1;
	v13 =	vmul.f32 v14, v13  }
0x71: {  	v14 =	vxor.u32 v8, v28;
	v29 =	vadd.f32 v32, v29;
	v24 =	vmul.f32 v24, v26  }
0x72: {  	v55 =	vperm.xlane v22, v2;
	v59 =	vld [tilespmem:s24+$0x81D0];
	v14 =	vmul.f32 v14, v19  }
0x73: {  	v62 =	vperm.xlane v29, v2;
	v20 =	vmul.f32 v24, v20  }
0x74: {  	v19 =	vperm.xlane v63, v9;
	v13 =	vmul.f32 v13, v61;
	v14 =	vadd.f32 v14, v17  }
0x75: {  	v52 =	vmul.f32 v27, v27;
	v25 =	vadd.f32 v62, v29;
	v34 =	vmul.f32 v20, v24  }
0x76: {  	v20 =	vld [tilespmem:s24+$0x41D0];
	v18 =	vmul.f32 v13, v14;
	v29 =	vperm.xlane v40, v9  }
0x77: {  	v62 =	vperm.xlane v59, v4;
	v15 =	vshra.s32 v25, $0x1;
	v25 =	vmul.f32 $5.000000000e-01, v25  }
0x78: {  	v13 =	vsub.f32 $1.500000000e+00, v34;
	v34 =	vperm.xlane v52, v1;
	v14 =	vsub.s32 $0x5F3759DF, v15  }
0x79: {  	v15 =	vperm.xlane v63, v4;
	v35 =	vmul.f32 v14, v25  }
0x7a: {  	v54 =	vld [tilespmem:s24+$0x1B0];
	v13 =	vmul.f32 v13, v24;
	v24 =	vxor.u32 v3, v36;
	v36 =	vperm.xlane v59, v7  }
0x7b: {  	v48 =	vxor.u32 v3, v46;
	v37 =	vmul.f32 v20, v20;
	v24 =	vmul.f32 v24, v39  }
0x7c: {  	v57 =	vadd.f32 v34, v52;
	v38 =	vperm.xlane v20, v1;
	v17 =	vmul.f32 v14, v35  }
0x7d: {  	v15 =	vxor.u32 v0, v15;
	v39 =	vperm.xlane v20, v2;
	v41 =	vperm.xlane v37, v1  }
0x7e: {  	v15 =	vmul.f32 v15, v23;
	v23 =	vperm.xlane v23, v10;
	v17 =	vsub.f32 $1.500000000e+00, v17  }
0x7f: {  	v60 =	vperm.xlane v57, v2;
	v13 =	vmul.f32 v13, v54;
	v43 =	vadd.f32 v41, v37  }
0x80: {  	v15 =	vadd.f32 v24, v15;
	v24 =	vxor.u32 v0, v45;
	v14 =	vmul.f32 v14, v17  }
0x81: {  	v19 =	vxor.u32 v8, v19;
	v24 =	vmul.f32 v24, v22;
	v26 =	vperm.xlane v43, v2  }
0x82: {  	v58 =	vxor.u32 v8, v29;
	v22 =	vperm.xlane v22, v10;
	v25 =	vmul.f32 v14, v25  }
0x83: {  	v54 =	vperm.xlane v27, v1;
	v19 =	vmul.f32 v19, v23;
	v17 =	vadd.f32 v26, v43  }
0x84: {  	v15 =	vadd.f32 v44, v15;
	v22 =	vmul.f32 v58, v22;
	v43 =	vld [tilespmem:s24+$0x81E0];
	v47 =	vmul.f32 v25, v14  }
0x85: {  	v25 =	vmul.f32 v48, v50;
	v51 =	vshra.s32 v17, $0x1;
	v17 =	vmul.f32 $5.000000000e-01, v17  }
0x86: {  	v35 =	vld [tilespmem:s24+$0x1C0];
	v26 =	vxor.u32 v5, v49;
	v30 =	vsub.s32 $0x5F3759DF, v51;
	v23 =	vsub.f32 $1.500000000e+00, v47  }
0x87: {  	v26 =	vmul.f32 v26, v55;
	v24 =	vadd.f32 v25, v24;
	v53 =	vmul.f32 v30, v17  }
0x88: {  	v15 =	vadd.f32 v19, v15;
	v14 =	vmul.f32 v23, v14;
	v23 =	vperm.xlane v59, v9  }
0x89: {  	v55 =	vld [tilespmem:s24+$0x81F0];
	v24 =	vadd.f32 v26, v24;
	v49 =	vperm.xlane v43, v4;
	v56 =	vmul.f32 v30, v53  }
0x8a: {  	v26 =	vadd.f32 v60, v57;
	v57 =	vperm.xlane v27, v2;
	v53 =	vperm.xlane v43, v7  }
0x8b: {  	v14 =	vmul.f32 v14, v35;
	v35 =	vperm.xlane v59, v6;
	v25 =	vsub.f32 $1.500000000e+00, v56  }
0x8c: {  	v24 =	vadd.f32 v22, v24;
	v22 =	vmul.f32 v13, v15;
	v15 =	vmul.f32 $5.000000000e-01, v26  }
0x8d: {  	v59 =	vperm.xlane v27, v10;
	v29 =	vxor.u32 v3, v35;
	v61 =	vmul.f32 v30, v25  }
0x8e: {  	v25 =	vld [tilespmem:s24+$0x41F0];
	v29 =	vmul.f32 v29, v38;
	v30 =	vxor.u32 v5, v36;
	v36 =	vperm.xlane v55, v4  }
0x8f: {  	v38 =	vperm.xlane v55, v7;
	v42 =	vmul.f32 v30, v39  }
0x90: {  	v13 =	vmul.f32 v61, v17;
	v17 =	vmul.f32 v14, v24;
	v14 =	vshra.s32 v26, $0x1  }
0x91: {  	v30 =	vperm.xlane v43, v9;
	v24 =	vxor.u32 v0, v62;
	v14 =	vsub.s32 $0x5F3759DF, v14  }
0x92: {  	v23 =	vxor.u32 v8, v23;
	v24 =	vmul.f32 v24, v20;
	v26 =	vmul.f32 v14, v15  }
0x93: {  	v20 =	vperm.xlane v20, v10;
	v30 =	vxor.u32 v8, v30;
	v63 =	vmul.f32 v25, v25  }
0x94: {  	v13 =	vmul.f32 v13, v61;
	v24 =	vadd.f32 v29, v24;
	v29 =	vld [tilespmem:s24+$0x4200];
	v26 =	vmul.f32 v14, v26  }
0x95: {  	v62 =	vmul.f32 v30, v59;
	v30 =	vxor.u32 v0, v36;
	v37 =	vperm.xlane v63, v1  }
0x96: {  	v20 =	vmul.f32 v23, v20;
	v13 =	vsub.f32 $1.500000000e+00, v13;
	v26 =	vsub.f32 $1.500000000e+00, v26  }
0x97: {  	v40 =	vld [tilespmem:s24+$0x1D0];
	v39 =	vperm.xlane v25, v1;
	v30 =	vmul.f32 v30, v25;
	v28 =	vadd.f32 v37, v63  }
0x98: {  	v44 =	vadd.f32 v42, v24;
	v13 =	vmul.f32 v13, v61;
	v14 =	vmul.f32 v14, v26  }
0x99: {  	v56 =	vmul.f32 v29, v29;
	v41 =	vperm.xlane v28, v2  }
0x9a: {  	v19 =	vadd.f32 v20, v44;
	v37 =	vperm.xlane v55, v6;
	v15 =	vmul.f32 v14, v15  }
0x9b: {  	v44 =	vperm.xlane v25, v2;
	v60 =	vperm.xlane v56, v1;
	v26 =	vadd.f32 v41, v28  }
0x9c: {  	v51 =	vxor.u32 v0, v49;
	v13 =	vmul.f32 v13, v40;
	v15 =	vmul.f32 v15, v14  }
0x9d: {  	v25 =	vperm.xlane v25, v10;
	v63 =	vadd.f32 v60, v56;
	v45 =	vshra.s32 v26, $0x1  }
0x9e: {  	v46 =	vmul.f32 $5.000000000e-01, v26;
	v48 =	vsub.f32 $1.500000000e+00, v15;
	v15 =	vmul.f32 v13, v19  }
0x9f: {  	v47 =	vsub.s32 $0x5F3759DF, v45;
	v13 =	vperm.xlane v43, v6;
	v19 =	vmul.f32 v51, v27;
	v27 =	vld [tilespmem:s24+$0x4210]  }
0xa0: {  	v31 =	vperm.xlane v63, v2;
	v43 =	vld [tilespmem:s24+$0x1E0];
	v50 =	vmul.f32 v47, v46  }
0xa1: {  	v40 =	vxor.u32 v5, v38;
	v28 =	vperm.xlane v55, v9;
	v14 =	vmul.f32 v48, v14  }
0xa2: {  	v13 =	vxor.u32 v3, v13;
	v26 =	vadd.f32 v31, v63;
	v52 =	vmul.f32 v47, v50  }
0xa3: {  	v31 =	vmul.f32 v40, v44;
	v48 =	vld [tilespmem:s24+$0x8200];
	v13 =	vmul.f32 v13, v54  }
0xa4: {  	v42 =	vshra.s32 v26, $0x1;
	v26 =	vmul.f32 $5.000000000e-01, v26;
	v23 =	vsub.f32 $1.500000000e+00, v52  }
0xa5: {  	v63 =	vld [tilespmem:s24+$0x8210];
	v41 =	vmul.f32 v27, v27;
	v33 =	vsub.s32 $0x5F3759DF, v42;
	v14 =	vmul.f32 v14, v43  }
0xa6: {  	v58 =	vxor.u32 v5, v53;
	v38 =	vperm.xlane v27, v2;
	v45 =	vmul.f32 v33, v26  }
0xa7: {  	v20 =	vmul.f32 v47, v23;
	v23 =	vmul.f32 v58, v57  }
0xa8: {  	v36 =	vperm.xlane v41, v1;
	v55 =	vperm.xlane v48, v4  }
0xa9: {  	v13 =	vadd.f32 v13, v19;
	v58 =	vperm.xlane v48, v6;
	v60 =	vperm.xlane v48, v7  }
0xaa: {  	v35 =	vperm.xlane v63, v9;
	v47 =	vmul.f32 v33, v45  }
0xab: {  	v61 =	vmul.f32 v20, v46;
	v13 =	vadd.f32 v23, v13;
	v23 =	vxor.u32 v3, v37  }
0xac: {  	v32 =	vadd.f32 v36, v41;
	v46 =	vxor.u32 v8, v28;
	v34 =	vxor.u32 v5, v60  }
0xad: {  	v28 =	vld [tilespmem:s24+$0x4220];
	v23 =	vmul.f32 v23, v39;
	v50 =	vsub.f32 $1.500000000e+00, v47;
	v47 =	vperm.xlane v63, v4  }
0xae: {  	v19 =	vmul.f32 v61, v20;
	v49 =	vperm.xlane v32, v2;
	v13 =	vadd.f32 v62, v13  }
0xaf: {  	v61 =	vperm.xlane v29, v1;
	v62 =	vperm.xlane v29, v2;
	v23 =	vadd.f32 v23, v30  }
0xb0: {  	v24 =	vmul.f32 v33, v50;
	v19 =	vsub.f32 $1.500000000e+00, v19;
	v14 =	vmul.f32 v14, v13  }
0xb1: {  	v37 =	vld [tilespmem:s24+$0x1F0];
	v51 =	vadd.f32 v49, v32;
	v45 =	vmul.f32 v34, v62;
	v49 =	vperm.xlane v63, v6  }
0xb2: {  	v32 =	vxor.u32 v3, v58;
	v54 =	vmul.f32 v24, v26;
	v57 =	vmul.f32 v28, v28  }
0xb3: {  	v23 =	vadd.f32 v31, v23;
	v32 =	vmul.f32 v32, v61;
	v19 =	vmul.f32 v19, v20  }
0xb4: {  	v26 =	vxor.u32 v0, v55;
	v20 =	vmul.f32 v46, v25;
	v53 =	vmul.f32 $5.000000000e-01, v51  }
0xb5: {  	v55 =	vxor.u32 v8, v35;
	v26 =	vmul.f32 v26, v29;
	v25 =	vperm.xlane v48, v9  }
0xb6: {  	v29 =	vperm.xlane v29, v10;
	v19 =	vmul.f32 v19, v37;
	v20 =	vadd.f32 v20, v23  }
0xb7: {  	v52 =	vshra.s32 v51, $0x1;
	v51 =	vperm.xlane v63, v7;
	v23 =	vmul.f32 v54, v24  }
0xb8: {  	v58 =	vld [tilespmem:s24+$0x8220];
	v59 =	vperm.xlane v57, v1;
	v13 =	vmul.f32 v19, v20;
	v19 =	vsub.s32 $0x5F3759DF, v52  }
0xb9: {  	v40 =	vld [tilespmem:s24+$0x200];
	v26 =	vadd.f32 v32, v26;
	v23 =	vsub.f32 $1.500000000e+00, v23;
	v56 =	vmul.f32 v19, v53  }
0xba: {  	v25 =	vxor.u32 v8, v25;
	v34 =	vxor.u32 v5, v51;
	v51 =	vperm.xlane v28, v2  }
0xbb: {  	v31 =	vadd.f32 v59, v57;
	v23 =	vmul.f32 v23, v24;
	v24 =	vld [tilespmem:s24+$0x4230];
	v30 =	vmul.f32 v19, v56  }
0xbc: {  	v25 =	vmul.f32 v25, v29;
	v34 =	vmul.f32 v34, v38;
	v26 =	vadd.f32 v45, v26  }
0xbd: {  	v38 =	vperm.xlane v58, v4;
	v44 =	vperm.xlane v31, v2;
	v30 =	vsub.f32 $1.500000000e+00, v30  }
0xbe: {  	v45 =	vperm.xlane v58, v7;
	v25 =	vadd.f32 v25, v26;
	v23 =	vmul.f32 v23, v40  }
0xbf: {  	v26 =	vperm.xlane v58, v9;
	v30 =	vmul.f32 v19, v30;
	v19 =	vadd.f32 v44, v31  }
0xc0: {  	v42 =	vxor.u32 v0, v38;
	v25 =	vmul.f32 v23, v25;
	v52 =	vmul.f32 v24, v24  }
0xc1: {  	v20 =	vmul.f32 v30, v53;
	v31 =	vshra.s32 v19, $0x1;
	v46 =	vmul.f32 $5.000000000e-01, v19  }
0xc2: {  	v19 =	vxor.u32 v0, v47;
	v39 =	vperm.xlane v52, v1;
	v48 =	vsub.s32 $0x5F3759DF, v31  }
0xc3: {  	v53 =	vperm.xlane v27, v1;
	v31 =	vxor.u32 v3, v49;
	v50 =	vmul.f32 v48, v46  }
0xc4: {  	v19 =	vmul.f32 v19, v27;
	v20 =	vmul.f32 v20, v30;
	v36 =	vadd.f32 v39, v52  }
0xc5: {  	v54 =	vld [tilespmem:s24+$0x210];
	v26 =	vxor.u32 v8, v26;
	v31 =	vmul.f32 v31, v53;
	v33 =	vmul.f32 v48, v50  }
0xc6: {  	v44 =	vperm.xlane v28, v1;
	v20 =	vsub.f32 $1.500000000e+00, v20;
	v56 =	vperm.xlane v36, v2  }
0xc7: {  	v27 =	vperm.xlane v27, v10;
	v31 =	vadd.f32 v31, v19;
	v33 =	vsub.f32 $1.500000000e+00, v33  }
0xc8: {  	v39 =	vperm.xlane v58, v6;
	v19 =	vld [tilespmem:s24+$0x4240];
	v20 =	vmul.f32 v20, v30;
	v59 =	vadd.f32 v56, v36  }
0xc9: {  	v27 =	vmul.f32 v55, v27;
	v31 =	vadd.f32 v34, v31;
	v29 =	vmul.f32 v48, v33  }
0xca: {  	v43 =	vxor.u32 v3, v39;
	v20 =	vmul.f32 v20, v54;
	v32 =	vmul.f32 $5.000000000e-01, v59  }
0xcb: {  	v27 =	vadd.f32 v27, v31;
	v31 =	vmul.f32 v42, v28;
	v33 =	vmul.f32 v43, v44  }
0xcc: {  	v60 =	vshra.s32 v59, $0x1;
	v28 =	vperm.xlane v28, v10;
	v59 =	vperm.xlane v24, v1  }
0xcd: {  	v48 =	vld [tilespmem:s24+$0x8230];
	v61 =	vmul.f32 v19, v19;
	v62 =	vsub.s32 $0x5F3759DF, v60;
	v60 =	vperm.xlane v24, v2  }
0xce: {  	v47 =	vxor.u32 v5, v45;
	v57 =	vmul.f32 v29, v46;
	v20 =	vmul.f32 v20, v27  }
0xcf: {  	v36 =	vmul.f32 v62, v32;
	v50 =	vadd.f32 v33, v31;
	v31 =	vmul.f32 v47, v51  }
0xd0: {  	v26 =	vmul.f32 v26, v28;
	v37 =	vperm.xlane v61, v1  }
0xd1: {  	v51 =	vperm.xlane v19, v1;
	v30 =	vmul.f32 v57, v29  }
0xd2: {  	v40 =	vmul.f32 v62, v36;
	v36 =	vld [tilespmem:s24+$0x4250];
	v41 =	vadd.f32 v37, v61;
	v54 =	vperm.xlane v48, v4  }
0xd3: {  	v42 =	vld [tilespmem:s24+$0x220];
	v56 =	vperm.xlane v48, v6;
	v57 =	vperm.xlane v48, v7;
	v63 =	vsub.f32 $1.500000000e+00, v30  }
0xd4: {  	v35 =	vperm.xlane v48, v9;
	v30 =	vadd.f32 v31, v50;
	v46 =	vperm.xlane v41, v2  }
0xd5: {  	v31 =	vld [tilespmem:s24+$0x4260];
	v28 =	vxor.u32 v0, v54;
	v37 =	vxor.u32 v5, v57;
	v27 =	vmul.f32 v63, v29  }
0xd6: {  	v29 =	vsub.f32 $1.500000000e+00, v40;
	v28 =	vmul.f32 v28, v24;
	v37 =	vmul.f32 v37, v60  }
0xd7: {  	v24 =	vperm.xlane v24, v10;
	v40 =	vld [tilespmem:s24+$0x8240];
	v49 =	vadd.f32 v46, v41;
	v58 =	vmul.f32 v36, v36  }
0xd8: {  	v26 =	vadd.f32 v26, v30;
	v23 =	vmul.f32 v62, v29;
	v27 =	vmul.f32 v27, v42  }
0xd9: {  	v62 =	vxor.u32 v8, v35;
	v29 =	vmul.f32 $5.000000000e-01, v49;
	v41 =	vperm.xlane v58, v1  }
0xda: {  	v52 =	vshra.s32 v49, $0x1;
	v24 =	vmul.f32 v62, v24;
	v46 =	vmul.f32 v31, v31  }
0xdb: {  	v54 =	vld [tilespmem:s24+$0x8250];
	v32 =	vmul.f32 v23, v32;
	v33 =	vsub.s32 $0x5F3759DF, v52;
	v26 =	vmul.f32 v27, v26  }
0xdc: {  	v53 =	vmul.f32 v33, v29;
	v47 =	vperm.xlane v40, v4  }
0xdd: {  	v48 =	vperm.xlane v46, v1;
	v49 =	vperm.xlane v40, v6  }
0xde: {  	v38 =	vadd.f32 v41, v58;
	v50 =	vperm.xlane v40, v7;
	v30 =	vperm.xlane v40, v9  }
0xdf: {  	v32 =	vmul.f32 v32, v23;
	v34 =	vmul.f32 v33, v53  }
0xe0: {  	v61 =	vld [tilespmem:s24+$0x230];
	v58 =	vperm.xlane v54, v4;
	v39 =	vperm.xlane v38, v2  }
0xe1: {  	v55 =	vsub.f32 $1.500000000e+00, v32;
	v32 =	vxor.u32 v3, v56;
	v34 =	vsub.f32 $1.500000000e+00, v34  }
0xe2: {  	v53 =	vperm.xlane v19, v2;
	v32 =	vmul.f32 v32, v59;
	v35 =	vadd.f32 v39, v38  }
0xe3: {  	v23 =	vmul.f32 v55, v23;
	v33 =	vmul.f32 v33, v34  }
0xe4: {  	v28 =	vadd.f32 v32, v28;
	v42 =	vshra.s32 v35, $0x1;
	v43 =	vmul.f32 $5.000000000e-01, v35  }
0xe5: {  	v38 =	vld [tilespmem:s24+$0x4270];
	v32 =	vxor.u32 v0, v47;
	v35 =	vxor.u32 v3, v49;
	v23 =	vmul.f32 v23, v61  }
0xe6: {  	v30 =	vxor.u32 v8, v30;
	v32 =	vmul.f32 v32, v19;
	v34 =	vmul.f32 v35, v51  }
0xe7: {  	v27 =	vsub.s32 $0x5F3759DF, v42;
	v19 =	vperm.xlane v19, v10;
	v51 =	vperm.xlane v36, v2  }
0xe8: {  	v49 =	vld [tilespmem:s24+$0x8260];
	v29 =	vmul.f32 v33, v29;
	v28 =	vadd.f32 v37, v28;
	v37 =	vxor.u32 v5, v50  }
0xe9: {  	v61 =	vxor.u32 v0, v58;
	v45 =	vmul.f32 v27, v43;
	v55 =	vmul.f32 v37, v53  }
0xea: {  	v32 =	vadd.f32 v34, v32;
	v57 =	vmul.f32 v38, v38;
	v29 =	vmul.f32 v29, v33  }
0xeb: {  	v63 =	vld [tilespmem:s24+$0x240];
	v19 =	vmul.f32 v30, v19;
	v24 =	vadd.f32 v24, v28;
	v28 =	vmul.f32 v27, v45  }
0xec: {  	v45 =	vperm.xlane v54, v9;
	v60 =	vperm.xlane v57, v1;
	v41 =	vsub.f32 $1.500000000e+00, v29  }
0xed: {  	v58 =	vperm.xlane v49, v7;
	v23 =	vmul.f32 v23, v24;
	v28 =	vsub.f32 $1.500000000e+00, v28  }
0xee: {  	v39 =	vld [tilespmem:s24+$0x4280];
	v30 =	vadd.f32 v60, v57;
	v57 =	vperm.xlane v31, v1;
	v44 =	vmul.f32 v41, v33  }
0xef: {  	v33 =	vadd.f32 v48, v46;
	v27 =	vmul.f32 v27, v28;
	v46 =	vperm.xlane v36, v1  }
0xf0: {  	v47 =	vperm.xlane v30, v2;
	v24 =	vmul.f32 v44, v63  }
0xf1: {  	v32 =	vadd.f32 v55, v32;
	v52 =	vperm.xlane v33, v2;
	v29 =	vmul.f32 v27, v43  }
0xf2: {  	v35 =	vxor.u32 v8, v45;
	v63 =	vperm.xlane v54, v6;
	v44 =	vperm.xlane v54, v7  }
0xf3: {  	v19 =	vadd.f32 v19, v32;
	v54 =	vperm.xlane v49, v4;
	v43 =	vmul.f32 v39, v39  }
0xf4: {  	v30 =	vadd.f32 v47, v30;
	v28 =	vadd.f32 v52, v33;
	v29 =	vmul.f32 v29, v27  }
0xf5: {  	v37 =	vxor.u32 v3, v63;
	v50 =	vxor.u32 v5, v44;
	v44 =	vperm.xlane v31, v2  }
0xf6: {  	v32 =	vxor.u32 v0, v54;
	v45 =	vperm.xlane v43, v1;
	v48 =	vmul.f32 v37, v46  }
0xf7: {  	v52 =	vmul.f32 v50, v51;
	v53 =	vshra.s32 v30, $0x1;
	v30 =	vmul.f32 $5.000000000e-01, v30  }
0xf8: {  	v42 =	vxor.u32 v5, v58;
	v32 =	vmul.f32 v32, v31;
	v37 =	vperm.xlane v49, v9  }
0xf9: {  	v63 =	vld [tilespmem:s24+$0x8270];
	v56 =	vshra.s32 v28, $0x1;
	v28 =	vmul.f32 $5.000000000e-01, v28;
	v29 =	vsub.f32 $1.500000000e+00, v29  }
0xfa: {  	v31 =	vperm.xlane v31, v10;
	v60 =	vmul.f32 v42, v44;
	v34 =	vsub.s32 $0x5F3759DF, v56  }
0xfb: {  	v59 =	vmul.f32 v34, v28;
	v27 =	vmul.f32 v29, v27  }
0xfc: {  	v29 =	vmul.f32 v61, v36;
	v36 =	vperm.xlane v36, v10  }
0xfd: {  	v56 =	vperm.xlane v49, v6;
	v61 =	vadd.f32 v45, v43;
	v62 =	vmul.f32 v34, v59  }
0xfe: {  	v50 =	vperm.xlane v63, v4;
	v29 =	vadd.f32 v48, v29;
	v35 =	vmul.f32 v35, v36  }
0xff: {  	v36 =	vxor.u32 v3, v56;
	v59 =	vld [tilespmem:s24+$0x250];
	v44 =	vperm.xlane v61, v2;
	v33 =	vsub.f32 $1.500000000e+00, v62  }
0x100: {  	v56 =	vperm.xlane v38, v1;
	v36 =	vmul.f32 v36, v57;
	v29 =	vadd.f32 v52, v29  }
0x101: {  	v62 =	vxor.u32 v8, v37;
	v33 =	vmul.f32 v34, v33;
	v34 =	vsub.s32 $0x5F3759DF, v53  }
0x102: {  	v57 =	vld [tilespmem:s24+$0x8280];
	v32 =	vadd.f32 v36, v32;
	v31 =	vmul.f32 v62, v31;
	v55 =	vmul.f32 v34, v30  }
0x103: {  	v36 =	vadd.f32 v44, v61;
	v53 =	vperm.xlane v63, v6;
	v28 =	vmul.f32 v33, v28  }
0x104: {  	v29 =	vadd.f32 v35, v29;
	v45 =	vmul.f32 v27, v59;
	v40 =	vmul.f32 v34, v55  }
0x105: {  	v35 =	vld [tilespmem:s24+$0x4290];
	v32 =	vadd.f32 v60, v32;
	v27 =	vmul.f32 v24, v19;
	v28 =	vmul.f32 v28, v33  }
0x106: {  	v46 =	vld [tilespmem:s24+$0x260];
	v49 =	vmul.f32 $5.000000000e-01, v36;
	v60 =	vperm.xlane v38, v2;
	v40 =	vsub.f32 $1.500000000e+00, v40  }
0x107: {  	v62 =	vperm.xlane v57, v4;
	v37 =	vperm.xlane v57, v9;
	v28 =	vsub.f32 $1.500000000e+00, v28  }
0x108: {  	v24 =	vmul.f32 v45, v29;
	v34 =	vmul.f32 v34, v40  }
0x109: {  	v31 =	vadd.f32 v31, v32;
	v55 =	vperm.xlane v63, v7;
	v28 =	vmul.f32 v28, v33  }
0x10a: {  	v32 =	vxor.u32 v3, v53;
	v52 =	vmul.f32 v35, v35;
	v30 =	vmul.f32 v34, v30  }
0x10b: {  	v16 =	vadd.f32 $0.0e+00, v16;
	v32 =	vmul.f32 v32, v56;
	v28 =	vmul.f32 v28, v46  }
0x10c: {  	v48 =	vshra.s32 v36, $0x1;
	v54 =	vperm.xlane v52, v1;
	v30 =	vmul.f32 v30, v34  }
0x10d: {  	v40 =	vxor.u32 v5, v55;
	v19 =	vmul.f32 v28, v31;
	v28 =	vsub.s32 $0x5F3759DF, v48  }
0x10e: {  	v33 =	vperm.xlane v63, v9;
	v47 =	vsub.f32 $1.500000000e+00, v30;
	v51 =	vmul.f32 v28, v49  }
0x10f: {  	v61 =	vmul.f32 v40, v60;
	v36 =	vadd.f32 v54, v52;
	v52 =	vperm.xlane v39, v2  }
0x110: {  	v31 =	vxor.u32 v0, v50;
	v29 =	vmul.f32 v47, v34;
	v34 =	vmul.f32 v28, v51  }
0x111: {  	v21 =	vadd.f32 v21, v16;
	v31 =	vmul.f32 v31, v38;
	v38 =	vperm.xlane v38, v10  }
0x112: {  	v33 =	vxor.u32 v8, v33;
	v59 =	vperm.xlane v36, v2;
	v34 =	vsub.f32 $1.500000000e+00, v34  }
0x113: {  	v50 =	vperm.xlane v39, v1;
	v31 =	vadd.f32 v32, v31;
	v33 =	vmul.f32 v33, v38  }
0x114: {  	v47 =	vperm.xlane v57, v6;
	v58 =	vmul.f32 v28, v34;
	v34 =	vld [tilespmem:s24+$0x42A0];
	v28 =	vadd.f32 v59, v36  }
0x115: {  	v38 =	vxor.u32 v0, v62;
	v51 =	vperm.xlane v57, v7;
	v57 =	vperm.xlane v39, v10  }
0x116: {  	v38 =	vmul.f32 v38, v39;
	v36 =	vshra.s32 v28, $0x1;
	v28 =	vmul.f32 $5.000000000e-01, v28  }
0x117: {  	v46 =	vld [tilespmem:s24+$0x270];
	v32 =	vxor.u32 v3, v47;
	v30 =	vmul.f32 v58, v49;
	v36 =	vsub.s32 $0x5F3759DF, v36  }
0x118: {  	v37 =	vxor.u32 v8, v37;
	v32 =	vmul.f32 v32, v50;
	v48 =	vmul.f32 v36, v28  }
0x119: {  	v53 =	vxor.u32 v5, v51;
	v30 =	vmul.f32 v30, v58;
	v63 =	vmul.f32 v34, v34  }
0x11a: {  	v55 =	vld [tilespmem:s24+$0x280];
	v56 =	vmul.f32 v53, v52;
	v32 =	vadd.f32 v32, v38;
	v41 =	vmul.f32 v36, v48  }
0x11b: {  	v31 =	vadd.f32 v61, v31;
	v30 =	vsub.f32 $1.500000000e+00, v30;
	v49 =	vperm.xlane v63, v1  }
0x11c: {  	v29 =	vmul.f32 v29, v46;
	v32 =	vadd.f32 v56, v32;
	v41 =	vsub.f32 $1.500000000e+00, v41  }
0x11d: {  	v16 =	vmul.f32 v30, v58;
	v58 =	vld [tilespmem:s24+$0x8290];
	v30 =	vmul.f32 v37, v57;
	v40 =	vadd.f32 v49, v63  }
0x11e: {  	v50 =	vperm.xlane v35, v2;
	v31 =	vadd.f32 v33, v31;
	v36 =	vmul.f32 v36, v41  }
0x11f: {  	v62 =	vmul.f32 v16, v55;
	v30 =	vadd.f32 v30, v32;
	v54 =	vperm.xlane v40, v2  }
0x120: {  	v21 =	vadd.f32 v18, v21;
	v48 =	vperm.xlane v35, v1;
	v16 =	vmul.f32 v29, v31  }
0x121: {  	v28 =	vmul.f32 v36, v28;
	v18 =	vmul.f32 v62, v30;
	v40 =	vadd.f32 v54, v40  }
0x122: {  	v21 =	vadd.f32 v22, v21;
	v44 =	vperm.xlane v58, v4;
	v46 =	vperm.xlane v58, v6  }
0x123: {  	v28 =	vmul.f32 v28, v36;
	v59 =	vshra.s32 v40, $0x1;
	v60 =	vmul.f32 $5.000000000e-01, v40  }
0x124: {  	v47 =	vperm.xlane v58, v7;
	v39 =	vperm.xlane v58, v9;
	v40 =	vld [tilespmem:s24+$0x42B0];
	v61 =	vsub.s32 $0x5F3759DF, v59  }
0x125: {  	v29 =	vxor.u32 v0, v44;
	v28 =	vsub.f32 $1.500000000e+00, v28;
	v63 =	vmul.f32 v61, v60  }
0x126: {  	v31 =	vxor.u32 v3, v46;
	v29 =	vmul.f32 v29, v35;
	v35 =	vperm.xlane v35, v10  }
0x127: {  	v32 =	vxor.u32 v5, v47;
	v28 =	vmul.f32 v28, v36;
	v36 =	vld [tilespmem:s24+$0x82A0];
	v45 =	vmul.f32 v61, v63  }
0x128: {  	v53 =	vxor.u32 v8, v39;
	v31 =	vmul.f32 v31, v48;
	v22 =	vmul.f32 v32, v50  }
0x129: {  	v33 =	vmul.f32 v53, v35;
	v49 =	vmul.f32 v40, v40;
	v30 =	vsub.f32 $1.500000000e+00, v45  }
0x12a: {  	v32 =	vld [tilespmem:s24+$0x42C0];
	v29 =	vadd.f32 v31, v29;
	v63 =	vperm.xlane v34, v2;
	v47 =	vperm.xlane v40, v1  }
0x12b: {  	v17 =	vadd.f32 v17, v21;
	v51 =	vperm.xlane v49, v1;
	v30 =	vmul.f32 v61, v30  }
0x12c: {  	v22 =	vadd.f32 v22, v29;
	v55 =	vperm.xlane v36, v4;
	v58 =	vperm.xlane v36, v6  }
0x12d: {  	v59 =	vperm.xlane v36, v7;
	v61 =	vperm.xlane v34, v1;
	v52 =	vadd.f32 v51, v49  }
0x12e: {  	v36 =	vperm.xlane v36, v9;
	v38 =	vmul.f32 v30, v60;
	v29 =	vxor.u32 v0, v55  }
0x12f: {  	v49 =	vld [tilespmem:s24+$0x290];
	v37 =	vxor.u32 v3, v58;
	v60 =	vmul.f32 v32, v32;
	v56 =	vperm.xlane v52, v2  }
0x130: {  	v39 =	vxor.u32 v5, v59;
	v55 =	vld [tilespmem:s24+$0x82B0];
	v29 =	vmul.f32 v29, v34;
	v37 =	vmul.f32 v37, v61  }
0x131: {  	v53 =	vxor.u32 v8, v36;
	v36 =	vld [tilespmem:s24+$0x42D0];
	v34 =	vperm.xlane v34, v10;
	v54 =	vmul.f32 v38, v30  }
0x132: {  	v39 =	vmul.f32 v39, v63;
	v48 =	vperm.xlane v60, v1;
	v31 =	vadd.f32 v56, v52  }
0x133: {  	v29 =	vadd.f32 v37, v29;
	v34 =	vmul.f32 v53, v34;
	v57 =	vsub.f32 $1.500000000e+00, v54  }
0x134: {  	v38 =	vadd.f32 v48, v60;
	v28 =	vmul.f32 v28, v49;
	v48 =	vperm.xlane v40, v2  }
0x135: {  	v62 =	vshra.s32 v31, $0x1;
	v31 =	vmul.f32 $5.000000000e-01, v31;
	v61 =	vperm.xlane v55, v4  }
0x136: {  	v22 =	vadd.f32 v33, v22;
	v51 =	vld [tilespmem:s24+$0x2A0];
	v63 =	vmul.f32 v36, v36;
	v45 =	vperm.xlane v55, v7  }
0x137: {  	v41 =	vld [tilespmem:s24+$0x82C0];
	v29 =	vadd.f32 v39, v29;
	v35 =	vperm.xlane v55, v9;
	v30 =	vmul.f32 v57, v30  }
0x138: {  	v42 =	vsub.s32 $0x5F3759DF, v62;
	v54 =	vperm.xlane v38, v2;
	v28 =	vmul.f32 v28, v22  }
0x139: {  	v17 =	vadd.f32 v15, v17;
	v62 =	vperm.xlane v55, v6;
	v50 =	vmul.f32 v42, v31  }
0x13a: {  	v29 =	vadd.f32 v34, v29;
	v46 =	vperm.xlane v63, v1;
	v39 =	vxor.u32 v5, v45  }
0x13b: {  	v56 =	vadd.f32 v54, v38;
	v30 =	vmul.f32 v30, v51;
	v49 =	vmul.f32 v39, v48  }
0x13c: {  	v21 =	vxor.u32 v3, v62;
	v51 =	vperm.xlane v40, v10;
	v54 =	vperm.xlane v41, v4  }
0x13d: {  	v52 =	vmul.f32 v42, v50;
	v38 =	vadd.f32 v46, v63;
	v21 =	vmul.f32 v21, v47  }
0x13e: {  	v63 =	vperm.xlane v32, v2;
	v58 =	vshra.s32 v56, $0x1;
	v33 =	vmul.f32 $5.000000000e-01, v56  }
0x13f: {  	v22 =	vmul.f32 v30, v29;
	v56 =	vperm.xlane v41, v6;
	v37 =	vsub.f32 $1.500000000e+00, v52  }
0x140: {  	v34 =	vxor.u32 v0, v54;
	v60 =	vsub.s32 $0x5F3759DF, v58;
	v50 =	vperm.xlane v38, v2  }
0x141: {  	v52 =	vxor.u32 v8, v35;
	v57 =	vmul.f32 v42, v37;
	v37 =	vmul.f32 v60, v33  }
0x142: {  	v58 =	vperm.xlane v41, v7;
	v34 =	vmul.f32 v34, v32;
	v53 =	vadd.f32 v50, v38  }
0x143: {  	v59 =	vmul.f32 v57, v31;
	v31 =	vxor.u32 v0, v61;
	v37 =	vmul.f32 v60, v37  }
0x144: {  	v55 =	vshra.s32 v53, $0x1;
	v35 =	vmul.f32 $5.000000000e-01, v53;
	v53 =	vld [tilespmem:s24+$0x82D0];
	v31 =	vmul.f32 v31, v40  }
0x145: {  	v41 =	vperm.xlane v41, v9;
	v40 =	vxor.u32 v5, v58;
	v37 =	vsub.f32 $1.500000000e+00, v37  }
0x146: {  	v42 =	vld [tilespmem:s24+$0x42E0];
	v29 =	vmul.f32 v59, v57;
	v21 =	vadd.f32 v21, v31;
	v31 =	vmul.f32 v52, v51  }
0x147: {  	v30 =	vmul.f32 v60, v37;
	v37 =	vsub.s32 $0x5F3759DF, v55;
	v60 =	vperm.xlane v32, v1  }
0x148: {  	v29 =	vsub.f32 $1.500000000e+00, v29;
	v32 =	vperm.xlane v32, v10;
	v59 =	vmul.f32 v37, v35  }
0x149: {  	v21 =	vadd.f32 v49, v21;
	v49 =	vmul.f32 v40, v63;
	v15 =	vperm.xlane v53, v6  }
0x14a: {  	v62 =	vld [tilespmem:s24+$0x2B0];
	v38 =	vxor.u32 v3, v56;
	v63 =	vperm.xlane v53, v7;
	v33 =	vmul.f32 v30, v33  }
0x14b: {  	v50 =	vxor.u32 v8, v41;
	v29 =	vmul.f32 v29, v57;
	v57 =	vmul.f32 v42, v42  }
0x14c: {  	v14 =	vadd.f32 v14, v17;
	v38 =	vmul.f32 v38, v60;
	v32 =	vmul.f32 v50, v32  }
0x14d: {  	v50 =	vperm.xlane v36, v1;
	v43 =	vmul.f32 v37, v59;
	v21 =	vadd.f32 v31, v21  }
0x14e: {  	v15 =	vxor.u32 v3, v15;
	v33 =	vmul.f32 v33, v30;
	v61 =	vperm.xlane v57, v1  }
0x14f: {  	v34 =	vadd.f32 v38, v34;
	v29 =	vmul.f32 v29, v62;
	v15 =	vmul.f32 v15, v50  }
0x150: {  	v48 =	vld [tilespmem:s24+$0x2C0];
	v50 =	vperm.xlane v42, v2;
	v43 =	vsub.f32 $1.500000000e+00, v43;
	v33 =	vsub.f32 $1.500000000e+00, v33  }
0x151: {  	v39 =	vadd.f32 v61, v57;
	v29 =	vmul.f32 v29, v21;
	v61 =	vperm.xlane v53, v4  }
0x152: {  	v52 =	vadd.f32 v49, v34;
	v34 =	vperm.xlane v53, v9;
	v37 =	vmul.f32 v37, v43  }
0x153: {  	v25 =	vadd.f32 $0.0e+00, v25;
	v43 =	vld [tilespmem:s24+$0x4300];
	v51 =	vperm.xlane v39, v2;
	v30 =	vmul.f32 v33, v30  }
0x154: {  	v55 =	vadd.f32 v32, v52;
	v32 =	vxor.u32 v0, v61;
	v52 =	vld [tilespmem:s24+$0x82E0];
	v35 =	vmul.f32 v37, v35  }
0x155: {  	v32 =	vmul.f32 v32, v36;
	v54 =	vadd.f32 v51, v39;
	v39 =	vld [tilespmem:s24+$0x42F0];
	v30 =	vmul.f32 v30, v48  }
0x156: {  	v34 =	vxor.u32 v8, v34;
	v51 =	vperm.xlane v36, v2;
	v56 =	vmul.f32 v35, v37  }
0x157: {  	v57 =	vshra.s32 v54, $0x1;
	v58 =	vmul.f32 $5.000000000e-01, v54;
	v21 =	vmul.f32 v30, v55  }
0x158: {  	v49 =	vld [tilespmem:s24+$0x2D0];
	v55 =	vperm.xlane v36, v10;
	v61 =	vmul.f32 v43, v43;
	v59 =	vsub.s32 $0x5F3759DF, v57  }
0x159: {  	v60 =	vsub.f32 $1.500000000e+00, v56;
	v40 =	vperm.xlane v52, v9;
	v33 =	vmul.f32 v59, v58  }
0x15a: {  	v15 =	vadd.f32 v15, v32;
	v32 =	vmul.f32 v34, v55;
	v62 =	vmul.f32 v39, v39  }
0x15b: {  	v31 =	vmul.f32 v60, v37;
	v37 =	vxor.u32 v5, v63;
	v60 =	vperm.xlane v52, v6  }
0x15c: {  	v20 =	vadd.f32 v20, v25;
	v55 =	vld [tilespmem:s24+$0x82F0];
	v33 =	vmul.f32 v59, v33;
	v53 =	vmul.f32 v37, v51  }
0x15d: {  	v47 =	vadd.f32 $0.0e+00, v18;
	v48 =	vperm.xlane v62, v1;
	v31 =	vmul.f32 v31, v49  }
0x15e: {  	v37 =	vxor.u32 v3, v60;
	v49 =	vperm.xlane v42, v1;
	v15 =	vadd.f32 v53, v15  }
0x15f: {  	v53 =	vperm.xlane v42, v10;
	v38 =	vadd.f32 v48, v62;
	v62 =	vperm.xlane v52, v7  }
0x160: {  	v33 =	vsub.f32 $1.500000000e+00, v33;
	v48 =	vperm.xlane v61, v1;
	v37 =	vmul.f32 v37, v49  }
0x161: {  	v28 =	vadd.f32 v28, v47;
	v45 =	vperm.xlane v55, v6;
	v46 =	vperm.xlane v55, v7  }
0x162: {  	v49 =	vperm.xlane v39, v1;
	v30 =	vmul.f32 v59, v33;
	v15 =	vadd.f32 v32, v15  }
0x163: {  	v54 =	vperm.xlane v38, v2;
	v32 =	vxor.u32 v5, v62;
	v62 =	vperm.xlane v55, v4  }
0x164: {  	v28 =	vadd.f32 v22, v28;
	v35 =	vmul.f32 v30, v58;
	v58 =	vperm.xlane v52, v4  }
0x165: {  	v32 =	vmul.f32 v32, v50;
	v25 =	vmul.f32 v31, v15;
	v50 =	vld [tilespmem:s24+$0x8300];
	v56 =	vadd.f32 v54, v38  }
0x166: {  	v38 =	vadd.f32 v48, v61;
	v54 =	vxor.u32 v8, v40;
	v44 =	vxor.u32 v0, v62  }
0x167: {  	v40 =	vld [tilespmem:s24+$0x4310];
	v57 =	vmul.f32 v35, v30;
	v59 =	vshra.s32 v56, $0x1;
	v36 =	vmul.f32 $5.000000000e-01, v56  }
0x168: {  	v34 =	vxor.u32 v0, v58;
	v52 =	vperm.xlane v38, v2;
	v35 =	vsub.s32 $0x5F3759DF, v59  }
0x169: {  	v34 =	vmul.f32 v34, v42;
	v33 =	vsub.f32 $1.500000000e+00, v57;
	v63 =	vmul.f32 v35, v36  }
0x16a: {  	v51 =	vld [tilespmem:s24+$0x2E0];
	v38 =	vadd.f32 v52, v38;
	v52 =	vperm.xlane v39, v2;
	v62 =	vperm.xlane v50, v7  }
0x16b: {  	v34 =	vadd.f32 v37, v34;
	v30 =	vmul.f32 v33, v30;
	v33 =	vmul.f32 v54, v53  }
0x16c: {  	v28 =	vadd.f32 v29, v28;
	v61 =	vmul.f32 v40, v40;
	v53 =	vperm.xlane v39, v10  }
0x16d: {  	v41 =	vmul.f32 v35, v63;
	v32 =	vadd.f32 v32, v34;
	v56 =	vshra.s32 v38, $0x1  }
0x16e: {  	v38 =	vmul.f32 $5.000000000e-01, v38;
	v63 =	vadd.f32 v26, v20;
	v34 =	vperm.xlane v55, v9  }
0x16f: {  	v26 =	vmul.f32 v44, v39;
	v30 =	vmul.f32 v30, v51;
	v58 =	vsub.s32 $0x5F3759DF, v56  }
0x170: {  	v42 =	vperm.xlane v61, v1;
	v56 =	vperm.xlane v50, v4;
	v41 =	vsub.f32 $1.500000000e+00, v41  }
0x171: {  	v32 =	vadd.f32 v33, v32;
	v59 =	vmul.f32 v58, v38;
	v34 =	vxor.u32 v8, v34  }
0x172: {  	v23 =	vadd.f32 v23, v63;
	v63 =	vperm.xlane v43, v1;
	v18 =	vmul.f32 v34, v53  }
0x173: {  	v48 =	vxor.u32 v3, v45;
	v35 =	vmul.f32 v35, v41;
	v15 =	vmul.f32 v30, v32  }
0x174: {  	v20 =	vadd.f32 v42, v61;
	v42 =	vld [tilespmem:s24+$0x4320];
	v31 =	vmul.f32 v58, v59;
	v59 =	vperm.xlane v50, v6  }
0x175: {  	v21 =	vadd.f32 v21, v28;
	v30 =	vmul.f32 v48, v49;
	v36 =	vmul.f32 v35, v36  }
0x176: {  	v22 =	vld [tilespmem:s24+$0x8310];
	v51 =	vperm.xlane v20, v2;
	v31 =	vsub.f32 $1.500000000e+00, v31;
	v32 =	vxor.u32 v3, v59  }
0x177: {  	v33 =	vxor.u32 v5, v46;
	v32 =	vmul.f32 v32, v63;
	v57 =	vmul.f32 v36, v35  }
0x178: {  	v31 =	vmul.f32 v58, v31;
	v36 =	vadd.f32 v51, v20;
	v20 =	vmul.f32 v33, v52  }
0x179: {  	v58 =	vmul.f32 v42, v42;
	v51 =	vperm.xlane v43, v10;
	v60 =	vsub.f32 $1.500000000e+00, v57  }
0x17a: {  	v38 =	vmul.f32 v31, v38;
	v55 =	vshra.s32 v36, $0x1;
	v36 =	vmul.f32 $5.000000000e-01, v36  }
0x17b: {  	v61 =	vperm.xlane v58, v1;
	v34 =	vsub.s32 $0x5F3759DF, v55;
	v55 =	vperm.xlane v22, v6  }
0x17c: {  	v27 =	vadd.f32 v27, v23;
	v17 =	vmul.f32 v60, v35;
	v54 =	vmul.f32 v38, v31  }
0x17d: {  	v49 =	vxor.u32 v5, v62;
	v57 =	vmul.f32 v34, v36;
	v35 =	vperm.xlane v50, v9  }
0x17e: {  	v60 =	vxor.u32 v0, v56;
	v50 =	vperm.xlane v43, v2;
	v56 =	vperm.xlane v22, v7  }
0x17f: {  	v38 =	vadd.f32 v61, v58;
	v58 =	vperm.xlane v40, v1;
	v47 =	vmul.f32 v60, v43  }
0x180: {  	v41 =	vxor.u32 v3, v55;
	v60 =	vperm.xlane v40, v2;
	v37 =	vmul.f32 v34, v57  }
0x181: {  	v33 =	vsub.f32 $1.500000000e+00, v54;
	v48 =	vperm.xlane v38, v2;
	v52 =	vmul.f32 v49, v50  }
0x182: {  	v62 =	vld [tilespmem:s24+$0x300];
	v35 =	vxor.u32 v8, v35;
	v54 =	vperm.xlane v22, v4;
	v41 =	vmul.f32 v41, v58  }
0x183: {  	v22 =	vperm.xlane v22, v9;
	v23 =	vadd.f32 v32, v47;
	v35 =	vmul.f32 v35, v51  }
0x184: {  	v32 =	vxor.u32 v5, v56;
	v31 =	vmul.f32 v33, v31;
	v37 =	vsub.f32 $1.500000000e+00, v37  }
0x185: {  	v39 =	vxor.u32 v0, v54;
	v32 =	vmul.f32 v32, v60;
	v23 =	vadd.f32 v52, v23  }
0x186: {  	v39 =	vmul.f32 v39, v40;
	v33 =	vmul.f32 v34, v37;
	v34 =	vadd.f32 v48, v38;
	v38 =	vld [tilespmem:s24+$0x4330]  }
0x187: {  	v22 =	vxor.u32 v8, v22;
	v40 =	vperm.xlane v40, v10;
	v31 =	vmul.f32 v31, v62;
	v48 =	vld [tilespmem:s24+$0x8320]  }
0x188: {  	v39 =	vadd.f32 v41, v39;
	v23 =	vadd.f32 v35, v23;
	v36 =	vmul.f32 v33, v36  }
0x189: {  	v22 =	vmul.f32 v22, v40;
	v53 =	vshra.s32 v34, $0x1;
	v34 =	vmul.f32 $5.000000000e-01, v34  }
0x18a: {  	v41 =	vld [tilespmem:s24+$0x4340];
	v37 =	vsub.s32 $0x5F3759DF, v53;
	v23 =	vmul.f32 v31, v23;
	v36 =	vmul.f32 v36, v33  }
0x18b: {  	v21 =	vadd.f32 v25, v21;
	v57 =	vmul.f32 v37, v34;
	v59 =	vmul.f32 v38, v38  }
0x18c: {  	v24 =	vadd.f32 v24, v27;
	v55 =	vperm.xlane v48, v4;
	v56 =	vperm.xlane v48, v6  }
0x18d: {  	v32 =	vadd.f32 v32, v39;
	v58 =	vperm.xlane v48, v7;
	v35 =	vperm.xlane v48, v9  }
0x18e: {  	v63 =	vld [tilespmem:s24+$0x310];
	v48 =	vperm.xlane v42, v2;
	v43 =	vmul.f32 v37, v57;
	v36 =	vsub.f32 $1.500000000e+00, v36  }
0x18f: {  	v22 =	vadd.f32 v22, v32;
	v51 =	vmul.f32 v41, v41;
	v61 =	vperm.xlane v59, v1  }
0x190: {  	v29 =	vxor.u32 v0, v55;
	v43 =	vsub.f32 $1.500000000e+00, v43;
	v33 =	vmul.f32 v36, v33  }
0x191: {  	v54 =	vperm.xlane v51, v1;
	v29 =	vmul.f32 v29, v42;
	v44 =	vadd.f32 v61, v59  }
0x192: {  	v57 =	vxor.u32 v3, v56;
	v59 =	vperm.xlane v42, v1;
	v61 =	vld [tilespmem:s24+$0x8330];
	v37 =	vmul.f32 v37, v43  }
0x193: {  	v39 =	vxor.u32 v5, v58;
	v33 =	vmul.f32 v33, v63;
	v47 =	vperm.xlane v44, v2  }
0x194: {  	v42 =	vperm.xlane v42, v10;
	v63 =	vxor.u32 v8, v35;
	v34 =	vmul.f32 v37, v34  }
0x195: {  	v35 =	vmul.f32 v39, v48;
	v22 =	vmul.f32 v33, v22;
	v36 =	vadd.f32 v47, v44  }
0x196: {  	v44 =	vld [tilespmem:s24+$0x4350];
	v49 =	vmul.f32 v34, v37;
	v34 =	vadd.f32 v54, v51;
	v54 =	vperm.xlane v38, v1  }
0x197: {  	v56 =	vperm.xlane v61, v7;
	v50 =	vshra.s32 v36, $0x1;
	v36 =	vmul.f32 $5.000000000e-01, v36  }
0x198: {  	v40 =	vperm.xlane v61, v9;
	v52 =	vsub.s32 $0x5F3759DF, v50;
	v32 =	vsub.f32 $1.500000000e+00, v49  }
0x199: {  	v26 =	vadd.f32 v30, v26;
	v58 =	vld [tilespmem:s24+$0x320];
	v60 =	vperm.xlane v34, v2;
	v53 =	vmul.f32 v52, v36  }
0x19a: {  	v19 =	vadd.f32 v19, v24;
	v32 =	vmul.f32 v32, v37;
	v37 =	vmul.f32 v57, v59  }
0x19b: {  	v45 =	vld [tilespmem:s24+$0x8340];
	v62 =	vadd.f32 v60, v34;
	v34 =	vmul.f32 v63, v42;
	v55 =	vmul.f32 v44, v44  }
0x19c: {  	v23 =	vadd.f32 $0.0e+00, v23;
	v59 =	vperm.xlane v38, v2;
	v33 =	vmul.f32 v52, v53  }
0x19d: {  	v53 =	vperm.xlane v61, v6;
	v43 =	vshra.s32 v62, $0x1;
	v57 =	vperm.xlane v55, v1  }
0x19e: {  	v29 =	vadd.f32 v37, v29;
	v32 =	vmul.f32 v32, v58;
	v58 =	vperm.xlane v41, v1  }
0x19f: {  	v33 =	vsub.f32 $1.500000000e+00, v33;
	v49 =	vsub.s32 $0x5F3759DF, v43;
	v42 =	vxor.u32 v3, v53  }
0x1a0: {  	v37 =	vmul.f32 v42, v54;
	v42 =	vadd.f32 v57, v55;
	v55 =	vperm.xlane v45, v6  }
0x1a1: {  	v29 =	vadd.f32 v35, v29;
	v57 =	vperm.xlane v45, v7;
	v31 =	vmul.f32 v52, v33  }
0x1a2: {  	v35 =	vxor.u32 v5, v56;
	v33 =	vmul.f32 $5.000000000e-01, v62;
	v52 =	vperm.xlane v61, v4  }
0x1a3: {  	v35 =	vmul.f32 v35, v59;
	v62 =	vperm.xlane v42, v2;
	v29 =	vadd.f32 v34, v29  }
0x1a4: {  	v36 =	vmul.f32 v31, v36;
	v51 =	vmul.f32 v49, v33;
	v28 =	vxor.u32 v0, v52  }
0x1a5: {  	v22 =	vadd.f32 v22, v23;
	v52 =	vperm.xlane v45, v4;
	v28 =	vmul.f32 v28, v38  }
0x1a6: {  	v61 =	vxor.u32 v8, v40;
	v59 =	vld [tilespmem:s24+$0x8350];
	v38 =	vperm.xlane v38, v10;
	v29 =	vmul.f32 v32, v29  }
0x1a7: {  	v46 =	vadd.f32 v62, v42;
	v62 =	vperm.xlane v41, v10;
	v50 =	vmul.f32 v36, v31  }
0x1a8: {  	v36 =	vmul.f32 v49, v51;
	v25 =	vxor.u32 v0, v52;
	v28 =	vadd.f32 v37, v28  }
0x1a9: {  	v63 =	vmul.f32 v61, v38;
	v48 =	vshra.s32 v46, $0x1;
	v37 =	vmul.f32 $5.000000000e-01, v46  }
0x1aa: {  	v60 =	vld [tilespmem:s24+$0x330];
	v25 =	vmul.f32 v25, v41;
	v61 =	vxor.u32 v5, v57;
	v36 =	vsub.f32 $1.500000000e+00, v36  }
0x1ab: {  	v38 =	vld [tilespmem:s24+$0x4360];
	v39 =	vperm.xlane v59, v9;
	v22 =	vadd.f32 v29, v22;
	v27 =	vsub.f32 $1.500000000e+00, v50  }
0x1ac: {  	v28 =	vadd.f32 v35, v28;
	v35 =	vperm.xlane v45, v9;
	v36 =	vmul.f32 v49, v36  }
0x1ad: {  	v27 =	vmul.f32 v27, v31;
	v49 =	vsub.s32 $0x5F3759DF, v48;
	v48 =	vperm.xlane v59, v4  }
0x1ae: {  	v31 =	vxor.u32 v3, v55;
	v55 =	vperm.xlane v59, v7;
	v51 =	vmul.f32 v49, v37  }
0x1af: {  	v28 =	vadd.f32 v63, v28;
	v31 =	vmul.f32 v31, v58;
	v33 =	vmul.f32 v36, v33  }
0x1b0: {  	v34 =	vld [tilespmem:s24+$0x4370];
	v35 =	vxor.u32 v8, v35;
	v27 =	vmul.f32 v27, v60;
	v53 =	vmul.f32 v38, v38  }
0x1b1: {  	v60 =	vperm.xlane v41, v2;
	v46 =	vmul.f32 v35, v62;
	v35 =	vxor.u32 v0, v48  }
0x1b2: {  	v40 =	vxor.u32 v5, v55;
	v54 =	vmul.f32 v49, v51;
	v51 =	vperm.xlane v44, v1  }
0x1b3: {  	v25 =	vadd.f32 v31, v25;
	v35 =	vmul.f32 v35, v44;
	v56 =	vperm.xlane v53, v1  }
0x1b4: {  	v33 =	vmul.f32 v33, v36;
	v27 =	vmul.f32 v27, v28;
	v30 =	vsub.f32 $1.500000000e+00, v54  }
0x1b5: {  	v55 =	vld [tilespmem:s24+$0x8370];
	v54 =	vmul.f32 v34, v34;
	v32 =	vadd.f32 v56, v53;
	v56 =	vperm.xlane v44, v2  }
0x1b6: {  	v47 =	vld [tilespmem:s24+$0x340];
	v33 =	vsub.f32 $1.500000000e+00, v33;
	v28 =	vmul.f32 v49, v30;
	v30 =	vmul.f32 v61, v60  }
0x1b7: {  	v22 =	vadd.f32 v27, v22;
	v49 =	vperm.xlane v59, v6;
	v57 =	vperm.xlane v54, v1  }
0x1b8: {  	v59 =	vperm.xlane v44, v10;
	v61 =	vxor.u32 v8, v39;
	v50 =	vmul.f32 v33, v36  }
0x1b9: {  	v63 =	vperm.xlane v32, v2;
	v45 =	vmul.f32 v28, v37;
	v36 =	vxor.u32 v3, v49  }
0x1ba: {  	v25 =	vadd.f32 v30, v25;
	v62 =	vmul.f32 v61, v59;
	v59 =	vperm.xlane v55, v4  }
0x1bb: {  	v61 =	vperm.xlane v34, v1;
	v24 =	vmul.f32 v50, v47;
	v32 =	vadd.f32 v63, v32  }
0x1bc: {  	v53 =	vmul.f32 v36, v51;
	v36 =	vadd.f32 v57, v54;
	v57 =	vperm.xlane v38, v2  }
0x1bd: {  	v47 =	vmul.f32 v45, v28;
	v25 =	vadd.f32 v46, v25;
	v27 =	vxor.u32 v0, v59  }
0x1be: {  	v50 =	vshra.s32 v32, $0x1;
	v32 =	vmul.f32 $5.000000000e-01, v32;
	v30 =	vadd.f32 v53, v35  }
0x1bf: {  	v58 =	vld [tilespmem:s24+$0x350];
	v35 =	vmul.f32 v40, v56;
	v42 =	vperm.xlane v36, v2;
	v37 =	vsub.s32 $0x5F3759DF, v50  }
0x1c0: {  	v63 =	vld [tilespmem:s24+$0x8360];
	v56 =	vperm.xlane v38, v1;
	v31 =	vsub.f32 $1.500000000e+00, v47;
	v52 =	vmul.f32 v37, v32  }
0x1c1: {  	v39 =	vmul.f32 v27, v34;
	v45 =	vmul.f32 v24, v25  }
0x1c2: {  	v30 =	vadd.f32 v35, v30;
	v28 =	vmul.f32 v31, v28;
	v41 =	vmul.f32 v37, v52  }
0x1c3: {  	v44 =	vadd.f32 v42, v36;
	v42 =	vperm.xlane v34, v2;
	v36 =	vperm.xlane v55, v9  }
0x1c4: {  	v30 =	vadd.f32 v62, v30;
	v28 =	vmul.f32 v28, v58;
	v41 =	vsub.f32 $1.500000000e+00, v41  }
0x1c5: {  	v50 =	vperm.xlane v63, v4;
	v48 =	vshra.s32 v44, $0x1;
	v49 =	vmul.f32 $5.000000000e-01, v44  }
0x1c6: {  	v47 =	vmul.f32 v28, v30;
	v28 =	vsub.s32 $0x5F3759DF, v48;
	v60 =	vmul.f32 v37, v41  }
0x1c7: {  	v51 =	vperm.xlane v63, v6;
	v33 =	vmul.f32 v28, v49  }
0x1c8: {  	v53 =	vperm.xlane v63, v7;
	v32 =	vmul.f32 v60, v32  }
0x1c9: {  	v54 =	vperm.xlane v63, v9;
	v33 =	vmul.f32 v28, v33  }
0x1ca: {  	v63 =	vperm.xlane v55, v7;
	v22 =	vadd.f32 v45, v22;
	v46 =	vmul.f32 v32, v60  }
0x1cb: {  	v45 =	vperm.xlane v34, v10;
	v52 =	vxor.u32 v0, v50;
	v33 =	vsub.f32 $1.500000000e+00, v33  }
0x1cc: {  	v29 =	vxor.u32 v3, v51;
	v31 =	vmul.f32 v52, v38;
	v24 =	vsub.f32 $1.500000000e+00, v46  }
0x1cd: {  	v29 =	vmul.f32 v29, v56;
	v28 =	vmul.f32 v28, v33  }
0x1ce: {  	v35 =	vxor.u32 v8, v54;
	v24 =	vmul.f32 v24, v60;
	v60 =	vperm.xlane v55, v6  }
0x1cf: {  	v38 =	vperm.xlane v38, v10;
	v32 =	vxor.u32 v5, v53;
	v30 =	vmul.f32 v28, v49  }
0x1d0: {  	v62 =	vld [tilespmem:s24+$0x360];
	v29 =	vadd.f32 v29, v31;
	v32 =	vmul.f32 v32, v57;
	v33 =	vxor.u32 v3, v60  }
0x1d1: {  	v44 =	vxor.u32 v5, v63;
	v41 =	vld [tilespmem:s24+$0x2F0];
	v30 =	vmul.f32 v30, v28;
	v40 =	vmul.f32 v33, v61  }
0x1d2: {  	v43 =	vld [tilespmem:s24+$0x370];
	v58 =	vmul.f32 v35, v38;
	v46 =	vxor.u32 v8, v36;
	v29 =	vadd.f32 v32, v29  }
0x1d3: {  	v32 =	vmul.f32 v44, v42;
	v30 =	vsub.f32 $1.500000000e+00, v30;
	v23 =	vadd.f32 v40, v39  }
0x1d4: {  	v20 =	vadd.f32 v20, v26;
	v26 =	vadd.f32 v58, v29;
	v29 =	vmul.f32 v46, v45  }
0x1d5: {  	v24 =	vmul.f32 v24, v62;
	v28 =	vmul.f32 v30, v28;
	v23 =	vadd.f32 v32, v23  }
0x1d6: {  	v18 =	vadd.f32 v18, v20;
	v47 =	vadd.f32 v47, v22;
	v17 =	vmul.f32 v17, v41  }
0x1d7: {  	v48 =	vmul.f32 v24, v26;
	v49 =	vmul.f32 v28, v43;
	v23 =	vadd.f32 v29, v23  }
0x1d8: {  	v13 =	vadd.f32 v13, v14;
	v14 =	vadd.f32 v15, v21;
	v15 =	vmul.f32 v17, v18  }
0x1d9: {  	v16 =	vadd.f32 v16, v19;
	v50 =	vadd.f32 v48, v47;
	v51 =	vmul.f32 v49, v23  }
0x1da: {  	v52 =	vperm.xlane v13, v1;
	v14 =	vadd.f32 v15, v14  }
0x1db: {  	v15 =	vperm.xlane v16, v1;
	v17 =	vadd.f32 v51, v50  }
0x1dc: {  	v13 =	vadd.f32 v13, v52;
	v53 =	vperm.xlane v14, v1  }
0x1dd: {  	v15 =	vadd.f32 v16, v15;
	v54 =	vperm.xlane v17, v1  }
0x1de: {  	v19 =	vperm.xlane v13, v2;
	v14 =	vadd.f32 v14, v53  }
0x1df: {  	v55 =	vperm.xlane v15, v2;
	v16 =	vadd.f32 v17, v54  }
0x1e0: {  	v13 =	vadd.f32 v13, v19;
	v56 =	vperm.xlane v14, v2  }
0x1e1: {  	v15 =	vadd.f32 v15, v55;
	v57 =	vperm.xlane v16, v2  }
0x1e2: {  	v19 =	vperm.xlane v13, v11;
	v14 =	vadd.f32 v14, v56  }
0x1e3: {  	v58 =	vperm.xlane v15, v11;
	v16 =	vadd.f32 v16, v57  }
0x1e4: {  	v13 =	vadd.f32 v13, v19;
	v59 =	vperm.xlane v14, v11  }
0x1e5: {  	v15 =	vadd.f32 v15, v58;
	v60 =	vperm.xlane v16, v11  }
0x1e6: {  	v19 =	vperm.xlane v13, v12;
	v14 =	vadd.f32 v14, v59  }
0x1e7: {  	v61 =	vperm.xlane v15, v12;
	v16 =	vadd.f32 v16, v60  }
0x1e8: {  	p0 =	sne.s32 s22, $0xF800;
	v13 =	vadd.f32 v13, v19;
	v62 =	vperm.xlane v14, v12  }
.Ltmp0:
0x1e9: {  	v15 =	vadd.f32 v15, v61;
	v63 =	vperm.xlane v16, v12;
	(pc) =	sbr.rel @p0 .LBB2_3-.Ltmp0, $4  }
0x1ea: {  	[tilespmem:s23+$0xFFFFFFFE] =	vst.msk $0x1, v13;
	v14 =	vadd.f32 v14, v62  }
0x1eb: {  	[tilespmem:s23+$0xFFFFFFFF] =	vst.msk $0x1, v15;
	v13 =	vadd.f32 v16, v63  }
0x1ec: {  	[tilespmem:s23+$0x0] =	vst.msk $0x1, v14  }
0x1ed: {  	s22 =	sadd.s32 $0x800, s22;
	[tilespmem:s23+$0x1] =	vst.msk $0x1, v13;
	s23 =	sadd.s32 $0x4, s23  }
0x1ee: {  	s20 =	sadd.s32 $0x1, s20  }
0x1ef: {  	p0 =	sne.s32 s20, $0x4  }
.Ltmp1:
0x1f0: {  	s21 =	sadd.s32 s8, s21;
	(pc) =	sbr.rel @p0 .LBB2_2-.Ltmp1, $4  }
0x1f1: {  	[hbm4b:s21+s3] =	stream.linear.scatter [tilespmem:s17], [sflag:$0x2], $0x80, $0x38;
	[tilespmem:$0xC280] =	vst v63  }
0x1f2: {  	_ =	swait.ge [sflag:s18], $0x80  }
0x1f3: {  	[sflag:s18] =	ssyncset.done $0x0  }
0x1f4: {  	[sflag:s18] =	ssyncadd.s32 $0xFFFFFF80  }
0x1f5: {  	s19 =	sadd.s32 $0x1, s19  }
0x1f6: {  	p0 =	sne.s32 s19, s10  }
.Ltmp2:
0x1f7: {  	_ = 	snop;
	(pc) =	sbr.rel @p0 .LBB2_1-.Ltmp2, $1  }
0x1f8: {  	_ =	sdelay $0x3  }
0x1f9: {  	_ =	sfence.sel $0x180000  }
0x1fa: {  	[bflag:$0x0] =	sbarrier.arrive $0xFFFF  }
0x1fb: {  	p0 =	sne.s32 s6, $0x0;
	_ =	strace $0x90000047  }
0x1fc: {  	s0 =	sadd.s32 @!p0 $0x100000, s2;
	[bflag:$0x2] =	sbarrier.arrive $0xFFFF  }
0x1fd: {  	[sflag:s0] =	ssyncadd.tile.s32 @!p0 $0x1;
	_ =	shalt  }
.Lfunc_end2:
_tile_overlayer_lowered:
.L_overlay_start_2:
0x1fe: {  	(tag) =	ssettag $0x2  }
0x1ff: {  	s0 =	rddreg [dreg:$0x0];
	s2 =	stileid.u32  }
0x200: {  	s1 =	rddreg [dreg:$0x1];
	p0 =	sne.s32 s2, $0x0  }
0x201: {  	s3 =	rddreg [dreg:$0x2];
	[bflag:$0x3] =	sbarrier.arrive $0xFFFF;
	s2 =	simm.s32 @!p0 $0x1C02  }
0x202: {  	[timem:s3], [sflag:s2] =	dma.local @!p0 [hbm:s0], s1  }
0x203: {  	s0 =	simm.s32 @!p0 $0x2  }
0x204: {  	_ =	swait.ge @!p0 [sflag:s0], s1  }
0x205: {  	s1 =	ssub.s32 @!p0 $0x0, s1;
	[sflag:s0] =	ssyncset.done @!p0 $0x0  }
0x206: {  	[sflag:s0] =	ssyncadd.s32 @!p0 s1  }
0x207: {  	[bflag:$0x3] =	sbarrier.arrive $0xFFFF  }
0x208: {  	_ =	shalt  }

</sc_bundles>
